<compile_context>
chip_gen: v7x
topology: tpu7x:2x2x1
jax: 0.10.2.dev20260603
libtpu: 0.0.44.dev20260713+nightly
codegen_flags: <defaults>
</compile_context>

<pallas_src>
import functools

import jax
import jax.numpy as jnp
from jax import lax
from jax.experimental import pallas as pl
from jax.experimental.pallas import tpu as pltpu
from jax.experimental.pallas import tpu_sc as plsc

_K = 1024
_M = 1024
_B = 8
_C = 384
_N = 1024
_CPW = 12
_AW = _C // _CPW
_L = 16


def _argmin_body(x_ref, cb_ref, cbsq_ref, xsq_ref, idx_ref):
    xb = x_ref[0]
    cb = cb_ref[...]
    crossT = lax.dot_general(cb, xb, (((1,), (0,)), ((), ())),
                             preferred_element_type=jnp.float32)
    xsq = xsq_ref[0]
    t = (xsq + cbsq_ref[...]) - 2.0 * crossT
    dist = jnp.sqrt(jnp.clip(t, 0.0, None))
    minv = jnp.min(dist, axis=0, keepdims=True)
    kiota = lax.broadcasted_iota(jnp.int32, (_K, _N), 0)
    masked = jnp.where(dist == minv, kiota, _K)
    idx_ref[0] = jnp.min(masked, axis=0, keepdims=True)


def _sc_gather(cbt_flat, idx_flat):
    mesh = plsc.VectorSubcoreMesh(core_axis_name="c", subcore_axis_name="s")

    @functools.partial(
        pl.kernel,
        mesh=mesh,
        out_type=jax.ShapeDtypeStruct((_B * _C * _N,), jnp.float32),
        compiler_params=pltpu.CompilerParams(needs_layout_passes=False),
        scratch_types=[
            pltpu.VMEM((_CPW * _K,), jnp.float32),
            pltpu.VMEM((_B * _N,), jnp.int32),
            pltpu.VMEM((2 * _CPW * _N,), jnp.float32),
            pltpu.SemaphoreType.DMA,
            pltpu.SemaphoreType.DMA,
        ],
    )
    def k(cbt_hbm, idx_hbm, q_hbm, tab_v, idx_v, out_v, sem0, sem1):
        wid = lax.axis_index("s") * 2 + lax.axis_index("c")

        @pl.when(wid < _AW)
        def _():
            cs = wid * _CPW
            pltpu.sync_copy(cbt_hbm.at[pl.ds(cs * _K, _CPW * _K)], tab_v)
            pltpu.sync_copy(idx_hbm, idx_v)
            sems = (sem0, sem1)
            descs = [None, None]
            for b in range(_B):
                slot = b % 2
                if descs[slot] is not None:
                    descs[slot].wait()
                ob = slot * _CPW * _N

                @plsc.parallel_loop(0, _N // _L, unroll=8)
                def body(i):
                    idxs = idx_v[pl.ds(b * _N + i * _L, _L)]
                    for r in range(_CPW):
                        out_v[pl.ds(ob + r * _N + i * _L, _L)] = (
                            plsc.load_gather(tab_v.at[pl.ds(r * _K, _K)],
                                             [idxs]))

                descs[slot] = pltpu.async_copy(
                    out_v.at[pl.ds(ob, _CPW * _N)],
                    q_hbm.at[pl.ds(b * _C * _N + cs * _N, _CPW * _N)],
                    sems[slot])
            descs[0].wait()
            descs[1].wait()

    return k(cbt_flat, idx_flat)


def kernel(x, codebook):
    b, c, h, w = x.shape
    n = h * w
    x3 = x.reshape(b, c, n)
    cb_sq = jnp.sum(codebook * codebook, axis=-1)
    cbsq2 = cb_sq.reshape(_K, 1)
    flat = jnp.transpose(x, (0, 2, 3, 1)).reshape(b, n, c).astype(jnp.float32)
    x_sq = jnp.sum(flat * flat, axis=-1)
    xsq3 = x_sq.reshape(b, 1, n)
    idx = pl.pallas_call(
        _argmin_body,
        grid=(b,),
        in_specs=[
            pl.BlockSpec((1, c, n), lambda i: (i, 0, 0)),
            pl.BlockSpec((_K, c), lambda i: (0, 0)),
            pl.BlockSpec((_K, 1), lambda i: (0, 0)),
            pl.BlockSpec((1, 1, n), lambda i: (i, 0, 0)),
        ],
        out_specs=pl.BlockSpec((1, 1, n), lambda i: (i, 0, 0)),
        out_shape=jax.ShapeDtypeStruct((b, 1, n), jnp.int32),
    )(x3, codebook, cbsq2, xsq3)
    idx2 = idx.reshape(b, n)
    cbt = jnp.transpose(codebook, (1, 0))
    qf = _sc_gather(cbt.reshape(-1), idx2.reshape(-1))
    quantized = qf.reshape(b, c, h, w)
    embed_index = idx2.reshape(b, h, w)
    loss = jnp.array([0.0], dtype=jnp.float32)
    return (quantized, embed_index, loss)

# --- scband reference (transcript-rebuilt; emitter-appended) ---
"""Pipeline reference for scband-vector-quantizer-89146341196193 (READ-ONLY COPY).

The authoritative reference and input builder live on the scoring server;
editing this copy changes nothing except your own understanding.
"""

import jax, jax.numpy as jnp
import numpy as np

B, C, H, W = 8, 384, 32, 32
K = 1024

def setup_inputs(seed: int = 0) -> dict:
    key = jax.random.key(seed)
    k1, k2 = jax.random.split(key)
    x = jax.random.normal(k1, (B, C, H, W), dtype=jnp.float32)
    # EuclideanCodebook init: uniform(-1/K, 1/K)
    codebook = jax.random.uniform(k2, (K, C), dtype=jnp.float32, minval=-1.0 / K, maxval=1.0 / K)
    return {"x": x, "codebook": codebook}

def reference(x, codebook):
    b, c, h, w = x.shape
    # rearrange 'b c h w -> b (h w) c'
    flat = jnp.transpose(x, (0, 2, 3, 1)).reshape(b, h * w, c).astype(jnp.float32)
    # torch.cdist(flat, codebook, p=2): euclidean distance [b, h*w, K]
    x_sq = jnp.sum(flat * flat, axis=-1, keepdims=True)            # [b, n, 1]
    cb_sq = jnp.sum(codebook * codebook, axis=-1)[None, None, :]    # [1, 1, K]
    cross = jnp.einsum('bnc,kc->bnk', flat, codebook)               # [b, n, K]
    dist = jnp.sqrt(jnp.clip(x_sq + cb_sq - 2.0 * cross, 0.0, None))
    embed_idx = jnp.argmin(dist, axis=-1)                           # [b, n]
    onehot = jax.nn.one_hot(embed_idx, K, dtype=jnp.float32)        # [b, n, K]
    quantized = jnp.matmul(onehot, codebook)                        # [b, n, c]
    # eval mode: no straight-through, loss = 0
    loss = jnp.array([0.0], dtype=jnp.float32)
    quantized = jnp.transpose(quantized.reshape(b, h, w, c), (0, 3, 1, 2))  # b c h w
    embed_index = embed_idx.reshape(b, h, w)
    return (quantized, embed_index, loss)

if __name__ == "__main__":
    import jax
    _d = setup_inputs()
    print(jax.jit(kernel)(*tuple(_d.values())))

</pallas_src>

<mosaic_0001>
#map = affine_map<(d0, d1) -> (0)>
module attributes {stable_mosaic.version = 14 : i64} {
  func.func @k(%arg0: i32, %arg1: i32, %arg2: memref<393216xf32, #tpu.memory_space<hbm>>, %arg3: memref<8192xi32, #tpu.memory_space<hbm>>, %arg4: memref<3145728xf32, #tpu.memory_space<hbm>>, %arg5: memref<12288xf32, #tpu.memory_space<vmem>>, %arg6: memref<8192xi32, #tpu.memory_space<vmem>>, %arg7: memref<24576xf32, #tpu.memory_space<vmem>>, %arg8: memref<!tpu.dma_semaphore, #tpu.memory_space<semaphore_mem>>, %arg9: memref<!tpu.dma_semaphore, #tpu.memory_space<semaphore_mem>>) attributes {dimension_semantics = [#tpu.dimension_semantics<core_parallel>, #tpu.dimension_semantics<subcore_parallel>], iteration_bounds = array<i64: 2, 16>, scalar_prefetch = 0 : i64, scratch_operands = 5 : i64, tpu.core_type = #tpu.core_type<sc_vector_subcore>, window_params = [{transform_indices = #map}, {transform_indices = #map}, {transform_indices = #map}]} {
    %mul3A = arith.constant 2 : i32
    %mul3A_0 = arith.muli %arg1, %mul3A : i32
    %add3A = arith.addi %mul3A_0, %arg0 : i32
    %lt3A = arith.constant 32 : i32
    %lt3A_1 = arith.cmpi slt, %add3A, %lt3A : i32
    %convert_element_type3A = arith.extui %lt3A_1 : i1 to i32
    %cond3A = arith.constant 0 : i32
    %cond3A_2 = arith.cmpi ne, %convert_element_type3A, %cond3A : i32
    scf.if %cond3A_2 {
      %mul3A_3 = arith.constant 12 : i32
      %mul3A_4 = arith.muli %add3A, %mul3A_3 : i32
      %mul3A_5 = arith.constant 1024 : i32
      %mul3A_6 = arith.muli %mul3A_4, %mul3A_5 : i32
      "tpu.region"() ({
        %run_scoped3A = tpu.sem_alloc : memref<!tpu.dma_semaphore, #tpu.memory_space<semaphore_mem>>
        %dma_start3A_156 = tpu.memref_slice %arg2[%mul3A_6] : memref<393216xf32, #tpu.memory_space<hbm>> -> memref<12288xf32, #tpu.memory_space<hbm>>
        %dma_start3A_157 = tpu.memref_slice %arg2[%mul3A_6] : memref<393216xf32, #tpu.memory_space<hbm>> -> memref<12288xf32, #tpu.memory_space<hbm>>
        tpu.enqueue_dma source(%dma_start3A_157 : memref<12288xf32, #tpu.memory_space<hbm>>) target(%arg5 : memref<12288xf32, #tpu.memory_space<vmem>>) target_semaphore(%run_scoped3A : memref<!tpu.dma_semaphore, #tpu.memory_space<semaphore_mem>>)
        %dma_wait3A_158 = tpu.memref_slice %arg2[%mul3A_6] : memref<393216xf32, #tpu.memory_space<hbm>> -> memref<12288xf32, #tpu.memory_space<hbm>>
        %dma_wait3A_159 = tpu.memref_slice %arg2[%mul3A_6] : memref<393216xf32, #tpu.memory_space<hbm>> -> memref<12288xf32, #tpu.memory_space<hbm>>
        tpu.wait_dma2 semaphore(%run_scoped3A : memref<!tpu.dma_semaphore, #tpu.memory_space<semaphore_mem>>) src(%dma_wait3A_159 : memref<12288xf32, #tpu.memory_space<hbm>>) dst(%arg5 : memref<12288xf32, #tpu.memory_space<vmem>>)
        tpu.yield
      }) : () -> ()
      "tpu.region"() ({
        %run_scoped3A = tpu.sem_alloc : memref<!tpu.dma_semaphore, #tpu.memory_space<semaphore_mem>>
        tpu.enqueue_dma source(%arg3 : memref<8192xi32, #tpu.memory_space<hbm>>) target(%arg6 : memref<8192xi32, #tpu.memory_space<vmem>>) target_semaphore(%run_scoped3A : memref<!tpu.dma_semaphore, #tpu.memory_space<semaphore_mem>>)
        tpu.wait_dma2 semaphore(%run_scoped3A : memref<!tpu.dma_semaphore, #tpu.memory_space<semaphore_mem>>) src(%arg3 : memref<8192xi32, #tpu.memory_space<hbm>>) dst(%arg6 : memref<8192xi32, #tpu.memory_space<vmem>>)
        tpu.yield
      }) : () -> ()
      %parallel_loop3A = arith.constant 0 : i32
      %parallel_loop3A_7 = arith.constant 64 : i32
      %parallel_loop3A_8 = arith.constant 1 : i32
      scf.for %parallel_loop3A_156 = %parallel_loop3A to %parallel_loop3A_7 step %parallel_loop3A_8  : i32 {
        %parallel_loop3A_157 = arith.constant 16 : i32
        %parallel_loop3A_158 = arith.muli %parallel_loop3A_156, %parallel_loop3A_157 : i32
        %parallel_loop3A_159 = arith.constant 0 : i32
        %parallel_loop3A_160 = arith.addi %parallel_loop3A_159, %parallel_loop3A_158 : i32
        %parallel_loop3A_161 = arith.index_cast %parallel_loop3A_160 : i32 to index
        %parallel_loop3A_162 = tpu.vector_load %arg6[%parallel_loop3A_161] {strides = array<i32>} : memref<8192xi32, #tpu.memory_space<vmem>>, vector<16xi32>,
        %parallel_loop3A_163 = arith.constant 0 : i32
        %parallel_loop3A_164 = tpu.memref_slice %arg5[%parallel_loop3A_163] : memref<12288xf32, #tpu.memory_space<vmem>> -> memref<1024xf32, #tpu.memory_space<vmem>>
        %parallel_loop3A_165 = tpu.vector_load_idx %parallel_loop3A_164[%parallel_loop3A_162] : memref<1024xf32, #tpu.memory_space<vmem>>[vector<16xi32>], vector<16xf32>,
        %parallel_loop3A_166 = arith.constant 16 : i32
        %parallel_loop3A_167 = arith.muli %parallel_loop3A_156, %parallel_loop3A_166 : i32
        %parallel_loop3A_168 = arith.constant 0 : i32
        %parallel_loop3A_169 = arith.addi %parallel_loop3A_168, %parallel_loop3A_167 : i32
        %parallel_loop3A_170 = arith.index_cast %parallel_loop3A_169 : i32 to index
        %parallel_loop3A_171 = tpu.vector_load %arg7[%parallel_loop3A_170] {strides = array<i32>} : memref<24576xf32, #tpu.memory_space<vmem>>, vector<16xf32>,
        tpu.vector_store %arg7[%parallel_loop3A_170], %parallel_loop3A_165 {strides = array<i32>} : memref<24576xf32, #tpu.memory_space<vmem>>, vector<16xf32>,
        %parallel_loop3A_172 = arith.constant 1024 : i32
        %parallel_loop3A_173 = tpu.memref_slice %arg5[%parallel_loop3A_172] : memref<12288xf32, #tpu.memory_space<vmem>> -> memref<1024xf32, #tpu.memory_space<vmem>>
        %parallel_loop3A_174 = tpu.vector_load_idx %parallel_loop3A_173[%parallel_loop3A_162] : memref<1024xf32, #tpu.memory_space<vmem>>[vector<16xi32>], vector<16xf32>,
        %parallel_loop3A_175 = arith.constant 16 : i32
        %parallel_loop3A_176 = arith.muli %parallel_loop3A_156, %parallel_loop3A_175 : i32
        %parallel_loop3A_177 = arith.constant 1024 : i32
        %parallel_loop3A_178 = arith.addi %parallel_loop3A_177, %parallel_loop3A_176 : i32
        %parallel_loop3A_179 = arith.index_cast %parallel_loop3A_178 : i32 to index
        %parallel_loop3A_180 = tpu.vector_load %arg7[%parallel_loop3A_179] {strides = array<i32>} : memref<24576xf32, #tpu.memory_space<vmem>>, vector<16xf32>,
        tpu.vector_store %arg7[%parallel_loop3A_179], %parallel_loop3A_174 {strides = array<i32>} : memref<24576xf32, #tpu.memory_space<vmem>>, vector<16xf32>,
        %parallel_loop3A_181 = arith.constant 2048 : i32
        %parallel_loop3A_182 = tpu.memref_slice %arg5[%parallel_loop3A_181] : memref<12288xf32, #tpu.memory_space<vmem>> -> memref<1024xf32, #tpu.memory_space<vmem>>
        %parallel_loop3A_183 = tpu.vector_load_idx %parallel_loop3A_182[%parallel_loop3A_162] : memref<1024xf32, #tpu.memory_space<vmem>>[vector<16xi32>], vector<16xf32>,
        %parallel_loop3A_184 = arith.constant 16 : i32
        %parallel_loop3A_185 = arith.muli %parallel_loop3A_156, %parallel_loop3A_184 : i32
        %parallel_loop3A_186 = arith.constant 2048 : i32
        %parallel_loop3A_187 = arith.addi %parallel_loop3A_186, %parallel_loop3A_185 : i32
        %parallel_loop3A_188 = arith.index_cast %parallel_loop3A_187 : i32 to index
        %parallel_loop3A_189 = tpu.vector_load %arg7[%parallel_loop3A_188] {strides = array<i32>} : memref<24576xf32, #tpu.memory_space<vmem>>, vector<16xf32>,
        tpu.vector_store %arg7[%parallel_loop3A_188], %parallel_loop3A_183 {strides = array<i32>} : memref<24576xf32, #tpu.memory_space<vmem>>, vector<16xf32>,
        %parallel_loop3A_190 = arith.constant 3072 : i32
        %parallel_loop3A_191 = tpu.memref_slice %arg5[%parallel_loop3A_190] : memref<12288xf32, #tpu.memory_space<vmem>> -> memref<1024xf32, #tpu.memory_space<vmem>>
        %parallel_loop3A_192 = tpu.vector_load_idx %parallel_loop3A_191[%parallel_loop3A_162] : memref<1024xf32, #tpu.memory_space<vmem>>[vector<16xi32>], vector<16xf32>,
        %parallel_loop3A_193 = arith.constant 16 : i32
        %parallel_loop3A_194 = arith.muli %parallel_loop3A_156, %parallel_loop3A_193 : i32
        %parallel_loop3A_195 = arith.constant 3072 : i32
        %parallel_loop3A_196 = arith.addi %parallel_loop3A_195, %parallel_loop3A_194 : i32
        %parallel_loop3A_197 = arith.index_cast %parallel_loop3A_196 : i32 to index
        %parallel_loop3A_198 = tpu.vector_load %arg7[%parallel_loop3A_197] {strides = array<i32>} : memref<24576xf32, #tpu.memory_space<vmem>>, vector<16xf32>,
        tpu.vector_store %arg7[%parallel_loop3A_197], %parallel_loop3A_192 {strides = array<i32>} : memref<24576xf32, #tpu.memory_space<vmem>>, vector<16xf32>,
        %parallel_loop3A_199 = arith.constant 4096 : i32
        %parallel_loop3A_200 = tpu.memref_slice %arg5[%parallel_loop3A_199] : memref<12288xf32, #tpu.memory_space<vmem>> -> memref<1024xf32, #tpu.memory_space<vmem>>
        %parallel_loop3A_201 = tpu.vector_load_idx %parallel_loop3A_200[%parallel_loop3A_162] : memref<1024xf32, #tpu.memory_space<vmem>>[vector<16xi32>], vector<16xf32>,
        %parallel_loop3A_202 = arith.constant 16 : i32
        %parallel_loop3A_203 = arith.muli %parallel_loop3A_156, %parallel_loop3A_202 : i32
        %parallel_loop3A_204 = arith.constant 4096 : i32
        %parallel_loop3A_205 = arith.addi %parallel_loop3A_204, %parallel_loop3A_203 : i32
        %parallel_loop3A_206 = arith.index_cast %parallel_loop3A_205 : i32 to index
        %parallel_loop3A_207 = tpu.vector_load %arg7[%parallel_loop3A_206] {strides = array<i32>} : memref<24576xf32, #tpu.memory_space<vmem>>, vector<16xf32>,
        tpu.vector_store %arg7[%parallel_loop3A_206], %parallel_loop3A_201 {strides = array<i32>} : memref<24576xf32, #tpu.memory_space<vmem>>, vector<16xf32>,
        %parallel_loop3A_208 = arith.constant 5120 : i32
        %parallel_loop3A_209 = tpu.memref_slice %arg5[%parallel_loop3A_208] : memref<12288xf32, #tpu.memory_space<vmem>> -> memref<1024xf32, #tpu.memory_space<vmem>>
        %parallel_loop3A_210 = tpu.vector_load_idx %parallel_loop3A_209[%parallel_loop3A_162] : memref<1024xf32, #tpu.memory_space<vmem>>[vector<16xi32>], vector<16xf32>,
        %parallel_loop3A_211 = arith.constant 16 : i32
        %parallel_loop3A_212 = arith.muli %parallel_loop3A_156, %parallel_loop3A_211 : i32
        %parallel_loop3A_213 = arith.constant 5120 : i32
        %parallel_loop3A_214 = arith.addi %parallel_loop3A_213, %parallel_loop3A_212 : i32
        %parallel_loop3A_215 = arith.index_cast %parallel_loop3A_214 : i32 to index
        %parallel_loop3A_216 = tpu.vector_load %arg7[%parallel_loop3A_215] {strides = array<i32>} : memref<24576xf32, #tpu.memory_space<vmem>>, vector<16xf32>,
        tpu.vector_store %arg7[%parallel_loop3A_215], %parallel_loop3A_210 {strides = array<i32>} : memref<24576xf32, #tpu.memory_space<vmem>>, vector<16xf32>,
        %parallel_loop3A_217 = arith.constant 6144 : i32
        %parallel_loop3A_218 = tpu.memref_slice %arg5[%parallel_loop3A_217] : memref<12288xf32, #tpu.memory_space<vmem>> -> memref<1024xf32, #tpu.memory_space<vmem>>
        %parallel_loop3A_219 = tpu.vector_load_idx %parallel_loop3A_218[%parallel_loop3A_162] : memref<1024xf32, #tpu.memory_space<vmem>>[vector<16xi32>], vector<16xf32>,
        %parallel_loop3A_220 = arith.constant 16 : i32
        %parallel_loop3A_221 = arith.muli %parallel_loop3A_156, %parallel_loop3A_220 : i32
        %parallel_loop3A_222 = arith.constant 6144 : i32
        %parallel_loop3A_223 = arith.addi %parallel_loop3A_222, %parallel_loop3A_221 : i32
        %parallel_loop3A_224 = arith.index_cast %parallel_loop3A_223 : i32 to index
        %parallel_loop3A_225 = tpu.vector_load %arg7[%parallel_loop3A_224] {strides = array<i32>} : memref<24576xf32, #tpu.memory_space<vmem>>, vector<16xf32>,
        tpu.vector_store %arg7[%parallel_loop3A_224], %parallel_loop3A_219 {strides = array<i32>} : memref<24576xf32, #tpu.memory_space<vmem>>, vector<16xf32>,
        %parallel_loop3A_226 = arith.constant 7168 : i32
        %parallel_loop3A_227 = tpu.memref_slice %arg5[%parallel_loop3A_226] : memref<12288xf32, #tpu.memory_space<vmem>> -> memref<1024xf32, #tpu.memory_space<vmem>>
        %parallel_loop3A_228 = tpu.vector_load_idx %parallel_loop3A_227[%parallel_loop3A_162] : memref<1024xf32, #tpu.memory_space<vmem>>[vector<16xi32>], vector<16xf32>,
        %parallel_loop3A_229 = arith.constant 16 : i32
        %parallel_loop3A_230 = arith.muli %parallel_loop3A_156, %parallel_loop3A_229 : i32
        %parallel_loop3A_231 = arith.constant 7168 : i32
        %parallel_loop3A_232 = arith.addi %parallel_loop3A_231, %parallel_loop3A_230 : i32
        %parallel_loop3A_233 = arith.index_cast %parallel_loop3A_232 : i32 to index
        %parallel_loop3A_234 = tpu.vector_load %arg7[%parallel_loop3A_233] {strides = array<i32>} : memref<24576xf32, #tpu.memory_space<vmem>>, vector<16xf32>,
        tpu.vector_store %arg7[%parallel_loop3A_233], %parallel_loop3A_228 {strides = array<i32>} : memref<24576xf32, #tpu.memory_space<vmem>>, vector<16xf32>,
        %parallel_loop3A_235 = arith.constant 8192 : i32
        %parallel_loop3A_236 = tpu.memref_slice %arg5[%parallel_loop3A_235] : memref<12288xf32, #tpu.memory_space<vmem>> -> memref<1024xf32, #tpu.memory_space<vmem>>
        %parallel_loop3A_237 = tpu.vector_load_idx %parallel_loop3A_236[%parallel_loop3A_162] : memref<1024xf32, #tpu.memory_space<vmem>>[vector<16xi32>], vector<16xf32>,
        %parallel_loop3A_238 = arith.constant 16 : i32
        %parallel_loop3A_239 = arith.muli %parallel_loop3A_156, %parallel_loop3A_238 : i32
        %parallel_loop3A_240 = arith.constant 8192 : i32
        %parallel_loop3A_241 = arith.addi %parallel_loop3A_240, %parallel_loop3A_239 : i32
        %parallel_loop3A_242 = arith.index_cast %parallel_loop3A_241 : i32 to index
        %parallel_loop3A_243 = tpu.vector_load %arg7[%parallel_loop3A_242] {strides = array<i32>} : memref<24576xf32, #tpu.memory_space<vmem>>, vector<16xf32>,
        tpu.vector_store %arg7[%parallel_loop3A_242], %parallel_loop3A_237 {strides = array<i32>} : memref<24576xf32, #tpu.memory_space<vmem>>, vector<16xf32>,
        %parallel_loop3A_244 = arith.constant 9216 : i32
        %parallel_loop3A_245 = tpu.memref_slice %arg5[%parallel_loop3A_244] : memref<12288xf32, #tpu.memory_space<vmem>> -> memref<1024xf32, #tpu.memory_space<vmem>>
        %parallel_loop3A_246 = tpu.vector_load_idx %parallel_loop3A_245[%parallel_loop3A_162] : memref<1024xf32, #tpu.memory_space<vmem>>[vector<16xi32>], vector<16xf32>,
        %parallel_loop3A_247 = arith.constant 16 : i32
        %parallel_loop3A_248 = arith.muli %parallel_loop3A_156, %parallel_loop3A_247 : i32
        %parallel_loop3A_249 = arith.constant 9216 : i32
        %parallel_loop3A_250 = arith.addi %parallel_loop3A_249, %parallel_loop3A_248 : i32
        %parallel_loop3A_251 = arith.index_cast %parallel_loop3A_250 : i32 to index
        %parallel_loop3A_252 = tpu.vector_load %arg7[%parallel_loop3A_251] {strides = array<i32>} : memref<24576xf32, #tpu.memory_space<vmem>>, vector<16xf32>,
        tpu.vector_store %arg7[%parallel_loop3A_251], %parallel_loop3A_246 {strides = array<i32>} : memref<24576xf32, #tpu.memory_space<vmem>>, vector<16xf32>,
        %parallel_loop3A_253 = arith.constant 10240 : i32
        %parallel_loop3A_254 = tpu.memref_slice %arg5[%parallel_loop3A_253] : memref<12288xf32, #tpu.memory_space<vmem>> -> memref<1024xf32, #tpu.memory_space<vmem>>
        %parallel_loop3A_255 = tpu.vector_load_idx %parallel_loop3A_254[%parallel_loop3A_162] : memref<1024xf32, #tpu.memory_space<vmem>>[vector<16xi32>], vector<16xf32>,
        %parallel_loop3A_256 = arith.constant 16 : i32
        %parallel_loop3A_257 = arith.muli %parallel_loop3A_156, %parallel_loop3A_256 : i32
        %parallel_loop3A_258 = arith.constant 10240 : i32
        %parallel_loop3A_259 = arith.addi %parallel_loop3A_258, %parallel_loop3A_257 : i32
        %parallel_loop3A_260 = arith.index_cast %parallel_loop3A_259 : i32 to index
        %parallel_loop3A_261 = tpu.vector_load %arg7[%parallel_loop3A_260] {strides = array<i32>} : memref<24576xf32, #tpu.memory_space<vmem>>, vector<16xf32>,
        tpu.vector_store %arg7[%parallel_loop3A_260], %parallel_loop3A_255 {strides = array<i32>} : memref<24576xf32, #tpu.memory_space<vmem>>, vector<16xf32>,
        %parallel_loop3A_262 = arith.constant 11264 : i32
        %parallel_loop3A_263 = tpu.memref_slice %arg5[%parallel_loop3A_262] : memref<12288xf32, #tpu.memory_space<vmem>> -> memref<1024xf32, #tpu.memory_space<vmem>>
        %parallel_loop3A_264 = tpu.vector_load_idx %parallel_loop3A_263[%parallel_loop3A_162] : memref<1024xf32, #tpu.memory_space<vmem>>[vector<16xi32>], vector<16xf32>,
        %parallel_loop3A_265 = arith.constant 16 : i32
        %parallel_loop3A_266 = arith.muli %parallel_loop3A_156, %parallel_loop3A_265 : i32
        %parallel_loop3A_267 = arith.constant 11264 : i32
        %parallel_loop3A_268 = arith.addi %parallel_loop3A_267, %parallel_loop3A_266 : i32
        %parallel_loop3A_269 = arith.index_cast %parallel_loop3A_268 : i32 to index
        %parallel_loop3A_270 = tpu.vector_load %arg7[%parallel_loop3A_269] {strides = array<i32>} : memref<24576xf32, #tpu.memory_space<vmem>>, vector<16xf32>,
        tpu.vector_store %arg7[%parallel_loop3A_269], %parallel_loop3A_264 {strides = array<i32>} : memref<24576xf32, #tpu.memory_space<vmem>>, vector<16xf32>,
      } {sc.loop_unroll_factor = 8 : i64, sc.parallel_access}
      %mul3A_9 = arith.constant 1024 : i32
      %mul3A_10 = arith.muli %mul3A_4, %mul3A_9 : i32
      %add3A_11 = arith.constant 0 : i32
      %add3A_12 = arith.addi %add3A_11, %mul3A_10 : i32
      %dma_start3A = arith.constant 0 : i32
      %dma_start3A_13 = tpu.memref_slice %arg7[%dma_start3A] : memref<24576xf32, #tpu.memory_space<vmem>> -> memref<12288xf32, #tpu.memory_space<vmem>>
      %dma_start3A_14 = tpu.memref_slice %arg4[%add3A_12] : memref<3145728xf32, #tpu.memory_space<hbm>> -> memref<12288xf32, #tpu.memory_space<hbm>>
      %dma_start3A_15 = tpu.memref_slice %arg4[%add3A_12] : memref<3145728xf32, #tpu.memory_space<hbm>> -> memref<12288xf32, #tpu.memory_space<hbm>>
      %dma_start3A_16 = arith.constant 0 : i32
      %dma_start3A_17 = tpu.memref_slice %arg7[%dma_start3A_16] : memref<24576xf32, #tpu.memory_space<vmem>> -> memref<12288xf32, #tpu.memory_space<vmem>>
      tpu.enqueue_dma source(%dma_start3A_17 : memref<12288xf32, #tpu.memory_space<vmem>>) target(%dma_start3A_15 : memref<12288xf32, #tpu.memory_space<hbm>>) target_semaphore(%arg8 : memref<!tpu.dma_semaphore, #tpu.memory_space<semaphore_mem>>)
      %parallel_loop3A_18 = arith.constant 0 : i32
      %parallel_loop3A_19 = arith.constant 64 : i32
      %parallel_loop3A_20 = arith.constant 1 : i32
      scf.for %parallel_loop3A_156 = %parallel_loop3A_18 to %parallel_loop3A_19 step %parallel_loop3A_20  : i32 {
        %parallel_loop3A_157 = arith.constant 16 : i32
        %parallel_loop3A_158 = arith.muli %parallel_loop3A_156, %parallel_loop3A_157 : i32
        %parallel_loop3A_159 = arith.constant 1024 : i32
        %parallel_loop3A_160 = arith.addi %parallel_loop3A_159, %parallel_loop3A_158 : i32
        %parallel_loop3A_161 = arith.index_cast %parallel_loop3A_160 : i32 to index
        %parallel_loop3A_162 = tpu.vector_load %arg6[%parallel_loop3A_161] {strides = array<i32>} : memref<8192xi32, #tpu.memory_space<vmem>>, vector<16xi32>,
        %parallel_loop3A_163 = arith.constant 0 : i32
        %parallel_loop3A_164 = tpu.memref_slice %arg5[%parallel_loop3A_163] : memref<12288xf32, #tpu.memory_space<vmem>> -> memref<1024xf32, #tpu.memory_space<vmem>>
        %parallel_loop3A_165 = tpu.vector_load_idx %parallel_loop3A_164[%parallel_loop3A_162] : memref<1024xf32, #tpu.memory_space<vmem>>[vector<16xi32>], vector<16xf32>,
        %parallel_loop3A_166 = arith.constant 16 : i32
        %parallel_loop3A_167 = arith.muli %parallel_loop3A_156, %parallel_loop3A_166 : i32
        %parallel_loop3A_168 = arith.constant 12288 : i32
        %parallel_loop3A_169 = arith.addi %parallel_loop3A_168, %parallel_loop3A_167 : i32
        %parallel_loop3A_170 = arith.index_cast %parallel_loop3A_169 : i32 to index
        %parallel_loop3A_171 = tpu.vector_load %arg7[%parallel_loop3A_170] {strides = array<i32>} : memref<24576xf32, #tpu.memory_space<vmem>>, vector<16xf32>,
        tpu.vector_store %arg7[%parallel_loop3A_170], %parallel_loop3A_165 {strides = array<i32>} : memref<24576xf32, #tpu.memory_space<vmem>>, vector<16xf32>,
        %parallel_loop3A_172 = arith.constant 1024 : i32
        %parallel_loop3A_173 = tpu.memref_slice %arg5[%parallel_loop3A_172] : memref<12288xf32, #tpu.memory_space<vmem>> -> memref<1024xf32, #tpu.memory_space<vmem>>
        %parallel_loop3A_174 = tpu.vector_load_idx %parallel_loop3A_173[%parallel_loop3A_162] : memref<1024xf32, #tpu.memory_space<vmem>>[vector<16xi32>], vector<16xf32>,
        %parallel_loop3A_175 = arith.constant 16 : i32
        %parallel_loop3A_176 = arith.muli %parallel_loop3A_156, %parallel_loop3A_175 : i32
        %parallel_loop3A_177 = arith.constant 13312 : i32
        %parallel_loop3A_178 = arith.addi %parallel_loop3A_177, %parallel_loop3A_176 : i32
        %parallel_loop3A_179 = arith.index_cast %parallel_loop3A_178 : i32 to index
        %parallel_loop3A_180 = tpu.vector_load %arg7[%parallel_loop3A_179] {strides = array<i32>} : memref<24576xf32, #tpu.memory_space<vmem>>, vector<16xf32>,
        tpu.vector_store %arg7[%parallel_loop3A_179], %parallel_loop3A_174 {strides = array<i32>} : memref<24576xf32, #tpu.memory_space<vmem>>, vector<16xf32>,
        %parallel_loop3A_181 = arith.constant 2048 : i32
        %parallel_loop3A_182 = tpu.memref_slice %arg5[%parallel_loop3A_181] : memref<12288xf32, #tpu.memory_space<vmem>> -> memref<1024xf32, #tpu.memory_space<vmem>>
        %parallel_loop3A_183 = tpu.vector_load_idx %parallel_loop3A_182[%parallel_loop3A_162] : memref<1024xf32, #tpu.memory_space<vmem>>[vector<16xi32>], vector<16xf32>,
        %parallel_loop3A_184 = arith.constant 16 : i32
        %parallel_loop3A_185 = arith.muli %parallel_loop3A_156, %parallel_loop3A_184 : i32
        %parallel_loop3A_186 = arith.constant 14336 : i32
        %parallel_loop3A_187 = arith.addi %parallel_loop3A_186, %parallel_loop3A_185 : i32
        %parallel_loop3A_188 = arith.index_cast %parallel_loop3A_187 : i32 to index
        %parallel_loop3A_189 = tpu.vector_load %arg7[%parallel_loop3A_188] {strides = array<i32>} : memref<24576xf32, #tpu.memory_space<vmem>>, vector<16xf32>,
        tpu.vector_store %arg7[%parallel_loop3A_188], %parallel_loop3A_183 {strides = array<i32>} : memref<24576xf32, #tpu.memory_space<vmem>>, vector<16xf32>,
        %parallel_loop3A_190 = arith.constant 3072 : i32
        %parallel_loop3A_191 = tpu.memref_slice %arg5[%parallel_loop3A_190] : memref<12288xf32, #tpu.memory_space<vmem>> -> memref<1024xf32, #tpu.memory_space<vmem>>
        %parallel_loop3A_192 = tpu.vector_load_idx %parallel_loop3A_191[%parallel_loop3A_162] : memref<1024xf32, #tpu.memory_space<vmem>>[vector<16xi32>], vector<16xf32>,
        %parallel_loop3A_193 = arith.constant 16 : i32
        %parallel_loop3A_194 = arith.muli %parallel_loop3A_156, %parallel_loop3A_193 : i32
        %parallel_loop3A_195 = arith.constant 15360 : i32
        %parallel_loop3A_196 = arith.addi %parallel_loop3A_195, %parallel_loop3A_194 : i32
        %parallel_loop3A_197 = arith.index_cast %parallel_loop3A_196 : i32 to index
        %parallel_loop3A_198 = tpu.vector_load %arg7[%parallel_loop3A_197] {strides = array<i32>} : memref<24576xf32, #tpu.memory_space<vmem>>, vector<16xf32>,
        tpu.vector_store %arg7[%parallel_loop3A_197], %parallel_loop3A_192 {strides = array<i32>} : memref<24576xf32, #tpu.memory_space<vmem>>, vector<16xf32>,
        %parallel_loop3A_199 = arith.constant 4096 : i32
        %parallel_loop3A_200 = tpu.memref_slice %arg5[%parallel_loop3A_199] : memref<12288xf32, #tpu.memory_space<vmem>> -> memref<1024xf32, #tpu.memory_space<vmem>>
        %parallel_loop3A_201 = tpu.vector_load_idx %parallel_loop3A_200[%parallel_loop3A_162] : memref<1024xf32, #tpu.memory_space<vmem>>[vector<16xi32>], vector<16xf32>,
        %parallel_loop3A_202 = arith.constant 16 : i32
        %parallel_loop3A_203 = arith.muli %parallel_loop3A_156, %parallel_loop3A_202 : i32
        %parallel_loop3A_204 = arith.constant 16384 : i32
        %parallel_loop3A_205 = arith.addi %parallel_loop3A_204, %parallel_loop3A_203 : i32
        %parallel_loop3A_206 = arith.index_cast %parallel_loop3A_205 : i32 to index
        %parallel_loop3A_207 = tpu.vector_load %arg7[%parallel_loop3A_206] {strides = array<i32>} : memref<24576xf32, #tpu.memory_space<vmem>>, vector<16xf32>,
        tpu.vector_store %arg7[%parallel_loop3A_206], %parallel_loop3A_201 {strides = array<i32>} : memref<24576xf32, #tpu.memory_space<vmem>>, vector<16xf32>,
        %parallel_loop3A_208 = arith.constant 5120 : i32
        %parallel_loop3A_209 = tpu.memref_slice %arg5[%parallel_loop3A_208] : memref<12288xf32, #tpu.memory_space<vmem>> -> memref<1024xf32, #tpu.memory_space<vmem>>
        %parallel_loop3A_210 = tpu.vector_load_idx %parallel_loop3A_209[%parallel_loop3A_162] : memref<1024xf32, #tpu.memory_space<vmem>>[vector<16xi32>], vector<16xf32>,
        %parallel_loop3A_211 = arith.constant 16 : i32
        %parallel_loop3A_212 = arith.muli %parallel_loop3A_156, %parallel_loop3A_211 : i32
        %parallel_loop3A_213 = arith.constant 17408 : i32
        %parallel_loop3A_214 = arith.addi %parallel_loop3A_213, %parallel_loop3A_212 : i32
        %parallel_loop3A_215 = arith.index_cast %parallel_loop3A_214 : i32 to index
        %parallel_loop3A_216 = tpu.vector_load %arg7[%parallel_loop3A_215] {strides = array<i32>} : memref<24576xf32, #tpu.memory_space<vmem>>, vector<16xf32>,
        tpu.vector_store %arg7[%parallel_loop3A_215], %parallel_loop3A_210 {strides = array<i32>} : memref<24576xf32, #tpu.memory_space<vmem>>, vector<16xf32>,
        %parallel_loop3A_217 = arith.constant 6144 : i32
        %parallel_loop3A_218 = tpu.memref_slice %arg5[%parallel_loop3A_217] : memref<12288xf32, #tpu.memory_space<vmem>> -> memref<1024xf32, #tpu.memory_space<vmem>>
        %parallel_loop3A_219 = tpu.vector_load_idx %parallel_loop3A_218[%parallel_loop3A_162] : memref<1024xf32, #tpu.memory_space<vmem>>[vector<16xi32>], vector<16xf32>,
        %parallel_loop3A_220 = arith.constant 16 : i32
        %parallel_loop3A_221 = arith.muli %parallel_loop3A_156, %parallel_loop3A_220 : i32
        %parallel_loop3A_222 = arith.constant 18432 : i32
        %parallel_loop3A_223 = arith.addi %parallel_loop3A_222, %parallel_loop3A_221 : i32
        %parallel_loop3A_224 = arith.index_cast %parallel_loop3A_223 : i32 to index
        %parallel_loop3A_225 = tpu.vector_load %arg7[%parallel_loop3A_224] {strides = array<i32>} : memref<24576xf32, #tpu.memory_space<vmem>>, vector<16xf32>,
        tpu.vector_store %arg7[%parallel_loop3A_224], %parallel_loop3A_219 {strides = array<i32>} : memref<24576xf32, #tpu.memory_space<vmem>>, vector<16xf32>,
        %parallel_loop3A_226 = arith.constant 7168 : i32
        %parallel_loop3A_227 = tpu.memref_slice %arg5[%parallel_loop3A_226] : memref<12288xf32, #tpu.memory_space<vmem>> -> memref<1024xf32, #tpu.memory_space<vmem>>
        %parallel_loop3A_228 = tpu.vector_load_idx %parallel_loop3A_227[%parallel_loop3A_162] : memref<1024xf32, #tpu.memory_space<vmem>>[vector<16xi32>], vector<16xf32>,
        %parallel_loop3A_229 = arith.constant 16 : i32
        %parallel_loop3A_230 = arith.muli %parallel_loop3A_156, %parallel_loop3A_229 : i32
        %parallel_loop3A_231 = arith.constant 19456 : i32
        %parallel_loop3A_232 = arith.addi %parallel_loop3A_231, %parallel_loop3A_230 : i32
        %parallel_loop3A_233 = arith.index_cast %parallel_loop3A_232 : i32 to index
        %parallel_loop3A_234 = tpu.vector_load %arg7[%parallel_loop3A_233] {strides = array<i32>} : memref<24576xf32, #tpu.memory_space<vmem>>, vector<16xf32>,
        tpu.vector_store %arg7[%parallel_loop3A_233], %parallel_loop3A_228 {strides = array<i32>} : memref<24576xf32, #tpu.memory_space<vmem>>, vector<16xf32>,
        %parallel_loop3A_235 = arith.constant 8192 : i32
        %parallel_loop3A_236 = tpu.memref_slice %arg5[%parallel_loop3A_235] : memref<12288xf32, #tpu.memory_space<vmem>> -> memref<1024xf32, #tpu.memory_space<vmem>>
        %parallel_loop3A_237 = tpu.vector_load_idx %parallel_loop3A_236[%parallel_loop3A_162] : memref<1024xf32, #tpu.memory_space<vmem>>[vector<16xi32>], vector<16xf32>,
        %parallel_loop3A_238 = arith.constant 16 : i32
        %parallel_loop3A_239 = arith.muli %parallel_loop3A_156, %parallel_loop3A_238 : i32
        %parallel_loop3A_240 = arith.constant 20480 : i32
        %parallel_loop3A_241 = arith.addi %parallel_loop3A_240, %parallel_loop3A_239 : i32
        %parallel_loop3A_242 = arith.index_cast %parallel_loop3A_241 : i32 to index
        %parallel_loop3A_243 = tpu.vector_load %arg7[%parallel_loop3A_242] {strides = array<i32>} : memref<24576xf32, #tpu.memory_space<vmem>>, vector<16xf32>,
        tpu.vector_store %arg7[%parallel_loop3A_242], %parallel_loop3A_237 {strides = array<i32>} : memref<24576xf32, #tpu.memory_space<vmem>>, vector<16xf32>,
        %parallel_loop3A_244 = arith.constant 9216 : i32
        %parallel_loop3A_245 = tpu.memref_slice %arg5[%parallel_loop3A_244] : memref<12288xf32, #tpu.memory_space<vmem>> -> memref<1024xf32, #tpu.memory_space<vmem>>
        %parallel_loop3A_246 = tpu.vector_load_idx %parallel_loop3A_245[%parallel_loop3A_162] : memref<1024xf32, #tpu.memory_space<vmem>>[vector<16xi32>], vector<16xf32>,
        %parallel_loop3A_247 = arith.constant 16 : i32
        %parallel_loop3A_248 = arith.muli %parallel_loop3A_156, %parallel_loop3A_247 : i32
        %parallel_loop3A_249 = arith.constant 21504 : i32
        %parallel_loop3A_250 = arith.addi %parallel_loop3A_249, %parallel_loop3A_248 : i32
        %parallel_loop3A_251 = arith.index_cast %parallel_loop3A_250 : i32 to index
        %parallel_loop3A_252 = tpu.vector_load %arg7[%parallel_loop3A_251] {strides = array<i32>} : memref<24576xf32, #tpu.memory_space<vmem>>, vector<16xf32>,
        tpu.vector_store %arg7[%parallel_loop3A_251], %parallel_loop3A_246 {strides = array<i32>} : memref<24576xf32, #tpu.memory_space<vmem>>, vector<16xf32>,
        %parallel_loop3A_253 = arith.constant 10240 : i32
        %parallel_loop3A_254 = tpu.memref_slice %arg5[%parallel_loop3A_253] : memref<12288xf32, #tpu.memory_space<vmem>> -> memref<1024xf32, #tpu.memory_space<vmem>>
        %parallel_loop3A_255 = tpu.vector_load_idx %parallel_loop3A_254[%parallel_loop3A_162] : memref<1024xf32, #tpu.memory_space<vmem>>[vector<16xi32>], vector<16xf32>,
        %parallel_loop3A_256 = arith.constant 16 : i32
        %parallel_loop3A_257 = arith.muli %parallel_loop3A_156, %parallel_loop3A_256 : i32
        %parallel_loop3A_258 = arith.constant 22528 : i32
        %parallel_loop3A_259 = arith.addi %parallel_loop3A_258, %parallel_loop3A_257 : i32
        %parallel_loop3A_260 = arith.index_cast %parallel_loop3A_259 : i32 to index
        %parallel_loop3A_261 = tpu.vector_load %arg7[%parallel_loop3A_260] {strides = array<i32>} : memref<24576xf32, #tpu.memory_space<vmem>>, vector<16xf32>,
        tpu.vector_store %arg7[%parallel_loop3A_260], %parallel_loop3A_255 {strides = array<i32>} : memref<24576xf32, #tpu.memory_space<vmem>>, vector<16xf32>,
        %parallel_loop3A_262 = arith.constant 11264 : i32
        %parallel_loop3A_263 = tpu.memref_slice %arg5[%parallel_loop3A_262] : memref<12288xf32, #tpu.memory_space<vmem>> -> memref<1024xf32, #tpu.memory_space<vmem>>
        %parallel_loop3A_264 = tpu.vector_load_idx %parallel_loop3A_263[%parallel_loop3A_162] : memref<1024xf32, #tpu.memory_space<vmem>>[vector<16xi32>], vector<16xf32>,
        %parallel_loop3A_265 = arith.constant 16 : i32
        %parallel_loop3A_266 = arith.muli %parallel_loop3A_156, %parallel_loop3A_265 : i32
        %parallel_loop3A_267 = arith.constant 23552 : i32
        %parallel_loop3A_268 = arith.addi %parallel_loop3A_267, %parallel_loop3A_266 : i32
        %parallel_loop3A_269 = arith.index_cast %parallel_loop3A_268 : i32 to index
        %parallel_loop3A_270 = tpu.vector_load %arg7[%parallel_loop3A_269] {strides = array<i32>} : memref<24576xf32, #tpu.memory_space<vmem>>, vector<16xf32>,
        tpu.vector_store %arg7[%parallel_loop3A_269], %parallel_loop3A_264 {strides = array<i32>} : memref<24576xf32, #tpu.memory_space<vmem>>, vector<16xf32>,
      } {sc.loop_unroll_factor = 8 : i64, sc.parallel_access}
      %mul3A_21 = arith.constant 1024 : i32
      %mul3A_22 = arith.muli %mul3A_4, %mul3A_21 : i32
      %add3A_23 = arith.constant 393216 : i32
      %add3A_24 = arith.addi %add3A_23, %mul3A_22 : i32
      %dma_start3A_25 = arith.constant 12288 : i32
      %dma_start3A_26 = tpu.memref_slice %arg7[%dma_start3A_25] : memref<24576xf32, #tpu.memory_space<vmem>> -> memref<12288xf32, #tpu.memory_space<vmem>>
      %dma_start3A_27 = tpu.memref_slice %arg4[%add3A_24] : memref<3145728xf32, #tpu.memory_space<hbm>> -> memref<12288xf32, #tpu.memory_space<hbm>>
      %dma_start3A_28 = tpu.memref_slice %arg4[%add3A_24] : memref<3145728xf32, #tpu.memory_space<hbm>> -> memref<12288xf32, #tpu.memory_space<hbm>>
      %dma_start3A_29 = arith.constant 12288 : i32
      %dma_start3A_30 = tpu.memref_slice %arg7[%dma_start3A_29] : memref<24576xf32, #tpu.memory_space<vmem>> -> memref<12288xf32, #tpu.memory_space<vmem>>
      tpu.enqueue_dma source(%dma_start3A_30 : memref<12288xf32, #tpu.memory_space<vmem>>) target(%dma_start3A_28 : memref<12288xf32, #tpu.memory_space<hbm>>) target_semaphore(%arg9 : memref<!tpu.dma_semaphore, #tpu.memory_space<semaphore_mem>>)
      %dma_wait3A = arith.constant 0 : i32
      %dma_wait3A_31 = tpu.memref_slice %arg7[%dma_wait3A] : memref<24576xf32, #tpu.memory_space<vmem>> -> memref<12288xf32, #tpu.memory_space<vmem>>
      %dma_wait3A_32 = tpu.memref_slice %arg4[%add3A_12] : memref<3145728xf32, #tpu.memory_space<hbm>> -> memref<12288xf32, #tpu.memory_space<hbm>>
      %dma_wait3A_33 = tpu.memref_slice %arg4[%add3A_12] : memref<3145728xf32, #tpu.memory_space<hbm>> -> memref<12288xf32, #tpu.memory_space<hbm>>
      %dma_wait3A_34 = arith.constant 0 : i32
      %dma_wait3A_35 = tpu.memref_slice %arg7[%dma_wait3A_34] : memref<24576xf32, #tpu.memory_space<vmem>> -> memref<12288xf32, #tpu.memory_space<vmem>>
      tpu.wait_dma2 semaphore(%arg8 : memref<!tpu.dma_semaphore, #tpu.memory_space<semaphore_mem>>) src(%dma_wait3A_35 : memref<12288xf32, #tpu.memory_space<vmem>>) dst(%dma_wait3A_33 : memref<12288xf32, #tpu.memory_space<hbm>>)
      %parallel_loop3A_36 = arith.constant 0 : i32
      %parallel_loop3A_37 = arith.constant 64 : i32
      %parallel_loop3A_38 = arith.constant 1 : i32
      scf.for %parallel_loop3A_156 = %parallel_loop3A_36 to %parallel_loop3A_37 step %parallel_loop3A_38  : i32 {
        %parallel_loop3A_157 = arith.constant 16 : i32
        %parallel_loop3A_158 = arith.muli %parallel_loop3A_156, %parallel_loop3A_157 : i32
        %parallel_loop3A_159 = arith.constant 2048 : i32
        %parallel_loop3A_160 = arith.addi %parallel_loop3A_159, %parallel_loop3A_158 : i32
        %parallel_loop3A_161 = arith.index_cast %parallel_loop3A_160 : i32 to index
        %parallel_loop3A_162 = tpu.vector_load %arg6[%parallel_loop3A_161] {strides = array<i32>} : memref<8192xi32, #tpu.memory_space<vmem>>, vector<16xi32>,
        %parallel_loop3A_163 = arith.constant 0 : i32
        %parallel_loop3A_164 = tpu.memref_slice %arg5[%parallel_loop3A_163] : memref<12288xf32, #tpu.memory_space<vmem>> -> memref<1024xf32, #tpu.memory_space<vmem>>
        %parallel_loop3A_165 = tpu.vector_load_idx %parallel_loop3A_164[%parallel_loop3A_162] : memref<1024xf32, #tpu.memory_space<vmem>>[vector<16xi32>], vector<16xf32>,
        %parallel_loop3A_166 = arith.constant 16 : i32
        %parallel_loop3A_167 = arith.muli %parallel_loop3A_156, %parallel_loop3A_166 : i32
        %parallel_loop3A_168 = arith.constant 0 : i32
        %parallel_loop3A_169 = arith.addi %parallel_loop3A_168, %parallel_loop3A_167 : i32
        %parallel_loop3A_170 = arith.index_cast %parallel_loop3A_169 : i32 to index
        %parallel_loop3A_171 = tpu.vector_load %arg7[%parallel_loop3A_170] {strides = array<i32>} : memref<24576xf32, #tpu.memory_space<vmem>>, vector<16xf32>,
        tpu.vector_store %arg7[%parallel_loop3A_170], %parallel_loop3A_165 {strides = array<i32>} : memref<24576xf32, #tpu.memory_space<vmem>>, vector<16xf32>,
        %parallel_loop3A_172 = arith.constant 1024 : i32
        %parallel_loop3A_173 = tpu.memref_slice %arg5[%parallel_loop3A_172] : memref<12288xf32, #tpu.memory_space<vmem>> -> memref<1024xf32, #tpu.memory_space<vmem>>
        %parallel_loop3A_174 = tpu.vector_load_idx %parallel_loop3A_173[%parallel_loop3A_162] : memref<1024xf32, #tpu.memory_space<vmem>>[vector<16xi32>], vector<16xf32>,
        %parallel_loop3A_175 = arith.constant 16 : i32
        %parallel_loop3A_176 = arith.muli %parallel_loop3A_156, %parallel_loop3A_175 : i32
        %parallel_loop3A_177 = arith.constant 1024 : i32
        %parallel_loop3A_178 = arith.addi %parallel_loop3A_177, %parallel_loop3A_176 : i32
        %parallel_loop3A_179 = arith.index_cast %parallel_loop3A_178 : i32 to index
        %parallel_loop3A_180 = tpu.vector_load %arg7[%parallel_loop3A_179] {strides = array<i32>} : memref<24576xf32, #tpu.memory_space<vmem>>, vector<16xf32>,
        tpu.vector_store %arg7[%parallel_loop3A_179], %parallel_loop3A_174 {strides = array<i32>} : memref<24576xf32, #tpu.memory_space<vmem>>, vector<16xf32>,
        %parallel_loop3A_181 = arith.constant 2048 : i32
        %parallel_loop3A_182 = tpu.memref_slice %arg5[%parallel_loop3A_181] : memref<12288xf32, #tpu.memory_space<vmem>> -> memref<1024xf32, #tpu.memory_space<vmem>>
        %parallel_loop3A_183 = tpu.vector_load_idx %parallel_loop3A_182[%parallel_loop3A_162] : memref<1024xf32, #tpu.memory_space<vmem>>[vector<16xi32>], vector<16xf32>,
        %parallel_loop3A_184 = arith.constant 16 : i32
        %parallel_loop3A_185 = arith.muli %parallel_loop3A_156, %parallel_loop3A_184 : i32
        %parallel_loop3A_186 = arith.constant 2048 : i32
        %parallel_loop3A_187 = arith.addi %parallel_loop3A_186, %parallel_loop3A_185 : i32
        %parallel_loop3A_188 = arith.index_cast %parallel_loop3A_187 : i32 to index
        %parallel_loop3A_189 = tpu.vector_load %arg7[%parallel_loop3A_188] {strides = array<i32>} : memref<24576xf32, #tpu.memory_space<vmem>>, vector<16xf32>,
        tpu.vector_store %arg7[%parallel_loop3A_188], %parallel_loop3A_183 {strides = array<i32>} : memref<24576xf32, #tpu.memory_space<vmem>>, vector<16xf32>,
        %parallel_loop3A_190 = arith.constant 3072 : i32
        %parallel_loop3A_191 = tpu.memref_slice %arg5[%parallel_loop3A_190] : memref<12288xf32, #tpu.memory_space<vmem>> -> memref<1024xf32, #tpu.memory_space<vmem>>
        %parallel_loop3A_192 = tpu.vector_load_idx %parallel_loop3A_191[%parallel_loop3A_162] : memref<1024xf32, #tpu.memory_space<vmem>>[vector<16xi32>], vector<16xf32>,
        %parallel_loop3A_193 = arith.constant 16 : i32
        %parallel_loop3A_194 = arith.muli %parallel_loop3A_156, %parallel_loop3A_193 : i32
        %parallel_loop3A_195 = arith.constant 3072 : i32
        %parallel_loop3A_196 = arith.addi %parallel_loop3A_195, %parallel_loop3A_194 : i32
        %parallel_loop3A_197 = arith.index_cast %parallel_loop3A_196 : i32 to index
        %parallel_loop3A_198 = tpu.vector_load %arg7[%parallel_loop3A_197] {strides = array<i32>} : memref<24576xf32, #tpu.memory_space<vmem>>, vector<16xf32>,
        tpu.vector_store %arg7[%parallel_loop3A_197], %parallel_loop3A_192 {strides = array<i32>} : memref<24576xf32, #tpu.memory_space<vmem>>, vector<16xf32>,
        %parallel_loop3A_199 = arith.constant 4096 : i32
        %parallel_loop3A_200 = tpu.memref_slice %arg5[%parallel_loop3A_199] : memref<12288xf32, #tpu.memory_space<vmem>> -> memref<1024xf32, #tpu.memory_space<vmem>>
        %parallel_loop3A_201 = tpu.vector_load_idx %parallel_loop3A_200[%parallel_loop3A_162] : memref<1024xf32, #tpu.memory_space<vmem>>[vector<16xi32>], vector<16xf32>,
        %parallel_loop3A_202 = arith.constant 16 : i32
        %parallel_loop3A_203 = arith.muli %parallel_loop3A_156, %parallel_loop3A_202 : i32
        %parallel_loop3A_204 = arith.constant 4096 : i32
        %parallel_loop3A_205 = arith.addi %parallel_loop3A_204, %parallel_loop3A_203 : i32
        %parallel_loop3A_206 = arith.index_cast %parallel_loop3A_205 : i32 to index
        %parallel_loop3A_207 = tpu.vector_load %arg7[%parallel_loop3A_206] {strides = array<i32>} : memref<24576xf32, #tpu.memory_space<vmem>>, vector<16xf32>,
        tpu.vector_store %arg7[%parallel_loop3A_206], %parallel_loop3A_201 {strides = array<i32>} : memref<24576xf32, #tpu.memory_space<vmem>>, vector<16xf32>,
        %parallel_loop3A_208 = arith.constant 5120 : i32
        %parallel_loop3A_209 = tpu.memref_slice %arg5[%parallel_loop3A_208] : memref<12288xf32, #tpu.memory_space<vmem>> -> memref<1024xf32, #tpu.memory_space<vmem>>
        %parallel_loop3A_210 = tpu.vector_load_idx %parallel_loop3A_209[%parallel_loop3A_162] : memref<1024xf32, #tpu.memory_space<vmem>>[vector<16xi32>], vector<16xf32>,
        %parallel_loop3A_211 = arith.constant 16 : i32
        %parallel_loop3A_212 = arith.muli %parallel_loop3A_156, %parallel_loop3A_211 : i32
        %parallel_loop3A_213 = arith.constant 5120 : i32
        %parallel_loop3A_214 = arith.addi %parallel_loop3A_213, %parallel_loop3A_212 : i32
        %parallel_loop3A_215 = arith.index_cast %parallel_loop3A_214 : i32 to index
        %parallel_loop3A_216 = tpu.vector_load %arg7[%parallel_loop3A_215] {strides = array<i32>} : memref<24576xf32, #tpu.memory_space<vmem>>, vector<16xf32>,
        tpu.vector_store %arg7[%parallel_loop3A_215], %parallel_loop3A_210 {strides = array<i32>} : memref<24576xf32, #tpu.memory_space<vmem>>, vector<16xf32>,
        %parallel_loop3A_217 = arith.constant 6144 : i32
        %parallel_loop3A_218 = tpu.memref_slice %arg5[%parallel_loop3A_217] : memref<12288xf32, #tpu.memory_space<vmem>> -> memref<1024xf32, #tpu.memory_space<vmem>>
        %parallel_loop3A_219 = tpu.vector_load_idx %parallel_loop3A_218[%parallel_loop3A_162] : memref<1024xf32, #tpu.memory_space<vmem>>[vector<16xi32>], vector<16xf32>,
        %parallel_loop3A_220 = arith.constant 16 : i32
        %parallel_loop3A_221 = arith.muli %parallel_loop3A_156, %parallel_loop3A_220 : i32
        %parallel_loop3A_222 = arith.constant 6144 : i32
        %parallel_loop3A_223 = arith.addi %parallel_loop3A_222, %parallel_loop3A_221 : i32
        %parallel_loop3A_224 = arith.index_cast %parallel_loop3A_223 : i32 to index
        %parallel_loop3A_225 = tpu.vector_load %arg7[%parallel_loop3A_224] {strides = array<i32>} : memref<24576xf32, #tpu.memory_space<vmem>>, vector<16xf32>,
        tpu.vector_store %arg7[%parallel_loop3A_224], %parallel_loop3A_219 {strides = array<i32>} : memref<24576xf32, #tpu.memory_space<vmem>>, vector<16xf32>,
        %parallel_loop3A_226 = arith.constant 7168 : i32
        %parallel_loop3A_227 = tpu.memref_slice %arg5[%parallel_loop3A_226] : memref<12288xf32, #tpu.memory_space<vmem>> -> memref<1024xf32, #tpu.memory_space<vmem>>
        %parallel_loop3A_228 = tpu.vector_load_idx %parallel_loop3A_227[%parallel_loop3A_162] : memref<1024xf32, #tpu.memory_space<vmem>>[vector<16xi32>], vector<16xf32>,
        %parallel_loop3A_229 = arith.constant 16 : i32
        %parallel_loop3A_230 = arith.muli %parallel_loop3A_156, %parallel_loop3A_229 : i32
        %parallel_loop3A_231 = arith.constant 7168 : i32
        %parallel_loop3A_232 = arith.addi %parallel_loop3A_231, %parallel_loop3A_230 : i32
        %parallel_loop3A_233 = arith.index_cast %parallel_loop3A_232 : i32 to index
        %parallel_loop3A_234 = tpu.vector_load %arg7[%parallel_loop3A_233] {strides = array<i32>} : memref<24576xf32, #tpu.memory_space<vmem>>, vector<16xf32>,
        tpu.vector_store %arg7[%parallel_loop3A_233], %parallel_loop3A_228 {strides = array<i32>} : memref<24576xf32, #tpu.memory_space<vmem>>, vector<16xf32>,
        %parallel_loop3A_235 = arith.constant 8192 : i32
        %parallel_loop3A_236 = tpu.memref_slice %arg5[%parallel_loop3A_235] : memref<12288xf32, #tpu.memory_space<vmem>> -> memref<1024xf32, #tpu.memory_space<vmem>>
        %parallel_loop3A_237 = tpu.vector_load_idx %parallel_loop3A_236[%parallel_loop3A_162] : memref<1024xf32, #tpu.memory_space<vmem>>[vector<16xi32>], vector<16xf32>,
        %parallel_loop3A_238 = arith.constant 16 : i32
        %parallel_loop3A_239 = arith.muli %parallel_loop3A_156, %parallel_loop3A_238 : i32
        %parallel_loop3A_240 = arith.constant 8192 : i32
        %parallel_loop3A_241 = arith.addi %parallel_loop3A_240, %parallel_loop3A_239 : i32
        %parallel_loop3A_242 = arith.index_cast %parallel_loop3A_241 : i32 to index
        %parallel_loop3A_243 = tpu.vector_load %arg7[%parallel_loop3A_242] {strides = array<i32>} : memref<24576xf32, #tpu.memory_space<vmem>>, vector<16xf32>,
        tpu.vector_store %arg7[%parallel_loop3A_242], %parallel_loop3A_237 {strides = array<i32>} : memref<24576xf32, #tpu.memory_space<vmem>>, vector<16xf32>,
        %parallel_loop3A_244 = arith.constant 9216 : i32
        %parallel_loop3A_245 = tpu.memref_slice %arg5[%parallel_loop3A_244] : memref<12288xf32, #tpu.memory_space<vmem>> -> memref<1024xf32, #tpu.memory_space<vmem>>
        %parallel_loop3A_246 = tpu.vector_load_idx %parallel_loop3A_245[%parallel_loop3A_162] : memref<1024xf32, #tpu.memory_space<vmem>>[vector<16xi32>], vector<16xf32>,
        %parallel_loop3A_247 = arith.constant 16 : i32
        %parallel_loop3A_248 = arith.muli %parallel_loop3A_156, %parallel_loop3A_247 : i32
        %parallel_loop3A_249 = arith.constant 9216 : i32
        %parallel_loop3A_250 = arith.addi %parallel_loop3A_249, %parallel_loop3A_248 : i32
        %parallel_loop3A_251 = arith.index_cast %parallel_loop3A_250 : i32 to index
        %parallel_loop3A_252 = tpu.vector_load %arg7[%parallel_loop3A_251] {strides = array<i32>} : memref<24576xf32, #tpu.memory_space<vmem>>, vector<16xf32>,
        tpu.vector_store %arg7[%parallel_loop3A_251], %parallel_loop3A_246 {strides = array<i32>} : memref<24576xf32, #tpu.memory_space<vmem>>, vector<16xf32>,
        %parallel_loop3A_253 = arith.constant 10240 : i32
        %parallel_loop3A_254 = tpu.memref_slice %arg5[%parallel_loop3A_253] : memref<12288xf32, #tpu.memory_space<vmem>> -> memref<1024xf32, #tpu.memory_space<vmem>>
        %parallel_loop3A_255 = tpu.vector_load_idx %parallel_loop3A_254[%parallel_loop3A_162] : memref<1024xf32, #tpu.memory_space<vmem>>[vector<16xi32>], vector<16xf32>,
        %parallel_loop3A_256 = arith.constant 16 : i32
        %parallel_loop3A_257 = arith.muli %parallel_loop3A_156, %parallel_loop3A_256 : i32
        %parallel_loop3A_258 = arith.constant 10240 : i32
        %parallel_loop3A_259 = arith.addi %parallel_loop3A_258, %parallel_loop3A_257 : i32
        %parallel_loop3A_260 = arith.index_cast %parallel_loop3A_259 : i32 to index
        %parallel_loop3A_261 = tpu.vector_load %arg7[%parallel_loop3A_260] {strides = array<i32>} : memref<24576xf32, #tpu.memory_space<vmem>>, vector<16xf32>,
        tpu.vector_store %arg7[%parallel_loop3A_260], %parallel_loop3A_255 {strides = array<i32>} : memref<24576xf32, #tpu.memory_space<vmem>>, vector<16xf32>,
        %parallel_loop3A_262 = arith.constant 11264 : i32
        %parallel_loop3A_263 = tpu.memref_slice %arg5[%parallel_loop3A_262] : memref<12288xf32, #tpu.memory_space<vmem>> -> memref<1024xf32, #tpu.memory_space<vmem>>
        %parallel_loop3A_264 = tpu.vector_load_idx %parallel_loop3A_263[%parallel_loop3A_162] : memref<1024xf32, #tpu.memory_space<vmem>>[vector<16xi32>], vector<16xf32>,
        %parallel_loop3A_265 = arith.constant 16 : i32
        %parallel_loop3A_266 = arith.muli %parallel_loop3A_156, %parallel_loop3A_265 : i32
        %parallel_loop3A_267 = arith.constant 11264 : i32
        %parallel_loop3A_268 = arith.addi %parallel_loop3A_267, %parallel_loop3A_266 : i32
        %parallel_loop3A_269 = arith.index_cast %parallel_loop3A_268 : i32 to index
        %parallel_loop3A_270 = tpu.vector_load %arg7[%parallel_loop3A_269] {strides = array<i32>} : memref<24576xf32, #tpu.memory_space<vmem>>, vector<16xf32>,
        tpu.vector_store %arg7[%parallel_loop3A_269], %parallel_loop3A_264 {strides = array<i32>} : memref<24576xf32, #tpu.memory_space<vmem>>, vector<16xf32>,
      } {sc.loop_unroll_factor = 8 : i64, sc.parallel_access}
      %mul3A_39 = arith.constant 1024 : i32
      %mul3A_40 = arith.muli %mul3A_4, %mul3A_39 : i32
      %add3A_41 = arith.constant 786432 : i32
      %add3A_42 = arith.addi %add3A_41, %mul3A_40 : i32
      %dma_start3A_43 = arith.constant 0 : i32
      %dma_start3A_44 = tpu.memref_slice %arg7[%dma_start3A_43] : memref<24576xf32, #tpu.memory_space<vmem>> -> memref<12288xf32, #tpu.memory_space<vmem>>
      %dma_start3A_45 = tpu.memref_slice %arg4[%add3A_42] : memref<3145728xf32, #tpu.memory_space<hbm>> -> memref<12288xf32, #tpu.memory_space<hbm>>
      %dma_start3A_46 = tpu.memref_slice %arg4[%add3A_42] : memref<3145728xf32, #tpu.memory_space<hbm>> -> memref<12288xf32, #tpu.memory_space<hbm>>
      %dma_start3A_47 = arith.constant 0 : i32
      %dma_start3A_48 = tpu.memref_slice %arg7[%dma_start3A_47] : memref<24576xf32, #tpu.memory_space<vmem>> -> memref<12288xf32, #tpu.memory_space<vmem>>
      tpu.enqueue_dma source(%dma_start3A_48 : memref<12288xf32, #tpu.memory_space<vmem>>) target(%dma_start3A_46 : memref<12288xf32, #tpu.memory_space<hbm>>) target_semaphore(%arg8 : memref<!tpu.dma_semaphore, #tpu.memory_space<semaphore_mem>>)
      %dma_wait3A_49 = arith.constant 12288 : i32
      %dma_wait3A_50 = tpu.memref_slice %arg7[%dma_wait3A_49] : memref<24576xf32, #tpu.memory_space<vmem>> -> memref<12288xf32, #tpu.memory_space<vmem>>
      %dma_wait3A_51 = tpu.memref_slice %arg4[%add3A_24] : memref<3145728xf32, #tpu.memory_space<hbm>> -> memref<12288xf32, #tpu.memory_space<hbm>>
      %dma_wait3A_52 = tpu.memref_slice %arg4[%add3A_24] : memref<3145728xf32, #tpu.memory_space<hbm>> -> memref<12288xf32, #tpu.memory_space<hbm>>
      %dma_wait3A_53 = arith.constant 12288 : i32
      %dma_wait3A_54 = tpu.memref_slice %arg7[%dma_wait3A_53] : memref<24576xf32, #tpu.memory_space<vmem>> -> memref<12288xf32, #tpu.memory_space<vmem>>
      tpu.wait_dma2 semaphore(%arg9 : memref<!tpu.dma_semaphore, #tpu.memory_space<semaphore_mem>>) src(%dma_wait3A_54 : memref<12288xf32, #tpu.memory_space<vmem>>) dst(%dma_wait3A_52 : memref<12288xf32, #tpu.memory_space<hbm>>)
      %parallel_loop3A_55 = arith.constant 0 : i32
      %parallel_loop3A_56 = arith.constant 64 : i32
      %parallel_loop3A_57 = arith.constant 1 : i32
      scf.for %parallel_loop3A_156 = %parallel_loop3A_55 to %parallel_loop3A_56 step %parallel_loop3A_57  : i32 {
        %parallel_loop3A_157 = arith.constant 16 : i32
        %parallel_loop3A_158 = arith.muli %parallel_loop3A_156, %parallel_loop3A_157 : i32
        %parallel_loop3A_159 = arith.constant 3072 : i32
        %parallel_loop3A_160 = arith.addi %parallel_loop3A_159, %parallel_loop3A_158 : i32
        %parallel_loop3A_161 = arith.index_cast %parallel_loop3A_160 : i32 to index
        %parallel_loop3A_162 = tpu.vector_load %arg6[%parallel_loop3A_161] {strides = array<i32>} : memref<8192xi32, #tpu.memory_space<vmem>>, vector<16xi32>,
        %parallel_loop3A_163 = arith.constant 0 : i32
        %parallel_loop3A_164 = tpu.memref_slice %arg5[%parallel_loop3A_163] : memref<12288xf32, #tpu.memory_space<vmem>> -> memref<1024xf32, #tpu.memory_space<vmem>>
        %parallel_loop3A_165 = tpu.vector_load_idx %parallel_loop3A_164[%parallel_loop3A_162] : memref<1024xf32, #tpu.memory_space<vmem>>[vector<16xi32>], vector<16xf32>,
        %parallel_loop3A_166 = arith.constant 16 : i32
        %parallel_loop3A_167 = arith.muli %parallel_loop3A_156, %parallel_loop3A_166 : i32
        %parallel_loop3A_168 = arith.constant 12288 : i32
        %parallel_loop3A_169 = arith.addi %parallel_loop3A_168, %parallel_loop3A_167 : i32
        %parallel_loop3A_170 = arith.index_cast %parallel_loop3A_169 : i32 to index
        %parallel_loop3A_171 = tpu.vector_load %arg7[%parallel_loop3A_170] {strides = array<i32>} : memref<24576xf32, #tpu.memory_space<vmem>>, vector<16xf32>,
        tpu.vector_store %arg7[%parallel_loop3A_170], %parallel_loop3A_165 {strides = array<i32>} : memref<24576xf32, #tpu.memory_space<vmem>>, vector<16xf32>,
        %parallel_loop3A_172 = arith.constant 1024 : i32
        %parallel_loop3A_173 = tpu.memref_slice %arg5[%parallel_loop3A_172] : memref<12288xf32, #tpu.memory_space<vmem>> -> memref<1024xf32, #tpu.memory_space<vmem>>
        %parallel_loop3A_174 = tpu.vector_load_idx %parallel_loop3A_173[%parallel_loop3A_162] : memref<1024xf32, #tpu.memory_space<vmem>>[vector<16xi32>], vector<16xf32>,
        %parallel_loop3A_175 = arith.constant 16 : i32
        %parallel_loop3A_176 = arith.muli %parallel_loop3A_156, %parallel_loop3A_175 : i32
        %parallel_loop3A_177 = arith.constant 13312 : i32
        %parallel_loop3A_178 = arith.addi %parallel_loop3A_177, %parallel_loop3A_176 : i32
        %parallel_loop3A_179 = arith.index_cast %parallel_loop3A_178 : i32 to index
        %parallel_loop3A_180 = tpu.vector_load %arg7[%parallel_loop3A_179] {strides = array<i32>} : memref<24576xf32, #tpu.memory_space<vmem>>, vector<16xf32>,
        tpu.vector_store %arg7[%parallel_loop3A_179], %parallel_loop3A_174 {strides = array<i32>} : memref<24576xf32, #tpu.memory_space<vmem>>, vector<16xf32>,
        %parallel_loop3A_181 = arith.constant 2048 : i32
        %parallel_loop3A_182 = tpu.memref_slice %arg5[%parallel_loop3A_181] : memref<12288xf32, #tpu.memory_space<vmem>> -> memref<1024xf32, #tpu.memory_space<vmem>>
        %parallel_loop3A_183 = tpu.vector_load_idx %parallel_loop3A_182[%parallel_loop3A_162] : memref<1024xf32, #tpu.memory_space<vmem>>[vector<16xi32>], vector<16xf32>,
        %parallel_loop3A_184 = arith.constant 16 : i32
        %parallel_loop3A_185 = arith.muli %parallel_loop3A_156, %parallel_loop3A_184 : i32
        %parallel_loop3A_186 = arith.constant 14336 : i32
        %parallel_loop3A_187 = arith.addi %parallel_loop3A_186, %parallel_loop3A_185 : i32
        %parallel_loop3A_188 = arith.index_cast %parallel_loop3A_187 : i32 to index
        %parallel_loop3A_189 = tpu.vector_load %arg7[%parallel_loop3A_188] {strides = array<i32>} : memref<24576xf32, #tpu.memory_space<vmem>>, vector<16xf32>,
        tpu.vector_store %arg7[%parallel_loop3A_188], %parallel_loop3A_183 {strides = array<i32>} : memref<24576xf32, #tpu.memory_space<vmem>>, vector<16xf32>,
        %parallel_loop3A_190 = arith.constant 3072 : i32
        %parallel_loop3A_191 = tpu.memref_slice %arg5[%parallel_loop3A_190] : memref<12288xf32, #tpu.memory_space<vmem>> -> memref<1024xf32, #tpu.memory_space<vmem>>
        %parallel_loop3A_192 = tpu.vector_load_idx %parallel_loop3A_191[%parallel_loop3A_162] : memref<1024xf32, #tpu.memory_space<vmem>>[vector<16xi32>], vector<16xf32>,
        %parallel_loop3A_193 = arith.constant 16 : i32
        %parallel_loop3A_194 = arith.muli %parallel_loop3A_156, %parallel_loop3A_193 : i32
        %parallel_loop3A_195 = arith.constant 15360 : i32
        %parallel_loop3A_196 = arith.addi %parallel_loop3A_195, %parallel_loop3A_194 : i32
        %parallel_loop3A_197 = arith.index_cast %parallel_loop3A_196 : i32 to index
        %parallel_loop3A_198 = tpu.vector_load %arg7[%parallel_loop3A_197] {strides = array<i32>} : memref<24576xf32, #tpu.memory_space<vmem>>, vector<16xf32>,
        tpu.vector_store %arg7[%parallel_loop3A_197], %parallel_loop3A_192 {strides = array<i32>} : memref<24576xf32, #tpu.memory_space<vmem>>, vector<16xf32>,
        %parallel_loop3A_199 = arith.constant 4096 : i32
        %parallel_loop3A_200 = tpu.memref_slice %arg5[%parallel_loop3A_199] : memref<12288xf32, #tpu.memory_space<vmem>> -> memref<1024xf32, #tpu.memory_space<vmem>>
        %parallel_loop3A_201 = tpu.vector_load_idx %parallel_loop3A_200[%parallel_loop3A_162] : memref<1024xf32, #tpu.memory_space<vmem>>[vector<16xi32>], vector<16xf32>,
        %parallel_loop3A_202 = arith.constant 16 : i32
        %parallel_loop3A_203 = arith.muli %parallel_loop3A_156, %parallel_loop3A_202 : i32
        %parallel_loop3A_204 = arith.constant 16384 : i32
        %parallel_loop3A_205 = arith.addi %parallel_loop3A_204, %parallel_loop3A_203 : i32
        %parallel_loop3A_206 = arith.index_cast %parallel_loop3A_205 : i32 to index
        %parallel_loop3A_207 = tpu.vector_load %arg7[%parallel_loop3A_206] {strides = array<i32>} : memref<24576xf32, #tpu.memory_space<vmem>>, vector<16xf32>,
        tpu.vector_store %arg7[%parallel_loop3A_206], %parallel_loop3A_201 {strides = array<i32>} : memref<24576xf32, #tpu.memory_space<vmem>>, vector<16xf32>,
        %parallel_loop3A_208 = arith.constant 5120 : i32
        %parallel_loop3A_209 = tpu.memref_slice %arg5[%parallel_loop3A_208] : memref<12288xf32, #tpu.memory_space<vmem>> -> memref<1024xf32, #tpu.memory_space<vmem>>
        %parallel_loop3A_210 = tpu.vector_load_idx %parallel_loop3A_209[%parallel_loop3A_162] : memref<1024xf32, #tpu.memory_space<vmem>>[vector<16xi32>], vector<16xf32>,
        %parallel_loop3A_211 = arith.constant 16 : i32
        %parallel_loop3A_212 = arith.muli %parallel_loop3A_156, %parallel_loop3A_211 : i32
        %parallel_loop3A_213 = arith.constant 17408 : i32
        %parallel_loop3A_214 = arith.addi %parallel_loop3A_213, %parallel_loop3A_212 : i32
        %parallel_loop3A_215 = arith.index_cast %parallel_loop3A_214 : i32 to index
        %parallel_loop3A_216 = tpu.vector_load %arg7[%parallel_loop3A_215] {strides = array<i32>} : memref<24576xf32, #tpu.memory_space<vmem>>, vector<16xf32>,
        tpu.vector_store %arg7[%parallel_loop3A_215], %parallel_loop3A_210 {strides = array<i32>} : memref<24576xf32, #tpu.memory_space<vmem>>, vector<16xf32>,
        %parallel_loop3A_217 = arith.constant 6144 : i32
        %parallel_loop3A_218 = tpu.memref_slice %arg5[%parallel_loop3A_217] : memref<12288xf32, #tpu.memory_space<vmem>> -> memref<1024xf32, #tpu.memory_space<vmem>>
        %parallel_loop3A_219 = tpu.vector_load_idx %parallel_loop3A_218[%parallel_loop3A_162] : memref<1024xf32, #tpu.memory_space<vmem>>[vector<16xi32>], vector<16xf32>,
        %parallel_loop3A_220 = arith.constant 16 : i32
        %parallel_loop3A_221 = arith.muli %parallel_loop3A_156, %parallel_loop3A_220 : i32
        %parallel_loop3A_222 = arith.constant 18432 : i32
        %parallel_loop3A_223 = arith.addi %parallel_loop3A_222, %parallel_loop3A_221 : i32
        %parallel_loop3A_224 = arith.index_cast %parallel_loop3A_223 : i32 to index
        %parallel_loop3A_225 = tpu.vector_load %arg7[%parallel_loop3A_224] {strides = array<i32>} : memref<24576xf32, #tpu.memory_space<vmem>>, vector<16xf32>,
        tpu.vector_store %arg7[%parallel_loop3A_224], %parallel_loop3A_219 {strides = array<i32>} : memref<24576xf32, #tpu.memory_space<vmem>>, vector<16xf32>,
        %parallel_loop3A_226 = arith.constant 7168 : i32
        %parallel_loop3A_227 = tpu.memref_slice %arg5[%parallel_loop3A_226] : memref<12288xf32, #tpu.memory_space<vmem>> -> memref<1024xf32, #tpu.memory_space<vmem>>
        %parallel_loop3A_228 = tpu.vector_load_idx %parallel_loop3A_227[%parallel_loop3A_162] : memref<1024xf32, #tpu.memory_space<vmem>>[vector<16xi32>], vector<16xf32>,
        %parallel_loop3A_229 = arith.constant 16 : i32
        %parallel_loop3A_230 = arith.muli %parallel_loop3A_156, %parallel_loop3A_229 : i32
        %parallel_loop3A_231 = arith.constant 19456 : i32
        %parallel_loop3A_232 = arith.addi %parallel_loop3A_231, %parallel_loop3A_230 : i32
        %parallel_loop3A_233 = arith.index_cast %parallel_loop3A_232 : i32 to index
        %parallel_loop3A_234 = tpu.vector_load %arg7[%parallel_loop3A_233] {strides = array<i32>} : memref<24576xf32, #tpu.memory_space<vmem>>, vector<16xf32>,
        tpu.vector_store %arg7[%parallel_loop3A_233], %parallel_loop3A_228 {strides = array<i32>} : memref<24576xf32, #tpu.memory_space<vmem>>, vector<16xf32>,
        %parallel_loop3A_235 = arith.constant 8192 : i32
        %parallel_loop3A_236 = tpu.memref_slice %arg5[%parallel_loop3A_235] : memref<12288xf32, #tpu.memory_space<vmem>> -> memref<1024xf32, #tpu.memory_space<vmem>>
        %parallel_loop3A_237 = tpu.vector_load_idx %parallel_loop3A_236[%parallel_loop3A_162] : memref<1024xf32, #tpu.memory_space<vmem>>[vector<16xi32>], vector<16xf32>,
        %parallel_loop3A_238 = arith.constant 16 : i32
        %parallel_loop3A_239 = arith.muli %parallel_loop3A_156, %parallel_loop3A_238 : i32
        %parallel_loop3A_240 = arith.constant 20480 : i32
        %parallel_loop3A_241 = arith.addi %parallel_loop3A_240, %parallel_loop3A_239 : i32
        %parallel_loop3A_242 = arith.index_cast %parallel_loop3A_241 : i32 to index
        %parallel_loop3A_243 = tpu.vector_load %arg7[%parallel_loop3A_242] {strides = array<i32>} : memref<24576xf32, #tpu.memory_space<vmem>>, vector<16xf32>,
        tpu.vector_store %arg7[%parallel_loop3A_242], %parallel_loop3A_237 {strides = array<i32>} : memref<24576xf32, #tpu.memory_space<vmem>>, vector<16xf32>,
        %parallel_loop3A_244 = arith.constant 9216 : i32
        %parallel_loop3A_245 = tpu.memref_slice %arg5[%parallel_loop3A_244] : memref<12288xf32, #tpu.memory_space<vmem>> -> memref<1024xf32, #tpu.memory_space<vmem>>
        %parallel_loop3A_246 = tpu.vector_load_idx %parallel_loop3A_245[%parallel_loop3A_162] : memref<1024xf32, #tpu.memory_space<vmem>>[vector<16xi32>], vector<16xf32>,
        %parallel_loop3A_247 = arith.constant 16 : i32
        %parallel_loop3A_248 = arith.muli %parallel_loop3A_156, %parallel_loop3A_247 : i32
        %parallel_loop3A_249 = arith.constant 21504 : i32
        %parallel_loop3A_250 = arith.addi %parallel_loop3A_249, %parallel_loop3A_248 : i32
        %parallel_loop3A_251 = arith.index_cast %parallel_loop3A_250 : i32 to index
        %parallel_loop3A_252 = tpu.vector_load %arg7[%parallel_loop3A_251] {strides = array<i32>} : memref<24576xf32, #tpu.memory_space<vmem>>, vector<16xf32>,
        tpu.vector_store %arg7[%parallel_loop3A_251], %parallel_loop3A_246 {strides = array<i32>} : memref<24576xf32, #tpu.memory_space<vmem>>, vector<16xf32>,
        %parallel_loop3A_253 = arith.constant 10240 : i32
        %parallel_loop3A_254 = tpu.memref_slice %arg5[%parallel_loop3A_253] : memref<12288xf32, #tpu.memory_space<vmem>> -> memref<1024xf32, #tpu.memory_space<vmem>>
        %parallel_loop3A_255 = tpu.vector_load_idx %parallel_loop3A_254[%parallel_loop3A_162] : memref<1024xf32, #tpu.memory_space<vmem>>[vector<16xi32>], vector<16xf32>,
        %parallel_loop3A_256 = arith.constant 16 : i32
        %parallel_loop3A_257 = arith.muli %parallel_loop3A_156, %parallel_loop3A_256 : i32
        %parallel_loop3A_258 = arith.constant 22528 : i32
        %parallel_loop3A_259 = arith.addi %parallel_loop3A_258, %parallel_loop3A_257 : i32
        %parallel_loop3A_260 = arith.index_cast %parallel_loop3A_259 : i32 to index
        %parallel_loop3A_261 = tpu.vector_load %arg7[%parallel_loop3A_260] {strides = array<i32>} : memref<24576xf32, #tpu.memory_space<vmem>>, vector<16xf32>,
        tpu.vector_store %arg7[%parallel_loop3A_260], %parallel_loop3A_255 {strides = array<i32>} : memref<24576xf32, #tpu.memory_space<vmem>>, vector<16xf32>,
        %parallel_loop3A_262 = arith.constant 11264 : i32
        %parallel_loop3A_263 = tpu.memref_slice %arg5[%parallel_loop3A_262] : memref<12288xf32, #tpu.memory_space<vmem>> -> memref<1024xf32, #tpu.memory_space<vmem>>
        %parallel_loop3A_264 = tpu.vector_load_idx %parallel_loop3A_263[%parallel_loop3A_162] : memref<1024xf32, #tpu.memory_space<vmem>>[vector<16xi32>], vector<16xf32>,
        %parallel_loop3A_265 = arith.constant 16 : i32
        %parallel_loop3A_266 = arith.muli %parallel_loop3A_156, %parallel_loop3A_265 : i32
        %parallel_loop3A_267 = arith.constant 23552 : i32
        %parallel_loop3A_268 = arith.addi %parallel_loop3A_267, %parallel_loop3A_266 : i32
        %parallel_loop3A_269 = arith.index_cast %parallel_loop3A_268 : i32 to index
        %parallel_loop3A_270 = tpu.vector_load %arg7[%parallel_loop3A_269] {strides = array<i32>} : memref<24576xf32, #tpu.memory_space<vmem>>, vector<16xf32>,
        tpu.vector_store %arg7[%parallel_loop3A_269], %parallel_loop3A_264 {strides = array<i32>} : memref<24576xf32, #tpu.memory_space<vmem>>, vector<16xf32>,
      } {sc.loop_unroll_factor = 8 : i64, sc.parallel_access}
      %mul3A_58 = arith.constant 1024 : i32
      %mul3A_59 = arith.muli %mul3A_4, %mul3A_58 : i32
      %add3A_60 = arith.constant 1179648 : i32
      %add3A_61 = arith.addi %add3A_60, %mul3A_59 : i32
      %dma_start3A_62 = arith.constant 12288 : i32
      %dma_start3A_63 = tpu.memref_slice %arg7[%dma_start3A_62] : memref<24576xf32, #tpu.memory_space<vmem>> -> memref<12288xf32, #tpu.memory_space<vmem>>
      %dma_start3A_64 = tpu.memref_slice %arg4[%add3A_61] : memref<3145728xf32, #tpu.memory_space<hbm>> -> memref<12288xf32, #tpu.memory_space<hbm>>
      %dma_start3A_65 = tpu.memref_slice %arg4[%add3A_61] : memref<3145728xf32, #tpu.memory_space<hbm>> -> memref<12288xf32, #tpu.memory_space<hbm>>
      %dma_start3A_66 = arith.constant 12288 : i32
      %dma_start3A_67 = tpu.memref_slice %arg7[%dma_start3A_66] : memref<24576xf32, #tpu.memory_space<vmem>> -> memref<12288xf32, #tpu.memory_space<vmem>>
      tpu.enqueue_dma source(%dma_start3A_67 : memref<12288xf32, #tpu.memory_space<vmem>>) target(%dma_start3A_65 : memref<12288xf32, #tpu.memory_space<hbm>>) target_semaphore(%arg9 : memref<!tpu.dma_semaphore, #tpu.memory_space<semaphore_mem>>)
      %dma_wait3A_68 = arith.constant 0 : i32
      %dma_wait3A_69 = tpu.memref_slice %arg7[%dma_wait3A_68] : memref<24576xf32, #tpu.memory_space<vmem>> -> memref<12288xf32, #tpu.memory_space<vmem>>
      %dma_wait3A_70 = tpu.memref_slice %arg4[%add3A_42] : memref<3145728xf32, #tpu.memory_space<hbm>> -> memref<12288xf32, #tpu.memory_space<hbm>>
      %dma_wait3A_71 = tpu.memref_slice %arg4[%add3A_42] : memref<3145728xf32, #tpu.memory_space<hbm>> -> memref<12288xf32, #tpu.memory_space<hbm>>
      %dma_wait3A_72 = arith.constant 0 : i32
      %dma_wait3A_73 = tpu.memref_slice %arg7[%dma_wait3A_72] : memref<24576xf32, #tpu.memory_space<vmem>> -> memref<12288xf32, #tpu.memory_space<vmem>>
      tpu.wait_dma2 semaphore(%arg8 : memref<!tpu.dma_semaphore, #tpu.memory_space<semaphore_mem>>) src(%dma_wait3A_73 : memref<12288xf32, #tpu.memory_space<vmem>>) dst(%dma_wait3A_71 : memref<12288xf32, #tpu.memory_space<hbm>>)
      %parallel_loop3A_74 = arith.constant 0 : i32
      %parallel_loop3A_75 = arith.constant 64 : i32
      %parallel_loop3A_76 = arith.constant 1 : i32
      scf.for %parallel_loop3A_156 = %parallel_loop3A_74 to %parallel_loop3A_75 step %parallel_loop3A_76  : i32 {
        %parallel_loop3A_157 = arith.constant 16 : i32
        %parallel_loop3A_158 = arith.muli %parallel_loop3A_156, %parallel_loop3A_157 : i32
        %parallel_loop3A_159 = arith.constant 4096 : i32
        %parallel_loop3A_160 = arith.addi %parallel_loop3A_159, %parallel_loop3A_158 : i32
        %parallel_loop3A_161 = arith.index_cast %parallel_loop3A_160 : i32 to index
        %parallel_loop3A_162 = tpu.vector_load %arg6[%parallel_loop3A_161] {strides = array<i32>} : memref<8192xi32, #tpu.memory_space<vmem>>, vector<16xi32>,
        %parallel_loop3A_163 = arith.constant 0 : i32
        %parallel_loop3A_164 = tpu.memref_slice %arg5[%parallel_loop3A_163] : memref<12288xf32, #tpu.memory_space<vmem>> -> memref<1024xf32, #tpu.memory_space<vmem>>
        %parallel_loop3A_165 = tpu.vector_load_idx %parallel_loop3A_164[%parallel_loop3A_162] : memref<1024xf32, #tpu.memory_space<vmem>>[vector<16xi32>], vector<16xf32>,
        %parallel_loop3A_166 = arith.constant 16 : i32
        %parallel_loop3A_167 = arith.muli %parallel_loop3A_156, %parallel_loop3A_166 : i32
        %parallel_loop3A_168 = arith.constant 0 : i32
        %parallel_loop3A_169 = arith.addi %parallel_loop3A_168, %parallel_loop3A_167 : i32
        %parallel_loop3A_170 = arith.index_cast %parallel_loop3A_169 : i32 to index
        %parallel_loop3A_171 = tpu.vector_load %arg7[%parallel_loop3A_170] {strides = array<i32>} : memref<24576xf32, #tpu.memory_space<vmem>>, vector<16xf32>,
        tpu.vector_store %arg7[%parallel_loop3A_170], %parallel_loop3A_165 {strides = array<i32>} : memref<24576xf32, #tpu.memory_space<vmem>>, vector<16xf32>,
        %parallel_loop3A_172 = arith.constant 1024 : i32
        %parallel_loop3A_173 = tpu.memref_slice %arg5[%parallel_loop3A_172] : memref<12288xf32, #tpu.memory_space<vmem>> -> memref<1024xf32, #tpu.memory_space<vmem>>
        %parallel_loop3A_174 = tpu.vector_load_idx %parallel_loop3A_173[%parallel_loop3A_162] : memref<1024xf32, #tpu.memory_space<vmem>>[vector<16xi32>], vector<16xf32>,
        %parallel_loop3A_175 = arith.constant 16 : i32
        %parallel_loop3A_176 = arith.muli %parallel_loop3A_156, %parallel_loop3A_175 : i32
        %parallel_loop3A_177 = arith.constant 1024 : i32
        %parallel_loop3A_178 = arith.addi %parallel_loop3A_177, %parallel_loop3A_176 : i32
        %parallel_loop3A_179 = arith.index_cast %parallel_loop3A_178 : i32 to index
        %parallel_loop3A_180 = tpu.vector_load %arg7[%parallel_loop3A_179] {strides = array<i32>} : memref<24576xf32, #tpu.memory_space<vmem>>, vector<16xf32>,
        tpu.vector_store %arg7[%parallel_loop3A_179], %parallel_loop3A_174 {strides = array<i32>} : memref<24576xf32, #tpu.memory_space<vmem>>, vector<16xf32>,
        %parallel_loop3A_181 = arith.constant 2048 : i32
        %parallel_loop3A_182 = tpu.memref_slice %arg5[%parallel_loop3A_181] : memref<12288xf32, #tpu.memory_space<vmem>> -> memref<1024xf32, #tpu.memory_space<vmem>>
        %parallel_loop3A_183 = tpu.vector_load_idx %parallel_loop3A_182[%parallel_loop3A_162] : memref<1024xf32, #tpu.memory_space<vmem>>[vector<16xi32>], vector<16xf32>,
        %parallel_loop3A_184 = arith.constant 16 : i32
        %parallel_loop3A_185 = arith.muli %parallel_loop3A_156, %parallel_loop3A_184 : i32
        %parallel_loop3A_186 = arith.constant 2048 : i32
        %parallel_loop3A_187 = arith.addi %parallel_loop3A_186, %parallel_loop3A_185 : i32
        %parallel_loop3A_188 = arith.index_cast %parallel_loop3A_187 : i32 to index
        %parallel_loop3A_189 = tpu.vector_load %arg7[%parallel_loop3A_188] {strides = array<i32>} : memref<24576xf32, #tpu.memory_space<vmem>>, vector<16xf32>,
        tpu.vector_store %arg7[%parallel_loop3A_188], %parallel_loop3A_183 {strides = array<i32>} : memref<24576xf32, #tpu.memory_space<vmem>>, vector<16xf32>,
        %parallel_loop3A_190 = arith.constant 3072 : i32
        %parallel_loop3A_191 = tpu.memref_slice %arg5[%parallel_loop3A_190] : memref<12288xf32, #tpu.memory_space<vmem>> -> memref<1024xf32, #tpu.memory_space<vmem>>
        %parallel_loop3A_192 = tpu.vector_load_idx %parallel_loop3A_191[%parallel_loop3A_162] : memref<1024xf32, #tpu.memory_space<vmem>>[vector<16xi32>], vector<16xf32>,
        %parallel_loop3A_193 = arith.constant 16 : i32
        %parallel_loop3A_194 = arith.muli %parallel_loop3A_156, %parallel_loop3A_193 : i32
        %parallel_loop3A_195 = arith.constant 3072 : i32
        %parallel_loop3A_196 = arith.addi %parallel_loop3A_195, %parallel_loop3A_194 : i32
        %parallel_loop3A_197 = arith.index_cast %parallel_loop3A_196 : i32 to index
        %parallel_loop3A_198 = tpu.vector_load %arg7[%parallel_loop3A_197] {strides = array<i32>} : memref<24576xf32, #tpu.memory_space<vmem>>, vector<16xf32>,
        tpu.vector_store %arg7[%parallel_loop3A_197], %parallel_loop3A_192 {strides = array<i32>} : memref<24576xf32, #tpu.memory_space<vmem>>, vector<16xf32>,
        %parallel_loop3A_199 = arith.constant 4096 : i32
        %parallel_loop3A_200 = tpu.memref_slice %arg5[%parallel_loop3A_199] : memref<12288xf32, #tpu.memory_space<vmem>> -> memref<1024xf32, #tpu.memory_space<vmem>>
        %parallel_loop3A_201 = tpu.vector_load_idx %parallel_loop3A_200[%parallel_loop3A_162] : memref<1024xf32, #tpu.memory_space<vmem>>[vector<16xi32>], vector<16xf32>,
        %parallel_loop3A_202 = arith.constant 16 : i32
        %parallel_loop3A_203 = arith.muli %parallel_loop3A_156, %parallel_loop3A_202 : i32
        %parallel_loop3A_204 = arith.constant 4096 : i32
        %parallel_loop3A_205 = arith.addi %parallel_loop3A_204, %parallel_loop3A_203 : i32
        %parallel_loop3A_206 = arith.index_cast %parallel_loop3A_205 : i32 to index
        %parallel_loop3A_207 = tpu.vector_load %arg7[%parallel_loop3A_206] {strides = array<i32>} : memref<24576xf32, #tpu.memory_space<vmem>>, vector<16xf32>,
        tpu.vector_store %arg7[%parallel_loop3A_206], %parallel_loop3A_201 {strides = array<i32>} : memref<24576xf32, #tpu.memory_space<vmem>>, vector<16xf32>,
        %parallel_loop3A_208 = arith.constant 5120 : i32
        %parallel_loop3A_209 = tpu.memref_slice %arg5[%parallel_loop3A_208] : memref<12288xf32, #tpu.memory_space<vmem>> -> memref<1024xf32, #tpu.memory_space<vmem>>
        %parallel_loop3A_210 = tpu.vector_load_idx %parallel_loop3A_209[%parallel_loop3A_162] : memref<1024xf32, #tpu.memory_space<vmem>>[vector<16xi32>], vector<16xf32>,
        %parallel_loop3A_211 = arith.constant 16 : i32
        %parallel_loop3A_212 = arith.muli %parallel_loop3A_156, %parallel_loop3A_211 : i32
        %parallel_loop3A_213 = arith.constant 5120 : i32
        %parallel_loop3A_214 = arith.addi %parallel_loop3A_213, %parallel_loop3A_212 : i32
        %parallel_loop3A_215 = arith.index_cast %parallel_loop3A_214 : i32 to index
        %parallel_loop3A_216 = tpu.vector_load %arg7[%parallel_loop3A_215] {strides = array<i32>} : memref<24576xf32, #tpu.memory_space<vmem>>, vector<16xf32>,
        tpu.vector_store %arg7[%parallel_loop3A_215], %parallel_loop3A_210 {strides = array<i32>} : memref<24576xf32, #tpu.memory_space<vmem>>, vector<16xf32>,
        %parallel_loop3A_217 = arith.constant 6144 : i32
        %parallel_loop3A_218 = tpu.memref_slice %arg5[%parallel_loop3A_217] : memref<12288xf32, #tpu.memory_space<vmem>> -> memref<1024xf32, #tpu.memory_space<vmem>>
        %parallel_loop3A_219 = tpu.vector_load_idx %parallel_loop3A_218[%parallel_loop3A_162] : memref<1024xf32, #tpu.memory_space<vmem>>[vector<16xi32>], vector<16xf32>,
        %parallel_loop3A_220 = arith.constant 16 : i32
        %parallel_loop3A_221 = arith.muli %parallel_loop3A_156, %parallel_loop3A_220 : i32
        %parallel_loop3A_222 = arith.constant 6144 : i32
        %parallel_loop3A_223 = arith.addi %parallel_loop3A_222, %parallel_loop3A_221 : i32
        %parallel_loop3A_224 = arith.index_cast %parallel_loop3A_223 : i32 to index
        %parallel_loop3A_225 = tpu.vector_load %arg7[%parallel_loop3A_224] {strides = array<i32>} : memref<24576xf32, #tpu.memory_space<vmem>>, vector<16xf32>,
        tpu.vector_store %arg7[%parallel_loop3A_224], %parallel_loop3A_219 {strides = array<i32>} : memref<24576xf32, #tpu.memory_space<vmem>>, vector<16xf32>,
        %parallel_loop3A_226 = arith.constant 7168 : i32
        %parallel_loop3A_227 = tpu.memref_slice %arg5[%parallel_loop3A_226] : memref<12288xf32, #tpu.memory_space<vmem>> -> memref<1024xf32, #tpu.memory_space<vmem>>
        %parallel_loop3A_228 = tpu.vector_load_idx %parallel_loop3A_227[%parallel_loop3A_162] : memref<1024xf32, #tpu.memory_space<vmem>>[vector<16xi32>], vector<16xf32>,
        %parallel_loop3A_229 = arith.constant 16 : i32
        %parallel_loop3A_230 = arith.muli %parallel_loop3A_156, %parallel_loop3A_229 : i32
        %parallel_loop3A_231 = arith.constant 7168 : i32
        %parallel_loop3A_232 = arith.addi %parallel_loop3A_231, %parallel_loop3A_230 : i32
        %parallel_loop3A_233 = arith.index_cast %parallel_loop3A_232 : i32 to index
        %parallel_loop3A_234 = tpu.vector_load %arg7[%parallel_loop3A_233] {strides = array<i32>} : memref<24576xf32, #tpu.memory_space<vmem>>, vector<16xf32>,
        tpu.vector_store %arg7[%parallel_loop3A_233], %parallel_loop3A_228 {strides = array<i32>} : memref<24576xf32, #tpu.memory_space<vmem>>, vector<16xf32>,
        %parallel_loop3A_235 = arith.constant 8192 : i32
        %parallel_loop3A_236 = tpu.memref_slice %arg5[%parallel_loop3A_235] : memref<12288xf32, #tpu.memory_space<vmem>> -> memref<1024xf32, #tpu.memory_space<vmem>>
        %parallel_loop3A_237 = tpu.vector_load_idx %parallel_loop3A_236[%parallel_loop3A_162] : memref<1024xf32, #tpu.memory_space<vmem>>[vector<16xi32>], vector<16xf32>,
        %parallel_loop3A_238 = arith.constant 16 : i32
        %parallel_loop3A_239 = arith.muli %parallel_loop3A_156, %parallel_loop3A_238 : i32
        %parallel_loop3A_240 = arith.constant 8192 : i32
        %parallel_loop3A_241 = arith.addi %parallel_loop3A_240, %parallel_loop3A_239 : i32
        %parallel_loop3A_242 = arith.index_cast %parallel_loop3A_241 : i32 to index
        %parallel_loop3A_243 = tpu.vector_load %arg7[%parallel_loop3A_242] {strides = array<i32>} : memref<24576xf32, #tpu.memory_space<vmem>>, vector<16xf32>,
        tpu.vector_store %arg7[%parallel_loop3A_242], %parallel_loop3A_237 {strides = array<i32>} : memref<24576xf32, #tpu.memory_space<vmem>>, vector<16xf32>,
        %parallel_loop3A_244 = arith.constant 9216 : i32
        %parallel_loop3A_245 = tpu.memref_slice %arg5[%parallel_loop3A_244] : memref<12288xf32, #tpu.memory_space<vmem>> -> memref<1024xf32, #tpu.memory_space<vmem>>
        %parallel_loop3A_246 = tpu.vector_load_idx %parallel_loop3A_245[%parallel_loop3A_162] : memref<1024xf32, #tpu.memory_space<vmem>>[vector<16xi32>], vector<16xf32>,
        %parallel_loop3A_247 = arith.constant 16 : i32
        %parallel_loop3A_248 = arith.muli %parallel_loop3A_156, %parallel_loop3A_247 : i32
        %parallel_loop3A_249 = arith.constant 9216 : i32
        %parallel_loop3A_250 = arith.addi %parallel_loop3A_249, %parallel_loop3A_248 : i32
        %parallel_loop3A_251 = arith.index_cast %parallel_loop3A_250 : i32 to index
        %parallel_loop3A_252 = tpu.vector_load %arg7[%parallel_loop3A_251] {strides = array<i32>} : memref<24576xf32, #tpu.memory_space<vmem>>, vector<16xf32>,
        tpu.vector_store %arg7[%parallel_loop3A_251], %parallel_loop3A_246 {strides = array<i32>} : memref<24576xf32, #tpu.memory_space<vmem>>, vector<16xf32>,
        %parallel_loop3A_253 = arith.constant 10240 : i32
        %parallel_loop3A_254 = tpu.memref_slice %arg5[%parallel_loop3A_253] : memref<12288xf32, #tpu.memory_space<vmem>> -> memref<1024xf32, #tpu.memory_space<vmem>>
        %parallel_loop3A_255 = tpu.vector_load_idx %parallel_loop3A_254[%parallel_loop3A_162] : memref<1024xf32, #tpu.memory_space<vmem>>[vector<16xi32>], vector<16xf32>,
        %parallel_loop3A_256 = arith.constant 16 : i32
        %parallel_loop3A_257 = arith.muli %parallel_loop3A_156, %parallel_loop3A_256 : i32
        %parallel_loop3A_258 = arith.constant 10240 : i32
        %parallel_loop3A_259 = arith.addi %parallel_loop3A_258, %parallel_loop3A_257 : i32
        %parallel_loop3A_260 = arith.index_cast %parallel_loop3A_259 : i32 to index
        %parallel_loop3A_261 = tpu.vector_load %arg7[%parallel_loop3A_260] {strides = array<i32>} : memref<24576xf32, #tpu.memory_space<vmem>>, vector<16xf32>,
        tpu.vector_store %arg7[%parallel_loop3A_260], %parallel_loop3A_255 {strides = array<i32>} : memref<24576xf32, #tpu.memory_space<vmem>>, vector<16xf32>,
        %parallel_loop3A_262 = arith.constant 11264 : i32
        %parallel_loop3A_263 = tpu.memref_slice %arg5[%parallel_loop3A_262] : memref<12288xf32, #tpu.memory_space<vmem>> -> memref<1024xf32, #tpu.memory_space<vmem>>
        %parallel_loop3A_264 = tpu.vector_load_idx %parallel_loop3A_263[%parallel_loop3A_162] : memref<1024xf32, #tpu.memory_space<vmem>>[vector<16xi32>], vector<16xf32>,
        %parallel_loop3A_265 = arith.constant 16 : i32
        %parallel_loop3A_266 = arith.muli %parallel_loop3A_156, %parallel_loop3A_265 : i32
        %parallel_loop3A_267 = arith.constant 11264 : i32
        %parallel_loop3A_268 = arith.addi %parallel_loop3A_267, %parallel_loop3A_266 : i32
        %parallel_loop3A_269 = arith.index_cast %parallel_loop3A_268 : i32 to index
        %parallel_loop3A_270 = tpu.vector_load %arg7[%parallel_loop3A_269] {strides = array<i32>} : memref<24576xf32, #tpu.memory_space<vmem>>, vector<16xf32>,
        tpu.vector_store %arg7[%parallel_loop3A_269], %parallel_loop3A_264 {strides = array<i32>} : memref<24576xf32, #tpu.memory_space<vmem>>, vector<16xf32>,
      } {sc.loop_unroll_factor = 8 : i64, sc.parallel_access}
      %mul3A_77 = arith.constant 1024 : i32
      %mul3A_78 = arith.muli %mul3A_4, %mul3A_77 : i32
      %add3A_79 = arith.constant 1572864 : i32
      %add3A_80 = arith.addi %add3A_79, %mul3A_78 : i32
      %dma_start3A_81 = arith.constant 0 : i32
      %dma_start3A_82 = tpu.memref_slice %arg7[%dma_start3A_81] : memref<24576xf32, #tpu.memory_space<vmem>> -> memref<12288xf32, #tpu.memory_space<vmem>>
      %dma_start3A_83 = tpu.memref_slice %arg4[%add3A_80] : memref<3145728xf32, #tpu.memory_space<hbm>> -> memref<12288xf32, #tpu.memory_space<hbm>>
      %dma_start3A_84 = tpu.memref_slice %arg4[%add3A_80] : memref<3145728xf32, #tpu.memory_space<hbm>> -> memref<12288xf32, #tpu.memory_space<hbm>>
      %dma_start3A_85 = arith.constant 0 : i32
      %dma_start3A_86 = tpu.memref_slice %arg7[%dma_start3A_85] : memref<24576xf32, #tpu.memory_space<vmem>> -> memref<12288xf32, #tpu.memory_space<vmem>>
      tpu.enqueue_dma source(%dma_start3A_86 : memref<12288xf32, #tpu.memory_space<vmem>>) target(%dma_start3A_84 : memref<12288xf32, #tpu.memory_space<hbm>>) target_semaphore(%arg8 : memref<!tpu.dma_semaphore, #tpu.memory_space<semaphore_mem>>)
      %dma_wait3A_87 = arith.constant 12288 : i32
      %dma_wait3A_88 = tpu.memref_slice %arg7[%dma_wait3A_87] : memref<24576xf32, #tpu.memory_space<vmem>> -> memref<12288xf32, #tpu.memory_space<vmem>>
      %dma_wait3A_89 = tpu.memref_slice %arg4[%add3A_61] : memref<3145728xf32, #tpu.memory_space<hbm>> -> memref<12288xf32, #tpu.memory_space<hbm>>
      %dma_wait3A_90 = tpu.memref_slice %arg4[%add3A_61] : memref<3145728xf32, #tpu.memory_space<hbm>> -> memref<12288xf32, #tpu.memory_space<hbm>>
      %dma_wait3A_91 = arith.constant 12288 : i32
      %dma_wait3A_92 = tpu.memref_slice %arg7[%dma_wait3A_91] : memref<24576xf32, #tpu.memory_space<vmem>> -> memref<12288xf32, #tpu.memory_space<vmem>>
      tpu.wait_dma2 semaphore(%arg9 : memref<!tpu.dma_semaphore, #tpu.memory_space<semaphore_mem>>) src(%dma_wait3A_92 : memref<12288xf32, #tpu.memory_space<vmem>>) dst(%dma_wait3A_90 : memref<12288xf32, #tpu.memory_space<hbm>>)
      %parallel_loop3A_93 = arith.constant 0 : i32
      %parallel_loop3A_94 = arith.constant 64 : i32
      %parallel_loop3A_95 = arith.constant 1 : i32
      scf.for %parallel_loop3A_156 = %parallel_loop3A_93 to %parallel_loop3A_94 step %parallel_loop3A_95  : i32 {
        %parallel_loop3A_157 = arith.constant 16 : i32
        %parallel_loop3A_158 = arith.muli %parallel_loop3A_156, %parallel_loop3A_157 : i32
        %parallel_loop3A_159 = arith.constant 5120 : i32
        %parallel_loop3A_160 = arith.addi %parallel_loop3A_159, %parallel_loop3A_158 : i32
        %parallel_loop3A_161 = arith.index_cast %parallel_loop3A_160 : i32 to index
        %parallel_loop3A_162 = tpu.vector_load %arg6[%parallel_loop3A_161] {strides = array<i32>} : memref<8192xi32, #tpu.memory_space<vmem>>, vector<16xi32>,
        %parallel_loop3A_163 = arith.constant 0 : i32
        %parallel_loop3A_164 = tpu.memref_slice %arg5[%parallel_loop3A_163] : memref<12288xf32, #tpu.memory_space<vmem>> -> memref<1024xf32, #tpu.memory_space<vmem>>
        %parallel_loop3A_165 = tpu.vector_load_idx %parallel_loop3A_164[%parallel_loop3A_162] : memref<1024xf32, #tpu.memory_space<vmem>>[vector<16xi32>], vector<16xf32>,
        %parallel_loop3A_166 = arith.constant 16 : i32
        %parallel_loop3A_167 = arith.muli %parallel_loop3A_156, %parallel_loop3A_166 : i32
        %parallel_loop3A_168 = arith.constant 12288 : i32
        %parallel_loop3A_169 = arith.addi %parallel_loop3A_168, %parallel_loop3A_167 : i32
        %parallel_loop3A_170 = arith.index_cast %parallel_loop3A_169 : i32 to index
        %parallel_loop3A_171 = tpu.vector_load %arg7[%parallel_loop3A_170] {strides = array<i32>} : memref<24576xf32, #tpu.memory_space<vmem>>, vector<16xf32>,
        tpu.vector_store %arg7[%parallel_loop3A_170], %parallel_loop3A_165 {strides = array<i32>} : memref<24576xf32, #tpu.memory_space<vmem>>, vector<16xf32>,
        %parallel_loop3A_172 = arith.constant 1024 : i32
        %parallel_loop3A_173 = tpu.memref_slice %arg5[%parallel_loop3A_172] : memref<12288xf32, #tpu.memory_space<vmem>> -> memref<1024xf32, #tpu.memory_space<vmem>>
        %parallel_loop3A_174 = tpu.vector_load_idx %parallel_loop3A_173[%parallel_loop3A_162] : memref<1024xf32, #tpu.memory_space<vmem>>[vector<16xi32>], vector<16xf32>,
        %parallel_loop3A_175 = arith.constant 16 : i32
        %parallel_loop3A_176 = arith.muli %parallel_loop3A_156, %parallel_loop3A_175 : i32
        %parallel_loop3A_177 = arith.constant 13312 : i32
        %parallel_loop3A_178 = arith.addi %parallel_loop3A_177, %parallel_loop3A_176 : i32
        %parallel_loop3A_179 = arith.index_cast %parallel_loop3A_178 : i32 to index
        %parallel_loop3A_180 = tpu.vector_load %arg7[%parallel_loop3A_179] {strides = array<i32>} : memref<24576xf32, #tpu.memory_space<vmem>>, vector<16xf32>,
        tpu.vector_store %arg7[%parallel_loop3A_179], %parallel_loop3A_174 {strides = array<i32>} : memref<24576xf32, #tpu.memory_space<vmem>>, vector<16xf32>,
        %parallel_loop3A_181 = arith.constant 2048 : i32
        %parallel_loop3A_182 = tpu.memref_slice %arg5[%parallel_loop3A_181] : memref<12288xf32, #tpu.memory_space<vmem>> -> memref<1024xf32, #tpu.memory_space<vmem>>
        %parallel_loop3A_183 = tpu.vector_load_idx %parallel_loop3A_182[%parallel_loop3A_162] : memref<1024xf32, #tpu.memory_space<vmem>>[vector<16xi32>], vector<16xf32>,
        %parallel_loop3A_184 = arith.constant 16 : i32
        %parallel_loop3A_185 = arith.muli %parallel_loop3A_156, %parallel_loop3A_184 : i32
        %parallel_loop3A_186 = arith.constant 14336 : i32
        %parallel_loop3A_187 = arith.addi %parallel_loop3A_186, %parallel_loop3A_185 : i32
        %parallel_loop3A_188 = arith.index_cast %parallel_loop3A_187 : i32 to index
        %parallel_loop3A_189 = tpu.vector_load %arg7[%parallel_loop3A_188] {strides = array<i32>} : memref<24576xf32, #tpu.memory_space<vmem>>, vector<16xf32>,
        tpu.vector_store %arg7[%parallel_loop3A_188], %parallel_loop3A_183 {strides = array<i32>} : memref<24576xf32, #tpu.memory_space<vmem>>, vector<16xf32>,
        %parallel_loop3A_190 = arith.constant 3072 : i32
        %parallel_loop3A_191 = tpu.memref_slice %arg5[%parallel_loop3A_190] : memref<12288xf32, #tpu.memory_space<vmem>> -> memref<1024xf32, #tpu.memory_space<vmem>>
        %parallel_loop3A_192 = tpu.vector_load_idx %parallel_loop3A_191[%parallel_loop3A_162] : memref<1024xf32, #tpu.memory_space<vmem>>[vector<16xi32>], vector<16xf32>,
        %parallel_loop3A_193 = arith.constant 16 : i32
        %parallel_loop3A_194 = arith.muli %parallel_loop3A_156, %parallel_loop3A_193 : i32
        %parallel_loop3A_195 = arith.constant 15360 : i32
        %parallel_loop3A_196 = arith.addi %parallel_loop3A_195, %parallel_loop3A_194 : i32
        %parallel_loop3A_197 = arith.index_cast %parallel_loop3A_196 : i32 to index
        %parallel_loop3A_198 = tpu.vector_load %arg7[%parallel_loop3A_197] {strides = array<i32>} : memref<24576xf32, #tpu.memory_space<vmem>>, vector<16xf32>,
        tpu.vector_store %arg7[%parallel_loop3A_197], %parallel_loop3A_192 {strides = array<i32>} : memref<24576xf32, #tpu.memory_space<vmem>>, vector<16xf32>,
        %parallel_loop3A_199 = arith.constant 4096 : i32
        %parallel_loop3A_200 = tpu.memref_slice %arg5[%parallel_loop3A_199] : memref<12288xf32, #tpu.memory_space<vmem>> -> memref<1024xf32, #tpu.memory_space<vmem>>
        %parallel_loop3A_201 = tpu.vector_load_idx %parallel_loop3A_200[%parallel_loop3A_162] : memref<1024xf32, #tpu.memory_space<vmem>>[vector<16xi32>], vector<16xf32>,
        %parallel_loop3A_202 = arith.constant 16 : i32
        %parallel_loop3A_203 = arith.muli %parallel_loop3A_156, %parallel_loop3A_202 : i32
        %parallel_loop3A_204 = arith.constant 16384 : i32
        %parallel_loop3A_205 = arith.addi %parallel_loop3A_204, %parallel_loop3A_203 : i32
        %parallel_loop3A_206 = arith.index_cast %parallel_loop3A_205 : i32 to index
        %parallel_loop3A_207 = tpu.vector_load %arg7[%parallel_loop3A_206] {strides = array<i32>} : memref<24576xf32, #tpu.memory_space<vmem>>, vector<16xf32>,
        tpu.vector_store %arg7[%parallel_loop3A_206], %parallel_loop3A_201 {strides = array<i32>} : memref<24576xf32, #tpu.memory_space<vmem>>, vector<16xf32>,
        %parallel_loop3A_208 = arith.constant 5120 : i32
        %parallel_loop3A_209 = tpu.memref_slice %arg5[%parallel_loop3A_208] : memref<12288xf32, #tpu.memory_space<vmem>> -> memref<1024xf32, #tpu.memory_space<vmem>>
        %parallel_loop3A_210 = tpu.vector_load_idx %parallel_loop3A_209[%parallel_loop3A_162] : memref<1024xf32, #tpu.memory_space<vmem>>[vector<16xi32>], vector<16xf32>,
        %parallel_loop3A_211 = arith.constant 16 : i32
        %parallel_loop3A_212 = arith.muli %parallel_loop3A_156, %parallel_loop3A_211 : i32
        %parallel_loop3A_213 = arith.constant 17408 : i32
        %parallel_loop3A_214 = arith.addi %parallel_loop3A_213, %parallel_loop3A_212 : i32
        %parallel_loop3A_215 = arith.index_cast %parallel_loop3A_214 : i32 to index
        %parallel_loop3A_216 = tpu.vector_load %arg7[%parallel_loop3A_215] {strides = array<i32>} : memref<24576xf32, #tpu.memory_space<vmem>>, vector<16xf32>,
        tpu.vector_store %arg7[%parallel_loop3A_215], %parallel_loop3A_210 {strides = array<i32>} : memref<24576xf32, #tpu.memory_space<vmem>>, vector<16xf32>,
        %parallel_loop3A_217 = arith.constant 6144 : i32
        %parallel_loop3A_218 = tpu.memref_slice %arg5[%parallel_loop3A_217] : memref<12288xf32, #tpu.memory_space<vmem>> -> memref<1024xf32, #tpu.memory_space<vmem>>
        %parallel_loop3A_219 = tpu.vector_load_idx %parallel_loop3A_218[%parallel_loop3A_162] : memref<1024xf32, #tpu.memory_space<vmem>>[vector<16xi32>], vector<16xf32>,
        %parallel_loop3A_220 = arith.constant 16 : i32
        %parallel_loop3A_221 = arith.muli %parallel_loop3A_156, %parallel_loop3A_220 : i32
        %parallel_loop3A_222 = arith.constant 18432 : i32
        %parallel_loop3A_223 = arith.addi %parallel_loop3A_222, %parallel_loop3A_221 : i32
        %parallel_loop3A_224 = arith.index_cast %parallel_loop3A_223 : i32 to index
        %parallel_loop3A_225 = tpu.vector_load %arg7[%parallel_loop3A_224] {strides = array<i32>} : memref<24576xf32, #tpu.memory_space<vmem>>, vector<16xf32>,
        tpu.vector_store %arg7[%parallel_loop3A_224], %parallel_loop3A_219 {strides = array<i32>} : memref<24576xf32, #tpu.memory_space<vmem>>, vector<16xf32>,
        %parallel_loop3A_226 = arith.constant 7168 : i32
        %parallel_loop3A_227 = tpu.memref_slice %arg5[%parallel_loop3A_226] : memref<12288xf32, #tpu.memory_space<vmem>> -> memref<1024xf32, #tpu.memory_space<vmem>>
        %parallel_loop3A_228 = tpu.vector_load_idx %parallel_loop3A_227[%parallel_loop3A_162] : memref<1024xf32, #tpu.memory_space<vmem>>[vector<16xi32>], vector<16xf32>,
        %parallel_loop3A_229 = arith.constant 16 : i32
        %parallel_loop3A_230 = arith.muli %parallel_loop3A_156, %parallel_loop3A_229 : i32
        %parallel_loop3A_231 = arith.constant 19456 : i32
        %parallel_loop3A_232 = arith.addi %parallel_loop3A_231, %parallel_loop3A_230 : i32
        %parallel_loop3A_233 = arith.index_cast %parallel_loop3A_232 : i32 to index
        %parallel_loop3A_234 = tpu.vector_load %arg7[%parallel_loop3A_233] {strides = array<i32>} : memref<24576xf32, #tpu.memory_space<vmem>>, vector<16xf32>,
        tpu.vector_store %arg7[%parallel_loop3A_233], %parallel_loop3A_228 {strides = array<i32>} : memref<24576xf32, #tpu.memory_space<vmem>>, vector<16xf32>,
        %parallel_loop3A_235 = arith.constant 8192 : i32
        %parallel_loop3A_236 = tpu.memref_slice %arg5[%parallel_loop3A_235] : memref<12288xf32, #tpu.memory_space<vmem>> -> memref<1024xf32, #tpu.memory_space<vmem>>
        %parallel_loop3A_237 = tpu.vector_load_idx %parallel_loop3A_236[%parallel_loop3A_162] : memref<1024xf32, #tpu.memory_space<vmem>>[vector<16xi32>], vector<16xf32>,
        %parallel_loop3A_238 = arith.constant 16 : i32
        %parallel_loop3A_239 = arith.muli %parallel_loop3A_156, %parallel_loop3A_238 : i32
        %parallel_loop3A_240 = arith.constant 20480 : i32
        %parallel_loop3A_241 = arith.addi %parallel_loop3A_240, %parallel_loop3A_239 : i32
        %parallel_loop3A_242 = arith.index_cast %parallel_loop3A_241 : i32 to index
        %parallel_loop3A_243 = tpu.vector_load %arg7[%parallel_loop3A_242] {strides = array<i32>} : memref<24576xf32, #tpu.memory_space<vmem>>, vector<16xf32>,
        tpu.vector_store %arg7[%parallel_loop3A_242], %parallel_loop3A_237 {strides = array<i32>} : memref<24576xf32, #tpu.memory_space<vmem>>, vector<16xf32>,
        %parallel_loop3A_244 = arith.constant 9216 : i32
        %parallel_loop3A_245 = tpu.memref_slice %arg5[%parallel_loop3A_244] : memref<12288xf32, #tpu.memory_space<vmem>> -> memref<1024xf32, #tpu.memory_space<vmem>>
        %parallel_loop3A_246 = tpu.vector_load_idx %parallel_loop3A_245[%parallel_loop3A_162] : memref<1024xf32, #tpu.memory_space<vmem>>[vector<16xi32>], vector<16xf32>,
        %parallel_loop3A_247 = arith.constant 16 : i32
        %parallel_loop3A_248 = arith.muli %parallel_loop3A_156, %parallel_loop3A_247 : i32
        %parallel_loop3A_249 = arith.constant 21504 : i32
        %parallel_loop3A_250 = arith.addi %parallel_loop3A_249, %parallel_loop3A_248 : i32
        %parallel_loop3A_251 = arith.index_cast %parallel_loop3A_250 : i32 to index
        %parallel_loop3A_252 = tpu.vector_load %arg7[%parallel_loop3A_251] {strides = array<i32>} : memref<24576xf32, #tpu.memory_space<vmem>>, vector<16xf32>,
        tpu.vector_store %arg7[%parallel_loop3A_251], %parallel_loop3A_246 {strides = array<i32>} : memref<24576xf32, #tpu.memory_space<vmem>>, vector<16xf32>,
        %parallel_loop3A_253 = arith.constant 10240 : i32
        %parallel_loop3A_254 = tpu.memref_slice %arg5[%parallel_loop3A_253] : memref<12288xf32, #tpu.memory_space<vmem>> -> memref<1024xf32, #tpu.memory_space<vmem>>
        %parallel_loop3A_255 = tpu.vector_load_idx %parallel_loop3A_254[%parallel_loop3A_162] : memref<1024xf32, #tpu.memory_space<vmem>>[vector<16xi32>], vector<16xf32>,
        %parallel_loop3A_256 = arith.constant 16 : i32
        %parallel_loop3A_257 = arith.muli %parallel_loop3A_156, %parallel_loop3A_256 : i32
        %parallel_loop3A_258 = arith.constant 22528 : i32
        %parallel_loop3A_259 = arith.addi %parallel_loop3A_258, %parallel_loop3A_257 : i32
        %parallel_loop3A_260 = arith.index_cast %parallel_loop3A_259 : i32 to index
        %parallel_loop3A_261 = tpu.vector_load %arg7[%parallel_loop3A_260] {strides = array<i32>} : memref<24576xf32, #tpu.memory_space<vmem>>, vector<16xf32>,
        tpu.vector_store %arg7[%parallel_loop3A_260], %parallel_loop3A_255 {strides = array<i32>} : memref<24576xf32, #tpu.memory_space<vmem>>, vector<16xf32>,
        %parallel_loop3A_262 = arith.constant 11264 : i32
        %parallel_loop3A_263 = tpu.memref_slice %arg5[%parallel_loop3A_262] : memref<12288xf32, #tpu.memory_space<vmem>> -> memref<1024xf32, #tpu.memory_space<vmem>>
        %parallel_loop3A_264 = tpu.vector_load_idx %parallel_loop3A_263[%parallel_loop3A_162] : memref<1024xf32, #tpu.memory_space<vmem>>[vector<16xi32>], vector<16xf32>,
        %parallel_loop3A_265 = arith.constant 16 : i32
        %parallel_loop3A_266 = arith.muli %parallel_loop3A_156, %parallel_loop3A_265 : i32
        %parallel_loop3A_267 = arith.constant 23552 : i32
        %parallel_loop3A_268 = arith.addi %parallel_loop3A_267, %parallel_loop3A_266 : i32
        %parallel_loop3A_269 = arith.index_cast %parallel_loop3A_268 : i32 to index
        %parallel_loop3A_270 = tpu.vector_load %arg7[%parallel_loop3A_269] {strides = array<i32>} : memref<24576xf32, #tpu.memory_space<vmem>>, vector<16xf32>,
        tpu.vector_store %arg7[%parallel_loop3A_269], %parallel_loop3A_264 {strides = array<i32>} : memref<24576xf32, #tpu.memory_space<vmem>>, vector<16xf32>,
      } {sc.loop_unroll_factor = 8 : i64, sc.parallel_access}
      %mul3A_96 = arith.constant 1024 : i32
      %mul3A_97 = arith.muli %mul3A_4, %mul3A_96 : i32
      %add3A_98 = arith.constant 1966080 : i32
      %add3A_99 = arith.addi %add3A_98, %mul3A_97 : i32
      %dma_start3A_100 = arith.constant 12288 : i32
      %dma_start3A_101 = tpu.memref_slice %arg7[%dma_start3A_100] : memref<24576xf32, #tpu.memory_space<vmem>> -> memref<12288xf32, #tpu.memory_space<vmem>>
      %dma_start3A_102 = tpu.memref_slice %arg4[%add3A_99] : memref<3145728xf32, #tpu.memory_space<hbm>> -> memref<12288xf32, #tpu.memory_space<hbm>>
      %dma_start3A_103 = tpu.memref_slice %arg4[%add3A_99] : memref<3145728xf32, #tpu.memory_space<hbm>> -> memref<12288xf32, #tpu.memory_space<hbm>>
      %dma_start3A_104 = arith.constant 12288 : i32
      %dma_start3A_105 = tpu.memref_slice %arg7[%dma_start3A_104] : memref<24576xf32, #tpu.memory_space<vmem>> -> memref<12288xf32, #tpu.memory_space<vmem>>
      tpu.enqueue_dma source(%dma_start3A_105 : memref<12288xf32, #tpu.memory_space<vmem>>) target(%dma_start3A_103 : memref<12288xf32, #tpu.memory_space<hbm>>) target_semaphore(%arg9 : memref<!tpu.dma_semaphore, #tpu.memory_space<semaphore_mem>>)
      %dma_wait3A_106 = arith.constant 0 : i32
      %dma_wait3A_107 = tpu.memref_slice %arg7[%dma_wait3A_106] : memref<24576xf32, #tpu.memory_space<vmem>> -> memref<12288xf32, #tpu.memory_space<vmem>>
      %dma_wait3A_108 = tpu.memref_slice %arg4[%add3A_80] : memref<3145728xf32, #tpu.memory_space<hbm>> -> memref<12288xf32, #tpu.memory_space<hbm>>
      %dma_wait3A_109 = tpu.memref_slice %arg4[%add3A_80] : memref<3145728xf32, #tpu.memory_space<hbm>> -> memref<12288xf32, #tpu.memory_space<hbm>>
      %dma_wait3A_110 = arith.constant 0 : i32
      %dma_wait3A_111 = tpu.memref_slice %arg7[%dma_wait3A_110] : memref<24576xf32, #tpu.memory_space<vmem>> -> memref<12288xf32, #tpu.memory_space<vmem>>
      tpu.wait_dma2 semaphore(%arg8 : memref<!tpu.dma_semaphore, #tpu.memory_space<semaphore_mem>>) src(%dma_wait3A_111 : memref<12288xf32, #tpu.memory_space<vmem>>) dst(%dma_wait3A_109 : memref<12288xf32, #tpu.memory_space<hbm>>)
      %parallel_loop3A_112 = arith.constant 0 : i32
      %parallel_loop3A_113 = arith.constant 64 : i32
      %parallel_loop3A_114 = arith.constant 1 : i32
      scf.for %parallel_loop3A_156 = %parallel_loop3A_112 to %parallel_loop3A_113 step %parallel_loop3A_114  : i32 {
        %parallel_loop3A_157 = arith.constant 16 : i32
        %parallel_loop3A_158 = arith.muli %parallel_loop3A_156, %parallel_loop3A_157 : i32
        %parallel_loop3A_159 = arith.constant 6144 : i32
        %parallel_loop3A_160 = arith.addi %parallel_loop3A_159, %parallel_loop3A_158 : i32
        %parallel_loop3A_161 = arith.index_cast %parallel_loop3A_160 : i32 to index
        %parallel_loop3A_162 = tpu.vector_load %arg6[%parallel_loop3A_161] {strides = array<i32>} : memref<8192xi32, #tpu.memory_space<vmem>>, vector<16xi32>,
        %parallel_loop3A_163 = arith.constant 0 : i32
        %parallel_loop3A_164 = tpu.memref_slice %arg5[%parallel_loop3A_163] : memref<12288xf32, #tpu.memory_space<vmem>> -> memref<1024xf32, #tpu.memory_space<vmem>>
        %parallel_loop3A_165 = tpu.vector_load_idx %parallel_loop3A_164[%parallel_loop3A_162] : memref<1024xf32, #tpu.memory_space<vmem>>[vector<16xi32>], vector<16xf32>,
        %parallel_loop3A_166 = arith.constant 16 : i32
        %parallel_loop3A_167 = arith.muli %parallel_loop3A_156, %parallel_loop3A_166 : i32
        %parallel_loop3A_168 = arith.constant 0 : i32
        %parallel_loop3A_169 = arith.addi %parallel_loop3A_168, %parallel_loop3A_167 : i32
        %parallel_loop3A_170 = arith.index_cast %parallel_loop3A_169 : i32 to index
        %parallel_loop3A_171 = tpu.vector_load %arg7[%parallel_loop3A_170] {strides = array<i32>} : memref<24576xf32, #tpu.memory_space<vmem>>, vector<16xf32>,
        tpu.vector_store %arg7[%parallel_loop3A_170], %parallel_loop3A_165 {strides = array<i32>} : memref<24576xf32, #tpu.memory_space<vmem>>, vector<16xf32>,
        %parallel_loop3A_172 = arith.constant 1024 : i32
        %parallel_loop3A_173 = tpu.memref_slice %arg5[%parallel_loop3A_172] : memref<12288xf32, #tpu.memory_space<vmem>> -> memref<1024xf32, #tpu.memory_space<vmem>>
        %parallel_loop3A_174 = tpu.vector_load_idx %parallel_loop3A_173[%parallel_loop3A_162] : memref<1024xf32, #tpu.memory_space<vmem>>[vector<16xi32>], vector<16xf32>,
        %parallel_loop3A_175 = arith.constant 16 : i32
        %parallel_loop3A_176 = arith.muli %parallel_loop3A_156, %parallel_loop3A_175 : i32
        %parallel_loop3A_177 = arith.constant 1024 : i32
        %parallel_loop3A_178 = arith.addi %parallel_loop3A_177, %parallel_loop3A_176 : i32
        %parallel_loop3A_179 = arith.index_cast %parallel_loop3A_178 : i32 to index
        %parallel_loop3A_180 = tpu.vector_load %arg7[%parallel_loop3A_179] {strides = array<i32>} : memref<24576xf32, #tpu.memory_space<vmem>>, vector<16xf32>,
        tpu.vector_store %arg7[%parallel_loop3A_179], %parallel_loop3A_174 {strides = array<i32>} : memref<24576xf32, #tpu.memory_space<vmem>>, vector<16xf32>,
        %parallel_loop3A_181 = arith.constant 2048 : i32
        %parallel_loop3A_182 = tpu.memref_slice %arg5[%parallel_loop3A_181] : memref<12288xf32, #tpu.memory_space<vmem>> -> memref<1024xf32, #tpu.memory_space<vmem>>
        %parallel_loop3A_183 = tpu.vector_load_idx %parallel_loop3A_182[%parallel_loop3A_162] : memref<1024xf32, #tpu.memory_space<vmem>>[vector<16xi32>], vector<16xf32>,
        %parallel_loop3A_184 = arith.constant 16 : i32
        %parallel_loop3A_185 = arith.muli %parallel_loop3A_156, %parallel_loop3A_184 : i32
        %parallel_loop3A_186 = arith.constant 2048 : i32
        %parallel_loop3A_187 = arith.addi %parallel_loop3A_186, %parallel_loop3A_185 : i32
        %parallel_loop3A_188 = arith.index_cast %parallel_loop3A_187 : i32 to index
        %parallel_loop3A_189 = tpu.vector_load %arg7[%parallel_loop3A_188] {strides = array<i32>} : memref<24576xf32, #tpu.memory_space<vmem>>, vector<16xf32>,
        tpu.vector_store %arg7[%parallel_loop3A_188], %parallel_loop3A_183 {strides = array<i32>} : memref<24576xf32, #tpu.memory_space<vmem>>, vector<16xf32>,
        %parallel_loop3A_190 = arith.constant 3072 : i32
        %parallel_loop3A_191 = tpu.memref_slice %arg5[%parallel_loop3A_190] : memref<12288xf32, #tpu.memory_space<vmem>> -> memref<1024xf32, #tpu.memory_space<vmem>>
        %parallel_loop3A_192 = tpu.vector_load_idx %parallel_loop3A_191[%parallel_loop3A_162] : memref<1024xf32, #tpu.memory_space<vmem>>[vector<16xi32>], vector<16xf32>,
        %parallel_loop3A_193 = arith.constant 16 : i32
        %parallel_loop3A_194 = arith.muli %parallel_loop3A_156, %parallel_loop3A_193 : i32
        %parallel_loop3A_195 = arith.constant 3072 : i32
        %parallel_loop3A_196 = arith.addi %parallel_loop3A_195, %parallel_loop3A_194 : i32
        %parallel_loop3A_197 = arith.index_cast %parallel_loop3A_196 : i32 to index
        %parallel_loop3A_198 = tpu.vector_load %arg7[%parallel_loop3A_197] {strides = array<i32>} : memref<24576xf32, #tpu.memory_space<vmem>>, vector<16xf32>,
        tpu.vector_store %arg7[%parallel_loop3A_197], %parallel_loop3A_192 {strides = array<i32>} : memref<24576xf32, #tpu.memory_space<vmem>>, vector<16xf32>,
        %parallel_loop3A_199 = arith.constant 4096 : i32
        %parallel_loop3A_200 = tpu.memref_slice %arg5[%parallel_loop3A_199] : memref<12288xf32, #tpu.memory_space<vmem>> -> memref<1024xf32, #tpu.memory_space<vmem>>
        %parallel_loop3A_201 = tpu.vector_load_idx %parallel_loop3A_200[%parallel_loop3A_162] : memref<1024xf32, #tpu.memory_space<vmem>>[vector<16xi32>], vector<16xf32>,
        %parallel_loop3A_202 = arith.constant 16 : i32
        %parallel_loop3A_203 = arith.muli %parallel_loop3A_156, %parallel_loop3A_202 : i32
        %parallel_loop3A_204 = arith.constant 4096 : i32
        %parallel_loop3A_205 = arith.addi %parallel_loop3A_204, %parallel_loop3A_203 : i32
        %parallel_loop3A_206 = arith.index_cast %parallel_loop3A_205 : i32 to index
        %parallel_loop3A_207 = tpu.vector_load %arg7[%parallel_loop3A_206] {strides = array<i32>} : memref<24576xf32, #tpu.memory_space<vmem>>, vector<16xf32>,
        tpu.vector_store %arg7[%parallel_loop3A_206], %parallel_loop3A_201 {strides = array<i32>} : memref<24576xf32, #tpu.memory_space<vmem>>, vector<16xf32>,
        %parallel_loop3A_208 = arith.constant 5120 : i32
        %parallel_loop3A_209 = tpu.memref_slice %arg5[%parallel_loop3A_208] : memref<12288xf32, #tpu.memory_space<vmem>> -> memref<1024xf32, #tpu.memory_space<vmem>>
        %parallel_loop3A_210 = tpu.vector_load_idx %parallel_loop3A_209[%parallel_loop3A_162] : memref<1024xf32, #tpu.memory_space<vmem>>[vector<16xi32>], vector<16xf32>,
        %parallel_loop3A_211 = arith.constant 16 : i32
        %parallel_loop3A_212 = arith.muli %parallel_loop3A_156, %parallel_loop3A_211 : i32
        %parallel_loop3A_213 = arith.constant 5120 : i32
        %parallel_loop3A_214 = arith.addi %parallel_loop3A_213, %parallel_loop3A_212 : i32
        %parallel_loop3A_215 = arith.index_cast %parallel_loop3A_214 : i32 to index
        %parallel_loop3A_216 = tpu.vector_load %arg7[%parallel_loop3A_215] {strides = array<i32>} : memref<24576xf32, #tpu.memory_space<vmem>>, vector<16xf32>,
        tpu.vector_store %arg7[%parallel_loop3A_215], %parallel_loop3A_210 {strides = array<i32>} : memref<24576xf32, #tpu.memory_space<vmem>>, vector<16xf32>,
        %parallel_loop3A_217 = arith.constant 6144 : i32
        %parallel_loop3A_218 = tpu.memref_slice %arg5[%parallel_loop3A_217] : memref<12288xf32, #tpu.memory_space<vmem>> -> memref<1024xf32, #tpu.memory_space<vmem>>
        %parallel_loop3A_219 = tpu.vector_load_idx %parallel_loop3A_218[%parallel_loop3A_162] : memref<1024xf32, #tpu.memory_space<vmem>>[vector<16xi32>], vector<16xf32>,
        %parallel_loop3A_220 = arith.constant 16 : i32
        %parallel_loop3A_221 = arith.muli %parallel_loop3A_156, %parallel_loop3A_220 : i32
        %parallel_loop3A_222 = arith.constant 6144 : i32
        %parallel_loop3A_223 = arith.addi %parallel_loop3A_222, %parallel_loop3A_221 : i32
        %parallel_loop3A_224 = arith.index_cast %parallel_loop3A_223 : i32 to index
        %parallel_loop3A_225 = tpu.vector_load %arg7[%parallel_loop3A_224] {strides = array<i32>} : memref<24576xf32, #tpu.memory_space<vmem>>, vector<16xf32>,
        tpu.vector_store %arg7[%parallel_loop3A_224], %parallel_loop3A_219 {strides = array<i32>} : memref<24576xf32, #tpu.memory_space<vmem>>, vector<16xf32>,
        %parallel_loop3A_226 = arith.constant 7168 : i32
        %parallel_loop3A_227 = tpu.memref_slice %arg5[%parallel_loop3A_226] : memref<12288xf32, #tpu.memory_space<vmem>> -> memref<1024xf32, #tpu.memory_space<vmem>>
        %parallel_loop3A_228 = tpu.vector_load_idx %parallel_loop3A_227[%parallel_loop3A_162] : memref<1024xf32, #tpu.memory_space<vmem>>[vector<16xi32>], vector<16xf32>,
        %parallel_loop3A_229 = arith.constant 16 : i32
        %parallel_loop3A_230 = arith.muli %parallel_loop3A_156, %parallel_loop3A_229 : i32
        %parallel_loop3A_231 = arith.constant 7168 : i32
        %parallel_loop3A_232 = arith.addi %parallel_loop3A_231, %parallel_loop3A_230 : i32
        %parallel_loop3A_233 = arith.index_cast %parallel_loop3A_232 : i32 to index
        %parallel_loop3A_234 = tpu.vector_load %arg7[%parallel_loop3A_233] {strides = array<i32>} : memref<24576xf32, #tpu.memory_space<vmem>>, vector<16xf32>,
        tpu.vector_store %arg7[%parallel_loop3A_233], %parallel_loop3A_228 {strides = array<i32>} : memref<24576xf32, #tpu.memory_space<vmem>>, vector<16xf32>,
        %parallel_loop3A_235 = arith.constant 8192 : i32
        %parallel_loop3A_236 = tpu.memref_slice %arg5[%parallel_loop3A_235] : memref<12288xf32, #tpu.memory_space<vmem>> -> memref<1024xf32, #tpu.memory_space<vmem>>
        %parallel_loop3A_237 = tpu.vector_load_idx %parallel_loop3A_236[%parallel_loop3A_162] : memref<1024xf32, #tpu.memory_space<vmem>>[vector<16xi32>], vector<16xf32>,
        %parallel_loop3A_238 = arith.constant 16 : i32
        %parallel_loop3A_239 = arith.muli %parallel_loop3A_156, %parallel_loop3A_238 : i32
        %parallel_loop3A_240 = arith.constant 8192 : i32
        %parallel_loop3A_241 = arith.addi %parallel_loop3A_240, %parallel_loop3A_239 : i32
        %parallel_loop3A_242 = arith.index_cast %parallel_loop3A_241 : i32 to index
        %parallel_loop3A_243 = tpu.vector_load %arg7[%parallel_loop3A_242] {strides = array<i32>} : memref<24576xf32, #tpu.memory_space<vmem>>, vector<16xf32>,
        tpu.vector_store %arg7[%parallel_loop3A_242], %parallel_loop3A_237 {strides = array<i32>} : memref<24576xf32, #tpu.memory_space<vmem>>, vector<16xf32>,
        %parallel_loop3A_244 = arith.constant 9216 : i32
        %parallel_loop3A_245 = tpu.memref_slice %arg5[%parallel_loop3A_244] : memref<12288xf32, #tpu.memory_space<vmem>> -> memref<1024xf32, #tpu.memory_space<vmem>>
        %parallel_loop3A_246 = tpu.vector_load_idx %parallel_loop3A_245[%parallel_loop3A_162] : memref<1024xf32, #tpu.memory_space<vmem>>[vector<16xi32>], vector<16xf32>,
        %parallel_loop3A_247 = arith.constant 16 : i32
        %parallel_loop3A_248 = arith.muli %parallel_loop3A_156, %parallel_loop3A_247 : i32
        %parallel_loop3A_249 = arith.constant 9216 : i32
        %parallel_loop3A_250 = arith.addi %parallel_loop3A_249, %parallel_loop3A_248 : i32
        %parallel_loop3A_251 = arith.index_cast %parallel_loop3A_250 : i32 to index
        %parallel_loop3A_252 = tpu.vector_load %arg7[%parallel_loop3A_251] {strides = array<i32>} : memref<24576xf32, #tpu.memory_space<vmem>>, vector<16xf32>,
        tpu.vector_store %arg7[%parallel_loop3A_251], %parallel_loop3A_246 {strides = array<i32>} : memref<24576xf32, #tpu.memory_space<vmem>>, vector<16xf32>,
        %parallel_loop3A_253 = arith.constant 10240 : i32
        %parallel_loop3A_254 = tpu.memref_slice %arg5[%parallel_loop3A_253] : memref<12288xf32, #tpu.memory_space<vmem>> -> memref<1024xf32, #tpu.memory_space<vmem>>
        %parallel_loop3A_255 = tpu.vector_load_idx %parallel_loop3A_254[%parallel_loop3A_162] : memref<1024xf32, #tpu.memory_space<vmem>>[vector<16xi32>], vector<16xf32>,
        %parallel_loop3A_256 = arith.constant 16 : i32
        %parallel_loop3A_257 = arith.muli %parallel_loop3A_156, %parallel_loop3A_256 : i32
        %parallel_loop3A_258 = arith.constant 10240 : i32
        %parallel_loop3A_259 = arith.addi %parallel_loop3A_258, %parallel_loop3A_257 : i32
        %parallel_loop3A_260 = arith.index_cast %parallel_loop3A_259 : i32 to index
        %parallel_loop3A_261 = tpu.vector_load %arg7[%parallel_loop3A_260] {strides = array<i32>} : memref<24576xf32, #tpu.memory_space<vmem>>, vector<16xf32>,
        tpu.vector_store %arg7[%parallel_loop3A_260], %parallel_loop3A_255 {strides = array<i32>} : memref<24576xf32, #tpu.memory_space<vmem>>, vector<16xf32>,
        %parallel_loop3A_262 = arith.constant 11264 : i32
        %parallel_loop3A_263 = tpu.memref_slice %arg5[%parallel_loop3A_262] : memref<12288xf32, #tpu.memory_space<vmem>> -> memref<1024xf32, #tpu.memory_space<vmem>>
        %parallel_loop3A_264 = tpu.vector_load_idx %parallel_loop3A_263[%parallel_loop3A_162] : memref<1024xf32, #tpu.memory_space<vmem>>[vector<16xi32>], vector<16xf32>,
        %parallel_loop3A_265 = arith.constant 16 : i32
        %parallel_loop3A_266 = arith.muli %parallel_loop3A_156, %parallel_loop3A_265 : i32
        %parallel_loop3A_267 = arith.constant 11264 : i32
        %parallel_loop3A_268 = arith.addi %parallel_loop3A_267, %parallel_loop3A_266 : i32
        %parallel_loop3A_269 = arith.index_cast %parallel_loop3A_268 : i32 to index
        %parallel_loop3A_270 = tpu.vector_load %arg7[%parallel_loop3A_269] {strides = array<i32>} : memref<24576xf32, #tpu.memory_space<vmem>>, vector<16xf32>,
        tpu.vector_store %arg7[%parallel_loop3A_269], %parallel_loop3A_264 {strides = array<i32>} : memref<24576xf32, #tpu.memory_space<vmem>>, vector<16xf32>,
      } {sc.loop_unroll_factor = 8 : i64, sc.parallel_access}
      %mul3A_115 = arith.constant 1024 : i32
      %mul3A_116 = arith.muli %mul3A_4, %mul3A_115 : i32
      %add3A_117 = arith.constant 2359296 : i32
      %add3A_118 = arith.addi %add3A_117, %mul3A_116 : i32
      %dma_start3A_119 = arith.constant 0 : i32
      %dma_start3A_120 = tpu.memref_slice %arg7[%dma_start3A_119] : memref<24576xf32, #tpu.memory_space<vmem>> -> memref<12288xf32, #tpu.memory_space<vmem>>
      %dma_start3A_121 = tpu.memref_slice %arg4[%add3A_118] : memref<3145728xf32, #tpu.memory_space<hbm>> -> memref<12288xf32, #tpu.memory_space<hbm>>
      %dma_start3A_122 = tpu.memref_slice %arg4[%add3A_118] : memref<3145728xf32, #tpu.memory_space<hbm>> -> memref<12288xf32, #tpu.memory_space<hbm>>
      %dma_start3A_123 = arith.constant 0 : i32
      %dma_start3A_124 = tpu.memref_slice %arg7[%dma_start3A_123] : memref<24576xf32, #tpu.memory_space<vmem>> -> memref<12288xf32, #tpu.memory_space<vmem>>
      tpu.enqueue_dma source(%dma_start3A_124 : memref<12288xf32, #tpu.memory_space<vmem>>) target(%dma_start3A_122 : memref<12288xf32, #tpu.memory_space<hbm>>) target_semaphore(%arg8 : memref<!tpu.dma_semaphore, #tpu.memory_space<semaphore_mem>>)
      %dma_wait3A_125 = arith.constant 12288 : i32
      %dma_wait3A_126 = tpu.memref_slice %arg7[%dma_wait3A_125] : memref<24576xf32, #tpu.memory_space<vmem>> -> memref<12288xf32, #tpu.memory_space<vmem>>
      %dma_wait3A_127 = tpu.memref_slice %arg4[%add3A_99] : memref<3145728xf32, #tpu.memory_space<hbm>> -> memref<12288xf32, #tpu.memory_space<hbm>>
      %dma_wait3A_128 = tpu.memref_slice %arg4[%add3A_99] : memref<3145728xf32, #tpu.memory_space<hbm>> -> memref<12288xf32, #tpu.memory_space<hbm>>
      %dma_wait3A_129 = arith.constant 12288 : i32
      %dma_wait3A_130 = tpu.memref_slice %arg7[%dma_wait3A_129] : memref<24576xf32, #tpu.memory_space<vmem>> -> memref<12288xf32, #tpu.memory_space<vmem>>
      tpu.wait_dma2 semaphore(%arg9 : memref<!tpu.dma_semaphore, #tpu.memory_space<semaphore_mem>>) src(%dma_wait3A_130 : memref<12288xf32, #tpu.memory_space<vmem>>) dst(%dma_wait3A_128 : memref<12288xf32, #tpu.memory_space<hbm>>)
      %parallel_loop3A_131 = arith.constant 0 : i32
      %parallel_loop3A_132 = arith.constant 64 : i32
      %parallel_loop3A_133 = arith.constant 1 : i32
      scf.for %parallel_loop3A_156 = %parallel_loop3A_131 to %parallel_loop3A_132 step %parallel_loop3A_133  : i32 {
        %parallel_loop3A_157 = arith.constant 16 : i32
        %parallel_loop3A_158 = arith.muli %parallel_loop3A_156, %parallel_loop3A_157 : i32
        %parallel_loop3A_159 = arith.constant 7168 : i32
        %parallel_loop3A_160 = arith.addi %parallel_loop3A_159, %parallel_loop3A_158 : i32
        %parallel_loop3A_161 = arith.index_cast %parallel_loop3A_160 : i32 to index
        %parallel_loop3A_162 = tpu.vector_load %arg6[%parallel_loop3A_161] {strides = array<i32>} : memref<8192xi32, #tpu.memory_space<vmem>>, vector<16xi32>,
        %parallel_loop3A_163 = arith.constant 0 : i32
        %parallel_loop3A_164 = tpu.memref_slice %arg5[%parallel_loop3A_163] : memref<12288xf32, #tpu.memory_space<vmem>> -> memref<1024xf32, #tpu.memory_space<vmem>>
        %parallel_loop3A_165 = tpu.vector_load_idx %parallel_loop3A_164[%parallel_loop3A_162] : memref<1024xf32, #tpu.memory_space<vmem>>[vector<16xi32>], vector<16xf32>,
        %parallel_loop3A_166 = arith.constant 16 : i32
        %parallel_loop3A_167 = arith.muli %parallel_loop3A_156, %parallel_loop3A_166 : i32
        %parallel_loop3A_168 = arith.constant 12288 : i32
        %parallel_loop3A_169 = arith.addi %parallel_loop3A_168, %parallel_loop3A_167 : i32
        %parallel_loop3A_170 = arith.index_cast %parallel_loop3A_169 : i32 to index
        %parallel_loop3A_171 = tpu.vector_load %arg7[%parallel_loop3A_170] {strides = array<i32>} : memref<24576xf32, #tpu.memory_space<vmem>>, vector<16xf32>,
        tpu.vector_store %arg7[%parallel_loop3A_170], %parallel_loop3A_165 {strides = array<i32>} : memref<24576xf32, #tpu.memory_space<vmem>>, vector<16xf32>,
        %parallel_loop3A_172 = arith.constant 1024 : i32
        %parallel_loop3A_173 = tpu.memref_slice %arg5[%parallel_loop3A_172] : memref<12288xf32, #tpu.memory_space<vmem>> -> memref<1024xf32, #tpu.memory_space<vmem>>
        %parallel_loop3A_174 = tpu.vector_load_idx %parallel_loop3A_173[%parallel_loop3A_162] : memref<1024xf32, #tpu.memory_space<vmem>>[vector<16xi32>], vector<16xf32>,
        %parallel_loop3A_175 = arith.constant 16 : i32
        %parallel_loop3A_176 = arith.muli %parallel_loop3A_156, %parallel_loop3A_175 : i32
        %parallel_loop3A_177 = arith.constant 13312 : i32
        %parallel_loop3A_178 = arith.addi %parallel_loop3A_177, %parallel_loop3A_176 : i32
        %parallel_loop3A_179 = arith.index_cast %parallel_loop3A_178 : i32 to index
        %parallel_loop3A_180 = tpu.vector_load %arg7[%parallel_loop3A_179] {strides = array<i32>} : memref<24576xf32, #tpu.memory_space<vmem>>, vector<16xf32>,
        tpu.vector_store %arg7[%parallel_loop3A_179], %parallel_loop3A_174 {strides = array<i32>} : memref<24576xf32, #tpu.memory_space<vmem>>, vector<16xf32>,
        %parallel_loop3A_181 = arith.constant 2048 : i32
        %parallel_loop3A_182 = tpu.memref_slice %arg5[%parallel_loop3A_181] : memref<12288xf32, #tpu.memory_space<vmem>> -> memref<1024xf32, #tpu.memory_space<vmem>>
        %parallel_loop3A_183 = tpu.vector_load_idx %parallel_loop3A_182[%parallel_loop3A_162] : memref<1024xf32, #tpu.memory_space<vmem>>[vector<16xi32>], vector<16xf32>,
        %parallel_loop3A_184 = arith.constant 16 : i32
        %parallel_loop3A_185 = arith.muli %parallel_loop3A_156, %parallel_loop3A_184 : i32
        %parallel_loop3A_186 = arith.constant 14336 : i32
        %parallel_loop3A_187 = arith.addi %parallel_loop3A_186, %parallel_loop3A_185 : i32
        %parallel_loop3A_188 = arith.index_cast %parallel_loop3A_187 : i32 to index
        %parallel_loop3A_189 = tpu.vector_load %arg7[%parallel_loop3A_188] {strides = array<i32>} : memref<24576xf32, #tpu.memory_space<vmem>>, vector<16xf32>,
        tpu.vector_store %arg7[%parallel_loop3A_188], %parallel_loop3A_183 {strides = array<i32>} : memref<24576xf32, #tpu.memory_space<vmem>>, vector<16xf32>,
        %parallel_loop3A_190 = arith.constant 3072 : i32
        %parallel_loop3A_191 = tpu.memref_slice %arg5[%parallel_loop3A_190] : memref<12288xf32, #tpu.memory_space<vmem>> -> memref<1024xf32, #tpu.memory_space<vmem>>
        %parallel_loop3A_192 = tpu.vector_load_idx %parallel_loop3A_191[%parallel_loop3A_162] : memref<1024xf32, #tpu.memory_space<vmem>>[vector<16xi32>], vector<16xf32>,
        %parallel_loop3A_193 = arith.constant 16 : i32
        %parallel_loop3A_194 = arith.muli %parallel_loop3A_156, %parallel_loop3A_193 : i32
        %parallel_loop3A_195 = arith.constant 15360 : i32
        %parallel_loop3A_196 = arith.addi %parallel_loop3A_195, %parallel_loop3A_194 : i32
        %parallel_loop3A_197 = arith.index_cast %parallel_loop3A_196 : i32 to index
        %parallel_loop3A_198 = tpu.vector_load %arg7[%parallel_loop3A_197] {strides = array<i32>} : memref<24576xf32, #tpu.memory_space<vmem>>, vector<16xf32>,
        tpu.vector_store %arg7[%parallel_loop3A_197], %parallel_loop3A_192 {strides = array<i32>} : memref<24576xf32, #tpu.memory_space<vmem>>, vector<16xf32>,
        %parallel_loop3A_199 = arith.constant 4096 : i32
        %parallel_loop3A_200 = tpu.memref_slice %arg5[%parallel_loop3A_199] : memref<12288xf32, #tpu.memory_space<vmem>> -> memref<1024xf32, #tpu.memory_space<vmem>>
        %parallel_loop3A_201 = tpu.vector_load_idx %parallel_loop3A_200[%parallel_loop3A_162] : memref<1024xf32, #tpu.memory_space<vmem>>[vector<16xi32>], vector<16xf32>,
        %parallel_loop3A_202 = arith.constant 16 : i32
        %parallel_loop3A_203 = arith.muli %parallel_loop3A_156, %parallel_loop3A_202 : i32
        %parallel_loop3A_204 = arith.constant 16384 : i32
        %parallel_loop3A_205 = arith.addi %parallel_loop3A_204, %parallel_loop3A_203 : i32
        %parallel_loop3A_206 = arith.index_cast %parallel_loop3A_205 : i32 to index
        %parallel_loop3A_207 = tpu.vector_load %arg7[%parallel_loop3A_206] {strides = array<i32>} : memref<24576xf32, #tpu.memory_space<vmem>>, vector<16xf32>,
        tpu.vector_store %arg7[%parallel_loop3A_206], %parallel_loop3A_201 {strides = array<i32>} : memref<24576xf32, #tpu.memory_space<vmem>>, vector<16xf32>,
        %parallel_loop3A_208 = arith.constant 5120 : i32
        %parallel_loop3A_209 = tpu.memref_slice %arg5[%parallel_loop3A_208] : memref<12288xf32, #tpu.memory_space<vmem>> -> memref<1024xf32, #tpu.memory_space<vmem>>
        %parallel_loop3A_210 = tpu.vector_load_idx %parallel_loop3A_209[%parallel_loop3A_162] : memref<1024xf32, #tpu.memory_space<vmem>>[vector<16xi32>], vector<16xf32>,
        %parallel_loop3A_211 = arith.constant 16 : i32
        %parallel_loop3A_212 = arith.muli %parallel_loop3A_156, %parallel_loop3A_211 : i32
        %parallel_loop3A_213 = arith.constant 17408 : i32
        %parallel_loop3A_214 = arith.addi %parallel_loop3A_213, %parallel_loop3A_212 : i32
        %parallel_loop3A_215 = arith.index_cast %parallel_loop3A_214 : i32 to index
        %parallel_loop3A_216 = tpu.vector_load %arg7[%parallel_loop3A_215] {strides = array<i32>} : memref<24576xf32, #tpu.memory_space<vmem>>, vector<16xf32>,
        tpu.vector_store %arg7[%parallel_loop3A_215], %parallel_loop3A_210 {strides = array<i32>} : memref<24576xf32, #tpu.memory_space<vmem>>, vector<16xf32>,
        %parallel_loop3A_217 = arith.constant 6144 : i32
        %parallel_loop3A_218 = tpu.memref_slice %arg5[%parallel_loop3A_217] : memref<12288xf32, #tpu.memory_space<vmem>> -> memref<1024xf32, #tpu.memory_space<vmem>>
        %parallel_loop3A_219 = tpu.vector_load_idx %parallel_loop3A_218[%parallel_loop3A_162] : memref<1024xf32, #tpu.memory_space<vmem>>[vector<16xi32>], vector<16xf32>,
        %parallel_loop3A_220 = arith.constant 16 : i32
        %parallel_loop3A_221 = arith.muli %parallel_loop3A_156, %parallel_loop3A_220 : i32
        %parallel_loop3A_222 = arith.constant 18432 : i32
        %parallel_loop3A_223 = arith.addi %parallel_loop3A_222, %parallel_loop3A_221 : i32
        %parallel_loop3A_224 = arith.index_cast %parallel_loop3A_223 : i32 to index
        %parallel_loop3A_225 = tpu.vector_load %arg7[%parallel_loop3A_224] {strides = array<i32>} : memref<24576xf32, #tpu.memory_space<vmem>>, vector<16xf32>,
        tpu.vector_store %arg7[%parallel_loop3A_224], %parallel_loop3A_219 {strides = array<i32>} : memref<24576xf32, #tpu.memory_space<vmem>>, vector<16xf32>,
        %parallel_loop3A_226 = arith.constant 7168 : i32
        %parallel_loop3A_227 = tpu.memref_slice %arg5[%parallel_loop3A_226] : memref<12288xf32, #tpu.memory_space<vmem>> -> memref<1024xf32, #tpu.memory_space<vmem>>
        %parallel_loop3A_228 = tpu.vector_load_idx %parallel_loop3A_227[%parallel_loop3A_162] : memref<1024xf32, #tpu.memory_space<vmem>>[vector<16xi32>], vector<16xf32>,
        %parallel_loop3A_229 = arith.constant 16 : i32
        %parallel_loop3A_230 = arith.muli %parallel_loop3A_156, %parallel_loop3A_229 : i32
        %parallel_loop3A_231 = arith.constant 19456 : i32
        %parallel_loop3A_232 = arith.addi %parallel_loop3A_231, %parallel_loop3A_230 : i32
        %parallel_loop3A_233 = arith.index_cast %parallel_loop3A_232 : i32 to index
        %parallel_loop3A_234 = tpu.vector_load %arg7[%parallel_loop3A_233] {strides = array<i32>} : memref<24576xf32, #tpu.memory_space<vmem>>, vector<16xf32>,
        tpu.vector_store %arg7[%parallel_loop3A_233], %parallel_loop3A_228 {strides = array<i32>} : memref<24576xf32, #tpu.memory_space<vmem>>, vector<16xf32>,
        %parallel_loop3A_235 = arith.constant 8192 : i32
        %parallel_loop3A_236 = tpu.memref_slice %arg5[%parallel_loop3A_235] : memref<12288xf32, #tpu.memory_space<vmem>> -> memref<1024xf32, #tpu.memory_space<vmem>>
        %parallel_loop3A_237 = tpu.vector_load_idx %parallel_loop3A_236[%parallel_loop3A_162] : memref<1024xf32, #tpu.memory_space<vmem>>[vector<16xi32>], vector<16xf32>,
        %parallel_loop3A_238 = arith.constant 16 : i32
        %parallel_loop3A_239 = arith.muli %parallel_loop3A_156, %parallel_loop3A_238 : i32
        %parallel_loop3A_240 = arith.constant 20480 : i32
        %parallel_loop3A_241 = arith.addi %parallel_loop3A_240, %parallel_loop3A_239 : i32
        %parallel_loop3A_242 = arith.index_cast %parallel_loop3A_241 : i32 to index
        %parallel_loop3A_243 = tpu.vector_load %arg7[%parallel_loop3A_242] {strides = array<i32>} : memref<24576xf32, #tpu.memory_space<vmem>>, vector<16xf32>,
        tpu.vector_store %arg7[%parallel_loop3A_242], %parallel_loop3A_237 {strides = array<i32>} : memref<24576xf32, #tpu.memory_space<vmem>>, vector<16xf32>,
        %parallel_loop3A_244 = arith.constant 9216 : i32
        %parallel_loop3A_245 = tpu.memref_slice %arg5[%parallel_loop3A_244] : memref<12288xf32, #tpu.memory_space<vmem>> -> memref<1024xf32, #tpu.memory_space<vmem>>
        %parallel_loop3A_246 = tpu.vector_load_idx %parallel_loop3A_245[%parallel_loop3A_162] : memref<1024xf32, #tpu.memory_space<vmem>>[vector<16xi32>], vector<16xf32>,
        %parallel_loop3A_247 = arith.constant 16 : i32
        %parallel_loop3A_248 = arith.muli %parallel_loop3A_156, %parallel_loop3A_247 : i32
        %parallel_loop3A_249 = arith.constant 21504 : i32
        %parallel_loop3A_250 = arith.addi %parallel_loop3A_249, %parallel_loop3A_248 : i32
        %parallel_loop3A_251 = arith.index_cast %parallel_loop3A_250 : i32 to index
        %parallel_loop3A_252 = tpu.vector_load %arg7[%parallel_loop3A_251] {strides = array<i32>} : memref<24576xf32, #tpu.memory_space<vmem>>, vector<16xf32>,
        tpu.vector_store %arg7[%parallel_loop3A_251], %parallel_loop3A_246 {strides = array<i32>} : memref<24576xf32, #tpu.memory_space<vmem>>, vector<16xf32>,
        %parallel_loop3A_253 = arith.constant 10240 : i32
        %parallel_loop3A_254 = tpu.memref_slice %arg5[%parallel_loop3A_253] : memref<12288xf32, #tpu.memory_space<vmem>> -> memref<1024xf32, #tpu.memory_space<vmem>>
        %parallel_loop3A_255 = tpu.vector_load_idx %parallel_loop3A_254[%parallel_loop3A_162] : memref<1024xf32, #tpu.memory_space<vmem>>[vector<16xi32>], vector<16xf32>,
        %parallel_loop3A_256 = arith.constant 16 : i32
        %parallel_loop3A_257 = arith.muli %parallel_loop3A_156, %parallel_loop3A_256 : i32
        %parallel_loop3A_258 = arith.constant 22528 : i32
        %parallel_loop3A_259 = arith.addi %parallel_loop3A_258, %parallel_loop3A_257 : i32
        %parallel_loop3A_260 = arith.index_cast %parallel_loop3A_259 : i32 to index
        %parallel_loop3A_261 = tpu.vector_load %arg7[%parallel_loop3A_260] {strides = array<i32>} : memref<24576xf32, #tpu.memory_space<vmem>>, vector<16xf32>,
        tpu.vector_store %arg7[%parallel_loop3A_260], %parallel_loop3A_255 {strides = array<i32>} : memref<24576xf32, #tpu.memory_space<vmem>>, vector<16xf32>,
        %parallel_loop3A_262 = arith.constant 11264 : i32
        %parallel_loop3A_263 = tpu.memref_slice %arg5[%parallel_loop3A_262] : memref<12288xf32, #tpu.memory_space<vmem>> -> memref<1024xf32, #tpu.memory_space<vmem>>
        %parallel_loop3A_264 = tpu.vector_load_idx %parallel_loop3A_263[%parallel_loop3A_162] : memref<1024xf32, #tpu.memory_space<vmem>>[vector<16xi32>], vector<16xf32>,
        %parallel_loop3A_265 = arith.constant 16 : i32
        %parallel_loop3A_266 = arith.muli %parallel_loop3A_156, %parallel_loop3A_265 : i32
        %parallel_loop3A_267 = arith.constant 23552 : i32
        %parallel_loop3A_268 = arith.addi %parallel_loop3A_267, %parallel_loop3A_266 : i32
        %parallel_loop3A_269 = arith.index_cast %parallel_loop3A_268 : i32 to index
        %parallel_loop3A_270 = tpu.vector_load %arg7[%parallel_loop3A_269] {strides = array<i32>} : memref<24576xf32, #tpu.memory_space<vmem>>, vector<16xf32>,
        tpu.vector_store %arg7[%parallel_loop3A_269], %parallel_loop3A_264 {strides = array<i32>} : memref<24576xf32, #tpu.memory_space<vmem>>, vector<16xf32>,
      } {sc.loop_unroll_factor = 8 : i64, sc.parallel_access}
      %mul3A_134 = arith.constant 1024 : i32
      %mul3A_135 = arith.muli %mul3A_4, %mul3A_134 : i32
      %add3A_136 = arith.constant 2752512 : i32
      %add3A_137 = arith.addi %add3A_136, %mul3A_135 : i32
      %dma_start3A_138 = arith.constant 12288 : i32
      %dma_start3A_139 = tpu.memref_slice %arg7[%dma_start3A_138] : memref<24576xf32, #tpu.memory_space<vmem>> -> memref<12288xf32, #tpu.memory_space<vmem>>
      %dma_start3A_140 = tpu.memref_slice %arg4[%add3A_137] : memref<3145728xf32, #tpu.memory_space<hbm>> -> memref<12288xf32, #tpu.memory_space<hbm>>
      %dma_start3A_141 = tpu.memref_slice %arg4[%add3A_137] : memref<3145728xf32, #tpu.memory_space<hbm>> -> memref<12288xf32, #tpu.memory_space<hbm>>
      %dma_start3A_142 = arith.constant 12288 : i32
      %dma_start3A_143 = tpu.memref_slice %arg7[%dma_start3A_142] : memref<24576xf32, #tpu.memory_space<vmem>> -> memref<12288xf32, #tpu.memory_space<vmem>>
      tpu.enqueue_dma source(%dma_start3A_143 : memref<12288xf32, #tpu.memory_space<vmem>>) target(%dma_start3A_141 : memref<12288xf32, #tpu.memory_space<hbm>>) target_semaphore(%arg9 : memref<!tpu.dma_semaphore, #tpu.memory_space<semaphore_mem>>)
      %dma_wait3A_144 = arith.constant 0 : i32
      %dma_wait3A_145 = tpu.memref_slice %arg7[%dma_wait3A_144] : memref<24576xf32, #tpu.memory_space<vmem>> -> memref<12288xf32, #tpu.memory_space<vmem>>
      %dma_wait3A_146 = tpu.memref_slice %arg4[%add3A_118] : memref<3145728xf32, #tpu.memory_space<hbm>> -> memref<12288xf32, #tpu.memory_space<hbm>>
      %dma_wait3A_147 = tpu.memref_slice %arg4[%add3A_118] : memref<3145728xf32, #tpu.memory_space<hbm>> -> memref<12288xf32, #tpu.memory_space<hbm>>
      %dma_wait3A_148 = arith.constant 0 : i32
      %dma_wait3A_149 = tpu.memref_slice %arg7[%dma_wait3A_148] : memref<24576xf32, #tpu.memory_space<vmem>> -> memref<12288xf32, #tpu.memory_space<vmem>>
      tpu.wait_dma2 semaphore(%arg8 : memref<!tpu.dma_semaphore, #tpu.memory_space<semaphore_mem>>) src(%dma_wait3A_149 : memref<12288xf32, #tpu.memory_space<vmem>>) dst(%dma_wait3A_147 : memref<12288xf32, #tpu.memory_space<hbm>>)
      %dma_wait3A_150 = arith.constant 12288 : i32
      %dma_wait3A_151 = tpu.memref_slice %arg7[%dma_wait3A_150] : memref<24576xf32, #tpu.memory_space<vmem>> -> memref<12288xf32, #tpu.memory_space<vmem>>
      %dma_wait3A_152 = tpu.memref_slice %arg4[%add3A_137] : memref<3145728xf32, #tpu.memory_space<hbm>> -> memref<12288xf32, #tpu.memory_space<hbm>>
      %dma_wait3A_153 = tpu.memref_slice %arg4[%add3A_137] : memref<3145728xf32, #tpu.memory_space<hbm>> -> memref<12288xf32, #tpu.memory_space<hbm>>
      %dma_wait3A_154 = arith.constant 12288 : i32
      %dma_wait3A_155 = tpu.memref_slice %arg7[%dma_wait3A_154] : memref<24576xf32, #tpu.memory_space<vmem>> -> memref<12288xf32, #tpu.memory_space<vmem>>
      tpu.wait_dma2 semaphore(%arg9 : memref<!tpu.dma_semaphore, #tpu.memory_space<semaphore_mem>>) src(%dma_wait3A_155 : memref<12288xf32, #tpu.memory_space<vmem>>) dst(%dma_wait3A_153 : memref<12288xf32, #tpu.memory_space<hbm>>)
    } else {
    }
    return
  }
}

module attributes {stable_mosaic.version = 14 : i64} {
  func.func @_argmin_body(%arg0: i32, %arg1: memref<1x384x1024xf32, #tpu.memory_space<vmem>>, %arg2: memref<1024x384xf32, #tpu.memory_space<vmem>>, %arg3: memref<1024x1xf32, #tpu.memory_space<vmem>>, %arg4: memref<1x1x1024xf32, #tpu.memory_space<vmem>>, %arg5: memref<1x1x1024xi32, #tpu.memory_space<vmem>>) attributes {dimension_semantics = [#tpu.dimension_semantics<arbitrary>], iteration_bounds = array<i64: 8>, scalar_prefetch = 0 : i64, scratch_operands = 0 : i64, tpu.core_type = #tpu.core_type<tc>, window_params = [{transform_indices = @transform_0, window_bounds = array<i64: 1, 384, 1024>}, {pipeline_mode = #tpu.pipeline_mode<synchronous>, transform_indices = @transform_1, window_bounds = array<i64: 1024, 384>}, {pipeline_mode = #tpu.pipeline_mode<synchronous>, transform_indices = @transform_2, window_bounds = array<i64: 1024, 1>}, {transform_indices = @transform_3, window_bounds = array<i64: 1, 1, 1024>}, {transform_indices = @transform_4, window_bounds = array<i64: 1, 1, 1024>}]} {
    %get3A = arith.constant 0 : index
    %get3A_0 = arith.constant 0 : index
    %get3A_1 = arith.constant 0 : index
    %get3A_2 = vector.load %arg1[%get3A, %get3A_0, %get3A_1] : memref<1x384x1024xf32, #tpu.memory_space<vmem>>, vector<1x384x1024xf32>
    %get3A_3 = vector.shape_cast %get3A_2 : vector<1x384x1024xf32> to vector<384x1024xf32>
    %get3A_4 = arith.constant 0 : index
    %get3A_5 = arith.constant 0 : index
    %get3A_6 = vector.load %arg2[%get3A_4, %get3A_5] : memref<1024x384xf32, #tpu.memory_space<vmem>>, vector<1024x384xf32>
    %dot_general3A = arith.constant dense<0.000000e+00> : vector<1024x1024xf32>
    %dot_general3A_7 = tpu.matmul %get3A_6, %get3A_3, %dot_general3A {dimension_numbers = #tpu.dot_dimension_numbers<[1], [0], [0], [1], [0, 0, 1, 1], [], []>, transpose_lhs_hint = false} : vector<1024x384xf32>, vector<384x1024xf32>, vector<1024x1024xf32> -> vector<1024x1024xf32>
    %get3A_8 = arith.constant 0 : index
    %get3A_9 = arith.constant 0 : index
    %get3A_10 = arith.constant 0 : index
    %get3A_11 = vector.load %arg4[%get3A_8, %get3A_9, %get3A_10] : memref<1x1x1024xf32, #tpu.memory_space<vmem>>, vector<1x1x1024xf32>
    %get3A_12 = vector.shape_cast %get3A_11 : vector<1x1x1024xf32> to vector<1x1024xf32>
    %get3A_13 = arith.constant 0 : index
    %get3A_14 = arith.constant 0 : index
    %get3A_15 = vector.load %arg3[%get3A_13, %get3A_14] : memref<1024x1xf32, #tpu.memory_space<vmem>>, vector<1024x1xf32>
    %add3A = vector.broadcast %get3A_12 : vector<1x1024xf32> to vector<1024x1024xf32>
    %add3A_16 = vector.broadcast %get3A_15 : vector<1024x1xf32> to vector<1024x1024xf32>
    %add3A_17 = arith.addf %add3A, %add3A_16 : vector<1024x1024xf32>
    %mul3A = arith.constant 2.000000e+00 : f32
    %mul3A_18 = vector.broadcast %mul3A : f32 to vector<1024x1024xf32>
    %mul3A_19 = arith.mulf %mul3A_18, %dot_general3A_7 : vector<1024x1024xf32>
    %sub3A = arith.subf %add3A_17, %mul3A_19 : vector<1024x1024xf32>
    %jit3A = arith.constant 0.000000e+00 : f32
    %max3A = vector.broadcast %jit3A : f32 to vector<1024x1024xf32>
    %max3A_20 = arith.maximumf %max3A, %sub3A : vector<1024x1024xf32>
    %sqrt3A = math.sqrt %max3A_20 : vector<1024x1024xf32>
    %reduce_min3A = arith.constant dense<0x7F800000> : vector<1024xf32>
    %reduce_min3A_21 = vector.multi_reduction <minimumf>, %sqrt3A, %reduce_min3A [0] : vector<1024x1024xf32> to vector<1024xf32>
    %broadcast_in_dim3A = vector.shape_cast %reduce_min3A_21 : vector<1024xf32> to vector<1x1024xf32>
    %iota3A = tpu.iota {dimensions = array<i32: 0>} : vector<1024x1024xi32>
    %eq3A = vector.broadcast %broadcast_in_dim3A : vector<1x1024xf32> to vector<1024x1024xf32>
    %eq3A_22 = arith.cmpf oeq, %sqrt3A, %eq3A : vector<1024x1024xf32>
    %jit3A_23 = arith.constant 1024 : i32
    %broadcast_in_dim3A_24 = vector.broadcast %jit3A_23 : i32 to vector<1024x1024xi32>
    %select_n3A = arith.select %eq3A_22, %iota3A, %broadcast_in_dim3A_24 : vector<1024x1024xi1>, vector<1024x1024xi32>
    %reduce_min3A_25 = arith.constant dense<2147483647> : vector<1024xi32>
    %reduce_min3A_26 = vector.multi_reduction <minsi>, %select_n3A, %reduce_min3A_25 [0] : vector<1024x1024xi32> to vector<1024xi32>
    %broadcast_in_dim3A_27 = vector.shape_cast %reduce_min3A_26 : vector<1024xi32> to vector<1x1024xi32>
    %swap3A = arith.constant 0 : index
    %swap3A_28 = arith.constant 0 : index
    %swap3A_29 = arith.constant 0 : index
    %swap3A_30 = vector.load %arg5[%swap3A, %swap3A_28, %swap3A_29] : memref<1x1x1024xi32, #tpu.memory_space<vmem>>, vector<1x1x1024xi32>
    %swap3A_31 = vector.shape_cast %swap3A_30 : vector<1x1x1024xi32> to vector<1x1024xi32>
    %swap3A_32 = vector.shape_cast %broadcast_in_dim3A_27 : vector<1x1024xi32> to vector<1x1x1024xi32>
    tpu.vector_store %arg5[%swap3A, %swap3A_28, %swap3A_29], %swap3A_32 {strides = array<i32>} : memref<1x1x1024xi32, #tpu.memory_space<vmem>>, vector<1x1x1024xi32>,
    return
  }
  func.func @transform_0(%arg0: i32) -> (i32, i32, i32) {
    %c0_i32 = arith.constant 0 : i32
    %c0_i32_0 = arith.constant 0 : i32
    %c0_i32_1 = arith.constant 0 : i32
    return %arg0, %c0_i32, %c0_i32_0 : i32, i32, i32
  }
  func.func @transform_1(%arg0: i32) -> (i32, i32) {
    %c0_i32 = arith.constant 0 : i32
    %c0_i32_0 = arith.constant 0 : i32
    %c0_i32_1 = arith.constant 0 : i32
    return %c0_i32, %c0_i32_0 : i32, i32
  }
  func.func @transform_2(%arg0: i32) -> (i32, i32) {
    %c0_i32 = arith.constant 0 : i32
    %c0_i32_0 = arith.constant 0 : i32
    %c0_i32_1 = arith.constant 0 : i32
    return %c0_i32, %c0_i32_0 : i32, i32
  }
  func.func @transform_3(%arg0: i32) -> (i32, i32, i32) {
    %c0_i32 = arith.constant 0 : i32
    %c0_i32_0 = arith.constant 0 : i32
    %c0_i32_1 = arith.constant 0 : i32
    return %arg0, %c0_i32, %c0_i32_0 : i32, i32, i32
  }
  func.func @transform_4(%arg0: i32) -> (i32, i32, i32) {
    %c0_i32 = arith.constant 0 : i32
    %c0_i32_0 = arith.constant 0 : i32
    %c0_i32_1 = arith.constant 0 : i32
    return %arg0, %c0_i32, %c0_i32_0 : i32, i32, i32
  }
}

</mosaic_0001>

<sc_bundles>
// kernel: kernel.4.cloned.1.call-start
scs
__scs_entry_jumppad:
0x0: {  	(pc) =	sbr.rel $0x88, $3  }
0x1: {  	(tag) =	ssettag $0x0;
	lr =	simm.s32 $0x1  }
0x2: {  	[smem:$0x3F9F] =	sst lr;
	_ =	strace $0xD0000000  }
0x3: {  	_ = 	snop  }
0x4: {  	_ = 	snop  }
0x5: {  	_ = 	snop  }
0x6: {  	_ = 	snop  }
0x7: {  	_ = 	snop  }
__scs_overlays_trampoline_lowered:
0x8: {  	[smem:$0x3FAE] =	sst s0  }
0x9: {  	[smem:$0x3FAF] =	sst s1  }
0xa: {  	[smem:$0x3FB0] =	sst s2  }
0xb: {  	[smem:$0x3FB1] =	sst s3  }
0xc: {  	[smem:$0x3FB2] =	sst s4  }
0xd: {  	[smem:$0x3FB3] =	sst s5  }
0xe: {  	[smem:$0x3FB4] =	sst s6  }
0xf: {  	[smem:$0x3FB5] =	sst s7  }
0x10: {  	[smem:$0x3FB6] =	sst s8  }
0x11: {  	[smem:$0x3FB7] =	sst s9;
	s0 =	simm.s32 @!p0 $0x0  }
0x12: {  	s1 =	sld [smem:$0x3F9D];
	s0 =	simm.s32 @p0 $0x1  }
0x13: {  	[smem:$0x3FB8] =	sst s0;
	s0 =	simm.s32 @!p1 $0x0  }
0x14: {  	s2 =	sld [smem:$0x3F9C];
	s0 =	simm.s32 @p1 $0x1  }
0x15: {  	[smem:$0x3FB9] =	sst s0;
	s0 =	simm.s32 @!p2 $0x0  }
0x16: {  	s3 =	sld [smem:$0x3FDB];
	s0 =	simm.s32 @p2 $0x1  }
0x17: {  	s4 =	simm.s32 $0x1BF5;
	[smem:$0x3FBB] =	sst s0  }
0x18: {  	s0 =	sld [smem:$0x3F9E];
	_ =	swait.ge [sflag:s4], $0x0  }
0x19: {  	s7 =	sld [smem:$0x3F9F]  }
0x1a: {  	s8 =	sadd.s32 $0xFFFFE003, lr  }
0x1b: {  	s9 =	sadd.s32 $0xFFFFFEF7, lr;
	s5 =	simm.s32 $0xFFFFFFFF;
	p2 =	slt.u32 s8, $0xFFFFF086  }
0x1c: {  	p1 =	slt.u32 s9, $0xF7A;
	s5 =	simm.s32 @!p2 $0x0  }
0x1d: {  	s5 =	simm.s32 @p1 $0x1;
	p0 =	seq.s32 s7, s2  }
0x1e: {  	s7 =	smul.u32 @!p0 $0xF7A, s2;
	p2 =	seq.s32 @!p0 s5, $0x0  }
0x1f: {  	s9 =	smul.u32 $0xF7A, s1;
	s8 =	simm.s32 @!p0 $0x1BF5;
	p2 =	por !p2, p0  }
0x20: {  	[sflag:s8] =	ssyncset.s32 @!p0 $0xFFFFF086;
	s6 =	sadd.s32 @!p0 s3, s7;
	s7 =	simm.s32 @!p0 $0x108  }
0x21: {  	s3 =	sadd.s32 s3, s9;
	s6 =	sadd.s32 @!p0 $0x88, s6;
	s7 =	simm.s32 @p2 $0x1082  }
0x22: {  	[simem:s7], [sflag:s8] =	dma.local @!p0 [hbm:s6], $0xF7A  }
0x23: {  	s9 =	sor.u32 $0xD0000000, s2;
	s6 =	simm.s32 $0x108;
	_ =	swait.ge @!p0 [sflag:s8], $0x0  }
0x24: {  	s3 =	sadd.s32 $0x88, s3;
	s6 =	simm.s32 @!p1 $0x1082;
	[sflag:s4] =	ssyncset.s32 $0xFFFFF086  }
0x25: {  	[simem:s6], [sflag:s4] =	dma.local [hbm:s3], $0xF7A  }
0x26: {  	[smem:$0x3F9F] =	sst s1;
	(tag) =	ssettag s2;
	_ =	strace s9  }
0x27: {  	s1 =	sld [smem:$0x3FAF]  }
0x28: {  	s2 =	sld [smem:$0x3FB0]  }
0x29: {  	s4 =	sld [smem:$0x3FB2]  }
0x2a: {  	p0 =	seq.s32 s5, $0x0;
	s5 =	sld [smem:$0x3FB3]  }
0x2b: {  	s6 =	sld [smem:$0x3FB4]  }
0x2c: {  	s7 =	sld [smem:$0x3FB5]  }
0x2d: {  	s3 =	simm.s32 $0x108;
	s8 =	sld [smem:$0x3FB6]  }
0x2e: {  	s3 =	simm.s32 @!p0 $0x1082;
	s9 =	sld [smem:$0x3FB7]  }
0x2f: {  	lr =	sadd.s32 s0, s3;
	s0 =	sld [smem:$0x3FAE]  }
0x30: {  	s3 =	sld [smem:$0x3FB1]  }
0x31: {  	[smem:$0x3FBA] =	sst s10  }
0x32: {  	s10 =	sld [smem:$0x3FB8];
	_ =	sdelay $0x3  }
0x33: {  	p0 =	seq.s32 s10, $0x1;
	s10 =	sld [smem:$0x3FBA];
	_ =	sdelay $0x3  }
0x34: {  	[smem:$0x3FBA] =	sst s10  }
0x35: {  	s10 =	sld [smem:$0x3FB9];
	_ =	sdelay $0x3  }
0x36: {  	p1 =	seq.s32 s10, $0x1;
	s10 =	sld [smem:$0x3FBA];
	_ =	sdelay $0x3  }
0x37: {  	[smem:$0x3FBA] =	sst s10  }
0x38: {  	s10 =	sld [smem:$0x3FBB]  }
0x39: {  	_ = 	snop;
	(pc) =	sbr.ind lr, $3  }
0x3a: {  	_ = 	snop  }
0x3b: {  	_ = 	snop  }
0x3c: {  	p2 =	seq.s32 s10, $0x1;
	s10 =	sld [smem:$0x3FBA]  }
0x3d: {  	_ =	shalt  }
0x3e: {  	_ =	shalt  }
0x3f: {  	_ =	shalt  }
0x40: {  	_ =	shalt  }
0x41: {  	_ =	shalt  }
0x42: {  	_ =	shalt  }
0x43: {  	_ =	shalt  }
0x44: {  	_ =	shalt  }
0x45: {  	_ =	shalt  }
0x46: {  	_ =	shalt  }
0x47: {  	_ =	shalt  }
0x48: {  	_ =	shalt  }
0x49: {  	_ =	shalt  }
0x4a: {  	_ =	shalt  }
0x4b: {  	_ =	shalt  }
0x4c: {  	_ =	shalt  }
0x4d: {  	_ =	shalt  }
0x4e: {  	_ =	shalt  }
0x4f: {  	_ =	shalt  }
0x50: {  	_ =	shalt  }
0x51: {  	_ =	shalt  }
0x52: {  	_ =	shalt  }
0x53: {  	_ =	shalt  }
0x54: {  	_ =	shalt  }
0x55: {  	_ =	shalt  }
0x56: {  	_ =	shalt  }
0x57: {  	_ =	shalt  }
0x58: {  	_ =	shalt  }
0x59: {  	_ =	shalt  }
0x5a: {  	_ =	shalt  }
0x5b: {  	_ =	shalt  }
0x5c: {  	_ =	shalt  }
0x5d: {  	_ =	shalt  }
0x5e: {  	_ =	shalt  }
0x5f: {  	_ =	shalt  }
0x60: {  	_ =	shalt  }
0x61: {  	_ =	shalt  }
0x62: {  	_ =	shalt  }
0x63: {  	_ =	shalt  }
0x64: {  	_ =	shalt  }
0x65: {  	_ =	shalt  }
0x66: {  	_ =	shalt  }
0x67: {  	_ =	shalt  }
0x68: {  	_ =	shalt  }
0x69: {  	_ =	shalt  }
0x6a: {  	_ =	shalt  }
0x6b: {  	_ =	shalt  }
0x6c: {  	_ =	shalt  }
0x6d: {  	_ =	shalt  }
0x6e: {  	_ =	shalt  }
0x6f: {  	_ =	shalt  }
0x70: {  	_ =	shalt  }
0x71: {  	_ =	shalt  }
0x72: {  	_ =	shalt  }
0x73: {  	_ =	shalt  }
0x74: {  	_ =	shalt  }
0x75: {  	_ =	shalt  }
0x76: {  	_ =	shalt  }
0x77: {  	_ =	shalt  }
0x78: {  	_ =	shalt  }
0x79: {  	_ =	shalt  }
0x7a: {  	_ =	shalt  }
0x7b: {  	_ =	shalt  }
0x7c: {  	_ =	shalt  }
0x7d: {  	_ =	shalt  }
0x7e: {  	_ =	shalt  }
0x7f: {  	_ =	shalt  }
0x80: {  	_ =	shalt  }
0x81: {  	_ =	shalt  }
0x82: {  	_ =	shalt  }
0x83: {  	_ =	shalt  }
0x84: {  	_ =	shalt  }
0x85: {  	_ =	shalt  }
0x86: {  	_ =	shalt  }
0x87: {  	_ =	shalt  }
.Lfunc_end0:
.L_simem_size_0:
called_computation_lowered:
.L_overlay_start_0:
0x88: {  	s2 =	sld [smem:$0x3FD9]  }
0x89: {  	s3 =	sld [smem:$0x3FFE];
	_ =	sdelay $0x1  }
0x8a: {  	s1 =	srdreg.scid  }
0x8b: {  	s0 =	sand.u32 $0x1, s1  }
0x8c: {  	s14 =	sshll.u32 s0, $0xA;
	s2 =	sadd.s32 s3, s2  }
0x8d: {  	s2 =	sadd.s32 s2, s14  }
0x8e: {  	[smem:$0x3FC6] =	sst s2  }
0x8f: {  	_ = 	snop  }
0x90: {  	s2 =	sld [smem:$0x3FD0];
	_ =	sdelay $0x2  }
0x91: {  	s15 =	simm.s32 $0xA;
	s4 =	simm.s32 $0x10  }
0x92: {  	[smem:s4], [sflag:s15] =	dma.local [hbm:s2], $0x1  }
0x93: {  	_ =	swait.eq [sflag:s15], $0x1  }
0x94: {  	[sflag:s15] =	ssyncset.done $0x0  }
0x95: {  	[sflag:s15] =	ssyncadd.s32 $0xFFFFFFFF  }
0x96: {  	s16 =	sld [smem:$0x10];
	(tm) =	ssettm $0x1  }
0x97: {  	s17 =	sld [smem:$0x3FFB];
	_ =	sdelay $0x3  }
0x98: {  	_ =	strace s17  }
0x99: {  	s3 =	sld [smem:$0x3FFC];
	_ =	sdelay $0x3  }
0x9a: {  	_ =	strace s3  }
0x9b: {  	s3 =	sld [smem:$0x3FFD];
	_ =	sdelay $0x3  }
0x9c: {  	_ =	strace s3  }
0x9d: {  	_ =	strace $0x8FFFFFFF  }
0x9e: {  	s18 =	sld [smem:$0x3FDB];
	_ =	sdelay $0x1  }
0x9f: {  	s19 =	simm.s32 $_scs_section_size  }
0xa0: {  	s5 =	simm.s32 $_size__tile_overlayer_lowered;
	s6 =	simm.s32 $_tile_overlayer_lowered  }
0xa1: {  	s22 =	simm.s32 $0x1BFF;
	s21 =	sshll.u32 s6, $0x1;
	s3 =	sadd.s32 s19, s18  }
0xa2: {  	s7 =	simm.s32 $0x0;
	s20 =	sshll.u32 s5, $0x1;
	s5 =	sadd.s32 s21, s3  }
0xa3: {  	[timem:s7], [sflag:s22] =	dma.local [hbm:s5], s20  }
0xa4: {  	_ =	swait.ge [sflag:s22], s20  }
0xa5: {  	s4 =	ssub.s32 $0x0, s20;
	[sflag:s22] =	ssyncset.done $0x0  }
0xa6: {  	[sflag:s22] =	ssyncadd.s32 s4;
	_ =	sdelay $0x1  }
0xa7: {  	s23 =	simm.s32 $0x1B8B  }
0xa8: {  	_ =	swait.ge [sflag:s23], $0x1  }
0xa9: {  	[sflag:s23] =	ssyncset.done $0x0  }
0xaa: {  	s25 =	simm.s32 $0x1B8E;
	s24 =	sld [smem:$0x3FFE];
	[sflag:s23] =	ssyncadd.s32 $0xFFFFFFFF  }
0xab: {  	s26 =	simm.s32 $execute0_lowered;
	[smem:$0x3FD2] =	sst s25  }
0xac: {  	s5 =	sshll.u32 s26, $0x1;
	_ =	strace $0x80000046;
	[dreg:$0x1] =	wrdreg $0xFFFFFFFF  }
0xad: {  	s28 =	simm.s32 $_size_execute0_lowered;
	s3 =	sadd.s32 s3, s5;
	[dreg:$0x0] =	wrdreg $0x0  }
0xae: {  	s5 =	sshll.u32 s28, $0x1;
	[dreg:$0x2] =	wrdreg s3  }
0xaf: {  	[dreg:$0x3] =	wrdreg s5  }
0xb0: {  	[dreg:$0x4] =	wrdreg $0xC0  }
0xb1: {  	_ =	task [dreg:s7], $0x5FFFF  }
0xb2: {  	[dreg:$0x1] =	wrdreg $0xFFFFFFFF  }
0xb3: {  	[dreg:$0x0] =	wrdreg $0x60  }
0xb4: {  	[dreg:$0x2] =	wrdreg s24  }
0xb5: {  	[dreg:$0x3] =	wrdreg s16  }
0xb6: {  	[dreg:$0x4] =	wrdreg $0x9  }
0xb7: {  	_ =	task.clear_ibuf [dreg:s7], $0x5FFFF;
	_ =	strace $0x90000046  }
0xb8: {  	s29 =	simm.s32 $0x9;
	_ =	strace $0x80000048  }
0xb9: {  	_ =	swait.ge [sflag:s29], $0x1  }
0xba: {  	[sflag:s29] =	ssyncadd.s32 $0xFFFFFFFF  }
0xbb: {  	_ =	strace $0x90000048  }
0xbc: {  	_ =	sfence  }
0xbd: {  	s30 =	sld [smem:$0x0];
	_ =	sdelay $0x2  }
0xbe: {  	s31 =	sshll.u32 s1, $0xD;
	s1 =	sshrl.u32 s1, $0x2  }
0xbf: {  	s3 =	sand.u32 $0x4000, s31;
	s1 =	sadd.s32 s1, s30  }
0xc0: {  	s0 =	sor.u32 s3, s0;
	s1 =	sshll.u32 s1, $0x11  }
0xc1: {  	s0 =	sor.u32 s1, s0  }
0xc2: {  	s0 =	sadd.s32 $0x8F2B, s0  }
0xc3: {  	[sflag:s0] =	ssyncadd.remote.s32 $0x1  }
0xc4: {  	_ =	sfence.sel $0xFFFF  }
0xc5: {  	[dreg:$0x0] =	wrdreg $0xFFFFFFFF;
	(pc) =	sbr.abs _section_cstart, $3  }
0xc6: {  	[dreg:$0x1] =	wrdreg $0xFFFFFFFF  }
0xc7: {  	_ =	task.clear_ibuf [dreg:s7], $0x2FFFF;
	_ =	strace $0x9FFFFFFF  }
0xc8: {  	(tm) =	ssettm $0x7FFFFFFF  }
0xc9: {  	_ =	shalt  }
tec
execute0_lowered:
.L_overlay_start_1:
0x0: {  	(tag) =	ssettag $0x1  }
0x1: {  	s0 =	srdreg.scid  }
0x2: {  	s2 =	stileid.u32;
	s1 =	rddreg [dreg:$0x0]  }
0x3: {  	s3 =	rddreg [dreg:$0x1];
	s14 =	simm.s32 $0x3;
	s16 =	simm.s32 $0x400  }
0x4: {  	s17 =	simm.s32 $0x800;
	s18 =	simm.s32 $0xC00;
	s19 =	simm.s32 $0x1000  }
0x5: {  	s20 =	simm.s32 $0x1400;
	s21 =	simm.s32 $0x1800;
	s22 =	simm.s32 $0x1C00  }
0x6: {  	s23 =	simm.s32 $0x2000;
	s24 =	simm.s32 $0x2400;
	s25 =	simm.s32 $0x2800  }
0x7: {  	s28 =	simm.s32 $0x5000;
	s29 =	simm.s32 $0x8000;
	s30 =	simm.s32 $0x1  }
0x8: {  	s31 =	simm.s32 $0x2;
	s0 =	sand.u32 $0x1, s0;
	s2 =	sshll.u32 s2, $0x1  }
0x9: {  	s26 =	sadd.s32 $0xC000, s1;
	s4 =	sor.u32 s0, s2;
	s2 =	simm.s32 $0x0  }
0xa: {  	s0 =	ssub.s32 $0x2, s0;
	s4 =	smul.u32 $0x3000, s4;
	[smem:$0x7FF] =	sst s2  }
0xb: {  	s5 =	sshrl.u32 s0, $0x1;
	_ =	strace $0x80000047;
	[dreg:$0x3] =	wrdreg s26  }
0xc: {  	s0 =	ssub.s32 s0, s5;
	s26 =	simm.s32 $0x2C00;
	s6 =	sshrl.u32 s4, $0x3  }
0xd: {  	s13 =	smax.u32 s0, $0x1;
	s4 =	sadd.s32 s3, s6;
	s1 =	sadd.s32 s1, s6  }
0xe: {  	[dreg:$0x4] =	wrdreg s1;
	s6 =	sadd.s32 $0xC000, s4;
	s7 =	sadd.s32 $0x18000, s4  }
0xf: {  	s8 =	sadd.s32 $0x24000, s4;
	s9 =	sadd.s32 $0x30000, s4;
	s10 =	sadd.s32 $0x3C000, s4  }
0x10: {  	s11 =	sadd.s32 $0x48000, s4;
	s12 =	sadd.s32 $0x54000, s4;
	s1 =	simm.s32 $0x0  }
.LBB2_1:
0x11: {  	s0 =	rddreg [dreg:$0x4]  }
0x12: {  	[tilespmem:s2], [sflag:$0x3] =	stream.linear.gather [hbm4b:s0+s2], $0x3000, $0x38;
	[tilespmem:$0xB000] =	vst v63  }
0x13: {  	_ =	swait.ge [sflag:s14], $0x3000  }
0x14: {  	[sflag:s14] =	ssyncset.done $0x0  }
0x15: {  	s3 =	simm.s32 $0x3000;
	s5 =	rddreg [dreg:$0x3];
	[sflag:s14] =	ssyncadd.s32 $0xFFFFD000  }
0x16: {  	[tilespmem:s3], [sflag:$0x3] =	stream.linear.gather [hbm4b:s5+s2], $0x2000, $0x38;
	[tilespmem:$0xB000] =	vst v63  }
0x17: {  	_ =	swait.ge [sflag:s14], $0x2000  }
0x18: {  	[sflag:s14] =	ssyncset.done $0x0  }
0x19: {  	s15 =	simm.s32 $0x3040;
	[sflag:s14] =	ssyncadd.s32 $0xFFFFE000  }
0x1a: {  	v7 =	vld [tilespmem:s15+$0x30]  }
0x1b: {  	v5 =	vld [tilespmem:s15+$0xFFFFFFD0]  }
0x1c: {  	v4 =	vld [tilespmem:s15+$0xFFFFFFE0]  }
0x1d: {  	v3 =	vld [tilespmem:s15+$0xFFFFFFF0]  }
0x1e: {  	v2 =	vld [tilespmem:s15+$0x0]  }
0x1f: {  	v1 =	vld [tilespmem:s15+$0x10]  }
0x20: {  	v0 =	vld [tilespmem:s15+$0x20]  }
0x21: {  	v6 =	vld [tilespmem:s15+$0xFFFFFFC0]  }
0x22: {  	v8 =	vld.idx.msk [tilespmem:v7+s2+$0x0], $0xffff  }
0x23: {  	v9 =	vld.idx.msk [tilespmem:v5+s2+$0x0], $0xffff  }
0x24: {  	v10 =	vld.idx.msk [tilespmem:v4+s2+$0x0], $0xffff  }
0x25: {  	v11 =	vld.idx.msk [tilespmem:v3+s2+$0x0], $0xffff  }
0x26: {  	v12 =	vld.idx.msk [tilespmem:v2+s2+$0x0], $0xffff  }
0x27: {  	s0 =	simm.s32 $0x6800;
	v13 =	vld.idx.msk [tilespmem:v1+s2+$0x0], $0xffff  }
0x28: {  	v14 =	vld.idx.msk [tilespmem:v0+s2+$0x0], $0xffff;
	[tilespmem:s0+$0xFFFFE870] =	vst v8  }
0x29: {  	[tilespmem:s0+$0xFFFFE810] =	vst v9;
	v9 =	vld.idx.msk [tilespmem:v6+s2+$0x0], $0xffff  }
0x2a: {  	[tilespmem:s0+$0xFFFFE820] =	vst v10;
	v8 =	vld.idx.msk [tilespmem:v7+s16+$0x0], $0xffff  }
0x2b: {  	[tilespmem:s0+$0xFFFFE830] =	vst v11;
	v10 =	vld.idx.msk [tilespmem:v5+s16+$0x0], $0xffff  }
0x2c: {  	[tilespmem:s0+$0xFFFFE840] =	vst v12;
	v11 =	vld.idx.msk [tilespmem:v4+s16+$0x0], $0xffff  }
0x2d: {  	[tilespmem:s0+$0xFFFFE850] =	vst v13;
	v33 =	vld.idx.msk [tilespmem:v3+s16+$0x0], $0xffff  }
0x2e: {  	[tilespmem:s0+$0xFFFFE860] =	vst v14;
	v34 =	vld.idx.msk [tilespmem:v2+s16+$0x0], $0xffff  }
0x2f: {  	v35 =	vld.idx.msk [tilespmem:v1+s16+$0x0], $0xffff;
	[tilespmem:s0+$0xFFFFE800] =	vst v9  }
0x30: {  	[tilespmem:s0+$0xFFFFEC70] =	vst v8;
	v9 =	vld.idx.msk [tilespmem:v6+s16+$0x0], $0xffff  }
0x31: {  	[tilespmem:s0+$0xFFFFEC10] =	vst v10;
	v10 =	vld.idx.msk [tilespmem:v0+s16+$0x0], $0xffff  }
0x32: {  	[tilespmem:s0+$0xFFFFEC20] =	vst v11;
	v8 =	vld.idx.msk [tilespmem:v7+s17+$0x0], $0xffff  }
0x33: {  	[tilespmem:s0+$0xFFFFEC30] =	vst v33;
	v11 =	vld.idx.msk [tilespmem:v5+s17+$0x0], $0xffff  }
0x34: {  	[tilespmem:s0+$0xFFFFEC40] =	vst v34;
	v36 =	vld.idx.msk [tilespmem:v4+s17+$0x0], $0xffff  }
0x35: {  	[tilespmem:s0+$0xFFFFEC50] =	vst v35;
	v37 =	vld.idx.msk [tilespmem:v3+s17+$0x0], $0xffff  }
0x36: {  	v38 =	vld.idx.msk [tilespmem:v2+s17+$0x0], $0xffff;
	[tilespmem:s0+$0xFFFFEC00] =	vst v9  }
0x37: {  	[tilespmem:s0+$0xFFFFEC60] =	vst v10;
	v10 =	vld.idx.msk [tilespmem:v1+s17+$0x0], $0xffff  }
0x38: {  	[tilespmem:s0+$0xFFFFF070] =	vst v8;
	v9 =	vld.idx.msk [tilespmem:v6+s17+$0x0], $0xffff  }
0x39: {  	[tilespmem:s0+$0xFFFFF010] =	vst v11;
	v11 =	vld.idx.msk [tilespmem:v0+s17+$0x0], $0xffff  }
0x3a: {  	[tilespmem:s0+$0xFFFFF020] =	vst v36;
	v8 =	vld.idx.msk [tilespmem:v7+s18+$0x0], $0xffff  }
0x3b: {  	[tilespmem:s0+$0xFFFFF030] =	vst v37;
	v39 =	vld.idx.msk [tilespmem:v5+s18+$0x0], $0xffff  }
0x3c: {  	[tilespmem:s0+$0xFFFFF040] =	vst v38;
	v40 =	vld.idx.msk [tilespmem:v4+s18+$0x0], $0xffff  }
0x3d: {  	v41 =	vld.idx.msk [tilespmem:v3+s18+$0x0], $0xffff;
	[tilespmem:s0+$0xFFFFF050] =	vst v10  }
0x3e: {  	v10 =	vld.idx.msk [tilespmem:v2+s18+$0x0], $0xffff;
	[tilespmem:s0+$0xFFFFF000] =	vst v9  }
0x3f: {  	[tilespmem:s0+$0xFFFFF060] =	vst v11;
	v11 =	vld.idx.msk [tilespmem:v1+s18+$0x0], $0xffff  }
0x40: {  	[tilespmem:s0+$0xFFFFF470] =	vst v8;
	v9 =	vld.idx.msk [tilespmem:v6+s18+$0x0], $0xffff  }
0x41: {  	[tilespmem:s0+$0xFFFFF410] =	vst v39;
	v42 =	vld.idx.msk [tilespmem:v0+s18+$0x0], $0xffff  }
0x42: {  	[tilespmem:s0+$0xFFFFF420] =	vst v40;
	v8 =	vld.idx.msk [tilespmem:v7+s19+$0x0], $0xffff  }
0x43: {  	[tilespmem:s0+$0xFFFFF430] =	vst v41;
	v43 =	vld.idx.msk [tilespmem:v5+s19+$0x0], $0xffff  }
0x44: {  	v44 =	vld.idx.msk [tilespmem:v4+s19+$0x0], $0xffff;
	[tilespmem:s0+$0xFFFFF440] =	vst v10  }
0x45: {  	v10 =	vld.idx.msk [tilespmem:v3+s19+$0x0], $0xffff;
	[tilespmem:s0+$0xFFFFF450] =	vst v11  }
0x46: {  	v11 =	vld.idx.msk [tilespmem:v2+s19+$0x0], $0xffff;
	[tilespmem:s0+$0xFFFFF400] =	vst v9  }
0x47: {  	[tilespmem:s0+$0xFFFFF460] =	vst v42;
	v45 =	vld.idx.msk [tilespmem:v1+s19+$0x0], $0xffff  }
0x48: {  	[tilespmem:s0+$0xFFFFF870] =	vst v8;
	v9 =	vld.idx.msk [tilespmem:v6+s19+$0x0], $0xffff  }
0x49: {  	[tilespmem:s0+$0xFFFFF810] =	vst v43;
	v46 =	vld.idx.msk [tilespmem:v0+s19+$0x0], $0xffff  }
0x4a: {  	[tilespmem:s0+$0xFFFFF820] =	vst v44;
	v8 =	vld.idx.msk [tilespmem:v7+s20+$0x0], $0xffff  }
0x4b: {  	v47 =	vld.idx.msk [tilespmem:v5+s20+$0x0], $0xffff;
	[tilespmem:s0+$0xFFFFF830] =	vst v10  }
0x4c: {  	v10 =	vld.idx.msk [tilespmem:v4+s20+$0x0], $0xffff;
	[tilespmem:s0+$0xFFFFF840] =	vst v11  }
0x4d: {  	v11 =	vld.idx.msk [tilespmem:v3+s20+$0x0], $0xffff;
	[tilespmem:s0+$0xFFFFF850] =	vst v45  }
0x4e: {  	v48 =	vld.idx.msk [tilespmem:v2+s20+$0x0], $0xffff;
	[tilespmem:s0+$0xFFFFF800] =	vst v9  }
0x4f: {  	[tilespmem:s0+$0xFFFFF860] =	vst v46;
	v49 =	vld.idx.msk [tilespmem:v1+s20+$0x0], $0xffff  }
0x50: {  	[tilespmem:s0+$0xFFFFFC70] =	vst v8;
	v9 =	vld.idx.msk [tilespmem:v6+s20+$0x0], $0xffff  }
0x51: {  	[tilespmem:s0+$0xFFFFFC10] =	vst v47;
	v50 =	vld.idx.msk [tilespmem:v0+s20+$0x0], $0xffff  }
0x52: {  	v8 =	vld.idx.msk [tilespmem:v7+s21+$0x0], $0xffff;
	[tilespmem:s0+$0xFFFFFC20] =	vst v10  }
0x53: {  	v10 =	vld.idx.msk [tilespmem:v5+s21+$0x0], $0xffff;
	[tilespmem:s0+$0xFFFFFC30] =	vst v11  }
0x54: {  	v11 =	vld.idx.msk [tilespmem:v4+s21+$0x0], $0xffff;
	[tilespmem:s0+$0xFFFFFC40] =	vst v48  }
0x55: {  	v51 =	vld.idx.msk [tilespmem:v3+s21+$0x0], $0xffff;
	[tilespmem:s0+$0xFFFFFC50] =	vst v49  }
0x56: {  	v52 =	vld.idx.msk [tilespmem:v2+s21+$0x0], $0xffff;
	[tilespmem:s0+$0xFFFFFC00] =	vst v9  }
0x57: {  	[tilespmem:s0+$0xFFFFFC60] =	vst v50;
	v53 =	vld.idx.msk [tilespmem:v1+s21+$0x0], $0xffff  }
0x58: {  	[tilespmem:s0+$0x70] =	vst v8;
	v9 =	vld.idx.msk [tilespmem:v6+s21+$0x0], $0xffff  }
0x59: {  	[tilespmem:s0+$0x10] =	vst v10;
	v8 =	vld.idx.msk [tilespmem:v7+s22+$0x0], $0xffff  }
0x5a: {  	[tilespmem:s0+$0x20] =	vst v11;
	v11 =	vld.idx.msk [tilespmem:v5+s22+$0x0], $0xffff  }
0x5b: {  	[tilespmem:s0+$0x30] =	vst v51;
	v54 =	vld.idx.msk [tilespmem:v4+s22+$0x0], $0xffff  }
0x5c: {  	[tilespmem:s0+$0x40] =	vst v52;
	v55 =	vld.idx.msk [tilespmem:v3+s22+$0x0], $0xffff  }
0x5d: {  	[tilespmem:s0+$0x50] =	vst v53;
	v56 =	vld.idx.msk [tilespmem:v2+s22+$0x0], $0xffff  }
0x5e: {  	[tilespmem:s0+$0x0] =	vst v9;
	v9 =	vld.idx.msk [tilespmem:v0+s21+$0x0], $0xffff  }
0x5f: {  	[tilespmem:s0+$0x470] =	vst v8;
	v10 =	vld.idx.msk [tilespmem:v6+s22+$0x0], $0xffff  }
0x60: {  	[tilespmem:s0+$0x410] =	vst v11;
	v8 =	vld.idx.msk [tilespmem:v7+s23+$0x0], $0xffff  }
0x61: {  	[tilespmem:s0+$0x420] =	vst v54;
	v57 =	vld.idx.msk [tilespmem:v5+s23+$0x0], $0xffff  }
0x62: {  	[tilespmem:s0+$0x430] =	vst v55;
	v58 =	vld.idx.msk [tilespmem:v4+s23+$0x0], $0xffff  }
0x63: {  	[tilespmem:s0+$0x440] =	vst v56;
	v59 =	vld.idx.msk [tilespmem:v3+s23+$0x0], $0xffff  }
0x64: {  	[tilespmem:s0+$0x60] =	vst v9;
	v9 =	vld.idx.msk [tilespmem:v1+s22+$0x0], $0xffff  }
0x65: {  	[tilespmem:s0+$0x400] =	vst v10;
	v10 =	vld.idx.msk [tilespmem:v0+s22+$0x0], $0xffff  }
0x66: {  	[tilespmem:s0+$0x870] =	vst v8;
	v11 =	vld.idx.msk [tilespmem:v6+s23+$0x0], $0xffff  }
0x67: {  	[tilespmem:s0+$0x810] =	vst v57;
	v8 =	vld.idx.msk [tilespmem:v7+s24+$0x0], $0xffff  }
0x68: {  	[tilespmem:s0+$0x820] =	vst v58;
	v61 =	vld.idx.msk [tilespmem:v5+s24+$0x0], $0xffff  }
0x69: {  	v62 =	vld.idx.msk [tilespmem:v4+s24+$0x0], $0xffff;
	[tilespmem:s0+$0x450] =	vst v9  }
0x6a: {  	v9 =	vld.idx.msk [tilespmem:v2+s23+$0x0], $0xffff;
	[tilespmem:s0+$0x460] =	vst v10  }
0x6b: {  	v10 =	vld.idx.msk [tilespmem:v1+s23+$0x0], $0xffff;
	[tilespmem:s0+$0x800] =	vst v11  }
0x6c: {  	v11 =	vld.idx.msk [tilespmem:v0+s23+$0x0], $0xffff;
	[tilespmem:s0+$0xC70] =	vst v8  }
0x6d: {  	[tilespmem:s0+$0x830] =	vst v59;
	v8 =	vld.idx.msk [tilespmem:v7+s25+$0x0], $0xffff  }
0x6e: {  	v60 =	vld.idx.msk [tilespmem:v6+s24+$0x0], $0xffff;
	[tilespmem:s0+$0xC10] =	vst v61  }
0x6f: {  	v13 =	vld.idx.msk [tilespmem:v5+s25+$0x0], $0xffff;
	[tilespmem:s0+$0x840] =	vst v9  }
0x70: {  	[tilespmem:s0+$0x850] =	vst v10;
	v9 =	vld.idx.msk [tilespmem:v2+s24+$0x0], $0xffff  }
0x71: {  	[tilespmem:s0+$0xC20] =	vst v62;
	v10 =	vld.idx.msk [tilespmem:v1+s24+$0x0], $0xffff  }
0x72: {  	[tilespmem:s0+$0x1070] =	vst v8;
	v8 =	vld.idx.msk [tilespmem:v3+s24+$0x0], $0xffff  }
0x73: {  	[tilespmem:s0+$0x860] =	vst v11;
	v7 =	vld.idx.msk [tilespmem:v7+s26+$0x0], $0xffff  }
0x74: {  	[tilespmem:s0+$0xC00] =	vst v60;
	v11 =	vld.idx.msk [tilespmem:v0+s24+$0x0], $0xffff  }
0x75: {  	v12 =	vld.idx.msk [tilespmem:v6+s25+$0x0], $0xffff;
	[tilespmem:s0+$0xC40] =	vst v9  }
0x76: {  	v9 =	vld.idx.msk [tilespmem:v2+s25+$0x0], $0xffff;
	[tilespmem:s0+$0xC50] =	vst v10  }
0x77: {  	v10 =	vld.idx.msk [tilespmem:v1+s25+$0x0], $0xffff;
	[tilespmem:s0+$0xC30] =	vst v8  }
0x78: {  	[tilespmem:s0+$0x1470] =	vst v7;
	v7 =	vld.idx.msk [tilespmem:v4+s25+$0x0], $0xffff  }
0x79: {  	[tilespmem:s0+$0xC60] =	vst v11;
	v63 =	vld.idx.msk [tilespmem:v3+s25+$0x0], $0xffff  }
0x7a: {  	[tilespmem:s0+$0x1000] =	vst v12;
	v11 =	vld.idx.msk [tilespmem:v0+s25+$0x0], $0xffff  }
0x7b: {  	[tilespmem:s0+$0x1010] =	vst v13;
	v12 =	vld.idx.msk [tilespmem:v6+s26+$0x0], $0xffff  }
0x7c: {  	v6 =	vld.idx.msk [tilespmem:v5+s26+$0x0], $0xffff;
	[tilespmem:s0+$0x1050] =	vst v10  }
0x7d: {  	v5 =	vld.idx.msk [tilespmem:v1+s26+$0x0], $0xffff;
	[tilespmem:s0+$0x1020] =	vst v7  }
0x7e: {  	[tilespmem:s0+$0x1030] =	vst v63;
	v8 =	vld.idx.msk [tilespmem:v4+s26+$0x0], $0xffff  }
0x7f: {  	[tilespmem:s0+$0x1040] =	vst v9;
	v3 =	vld.idx.msk [tilespmem:v3+s26+$0x0], $0xffff  }
0x80: {  	[tilespmem:s0+$0x1060] =	vst v11;
	v4 =	vld.idx.msk [tilespmem:v2+s26+$0x0], $0xffff  }
0x81: {  	s3 =	simm.s32 $0x30C0;
	s15 =	simm.s32 $0x0;
	[tilespmem:s0+$0x1400] =	vst v12;
	v1 =	vld.idx.msk [tilespmem:v0+s26+$0x0], $0xffff  }
.LBB2_2:
0x82: {  	v7 =	vld [tilespmem:s3+$0x30];
	s15 =	sadd.s32 $0x8, s15;
	[tilespmem:s0+$0x1410] =	vst v6  }
0x83: {  	v0 =	vld [tilespmem:s3+$0xFFFFFFD0];
	p0 =	slt.u32 s15, $0x38;
	[tilespmem:s0+$0x1420] =	vst v8  }
0x84: {  	v2 =	vld [tilespmem:s3+$0xFFFFFFE0];
	[tilespmem:s0+$0x1430] =	vst v3  }
0x85: {  	v3 =	vld [tilespmem:s3+$0xFFFFFFF0];
	[tilespmem:s0+$0x1440] =	vst v4  }
0x86: {  	v4 =	vld [tilespmem:s3+$0x0];
	[tilespmem:s0+$0x1450] =	vst v5  }
0x87: {  	v5 =	vld [tilespmem:s3+$0x10];
	[tilespmem:s0+$0x1460] =	vst v1  }
0x88: {  	v1 =	vld [tilespmem:s3+$0x20]  }
0x89: {  	v6 =	vld [tilespmem:s3+$0xFFFFFFC0]  }
0x8a: {  	v8 =	vld.idx.msk [tilespmem:v7+s2+$0x0], $0xffff  }
0x8b: {  	v9 =	vld.idx.msk [tilespmem:v0+s2+$0x0], $0xffff  }
0x8c: {  	v10 =	vld.idx.msk [tilespmem:v2+s2+$0x0], $0xffff  }
0x8d: {  	v11 =	vld.idx.msk [tilespmem:v3+s2+$0x0], $0xffff  }
0x8e: {  	v12 =	vld.idx.msk [tilespmem:v4+s2+$0x0], $0xffff  }
0x8f: {  	s0 =	sadd.s32 $0x80, s0;
	v13 =	vld.idx.msk [tilespmem:v5+s2+$0x0], $0xffff  }
0x90: {  	v14 =	vld.idx.msk [tilespmem:v1+s2+$0x0], $0xffff;
	[tilespmem:s0+$0xFFFFE870] =	vst v8  }
0x91: {  	[tilespmem:s0+$0xFFFFE810] =	vst v9;
	v8 =	vld.idx.msk [tilespmem:v7+s16+$0x0], $0xffff  }
0x92: {  	v9 =	vld.idx.msk [tilespmem:v6+s2+$0x0], $0xffff;
	[tilespmem:s0+$0xFFFFE820] =	vst v10  }
0x93: {  	v10 =	vld.idx.msk [tilespmem:v0+s16+$0x0], $0xffff;
	[tilespmem:s0+$0xFFFFE830] =	vst v11  }
0x94: {  	v11 =	vld.idx.msk [tilespmem:v2+s16+$0x0], $0xffff;
	[tilespmem:s0+$0xFFFFE840] =	vst v12  }
0x95: {  	v12 =	vld.idx.msk [tilespmem:v3+s16+$0x0], $0xffff;
	[tilespmem:s0+$0xFFFFE850] =	vst v13  }
0x96: {  	v13 =	vld.idx.msk [tilespmem:v4+s16+$0x0], $0xffff;
	[tilespmem:s0+$0xFFFFE860] =	vst v14  }
0x97: {  	v14 =	vld.idx.msk [tilespmem:v5+s16+$0x0], $0xffff;
	[tilespmem:s0+$0xFFFFEC70] =	vst v8  }
0x98: {  	[tilespmem:s0+$0xFFFFE800] =	vst v9;
	v8 =	vld.idx.msk [tilespmem:v7+s17+$0x0], $0xffff  }
0x99: {  	v9 =	vld.idx.msk [tilespmem:v6+s16+$0x0], $0xffff;
	[tilespmem:s0+$0xFFFFEC10] =	vst v10  }
0x9a: {  	[tilespmem:s0+$0xFFFFEC20] =	vst v11;
	v10 =	vld.idx.msk [tilespmem:v1+s16+$0x0], $0xffff  }
0x9b: {  	v11 =	vld.idx.msk [tilespmem:v0+s17+$0x0], $0xffff;
	[tilespmem:s0+$0xFFFFEC30] =	vst v12  }
0x9c: {  	v12 =	vld.idx.msk [tilespmem:v2+s17+$0x0], $0xffff;
	[tilespmem:s0+$0xFFFFEC40] =	vst v13  }
0x9d: {  	v13 =	vld.idx.msk [tilespmem:v3+s17+$0x0], $0xffff;
	[tilespmem:s0+$0xFFFFEC50] =	vst v14  }
0x9e: {  	v14 =	vld.idx.msk [tilespmem:v4+s17+$0x0], $0xffff;
	[tilespmem:s0+$0xFFFFF070] =	vst v8  }
0x9f: {  	[tilespmem:s0+$0xFFFFEC00] =	vst v9;
	v8 =	vld.idx.msk [tilespmem:v7+s18+$0x0], $0xffff  }
0xa0: {  	v9 =	vld.idx.msk [tilespmem:v6+s17+$0x0], $0xffff;
	[tilespmem:s0+$0xFFFFEC60] =	vst v10  }
0xa1: {  	[tilespmem:s0+$0xFFFFF010] =	vst v11;
	v10 =	vld.idx.msk [tilespmem:v5+s17+$0x0], $0xffff  }
0xa2: {  	[tilespmem:s0+$0xFFFFF020] =	vst v12;
	v11 =	vld.idx.msk [tilespmem:v1+s17+$0x0], $0xffff  }
0xa3: {  	v12 =	vld.idx.msk [tilespmem:v0+s18+$0x0], $0xffff;
	[tilespmem:s0+$0xFFFFF030] =	vst v13  }
0xa4: {  	v13 =	vld.idx.msk [tilespmem:v2+s18+$0x0], $0xffff;
	[tilespmem:s0+$0xFFFFF040] =	vst v14  }
0xa5: {  	v14 =	vld.idx.msk [tilespmem:v3+s18+$0x0], $0xffff;
	[tilespmem:s0+$0xFFFFF470] =	vst v8  }
0xa6: {  	[tilespmem:s0+$0xFFFFF000] =	vst v9;
	v8 =	vld.idx.msk [tilespmem:v7+s19+$0x0], $0xffff  }
0xa7: {  	v9 =	vld.idx.msk [tilespmem:v6+s18+$0x0], $0xffff;
	[tilespmem:s0+$0xFFFFF050] =	vst v10  }
0xa8: {  	v10 =	vld.idx.msk [tilespmem:v4+s18+$0x0], $0xffff;
	[tilespmem:s0+$0xFFFFF060] =	vst v11  }
0xa9: {  	[tilespmem:s0+$0xFFFFF410] =	vst v12;
	v11 =	vld.idx.msk [tilespmem:v5+s18+$0x0], $0xffff  }
0xaa: {  	[tilespmem:s0+$0xFFFFF420] =	vst v13;
	v12 =	vld.idx.msk [tilespmem:v1+s18+$0x0], $0xffff  }
0xab: {  	v13 =	vld.idx.msk [tilespmem:v0+s19+$0x0], $0xffff;
	[tilespmem:s0+$0xFFFFF430] =	vst v14  }
0xac: {  	v14 =	vld.idx.msk [tilespmem:v2+s19+$0x0], $0xffff;
	[tilespmem:s0+$0xFFFFF870] =	vst v8  }
0xad: {  	[tilespmem:s0+$0xFFFFF400] =	vst v9;
	v8 =	vld.idx.msk [tilespmem:v7+s20+$0x0], $0xffff  }
0xae: {  	v9 =	vld.idx.msk [tilespmem:v6+s19+$0x0], $0xffff;
	[tilespmem:s0+$0xFFFFF440] =	vst v10  }
0xaf: {  	v10 =	vld.idx.msk [tilespmem:v3+s19+$0x0], $0xffff;
	[tilespmem:s0+$0xFFFFF450] =	vst v11  }
0xb0: {  	v11 =	vld.idx.msk [tilespmem:v4+s19+$0x0], $0xffff;
	[tilespmem:s0+$0xFFFFF460] =	vst v12  }
0xb1: {  	[tilespmem:s0+$0xFFFFF810] =	vst v13;
	v12 =	vld.idx.msk [tilespmem:v5+s19+$0x0], $0xffff  }
0xb2: {  	[tilespmem:s0+$0xFFFFF820] =	vst v14;
	v13 =	vld.idx.msk [tilespmem:v1+s19+$0x0], $0xffff  }
0xb3: {  	v14 =	vld.idx.msk [tilespmem:v0+s20+$0x0], $0xffff;
	[tilespmem:s0+$0xFFFFFC70] =	vst v8  }
0xb4: {  	[tilespmem:s0+$0xFFFFF800] =	vst v9;
	v8 =	vld.idx.msk [tilespmem:v7+s21+$0x0], $0xffff  }
0xb5: {  	v9 =	vld.idx.msk [tilespmem:v6+s20+$0x0], $0xffff;
	[tilespmem:s0+$0xFFFFF830] =	vst v10  }
0xb6: {  	v10 =	vld.idx.msk [tilespmem:v2+s20+$0x0], $0xffff;
	[tilespmem:s0+$0xFFFFF840] =	vst v11  }
0xb7: {  	v11 =	vld.idx.msk [tilespmem:v3+s20+$0x0], $0xffff;
	[tilespmem:s0+$0xFFFFF850] =	vst v12  }
0xb8: {  	v12 =	vld.idx.msk [tilespmem:v4+s20+$0x0], $0xffff;
	[tilespmem:s0+$0xFFFFF860] =	vst v13  }
0xb9: {  	[tilespmem:s0+$0xFFFFFC10] =	vst v14;
	v13 =	vld.idx.msk [tilespmem:v5+s20+$0x0], $0xffff  }
0xba: {  	v14 =	vld.idx.msk [tilespmem:v1+s20+$0x0], $0xffff;
	[tilespmem:s0+$0x70] =	vst v8  }
0xbb: {  	[tilespmem:s0+$0xFFFFFC00] =	vst v9;
	v8 =	vld.idx.msk [tilespmem:v7+s22+$0x0], $0xffff  }
0xbc: {  	v9 =	vld.idx.msk [tilespmem:v6+s21+$0x0], $0xffff;
	[tilespmem:s0+$0xFFFFFC20] =	vst v10  }
0xbd: {  	v10 =	vld.idx.msk [tilespmem:v0+s21+$0x0], $0xffff;
	[tilespmem:s0+$0xFFFFFC30] =	vst v11  }
0xbe: {  	v11 =	vld.idx.msk [tilespmem:v2+s21+$0x0], $0xffff;
	[tilespmem:s0+$0xFFFFFC40] =	vst v12  }
0xbf: {  	v12 =	vld.idx.msk [tilespmem:v3+s21+$0x0], $0xffff;
	[tilespmem:s0+$0xFFFFFC50] =	vst v13  }
0xc0: {  	v13 =	vld.idx.msk [tilespmem:v4+s21+$0x0], $0xffff;
	[tilespmem:s0+$0xFFFFFC60] =	vst v14  }
0xc1: {  	v14 =	vld.idx.msk [tilespmem:v5+s21+$0x0], $0xffff;
	[tilespmem:s0+$0x470] =	vst v8  }
0xc2: {  	[tilespmem:s0+$0x0] =	vst v9;
	v8 =	vld.idx.msk [tilespmem:v7+s23+$0x0], $0xffff  }
0xc3: {  	[tilespmem:s0+$0x10] =	vst v10;
	v9 =	vld.idx.msk [tilespmem:v1+s21+$0x0], $0xffff  }
0xc4: {  	v10 =	vld.idx.msk [tilespmem:v6+s22+$0x0], $0xffff;
	[tilespmem:s0+$0x20] =	vst v11  }
0xc5: {  	v11 =	vld.idx.msk [tilespmem:v0+s22+$0x0], $0xffff;
	[tilespmem:s0+$0x30] =	vst v12  }
0xc6: {  	v12 =	vld.idx.msk [tilespmem:v2+s22+$0x0], $0xffff;
	[tilespmem:s0+$0x40] =	vst v13  }
0xc7: {  	v13 =	vld.idx.msk [tilespmem:v3+s22+$0x0], $0xffff;
	[tilespmem:s0+$0x50] =	vst v14  }
0xc8: {  	v14 =	vld.idx.msk [tilespmem:v4+s22+$0x0], $0xffff;
	[tilespmem:s0+$0x870] =	vst v8  }
0xc9: {  	[tilespmem:s0+$0x60] =	vst v9;
	v8 =	vld.idx.msk [tilespmem:v7+s24+$0x0], $0xffff  }
0xca: {  	[tilespmem:s0+$0x400] =	vst v10;
	v9 =	vld.idx.msk [tilespmem:v5+s22+$0x0], $0xffff  }
0xcb: {  	[tilespmem:s0+$0x410] =	vst v11;
	v10 =	vld.idx.msk [tilespmem:v1+s22+$0x0], $0xffff  }
0xcc: {  	v11 =	vld.idx.msk [tilespmem:v6+s23+$0x0], $0xffff;
	[tilespmem:s0+$0x420] =	vst v12  }
0xcd: {  	v12 =	vld.idx.msk [tilespmem:v0+s23+$0x0], $0xffff;
	[tilespmem:s0+$0x430] =	vst v13  }
0xce: {  	v13 =	vld.idx.msk [tilespmem:v2+s23+$0x0], $0xffff;
	[tilespmem:s0+$0x440] =	vst v14  }
0xcf: {  	v14 =	vld.idx.msk [tilespmem:v3+s23+$0x0], $0xffff;
	[tilespmem:s0+$0xC70] =	vst v8  }
0xd0: {  	[tilespmem:s0+$0x450] =	vst v9;
	v8 =	vld.idx.msk [tilespmem:v7+s25+$0x0], $0xffff  }
0xd1: {  	v9 =	vld.idx.msk [tilespmem:v4+s23+$0x0], $0xffff;
	[tilespmem:s0+$0x460] =	vst v10  }
0xd2: {  	[tilespmem:s0+$0x800] =	vst v11;
	v10 =	vld.idx.msk [tilespmem:v5+s23+$0x0], $0xffff  }
0xd3: {  	[tilespmem:s0+$0x810] =	vst v12;
	v11 =	vld.idx.msk [tilespmem:v1+s23+$0x0], $0xffff  }
0xd4: {  	v12 =	vld.idx.msk [tilespmem:v6+s24+$0x0], $0xffff;
	[tilespmem:s0+$0x820] =	vst v13  }
0xd5: {  	v13 =	vld.idx.msk [tilespmem:v0+s24+$0x0], $0xffff;
	[tilespmem:s0+$0x830] =	vst v14  }
0xd6: {  	v14 =	vld.idx.msk [tilespmem:v2+s24+$0x0], $0xffff;
	[tilespmem:s0+$0x1070] =	vst v8  }
0xd7: {  	[tilespmem:s0+$0x840] =	vst v9;
	v7 =	vld.idx.msk [tilespmem:v7+s26+$0x0], $0xffff  }
0xd8: {  	v8 =	vld.idx.msk [tilespmem:v3+s24+$0x0], $0xffff;
	[tilespmem:s0+$0x850] =	vst v10  }
0xd9: {  	v9 =	vld.idx.msk [tilespmem:v4+s24+$0x0], $0xffff;
	[tilespmem:s0+$0x860] =	vst v11  }
0xda: {  	[tilespmem:s0+$0xC00] =	vst v12;
	v10 =	vld.idx.msk [tilespmem:v5+s24+$0x0], $0xffff  }
0xdb: {  	[tilespmem:s0+$0xC10] =	vst v13;
	v11 =	vld.idx.msk [tilespmem:v1+s24+$0x0], $0xffff  }
0xdc: {  	v12 =	vld.idx.msk [tilespmem:v6+s25+$0x0], $0xffff;
	[tilespmem:s0+$0xC20] =	vst v14  }
0xdd: {  	v13 =	vld.idx.msk [tilespmem:v0+s25+$0x0], $0xffff;
	[tilespmem:s0+$0x1470] =	vst v7  }
0xde: {  	v7 =	vld.idx.msk [tilespmem:v2+s25+$0x0], $0xffff;
	[tilespmem:s0+$0xC30] =	vst v8  }
0xdf: {  	v14 =	vld.idx.msk [tilespmem:v3+s25+$0x0], $0xffff;
	[tilespmem:s0+$0xC40] =	vst v9  }
0xe0: {  	v9 =	vld.idx.msk [tilespmem:v4+s25+$0x0], $0xffff;
	[tilespmem:s0+$0xC50] =	vst v10  }
0xe1: {  	v10 =	vld.idx.msk [tilespmem:v5+s25+$0x0], $0xffff;
	[tilespmem:s0+$0xC60] =	vst v11  }
0xe2: {  	[tilespmem:s0+$0x1000] =	vst v12;
	v11 =	vld.idx.msk [tilespmem:v1+s25+$0x0], $0xffff  }
0xe3: {  	v12 =	vld.idx.msk [tilespmem:v6+s26+$0x0], $0xffff;
	[tilespmem:s0+$0x1010] =	vst v13  }
0xe4: {  	v6 =	vld.idx.msk [tilespmem:v0+s26+$0x0], $0xffff;
	[tilespmem:s0+$0x1020] =	vst v7  }
.Ltmp0:
0xe5: {  	v8 =	vld.idx.msk [tilespmem:v2+s26+$0x0], $0xffff;
	[tilespmem:s0+$0x1030] =	vst v14;
	(pc) =	sbr.rel @p0 .LBB2_2-.Ltmp0, $4  }
0xe6: {  	v3 =	vld.idx.msk [tilespmem:v3+s26+$0x0], $0xffff;
	[tilespmem:s0+$0x1040] =	vst v9  }
0xe7: {  	v4 =	vld.idx.msk [tilespmem:v4+s26+$0x0], $0xffff;
	[tilespmem:s0+$0x1050] =	vst v10  }
0xe8: {  	v5 =	vld.idx.msk [tilespmem:v5+s26+$0x0], $0xffff;
	[tilespmem:s0+$0x1060] =	vst v11  }
0xe9: {  	s3 =	sadd.s32 $0x80, s3;
	[tilespmem:s0+$0x1400] =	vst v12;
	v1 =	vld.idx.msk [tilespmem:v1+s26+$0x0], $0xffff  }
0xea: {  	[tilespmem:s0+$0x1410] =	vst v6  }
0xeb: {  	[tilespmem:s0+$0x1420] =	vst v8  }
0xec: {  	[tilespmem:s0+$0x1430] =	vst v3  }
0xed: {  	[tilespmem:s0+$0x1440] =	vst v4  }
0xee: {  	[tilespmem:s0+$0x1450] =	vst v5  }
0xef: {  	s15 =	simm.s32 $0x0;
	[tilespmem:s0+$0x1460] =	vst v1;
	s0 =	simm.s32 $0x0  }
0xf0: {  	[hbm4b:s4+s15] =	stream.linear.scatter [tilespmem:s28], [sflag:$0x1], $0x3000, $0x38;
	[tilespmem:$0xB000] =	vst v63  }
0xf1: {  	v7 =	vld [tilespmem:s0+$0x3470]  }
0xf2: {  	v6 =	vld [tilespmem:s0+$0x3400]  }
0xf3: {  	v5 =	vld [tilespmem:s0+$0x3410]  }
0xf4: {  	v4 =	vld [tilespmem:s0+$0x3420]  }
0xf5: {  	v3 =	vld [tilespmem:s0+$0x3430]  }
0xf6: {  	v2 =	vld [tilespmem:s0+$0x3440]  }
0xf7: {  	v1 =	vld [tilespmem:s0+$0x3450]  }
0xf8: {  	v0 =	vld [tilespmem:s0+$0x3460]  }
0xf9: {  	v8 =	vld.idx.msk [tilespmem:v7+s2+$0x0], $0xffff  }
0xfa: {  	v9 =	vld.idx.msk [tilespmem:v6+s2+$0x0], $0xffff  }
0xfb: {  	v10 =	vld.idx.msk [tilespmem:v5+s2+$0x0], $0xffff  }
0xfc: {  	v11 =	vld.idx.msk [tilespmem:v4+s2+$0x0], $0xffff  }
0xfd: {  	v12 =	vld.idx.msk [tilespmem:v3+s2+$0x0], $0xffff  }
0xfe: {  	v13 =	vld.idx.msk [tilespmem:v2+s2+$0x0], $0xffff  }
0xff: {  	v14 =	vld.idx.msk [tilespmem:v1+s2+$0x0], $0xffff;
	[tilespmem:s0+$0x8070] =	vst v8  }
0x100: {  	[tilespmem:s0+$0x8000] =	vst v9;
	v9 =	vld.idx.msk [tilespmem:v0+s2+$0x0], $0xffff  }
0x101: {  	[tilespmem:s0+$0x8010] =	vst v10;
	v8 =	vld.idx.msk [tilespmem:v7+s16+$0x0], $0xffff  }
0x102: {  	[tilespmem:s0+$0x8020] =	vst v11;
	v10 =	vld.idx.msk [tilespmem:v6+s16+$0x0], $0xffff  }
0x103: {  	[tilespmem:s0+$0x8030] =	vst v12;
	v11 =	vld.idx.msk [tilespmem:v5+s16+$0x0], $0xffff  }
0x104: {  	[tilespmem:s0+$0x8040] =	vst v13;
	v34 =	vld.idx.msk [tilespmem:v4+s16+$0x0], $0xffff  }
0x105: {  	[tilespmem:s0+$0x8050] =	vst v14;
	v35 =	vld.idx.msk [tilespmem:v3+s16+$0x0], $0xffff  }
0x106: {  	v36 =	vld.idx.msk [tilespmem:v2+s16+$0x0], $0xffff;
	[tilespmem:s0+$0x8060] =	vst v9  }
0x107: {  	v9 =	vld.idx.msk [tilespmem:v1+s16+$0x0], $0xffff;
	[tilespmem:s0+$0x8470] =	vst v8  }
0x108: {  	[tilespmem:s0+$0x8400] =	vst v10;
	v10 =	vld.idx.msk [tilespmem:v0+s16+$0x0], $0xffff  }
0x109: {  	[tilespmem:s0+$0x8410] =	vst v11;
	v8 =	vld.idx.msk [tilespmem:v7+s17+$0x0], $0xffff  }
0x10a: {  	[tilespmem:s0+$0x8420] =	vst v34;
	v11 =	vld.idx.msk [tilespmem:v6+s17+$0x0], $0xffff  }
0x10b: {  	[tilespmem:s0+$0x8430] =	vst v35;
	v37 =	vld.idx.msk [tilespmem:v5+s17+$0x0], $0xffff  }
0x10c: {  	[tilespmem:s0+$0x8440] =	vst v36;
	v38 =	vld.idx.msk [tilespmem:v4+s17+$0x0], $0xffff  }
0x10d: {  	v39 =	vld.idx.msk [tilespmem:v3+s17+$0x0], $0xffff;
	[tilespmem:s0+$0x8450] =	vst v9  }
0x10e: {  	v9 =	vld.idx.msk [tilespmem:v2+s17+$0x0], $0xffff;
	[tilespmem:s0+$0x8460] =	vst v10  }
0x10f: {  	v10 =	vld.idx.msk [tilespmem:v1+s17+$0x0], $0xffff;
	[tilespmem:s0+$0x8870] =	vst v8  }
0x110: {  	[tilespmem:s0+$0x8800] =	vst v11;
	v11 =	vld.idx.msk [tilespmem:v0+s17+$0x0], $0xffff  }
0x111: {  	[tilespmem:s0+$0x8810] =	vst v37;
	v8 =	vld.idx.msk [tilespmem:v7+s18+$0x0], $0xffff  }
0x112: {  	[tilespmem:s0+$0x8820] =	vst v38;
	v40 =	vld.idx.msk [tilespmem:v6+s18+$0x0], $0xffff  }
0x113: {  	[tilespmem:s0+$0x8830] =	vst v39;
	v41 =	vld.idx.msk [tilespmem:v5+s18+$0x0], $0xffff  }
0x114: {  	v42 =	vld.idx.msk [tilespmem:v4+s18+$0x0], $0xffff;
	[tilespmem:s0+$0x8840] =	vst v9  }
0x115: {  	v9 =	vld.idx.msk [tilespmem:v3+s18+$0x0], $0xffff;
	[tilespmem:s0+$0x8850] =	vst v10  }
0x116: {  	v10 =	vld.idx.msk [tilespmem:v2+s18+$0x0], $0xffff;
	[tilespmem:s0+$0x8860] =	vst v11  }
0x117: {  	v11 =	vld.idx.msk [tilespmem:v1+s18+$0x0], $0xffff;
	[tilespmem:s0+$0x8C70] =	vst v8  }
0x118: {  	[tilespmem:s0+$0x8C00] =	vst v40;
	v43 =	vld.idx.msk [tilespmem:v0+s18+$0x0], $0xffff  }
0x119: {  	[tilespmem:s0+$0x8C10] =	vst v41;
	v8 =	vld.idx.msk [tilespmem:v7+s19+$0x0], $0xffff  }
0x11a: {  	[tilespmem:s0+$0x8C20] =	vst v42;
	v44 =	vld.idx.msk [tilespmem:v6+s19+$0x0], $0xffff  }
0x11b: {  	v45 =	vld.idx.msk [tilespmem:v5+s19+$0x0], $0xffff;
	[tilespmem:s0+$0x8C30] =	vst v9  }
0x11c: {  	v9 =	vld.idx.msk [tilespmem:v4+s19+$0x0], $0xffff;
	[tilespmem:s0+$0x8C40] =	vst v10  }
0x11d: {  	v10 =	vld.idx.msk [tilespmem:v3+s19+$0x0], $0xffff;
	[tilespmem:s0+$0x8C50] =	vst v11  }
0x11e: {  	v11 =	vld.idx.msk [tilespmem:v2+s19+$0x0], $0xffff;
	[tilespmem:s0+$0x8C60] =	vst v43  }
0x11f: {  	v46 =	vld.idx.msk [tilespmem:v1+s19+$0x0], $0xffff;
	[tilespmem:s0+$0x9070] =	vst v8  }
0x120: {  	[tilespmem:s0+$0x9000] =	vst v44;
	v47 =	vld.idx.msk [tilespmem:v0+s19+$0x0], $0xffff  }
0x121: {  	[tilespmem:s0+$0x9010] =	vst v45;
	v8 =	vld.idx.msk [tilespmem:v7+s20+$0x0], $0xffff  }
0x122: {  	v48 =	vld.idx.msk [tilespmem:v6+s20+$0x0], $0xffff;
	[tilespmem:s0+$0x9020] =	vst v9  }
0x123: {  	v9 =	vld.idx.msk [tilespmem:v5+s20+$0x0], $0xffff;
	[tilespmem:s0+$0x9030] =	vst v10  }
0x124: {  	v10 =	vld.idx.msk [tilespmem:v4+s20+$0x0], $0xffff;
	[tilespmem:s0+$0x9040] =	vst v11  }
0x125: {  	v11 =	vld.idx.msk [tilespmem:v3+s20+$0x0], $0xffff;
	[tilespmem:s0+$0x9050] =	vst v46  }
0x126: {  	v49 =	vld.idx.msk [tilespmem:v2+s20+$0x0], $0xffff;
	[tilespmem:s0+$0x9060] =	vst v47  }
0x127: {  	v50 =	vld.idx.msk [tilespmem:v1+s20+$0x0], $0xffff;
	[tilespmem:s0+$0x9470] =	vst v8  }
0x128: {  	[tilespmem:s0+$0x9400] =	vst v48;
	v51 =	vld.idx.msk [tilespmem:v0+s20+$0x0], $0xffff  }
0x129: {  	[tilespmem:s0+$0x9410] =	vst v9;
	v8 =	vld.idx.msk [tilespmem:v7+s21+$0x0], $0xffff  }
0x12a: {  	v9 =	vld.idx.msk [tilespmem:v6+s21+$0x0], $0xffff;
	[tilespmem:s0+$0x9420] =	vst v10  }
0x12b: {  	v10 =	vld.idx.msk [tilespmem:v5+s21+$0x0], $0xffff;
	[tilespmem:s0+$0x9430] =	vst v11  }
0x12c: {  	v11 =	vld.idx.msk [tilespmem:v4+s21+$0x0], $0xffff;
	[tilespmem:s0+$0x9440] =	vst v49  }
0x12d: {  	v52 =	vld.idx.msk [tilespmem:v3+s21+$0x0], $0xffff;
	[tilespmem:s0+$0x9450] =	vst v50  }
0x12e: {  	v53 =	vld.idx.msk [tilespmem:v2+s21+$0x0], $0xffff;
	[tilespmem:s0+$0x9460] =	vst v51  }
0x12f: {  	v54 =	vld.idx.msk [tilespmem:v1+s21+$0x0], $0xffff;
	[tilespmem:s0+$0x9870] =	vst v8  }
0x130: {  	[tilespmem:s0+$0x9800] =	vst v9;
	v9 =	vld.idx.msk [tilespmem:v0+s21+$0x0], $0xffff  }
0x131: {  	[tilespmem:s0+$0x9810] =	vst v10;
	v8 =	vld.idx.msk [tilespmem:v7+s22+$0x0], $0xffff  }
0x132: {  	v10 =	vld.idx.msk [tilespmem:v6+s22+$0x0], $0xffff;
	[tilespmem:s0+$0x9820] =	vst v11  }
0x133: {  	v11 =	vld.idx.msk [tilespmem:v5+s22+$0x0], $0xffff;
	[tilespmem:s0+$0x9830] =	vst v52  }
0x134: {  	v55 =	vld.idx.msk [tilespmem:v4+s22+$0x0], $0xffff;
	[tilespmem:s0+$0x9840] =	vst v53  }
0x135: {  	v56 =	vld.idx.msk [tilespmem:v3+s22+$0x0], $0xffff;
	[tilespmem:s0+$0x9850] =	vst v54  }
0x136: {  	v57 =	vld.idx.msk [tilespmem:v2+s22+$0x0], $0xffff;
	[tilespmem:s0+$0x9860] =	vst v9  }
0x137: {  	v9 =	vld.idx.msk [tilespmem:v1+s22+$0x0], $0xffff;
	[tilespmem:s0+$0x9C70] =	vst v8  }
0x138: {  	[tilespmem:s0+$0x9C00] =	vst v10;
	v10 =	vld.idx.msk [tilespmem:v0+s22+$0x0], $0xffff  }
0x139: {  	[tilespmem:s0+$0x9C10] =	vst v11;
	v8 =	vld.idx.msk [tilespmem:v7+s23+$0x0], $0xffff  }
0x13a: {  	v11 =	vld.idx.msk [tilespmem:v6+s23+$0x0], $0xffff;
	[tilespmem:s0+$0x9C20] =	vst v55  }
0x13b: {  	v58 =	vld.idx.msk [tilespmem:v5+s23+$0x0], $0xffff;
	[tilespmem:s0+$0x9C30] =	vst v56  }
0x13c: {  	v59 =	vld.idx.msk [tilespmem:v4+s23+$0x0], $0xffff;
	[tilespmem:s0+$0x9C40] =	vst v57  }
0x13d: {  	v60 =	vld.idx.msk [tilespmem:v3+s23+$0x0], $0xffff;
	[tilespmem:s0+$0x9C50] =	vst v9  }
0x13e: {  	v9 =	vld.idx.msk [tilespmem:v2+s23+$0x0], $0xffff;
	[tilespmem:s0+$0xA070] =	vst v8  }
0x13f: {  	[tilespmem:s0+$0x9C60] =	vst v10;
	v8 =	vld.idx.msk [tilespmem:v7+s24+$0x0], $0xffff  }
0x140: {  	v10 =	vld.idx.msk [tilespmem:v1+s23+$0x0], $0xffff;
	[tilespmem:s0+$0xA000] =	vst v11  }
0x141: {  	[tilespmem:s0+$0xA010] =	vst v58;
	v11 =	vld.idx.msk [tilespmem:v0+s23+$0x0], $0xffff  }
0x142: {  	v61 =	vld.idx.msk [tilespmem:v6+s24+$0x0], $0xffff;
	[tilespmem:s0+$0xA020] =	vst v59  }
0x143: {  	v62 =	vld.idx.msk [tilespmem:v5+s24+$0x0], $0xffff;
	[tilespmem:s0+$0xA030] =	vst v60  }
0x144: {  	v63 =	vld.idx.msk [tilespmem:v4+s24+$0x0], $0xffff;
	[tilespmem:s0+$0xA470] =	vst v8  }
0x145: {  	[tilespmem:s0+$0xA040] =	vst v9;
	v8 =	vld.idx.msk [tilespmem:v7+s25+$0x0], $0xffff  }
0x146: {  	[tilespmem:s0+$0xA050] =	vst v10;
	v9 =	vld.idx.msk [tilespmem:v2+s24+$0x0], $0xffff  }
0x147: {  	[tilespmem:s0+$0xA060] =	vst v11;
	v10 =	vld.idx.msk [tilespmem:v1+s24+$0x0], $0xffff  }
0x148: {  	[tilespmem:s0+$0xA400] =	vst v61;
	v11 =	vld.idx.msk [tilespmem:v0+s24+$0x0], $0xffff  }
0x149: {  	[tilespmem:s0+$0xA410] =	vst v62;
	v12 =	vld.idx.msk [tilespmem:v6+s25+$0x0], $0xffff  }
0x14a: {  	[tilespmem:s0+$0xA870] =	vst v8;
	v8 =	vld.idx.msk [tilespmem:v3+s24+$0x0], $0xffff  }
0x14b: {  	[tilespmem:s0+$0xA420] =	vst v63;
	v13 =	vld.idx.msk [tilespmem:v5+s25+$0x0], $0xffff  }
0x14c: {  	v14 =	vld.idx.msk [tilespmem:v4+s25+$0x0], $0xffff;
	[tilespmem:s0+$0xA440] =	vst v9  }
0x14d: {  	v16 =	vld.idx.msk [tilespmem:v2+s25+$0x0], $0xffff;
	[tilespmem:s0+$0xA450] =	vst v10  }
0x14e: {  	[tilespmem:s0+$0xA460] =	vst v11;
	v7 =	vld.idx.msk [tilespmem:v7+s26+$0x0], $0xffff  }
0x14f: {  	v10 =	vld.idx.msk [tilespmem:v1+s25+$0x0], $0xffff;
	[tilespmem:s0+$0xA430] =	vst v8  }
0x150: {  	[tilespmem:s0+$0xA800] =	vst v12;
	v15 =	vld.idx.msk [tilespmem:v3+s25+$0x0], $0xffff  }
0x151: {  	v11 =	vld.idx.msk [tilespmem:v0+s25+$0x0], $0xffff;
	[tilespmem:s0+$0xA820] =	vst v14  }
0x152: {  	[tilespmem:s0+$0xA810] =	vst v13;
	v9 =	vld.idx.msk [tilespmem:v4+s26+$0x0], $0xffff  }
0x153: {  	[tilespmem:s0+$0xAC70] =	vst v7;
	v7 =	vld.idx.msk [tilespmem:v6+s26+$0x0], $0xffff  }
0x154: {  	[tilespmem:s0+$0xA840] =	vst v16;
	v8 =	vld.idx.msk [tilespmem:v5+s26+$0x0], $0xffff  }
0x155: {  	v4 =	vld.idx.msk [tilespmem:v2+s26+$0x0], $0xffff;
	[tilespmem:s0+$0xA830] =	vst v15  }
0x156: {  	[tilespmem:s0+$0xA850] =	vst v10;
	v3 =	vld.idx.msk [tilespmem:v3+s26+$0x0], $0xffff  }
0x157: {  	s3 =	simm.s32 $0x200;
	s15 =	simm.s32 $0x0;
	v5 =	vld.idx.msk [tilespmem:v1+s26+$0x0], $0xffff;
	[tilespmem:s0+$0xA860] =	vst v11  }
.LBB2_4:
0x158: {  	s5 =	sshra.s32 s3, $0x2;
	s15 =	sadd.s32 $0x8, s15;
	[tilespmem:s0+$0xAC00] =	vst v7;
	v0 =	vld.idx.msk [tilespmem:v0+s26+$0x0], $0xffff  }
0x159: {  	v7 =	vld [tilespmem:s5+$0x3470];
	p0 =	slt.u32 s15, $0x38;
	[tilespmem:s0+$0xAC10] =	vst v8  }
0x15a: {  	v1 =	vld [tilespmem:s5+$0x3400];
	[tilespmem:s0+$0xAC20] =	vst v9  }
0x15b: {  	v2 =	vld [tilespmem:s5+$0x3410];
	[tilespmem:s0+$0xAC30] =	vst v3  }
0x15c: {  	v3 =	vld [tilespmem:s5+$0x3420];
	[tilespmem:s0+$0xAC40] =	vst v4  }
0x15d: {  	v4 =	vld [tilespmem:s5+$0x3430];
	[tilespmem:s0+$0xAC50] =	vst v5  }
0x15e: {  	v5 =	vld [tilespmem:s5+$0x3440];
	[tilespmem:s0+$0xAC60] =	vst v0;
	s0 =	smov.u32 s5  }
0x15f: {  	v6 =	vld [tilespmem:s0+$0x3450]  }
0x160: {  	v0 =	vld [tilespmem:s0+$0x3460]  }
0x161: {  	v8 =	vld.idx.msk [tilespmem:v7+s2+$0x0], $0xffff  }
0x162: {  	v9 =	vld.idx.msk [tilespmem:v1+s2+$0x0], $0xffff  }
0x163: {  	v10 =	vld.idx.msk [tilespmem:v2+s2+$0x0], $0xffff  }
0x164: {  	v11 =	vld.idx.msk [tilespmem:v3+s2+$0x0], $0xffff  }
0x165: {  	v12 =	vld.idx.msk [tilespmem:v4+s2+$0x0], $0xffff  }
0x166: {  	v13 =	vld.idx.msk [tilespmem:v5+s2+$0x0], $0xffff  }
0x167: {  	v14 =	vld.idx.msk [tilespmem:v6+s2+$0x0], $0xffff;
	[tilespmem:s0+$0x8070] =	vst v8  }
0x168: {  	[tilespmem:s0+$0x8000] =	vst v9;
	v8 =	vld.idx.msk [tilespmem:v7+s16+$0x0], $0xffff  }
0x169: {  	[tilespmem:s0+$0x8010] =	vst v10;
	v9 =	vld.idx.msk [tilespmem:v0+s2+$0x0], $0xffff  }
0x16a: {  	v10 =	vld.idx.msk [tilespmem:v1+s16+$0x0], $0xffff;
	[tilespmem:s0+$0x8020] =	vst v11  }
0x16b: {  	v11 =	vld.idx.msk [tilespmem:v2+s16+$0x0], $0xffff;
	[tilespmem:s0+$0x8030] =	vst v12  }
0x16c: {  	v12 =	vld.idx.msk [tilespmem:v3+s16+$0x0], $0xffff;
	[tilespmem:s0+$0x8040] =	vst v13  }
0x16d: {  	v13 =	vld.idx.msk [tilespmem:v4+s16+$0x0], $0xffff;
	[tilespmem:s0+$0x8050] =	vst v14  }
0x16e: {  	v14 =	vld.idx.msk [tilespmem:v5+s16+$0x0], $0xffff;
	[tilespmem:s0+$0x8470] =	vst v8  }
0x16f: {  	[tilespmem:s0+$0x8060] =	vst v9;
	v8 =	vld.idx.msk [tilespmem:v7+s17+$0x0], $0xffff  }
0x170: {  	[tilespmem:s0+$0x8400] =	vst v10;
	v9 =	vld.idx.msk [tilespmem:v6+s16+$0x0], $0xffff  }
0x171: {  	[tilespmem:s0+$0x8410] =	vst v11;
	v10 =	vld.idx.msk [tilespmem:v0+s16+$0x0], $0xffff  }
0x172: {  	v11 =	vld.idx.msk [tilespmem:v1+s17+$0x0], $0xffff;
	[tilespmem:s0+$0x8420] =	vst v12  }
0x173: {  	v12 =	vld.idx.msk [tilespmem:v2+s17+$0x0], $0xffff;
	[tilespmem:s0+$0x8430] =	vst v13  }
0x174: {  	v13 =	vld.idx.msk [tilespmem:v3+s17+$0x0], $0xffff;
	[tilespmem:s0+$0x8440] =	vst v14  }
0x175: {  	v14 =	vld.idx.msk [tilespmem:v4+s17+$0x0], $0xffff;
	[tilespmem:s0+$0x8870] =	vst v8  }
0x176: {  	[tilespmem:s0+$0x8450] =	vst v9;
	v8 =	vld.idx.msk [tilespmem:v7+s18+$0x0], $0xffff  }
0x177: {  	v9 =	vld.idx.msk [tilespmem:v5+s17+$0x0], $0xffff;
	[tilespmem:s0+$0x8460] =	vst v10  }
0x178: {  	[tilespmem:s0+$0x8800] =	vst v11;
	v10 =	vld.idx.msk [tilespmem:v6+s17+$0x0], $0xffff  }
0x179: {  	[tilespmem:s0+$0x8810] =	vst v12;
	v11 =	vld.idx.msk [tilespmem:v0+s17+$0x0], $0xffff  }
0x17a: {  	v12 =	vld.idx.msk [tilespmem:v1+s18+$0x0], $0xffff;
	[tilespmem:s0+$0x8820] =	vst v13  }
0x17b: {  	v13 =	vld.idx.msk [tilespmem:v2+s18+$0x0], $0xffff;
	[tilespmem:s0+$0x8830] =	vst v14  }
0x17c: {  	v14 =	vld.idx.msk [tilespmem:v3+s18+$0x0], $0xffff;
	[tilespmem:s0+$0x8C70] =	vst v8  }
0x17d: {  	[tilespmem:s0+$0x8840] =	vst v9;
	v8 =	vld.idx.msk [tilespmem:v7+s19+$0x0], $0xffff  }
0x17e: {  	v9 =	vld.idx.msk [tilespmem:v4+s18+$0x0], $0xffff;
	[tilespmem:s0+$0x8850] =	vst v10  }
0x17f: {  	v10 =	vld.idx.msk [tilespmem:v5+s18+$0x0], $0xffff;
	[tilespmem:s0+$0x8860] =	vst v11  }
0x180: {  	[tilespmem:s0+$0x8C00] =	vst v12;
	v11 =	vld.idx.msk [tilespmem:v6+s18+$0x0], $0xffff  }
0x181: {  	[tilespmem:s0+$0x8C10] =	vst v13;
	v12 =	vld.idx.msk [tilespmem:v0+s18+$0x0], $0xffff  }
0x182: {  	v13 =	vld.idx.msk [tilespmem:v1+s19+$0x0], $0xffff;
	[tilespmem:s0+$0x8C20] =	vst v14  }
0x183: {  	v14 =	vld.idx.msk [tilespmem:v2+s19+$0x0], $0xffff;
	[tilespmem:s0+$0x9070] =	vst v8  }
0x184: {  	[tilespmem:s0+$0x8C30] =	vst v9;
	v8 =	vld.idx.msk [tilespmem:v7+s20+$0x0], $0xffff  }
0x185: {  	v9 =	vld.idx.msk [tilespmem:v3+s19+$0x0], $0xffff;
	[tilespmem:s0+$0x8C40] =	vst v10  }
0x186: {  	v10 =	vld.idx.msk [tilespmem:v4+s19+$0x0], $0xffff;
	[tilespmem:s0+$0x8C50] =	vst v11  }
0x187: {  	v11 =	vld.idx.msk [tilespmem:v5+s19+$0x0], $0xffff;
	[tilespmem:s0+$0x8C60] =	vst v12  }
0x188: {  	[tilespmem:s0+$0x9000] =	vst v13;
	v12 =	vld.idx.msk [tilespmem:v6+s19+$0x0], $0xffff  }
0x189: {  	[tilespmem:s0+$0x9010] =	vst v14;
	v13 =	vld.idx.msk [tilespmem:v0+s19+$0x0], $0xffff  }
0x18a: {  	v14 =	vld.idx.msk [tilespmem:v1+s20+$0x0], $0xffff;
	[tilespmem:s0+$0x9470] =	vst v8  }
0x18b: {  	[tilespmem:s0+$0x9020] =	vst v9;
	v8 =	vld.idx.msk [tilespmem:v7+s21+$0x0], $0xffff  }
0x18c: {  	v9 =	vld.idx.msk [tilespmem:v2+s20+$0x0], $0xffff;
	[tilespmem:s0+$0x9030] =	vst v10  }
0x18d: {  	v10 =	vld.idx.msk [tilespmem:v3+s20+$0x0], $0xffff;
	[tilespmem:s0+$0x9040] =	vst v11  }
0x18e: {  	v11 =	vld.idx.msk [tilespmem:v4+s20+$0x0], $0xffff;
	[tilespmem:s0+$0x9050] =	vst v12  }
0x18f: {  	v12 =	vld.idx.msk [tilespmem:v5+s20+$0x0], $0xffff;
	[tilespmem:s0+$0x9060] =	vst v13  }
0x190: {  	[tilespmem:s0+$0x9400] =	vst v14;
	v13 =	vld.idx.msk [tilespmem:v6+s20+$0x0], $0xffff  }
0x191: {  	v14 =	vld.idx.msk [tilespmem:v0+s20+$0x0], $0xffff;
	[tilespmem:s0+$0x9870] =	vst v8  }
0x192: {  	[tilespmem:s0+$0x9410] =	vst v9;
	v8 =	vld.idx.msk [tilespmem:v7+s22+$0x0], $0xffff  }
0x193: {  	v9 =	vld.idx.msk [tilespmem:v1+s21+$0x0], $0xffff;
	[tilespmem:s0+$0x9420] =	vst v10  }
0x194: {  	v10 =	vld.idx.msk [tilespmem:v2+s21+$0x0], $0xffff;
	[tilespmem:s0+$0x9430] =	vst v11  }
0x195: {  	v11 =	vld.idx.msk [tilespmem:v3+s21+$0x0], $0xffff;
	[tilespmem:s0+$0x9440] =	vst v12  }
0x196: {  	v12 =	vld.idx.msk [tilespmem:v4+s21+$0x0], $0xffff;
	[tilespmem:s0+$0x9450] =	vst v13  }
0x197: {  	v13 =	vld.idx.msk [tilespmem:v5+s21+$0x0], $0xffff;
	[tilespmem:s0+$0x9460] =	vst v14  }
0x198: {  	v14 =	vld.idx.msk [tilespmem:v6+s21+$0x0], $0xffff;
	[tilespmem:s0+$0x9C70] =	vst v8  }
0x199: {  	[tilespmem:s0+$0x9800] =	vst v9;
	v8 =	vld.idx.msk [tilespmem:v7+s23+$0x0], $0xffff  }
0x19a: {  	[tilespmem:s0+$0x9810] =	vst v10;
	v9 =	vld.idx.msk [tilespmem:v0+s21+$0x0], $0xffff  }
0x19b: {  	v10 =	vld.idx.msk [tilespmem:v1+s22+$0x0], $0xffff;
	[tilespmem:s0+$0x9820] =	vst v11  }
0x19c: {  	v11 =	vld.idx.msk [tilespmem:v2+s22+$0x0], $0xffff;
	[tilespmem:s0+$0x9830] =	vst v12  }
0x19d: {  	v12 =	vld.idx.msk [tilespmem:v3+s22+$0x0], $0xffff;
	[tilespmem:s0+$0x9840] =	vst v13  }
0x19e: {  	v13 =	vld.idx.msk [tilespmem:v4+s22+$0x0], $0xffff;
	[tilespmem:s0+$0x9850] =	vst v14  }
0x19f: {  	v14 =	vld.idx.msk [tilespmem:v5+s22+$0x0], $0xffff;
	[tilespmem:s0+$0xA070] =	vst v8  }
0x1a0: {  	[tilespmem:s0+$0x9860] =	vst v9;
	v8 =	vld.idx.msk [tilespmem:v7+s24+$0x0], $0xffff  }
0x1a1: {  	[tilespmem:s0+$0x9C00] =	vst v10;
	v9 =	vld.idx.msk [tilespmem:v6+s22+$0x0], $0xffff  }
0x1a2: {  	[tilespmem:s0+$0x9C10] =	vst v11;
	v10 =	vld.idx.msk [tilespmem:v0+s22+$0x0], $0xffff  }
0x1a3: {  	v11 =	vld.idx.msk [tilespmem:v1+s23+$0x0], $0xffff;
	[tilespmem:s0+$0x9C20] =	vst v12  }
0x1a4: {  	v12 =	vld.idx.msk [tilespmem:v2+s23+$0x0], $0xffff;
	[tilespmem:s0+$0x9C30] =	vst v13  }
0x1a5: {  	v13 =	vld.idx.msk [tilespmem:v3+s23+$0x0], $0xffff;
	[tilespmem:s0+$0x9C40] =	vst v14  }
0x1a6: {  	v14 =	vld.idx.msk [tilespmem:v4+s23+$0x0], $0xffff;
	[tilespmem:s0+$0xA470] =	vst v8  }
0x1a7: {  	[tilespmem:s0+$0x9C50] =	vst v9;
	v8 =	vld.idx.msk [tilespmem:v7+s25+$0x0], $0xffff  }
0x1a8: {  	v9 =	vld.idx.msk [tilespmem:v5+s23+$0x0], $0xffff;
	[tilespmem:s0+$0x9C60] =	vst v10  }
0x1a9: {  	[tilespmem:s0+$0xA000] =	vst v11;
	v10 =	vld.idx.msk [tilespmem:v6+s23+$0x0], $0xffff  }
0x1aa: {  	[tilespmem:s0+$0xA010] =	vst v12;
	v11 =	vld.idx.msk [tilespmem:v0+s23+$0x0], $0xffff  }
0x1ab: {  	v12 =	vld.idx.msk [tilespmem:v1+s24+$0x0], $0xffff;
	[tilespmem:s0+$0xA020] =	vst v13  }
0x1ac: {  	v13 =	vld.idx.msk [tilespmem:v2+s24+$0x0], $0xffff;
	[tilespmem:s0+$0xA030] =	vst v14  }
0x1ad: {  	v14 =	vld.idx.msk [tilespmem:v3+s24+$0x0], $0xffff;
	[tilespmem:s0+$0xA870] =	vst v8  }
0x1ae: {  	[tilespmem:s0+$0xA040] =	vst v9;
	v7 =	vld.idx.msk [tilespmem:v7+s26+$0x0], $0xffff  }
0x1af: {  	v8 =	vld.idx.msk [tilespmem:v4+s24+$0x0], $0xffff;
	[tilespmem:s0+$0xA050] =	vst v10  }
0x1b0: {  	v9 =	vld.idx.msk [tilespmem:v5+s24+$0x0], $0xffff;
	[tilespmem:s0+$0xA060] =	vst v11  }
0x1b1: {  	[tilespmem:s0+$0xA400] =	vst v12;
	v10 =	vld.idx.msk [tilespmem:v6+s24+$0x0], $0xffff  }
0x1b2: {  	[tilespmem:s0+$0xA410] =	vst v13;
	v11 =	vld.idx.msk [tilespmem:v0+s24+$0x0], $0xffff  }
0x1b3: {  	v12 =	vld.idx.msk [tilespmem:v1+s25+$0x0], $0xffff;
	[tilespmem:s0+$0xA420] =	vst v14  }
0x1b4: {  	v13 =	vld.idx.msk [tilespmem:v2+s25+$0x0], $0xffff;
	[tilespmem:s0+$0xAC70] =	vst v7  }
0x1b5: {  	v14 =	vld.idx.msk [tilespmem:v3+s25+$0x0], $0xffff;
	[tilespmem:s0+$0xA430] =	vst v8  }
0x1b6: {  	v15 =	vld.idx.msk [tilespmem:v4+s25+$0x0], $0xffff;
	[tilespmem:s0+$0xA440] =	vst v9  }
0x1b7: {  	v16 =	vld.idx.msk [tilespmem:v5+s25+$0x0], $0xffff;
	[tilespmem:s0+$0xA450] =	vst v10  }
0x1b8: {  	v10 =	vld.idx.msk [tilespmem:v6+s25+$0x0], $0xffff;
	[tilespmem:s0+$0xA460] =	vst v11  }
0x1b9: {  	[tilespmem:s0+$0xA800] =	vst v12;
	v11 =	vld.idx.msk [tilespmem:v0+s25+$0x0], $0xffff  }
0x1ba: {  	v7 =	vld.idx.msk [tilespmem:v1+s26+$0x0], $0xffff;
	[tilespmem:s0+$0xA810] =	vst v13  }
.Ltmp1:
0x1bb: {  	v8 =	vld.idx.msk [tilespmem:v2+s26+$0x0], $0xffff;
	[tilespmem:s0+$0xA820] =	vst v14;
	(pc) =	sbr.rel @p0 .LBB2_4-.Ltmp1, $4  }
0x1bc: {  	v9 =	vld.idx.msk [tilespmem:v3+s26+$0x0], $0xffff;
	[tilespmem:s0+$0xA830] =	vst v15  }
0x1bd: {  	v3 =	vld.idx.msk [tilespmem:v4+s26+$0x0], $0xffff;
	[tilespmem:s0+$0xA840] =	vst v16  }
0x1be: {  	v4 =	vld.idx.msk [tilespmem:v5+s26+$0x0], $0xffff;
	[tilespmem:s0+$0xA850] =	vst v10  }
0x1bf: {  	s3 =	sadd.s32 $0x200, s3;
	v5 =	vld.idx.msk [tilespmem:v6+s26+$0x0], $0xffff;
	[tilespmem:s0+$0xA860] =	vst v11  }
0x1c0: {  	_ =	sdelay $0x2  }
0x1c1: {  	[tilespmem:s0+$0xAC00] =	vst v7  }
0x1c2: {  	v0 =	vld.idx.msk [tilespmem:v0+s26+$0x0], $0xffff;
	[tilespmem:s0+$0xAC10] =	vst v8  }
0x1c3: {  	[tilespmem:s0+$0xAC20] =	vst v9  }
0x1c4: {  	[tilespmem:s0+$0xAC30] =	vst v3  }
0x1c5: {  	[tilespmem:s0+$0xAC40] =	vst v4  }
0x1c6: {  	[tilespmem:s0+$0xAC50] =	vst v5  }
0x1c7: {  	[tilespmem:s0+$0xAC60] =	vst v0  }
0x1c8: {  	[hbm4b:s6+s2] =	stream.linear.scatter [tilespmem:s29], [sflag:$0x2], $0x3000, $0x38;
	[tilespmem:$0xB000] =	vst v63  }
0x1c9: {  	_ =	swait.ge [sflag:s30], $0x3000  }
0x1ca: {  	[sflag:s30] =	ssyncset.done $0x0  }
0x1cb: {  	s15 =	simm.s32 $0x3870;
	[sflag:s30] =	ssyncadd.s32 $0xFFFFD000  }
0x1cc: {  	v7 =	vld [tilespmem:s15+$0x0]  }
0x1cd: {  	v5 =	vld [tilespmem:s15+$0xFFFFFFA0]  }
0x1ce: {  	v4 =	vld [tilespmem:s15+$0xFFFFFFB0]  }
0x1cf: {  	v3 =	vld [tilespmem:s15+$0xFFFFFFC0]  }
0x1d0: {  	v2 =	vld [tilespmem:s15+$0xFFFFFFD0]  }
0x1d1: {  	v1 =	vld [tilespmem:s15+$0xFFFFFFE0]  }
0x1d2: {  	v0 =	vld [tilespmem:s15+$0xFFFFFFF0]  }
0x1d3: {  	v6 =	vld [tilespmem:s15+$0xFFFFFF90]  }
0x1d4: {  	v8 =	vld.idx.msk [tilespmem:v7+s2+$0x0], $0xffff  }
0x1d5: {  	v9 =	vld.idx.msk [tilespmem:v5+s2+$0x0], $0xffff  }
0x1d6: {  	v10 =	vld.idx.msk [tilespmem:v4+s2+$0x0], $0xffff  }
0x1d7: {  	v11 =	vld.idx.msk [tilespmem:v3+s2+$0x0], $0xffff  }
0x1d8: {  	v12 =	vld.idx.msk [tilespmem:v2+s2+$0x0], $0xffff  }
0x1d9: {  	s0 =	simm.s32 $0x6800;
	v13 =	vld.idx.msk [tilespmem:v1+s2+$0x0], $0xffff  }
0x1da: {  	v14 =	vld.idx.msk [tilespmem:v0+s2+$0x0], $0xffff;
	[tilespmem:s0+$0xFFFFE870] =	vst v8  }
0x1db: {  	[tilespmem:s0+$0xFFFFE810] =	vst v9;
	v9 =	vld.idx.msk [tilespmem:v6+s2+$0x0], $0xffff  }
0x1dc: {  	[tilespmem:s0+$0xFFFFE820] =	vst v10;
	v8 =	vld.idx.msk [tilespmem:v7+s16+$0x0], $0xffff  }
0x1dd: {  	[tilespmem:s0+$0xFFFFE830] =	vst v11;
	v10 =	vld.idx.msk [tilespmem:v5+s16+$0x0], $0xffff  }
0x1de: {  	[tilespmem:s0+$0xFFFFE840] =	vst v12;
	v11 =	vld.idx.msk [tilespmem:v4+s16+$0x0], $0xffff  }
0x1df: {  	[tilespmem:s0+$0xFFFFE850] =	vst v13;
	v33 =	vld.idx.msk [tilespmem:v3+s16+$0x0], $0xffff  }
0x1e0: {  	[tilespmem:s0+$0xFFFFE860] =	vst v14;
	v34 =	vld.idx.msk [tilespmem:v2+s16+$0x0], $0xffff  }
0x1e1: {  	v35 =	vld.idx.msk [tilespmem:v1+s16+$0x0], $0xffff;
	[tilespmem:s0+$0xFFFFE800] =	vst v9  }
0x1e2: {  	[tilespmem:s0+$0xFFFFEC70] =	vst v8;
	v9 =	vld.idx.msk [tilespmem:v6+s16+$0x0], $0xffff  }
0x1e3: {  	[tilespmem:s0+$0xFFFFEC10] =	vst v10;
	v10 =	vld.idx.msk [tilespmem:v0+s16+$0x0], $0xffff  }
0x1e4: {  	[tilespmem:s0+$0xFFFFEC20] =	vst v11;
	v8 =	vld.idx.msk [tilespmem:v7+s17+$0x0], $0xffff  }
0x1e5: {  	[tilespmem:s0+$0xFFFFEC30] =	vst v33;
	v11 =	vld.idx.msk [tilespmem:v5+s17+$0x0], $0xffff  }
0x1e6: {  	[tilespmem:s0+$0xFFFFEC40] =	vst v34;
	v36 =	vld.idx.msk [tilespmem:v4+s17+$0x0], $0xffff  }
0x1e7: {  	[tilespmem:s0+$0xFFFFEC50] =	vst v35;
	v37 =	vld.idx.msk [tilespmem:v3+s17+$0x0], $0xffff  }
0x1e8: {  	v38 =	vld.idx.msk [tilespmem:v2+s17+$0x0], $0xffff;
	[tilespmem:s0+$0xFFFFEC00] =	vst v9  }
0x1e9: {  	[tilespmem:s0+$0xFFFFEC60] =	vst v10;
	v10 =	vld.idx.msk [tilespmem:v1+s17+$0x0], $0xffff  }
0x1ea: {  	[tilespmem:s0+$0xFFFFF070] =	vst v8;
	v9 =	vld.idx.msk [tilespmem:v6+s17+$0x0], $0xffff  }
0x1eb: {  	[tilespmem:s0+$0xFFFFF010] =	vst v11;
	v11 =	vld.idx.msk [tilespmem:v0+s17+$0x0], $0xffff  }
0x1ec: {  	[tilespmem:s0+$0xFFFFF020] =	vst v36;
	v8 =	vld.idx.msk [tilespmem:v7+s18+$0x0], $0xffff  }
0x1ed: {  	[tilespmem:s0+$0xFFFFF030] =	vst v37;
	v39 =	vld.idx.msk [tilespmem:v5+s18+$0x0], $0xffff  }
0x1ee: {  	[tilespmem:s0+$0xFFFFF040] =	vst v38;
	v40 =	vld.idx.msk [tilespmem:v4+s18+$0x0], $0xffff  }
0x1ef: {  	v41 =	vld.idx.msk [tilespmem:v3+s18+$0x0], $0xffff;
	[tilespmem:s0+$0xFFFFF050] =	vst v10  }
0x1f0: {  	v10 =	vld.idx.msk [tilespmem:v2+s18+$0x0], $0xffff;
	[tilespmem:s0+$0xFFFFF000] =	vst v9  }
0x1f1: {  	[tilespmem:s0+$0xFFFFF060] =	vst v11;
	v11 =	vld.idx.msk [tilespmem:v1+s18+$0x0], $0xffff  }
0x1f2: {  	[tilespmem:s0+$0xFFFFF470] =	vst v8;
	v9 =	vld.idx.msk [tilespmem:v6+s18+$0x0], $0xffff  }
0x1f3: {  	[tilespmem:s0+$0xFFFFF410] =	vst v39;
	v42 =	vld.idx.msk [tilespmem:v0+s18+$0x0], $0xffff  }
0x1f4: {  	[tilespmem:s0+$0xFFFFF420] =	vst v40;
	v8 =	vld.idx.msk [tilespmem:v7+s19+$0x0], $0xffff  }
0x1f5: {  	[tilespmem:s0+$0xFFFFF430] =	vst v41;
	v43 =	vld.idx.msk [tilespmem:v5+s19+$0x0], $0xffff  }
0x1f6: {  	v44 =	vld.idx.msk [tilespmem:v4+s19+$0x0], $0xffff;
	[tilespmem:s0+$0xFFFFF440] =	vst v10  }
0x1f7: {  	v10 =	vld.idx.msk [tilespmem:v3+s19+$0x0], $0xffff;
	[tilespmem:s0+$0xFFFFF450] =	vst v11  }
0x1f8: {  	v11 =	vld.idx.msk [tilespmem:v2+s19+$0x0], $0xffff;
	[tilespmem:s0+$0xFFFFF400] =	vst v9  }
0x1f9: {  	[tilespmem:s0+$0xFFFFF460] =	vst v42;
	v45 =	vld.idx.msk [tilespmem:v1+s19+$0x0], $0xffff  }
0x1fa: {  	[tilespmem:s0+$0xFFFFF870] =	vst v8;
	v9 =	vld.idx.msk [tilespmem:v6+s19+$0x0], $0xffff  }
0x1fb: {  	[tilespmem:s0+$0xFFFFF810] =	vst v43;
	v46 =	vld.idx.msk [tilespmem:v0+s19+$0x0], $0xffff  }
0x1fc: {  	[tilespmem:s0+$0xFFFFF820] =	vst v44;
	v8 =	vld.idx.msk [tilespmem:v7+s20+$0x0], $0xffff  }
0x1fd: {  	v47 =	vld.idx.msk [tilespmem:v5+s20+$0x0], $0xffff;
	[tilespmem:s0+$0xFFFFF830] =	vst v10  }
0x1fe: {  	v10 =	vld.idx.msk [tilespmem:v4+s20+$0x0], $0xffff;
	[tilespmem:s0+$0xFFFFF840] =	vst v11  }
0x1ff: {  	v11 =	vld.idx.msk [tilespmem:v3+s20+$0x0], $0xffff;
	[tilespmem:s0+$0xFFFFF850] =	vst v45  }
0x200: {  	v48 =	vld.idx.msk [tilespmem:v2+s20+$0x0], $0xffff;
	[tilespmem:s0+$0xFFFFF800] =	vst v9  }
0x201: {  	[tilespmem:s0+$0xFFFFF860] =	vst v46;
	v49 =	vld.idx.msk [tilespmem:v1+s20+$0x0], $0xffff  }
0x202: {  	[tilespmem:s0+$0xFFFFFC70] =	vst v8;
	v9 =	vld.idx.msk [tilespmem:v6+s20+$0x0], $0xffff  }
0x203: {  	[tilespmem:s0+$0xFFFFFC10] =	vst v47;
	v50 =	vld.idx.msk [tilespmem:v0+s20+$0x0], $0xffff  }
0x204: {  	v8 =	vld.idx.msk [tilespmem:v7+s21+$0x0], $0xffff;
	[tilespmem:s0+$0xFFFFFC20] =	vst v10  }
0x205: {  	v10 =	vld.idx.msk [tilespmem:v5+s21+$0x0], $0xffff;
	[tilespmem:s0+$0xFFFFFC30] =	vst v11  }
0x206: {  	v11 =	vld.idx.msk [tilespmem:v4+s21+$0x0], $0xffff;
	[tilespmem:s0+$0xFFFFFC40] =	vst v48  }
0x207: {  	v51 =	vld.idx.msk [tilespmem:v3+s21+$0x0], $0xffff;
	[tilespmem:s0+$0xFFFFFC50] =	vst v49  }
0x208: {  	v52 =	vld.idx.msk [tilespmem:v2+s21+$0x0], $0xffff;
	[tilespmem:s0+$0xFFFFFC00] =	vst v9  }
0x209: {  	[tilespmem:s0+$0xFFFFFC60] =	vst v50;
	v53 =	vld.idx.msk [tilespmem:v1+s21+$0x0], $0xffff  }
0x20a: {  	[tilespmem:s0+$0x70] =	vst v8;
	v9 =	vld.idx.msk [tilespmem:v6+s21+$0x0], $0xffff  }
0x20b: {  	[tilespmem:s0+$0x10] =	vst v10;
	v8 =	vld.idx.msk [tilespmem:v7+s22+$0x0], $0xffff  }
0x20c: {  	[tilespmem:s0+$0x20] =	vst v11;
	v11 =	vld.idx.msk [tilespmem:v5+s22+$0x0], $0xffff  }
0x20d: {  	[tilespmem:s0+$0x30] =	vst v51;
	v54 =	vld.idx.msk [tilespmem:v4+s22+$0x0], $0xffff  }
0x20e: {  	[tilespmem:s0+$0x40] =	vst v52;
	v55 =	vld.idx.msk [tilespmem:v3+s22+$0x0], $0xffff  }
0x20f: {  	[tilespmem:s0+$0x50] =	vst v53;
	v56 =	vld.idx.msk [tilespmem:v2+s22+$0x0], $0xffff  }
0x210: {  	[tilespmem:s0+$0x0] =	vst v9;
	v9 =	vld.idx.msk [tilespmem:v0+s21+$0x0], $0xffff  }
0x211: {  	[tilespmem:s0+$0x470] =	vst v8;
	v10 =	vld.idx.msk [tilespmem:v6+s22+$0x0], $0xffff  }
0x212: {  	[tilespmem:s0+$0x410] =	vst v11;
	v8 =	vld.idx.msk [tilespmem:v7+s23+$0x0], $0xffff  }
0x213: {  	[tilespmem:s0+$0x420] =	vst v54;
	v57 =	vld.idx.msk [tilespmem:v5+s23+$0x0], $0xffff  }
0x214: {  	[tilespmem:s0+$0x430] =	vst v55;
	v58 =	vld.idx.msk [tilespmem:v4+s23+$0x0], $0xffff  }
0x215: {  	[tilespmem:s0+$0x440] =	vst v56;
	v59 =	vld.idx.msk [tilespmem:v3+s23+$0x0], $0xffff  }
0x216: {  	[tilespmem:s0+$0x60] =	vst v9;
	v9 =	vld.idx.msk [tilespmem:v1+s22+$0x0], $0xffff  }
0x217: {  	[tilespmem:s0+$0x400] =	vst v10;
	v10 =	vld.idx.msk [tilespmem:v0+s22+$0x0], $0xffff  }
0x218: {  	[tilespmem:s0+$0x870] =	vst v8;
	v11 =	vld.idx.msk [tilespmem:v6+s23+$0x0], $0xffff  }
0x219: {  	[tilespmem:s0+$0x810] =	vst v57;
	v8 =	vld.idx.msk [tilespmem:v7+s24+$0x0], $0xffff  }
0x21a: {  	[tilespmem:s0+$0x820] =	vst v58;
	v61 =	vld.idx.msk [tilespmem:v5+s24+$0x0], $0xffff  }
0x21b: {  	v62 =	vld.idx.msk [tilespmem:v4+s24+$0x0], $0xffff;
	[tilespmem:s0+$0x450] =	vst v9  }
0x21c: {  	v9 =	vld.idx.msk [tilespmem:v2+s23+$0x0], $0xffff;
	[tilespmem:s0+$0x460] =	vst v10  }
0x21d: {  	v10 =	vld.idx.msk [tilespmem:v1+s23+$0x0], $0xffff;
	[tilespmem:s0+$0x800] =	vst v11  }
0x21e: {  	v11 =	vld.idx.msk [tilespmem:v0+s23+$0x0], $0xffff;
	[tilespmem:s0+$0xC70] =	vst v8  }
0x21f: {  	[tilespmem:s0+$0x830] =	vst v59;
	v8 =	vld.idx.msk [tilespmem:v7+s25+$0x0], $0xffff  }
0x220: {  	v60 =	vld.idx.msk [tilespmem:v6+s24+$0x0], $0xffff;
	[tilespmem:s0+$0xC10] =	vst v61  }
0x221: {  	v13 =	vld.idx.msk [tilespmem:v5+s25+$0x0], $0xffff;
	[tilespmem:s0+$0x840] =	vst v9  }
0x222: {  	[tilespmem:s0+$0x850] =	vst v10;
	v9 =	vld.idx.msk [tilespmem:v2+s24+$0x0], $0xffff  }
0x223: {  	[tilespmem:s0+$0xC20] =	vst v62;
	v10 =	vld.idx.msk [tilespmem:v1+s24+$0x0], $0xffff  }
0x224: {  	[tilespmem:s0+$0x1070] =	vst v8;
	v8 =	vld.idx.msk [tilespmem:v3+s24+$0x0], $0xffff  }
0x225: {  	[tilespmem:s0+$0x860] =	vst v11;
	v7 =	vld.idx.msk [tilespmem:v7+s26+$0x0], $0xffff  }
0x226: {  	[tilespmem:s0+$0xC00] =	vst v60;
	v11 =	vld.idx.msk [tilespmem:v0+s24+$0x0], $0xffff  }
0x227: {  	v12 =	vld.idx.msk [tilespmem:v6+s25+$0x0], $0xffff;
	[tilespmem:s0+$0xC40] =	vst v9  }
0x228: {  	v9 =	vld.idx.msk [tilespmem:v2+s25+$0x0], $0xffff;
	[tilespmem:s0+$0xC50] =	vst v10  }
0x229: {  	v10 =	vld.idx.msk [tilespmem:v1+s25+$0x0], $0xffff;
	[tilespmem:s0+$0xC30] =	vst v8  }
0x22a: {  	[tilespmem:s0+$0x1470] =	vst v7;
	v7 =	vld.idx.msk [tilespmem:v4+s25+$0x0], $0xffff  }
0x22b: {  	[tilespmem:s0+$0xC60] =	vst v11;
	v63 =	vld.idx.msk [tilespmem:v3+s25+$0x0], $0xffff  }
0x22c: {  	[tilespmem:s0+$0x1000] =	vst v12;
	v11 =	vld.idx.msk [tilespmem:v0+s25+$0x0], $0xffff  }
0x22d: {  	[tilespmem:s0+$0x1010] =	vst v13;
	v12 =	vld.idx.msk [tilespmem:v6+s26+$0x0], $0xffff  }
0x22e: {  	v6 =	vld.idx.msk [tilespmem:v5+s26+$0x0], $0xffff;
	[tilespmem:s0+$0x1050] =	vst v10  }
0x22f: {  	v5 =	vld.idx.msk [tilespmem:v1+s26+$0x0], $0xffff;
	[tilespmem:s0+$0x1020] =	vst v7  }
0x230: {  	[tilespmem:s0+$0x1030] =	vst v63;
	v8 =	vld.idx.msk [tilespmem:v4+s26+$0x0], $0xffff  }
0x231: {  	[tilespmem:s0+$0x1040] =	vst v9;
	v3 =	vld.idx.msk [tilespmem:v3+s26+$0x0], $0xffff  }
0x232: {  	[tilespmem:s0+$0x1060] =	vst v11;
	v4 =	vld.idx.msk [tilespmem:v2+s26+$0x0], $0xffff  }
0x233: {  	s3 =	simm.s32 $0x38F0;
	s15 =	simm.s32 $0x0;
	[tilespmem:s0+$0x1400] =	vst v12;
	v1 =	vld.idx.msk [tilespmem:v0+s26+$0x0], $0xffff  }
.LBB2_6:
0x234: {  	v7 =	vld [tilespmem:s3+$0x0];
	s15 =	sadd.s32 $0x8, s15;
	[tilespmem:s0+$0x1410] =	vst v6  }
0x235: {  	v0 =	vld [tilespmem:s3+$0xFFFFFFA0];
	p0 =	slt.u32 s15, $0x38;
	[tilespmem:s0+$0x1420] =	vst v8  }
0x236: {  	v2 =	vld [tilespmem:s3+$0xFFFFFFB0];
	[tilespmem:s0+$0x1430] =	vst v3  }
0x237: {  	v3 =	vld [tilespmem:s3+$0xFFFFFFC0];
	[tilespmem:s0+$0x1440] =	vst v4  }
0x238: {  	v4 =	vld [tilespmem:s3+$0xFFFFFFD0];
	[tilespmem:s0+$0x1450] =	vst v5  }
0x239: {  	v5 =	vld [tilespmem:s3+$0xFFFFFFE0];
	[tilespmem:s0+$0x1460] =	vst v1  }
0x23a: {  	v1 =	vld [tilespmem:s3+$0xFFFFFFF0]  }
0x23b: {  	v6 =	vld [tilespmem:s3+$0xFFFFFF90]  }
0x23c: {  	v8 =	vld.idx.msk [tilespmem:v7+s2+$0x0], $0xffff  }
0x23d: {  	v9 =	vld.idx.msk [tilespmem:v0+s2+$0x0], $0xffff  }
0x23e: {  	v10 =	vld.idx.msk [tilespmem:v2+s2+$0x0], $0xffff  }
0x23f: {  	v11 =	vld.idx.msk [tilespmem:v3+s2+$0x0], $0xffff  }
0x240: {  	v12 =	vld.idx.msk [tilespmem:v4+s2+$0x0], $0xffff  }
0x241: {  	s0 =	sadd.s32 $0x80, s0;
	v13 =	vld.idx.msk [tilespmem:v5+s2+$0x0], $0xffff  }
0x242: {  	v14 =	vld.idx.msk [tilespmem:v1+s2+$0x0], $0xffff;
	[tilespmem:s0+$0xFFFFE870] =	vst v8  }
0x243: {  	[tilespmem:s0+$0xFFFFE810] =	vst v9;
	v8 =	vld.idx.msk [tilespmem:v7+s16+$0x0], $0xffff  }
0x244: {  	v9 =	vld.idx.msk [tilespmem:v6+s2+$0x0], $0xffff;
	[tilespmem:s0+$0xFFFFE820] =	vst v10  }
0x245: {  	v10 =	vld.idx.msk [tilespmem:v0+s16+$0x0], $0xffff;
	[tilespmem:s0+$0xFFFFE830] =	vst v11  }
0x246: {  	v11 =	vld.idx.msk [tilespmem:v2+s16+$0x0], $0xffff;
	[tilespmem:s0+$0xFFFFE840] =	vst v12  }
0x247: {  	v12 =	vld.idx.msk [tilespmem:v3+s16+$0x0], $0xffff;
	[tilespmem:s0+$0xFFFFE850] =	vst v13  }
0x248: {  	v13 =	vld.idx.msk [tilespmem:v4+s16+$0x0], $0xffff;
	[tilespmem:s0+$0xFFFFE860] =	vst v14  }
0x249: {  	v14 =	vld.idx.msk [tilespmem:v5+s16+$0x0], $0xffff;
	[tilespmem:s0+$0xFFFFEC70] =	vst v8  }
0x24a: {  	[tilespmem:s0+$0xFFFFE800] =	vst v9;
	v8 =	vld.idx.msk [tilespmem:v7+s17+$0x0], $0xffff  }
0x24b: {  	v9 =	vld.idx.msk [tilespmem:v6+s16+$0x0], $0xffff;
	[tilespmem:s0+$0xFFFFEC10] =	vst v10  }
0x24c: {  	[tilespmem:s0+$0xFFFFEC20] =	vst v11;
	v10 =	vld.idx.msk [tilespmem:v1+s16+$0x0], $0xffff  }
0x24d: {  	v11 =	vld.idx.msk [tilespmem:v0+s17+$0x0], $0xffff;
	[tilespmem:s0+$0xFFFFEC30] =	vst v12  }
0x24e: {  	v12 =	vld.idx.msk [tilespmem:v2+s17+$0x0], $0xffff;
	[tilespmem:s0+$0xFFFFEC40] =	vst v13  }
0x24f: {  	v13 =	vld.idx.msk [tilespmem:v3+s17+$0x0], $0xffff;
	[tilespmem:s0+$0xFFFFEC50] =	vst v14  }
0x250: {  	v14 =	vld.idx.msk [tilespmem:v4+s17+$0x0], $0xffff;
	[tilespmem:s0+$0xFFFFF070] =	vst v8  }
0x251: {  	[tilespmem:s0+$0xFFFFEC00] =	vst v9;
	v8 =	vld.idx.msk [tilespmem:v7+s18+$0x0], $0xffff  }
0x252: {  	v9 =	vld.idx.msk [tilespmem:v6+s17+$0x0], $0xffff;
	[tilespmem:s0+$0xFFFFEC60] =	vst v10  }
0x253: {  	[tilespmem:s0+$0xFFFFF010] =	vst v11;
	v10 =	vld.idx.msk [tilespmem:v5+s17+$0x0], $0xffff  }
0x254: {  	[tilespmem:s0+$0xFFFFF020] =	vst v12;
	v11 =	vld.idx.msk [tilespmem:v1+s17+$0x0], $0xffff  }
0x255: {  	v12 =	vld.idx.msk [tilespmem:v0+s18+$0x0], $0xffff;
	[tilespmem:s0+$0xFFFFF030] =	vst v13  }
0x256: {  	v13 =	vld.idx.msk [tilespmem:v2+s18+$0x0], $0xffff;
	[tilespmem:s0+$0xFFFFF040] =	vst v14  }
0x257: {  	v14 =	vld.idx.msk [tilespmem:v3+s18+$0x0], $0xffff;
	[tilespmem:s0+$0xFFFFF470] =	vst v8  }
0x258: {  	[tilespmem:s0+$0xFFFFF000] =	vst v9;
	v8 =	vld.idx.msk [tilespmem:v7+s19+$0x0], $0xffff  }
0x259: {  	v9 =	vld.idx.msk [tilespmem:v6+s18+$0x0], $0xffff;
	[tilespmem:s0+$0xFFFFF050] =	vst v10  }
0x25a: {  	v10 =	vld.idx.msk [tilespmem:v4+s18+$0x0], $0xffff;
	[tilespmem:s0+$0xFFFFF060] =	vst v11  }
0x25b: {  	[tilespmem:s0+$0xFFFFF410] =	vst v12;
	v11 =	vld.idx.msk [tilespmem:v5+s18+$0x0], $0xffff  }
0x25c: {  	[tilespmem:s0+$0xFFFFF420] =	vst v13;
	v12 =	vld.idx.msk [tilespmem:v1+s18+$0x0], $0xffff  }
0x25d: {  	v13 =	vld.idx.msk [tilespmem:v0+s19+$0x0], $0xffff;
	[tilespmem:s0+$0xFFFFF430] =	vst v14  }
0x25e: {  	v14 =	vld.idx.msk [tilespmem:v2+s19+$0x0], $0xffff;
	[tilespmem:s0+$0xFFFFF870] =	vst v8  }
0x25f: {  	[tilespmem:s0+$0xFFFFF400] =	vst v9;
	v8 =	vld.idx.msk [tilespmem:v7+s20+$0x0], $0xffff  }
0x260: {  	v9 =	vld.idx.msk [tilespmem:v6+s19+$0x0], $0xffff;
	[tilespmem:s0+$0xFFFFF440] =	vst v10  }
0x261: {  	v10 =	vld.idx.msk [tilespmem:v3+s19+$0x0], $0xffff;
	[tilespmem:s0+$0xFFFFF450] =	vst v11  }
0x262: {  	v11 =	vld.idx.msk [tilespmem:v4+s19+$0x0], $0xffff;
	[tilespmem:s0+$0xFFFFF460] =	vst v12  }
0x263: {  	[tilespmem:s0+$0xFFFFF810] =	vst v13;
	v12 =	vld.idx.msk [tilespmem:v5+s19+$0x0], $0xffff  }
0x264: {  	[tilespmem:s0+$0xFFFFF820] =	vst v14;
	v13 =	vld.idx.msk [tilespmem:v1+s19+$0x0], $0xffff  }
0x265: {  	v14 =	vld.idx.msk [tilespmem:v0+s20+$0x0], $0xffff;
	[tilespmem:s0+$0xFFFFFC70] =	vst v8  }
0x266: {  	[tilespmem:s0+$0xFFFFF800] =	vst v9;
	v8 =	vld.idx.msk [tilespmem:v7+s21+$0x0], $0xffff  }
0x267: {  	v9 =	vld.idx.msk [tilespmem:v6+s20+$0x0], $0xffff;
	[tilespmem:s0+$0xFFFFF830] =	vst v10  }
0x268: {  	v10 =	vld.idx.msk [tilespmem:v2+s20+$0x0], $0xffff;
	[tilespmem:s0+$0xFFFFF840] =	vst v11  }
0x269: {  	v11 =	vld.idx.msk [tilespmem:v3+s20+$0x0], $0xffff;
	[tilespmem:s0+$0xFFFFF850] =	vst v12  }
0x26a: {  	v12 =	vld.idx.msk [tilespmem:v4+s20+$0x0], $0xffff;
	[tilespmem:s0+$0xFFFFF860] =	vst v13  }
0x26b: {  	[tilespmem:s0+$0xFFFFFC10] =	vst v14;
	v13 =	vld.idx.msk [tilespmem:v5+s20+$0x0], $0xffff  }
0x26c: {  	v14 =	vld.idx.msk [tilespmem:v1+s20+$0x0], $0xffff;
	[tilespmem:s0+$0x70] =	vst v8  }
0x26d: {  	[tilespmem:s0+$0xFFFFFC00] =	vst v9;
	v8 =	vld.idx.msk [tilespmem:v7+s22+$0x0], $0xffff  }
0x26e: {  	v9 =	vld.idx.msk [tilespmem:v6+s21+$0x0], $0xffff;
	[tilespmem:s0+$0xFFFFFC20] =	vst v10  }
0x26f: {  	v10 =	vld.idx.msk [tilespmem:v0+s21+$0x0], $0xffff;
	[tilespmem:s0+$0xFFFFFC30] =	vst v11  }
0x270: {  	v11 =	vld.idx.msk [tilespmem:v2+s21+$0x0], $0xffff;
	[tilespmem:s0+$0xFFFFFC40] =	vst v12  }
0x271: {  	v12 =	vld.idx.msk [tilespmem:v3+s21+$0x0], $0xffff;
	[tilespmem:s0+$0xFFFFFC50] =	vst v13  }
0x272: {  	v13 =	vld.idx.msk [tilespmem:v4+s21+$0x0], $0xffff;
	[tilespmem:s0+$0xFFFFFC60] =	vst v14  }
0x273: {  	v14 =	vld.idx.msk [tilespmem:v5+s21+$0x0], $0xffff;
	[tilespmem:s0+$0x470] =	vst v8  }
0x274: {  	[tilespmem:s0+$0x0] =	vst v9;
	v8 =	vld.idx.msk [tilespmem:v7+s23+$0x0], $0xffff  }
0x275: {  	[tilespmem:s0+$0x10] =	vst v10;
	v9 =	vld.idx.msk [tilespmem:v1+s21+$0x0], $0xffff  }
0x276: {  	v10 =	vld.idx.msk [tilespmem:v6+s22+$0x0], $0xffff;
	[tilespmem:s0+$0x20] =	vst v11  }
0x277: {  	v11 =	vld.idx.msk [tilespmem:v0+s22+$0x0], $0xffff;
	[tilespmem:s0+$0x30] =	vst v12  }
0x278: {  	v12 =	vld.idx.msk [tilespmem:v2+s22+$0x0], $0xffff;
	[tilespmem:s0+$0x40] =	vst v13  }
0x279: {  	v13 =	vld.idx.msk [tilespmem:v3+s22+$0x0], $0xffff;
	[tilespmem:s0+$0x50] =	vst v14  }
0x27a: {  	v14 =	vld.idx.msk [tilespmem:v4+s22+$0x0], $0xffff;
	[tilespmem:s0+$0x870] =	vst v8  }
0x27b: {  	[tilespmem:s0+$0x60] =	vst v9;
	v8 =	vld.idx.msk [tilespmem:v7+s24+$0x0], $0xffff  }
0x27c: {  	[tilespmem:s0+$0x400] =	vst v10;
	v9 =	vld.idx.msk [tilespmem:v5+s22+$0x0], $0xffff  }
0x27d: {  	[tilespmem:s0+$0x410] =	vst v11;
	v10 =	vld.idx.msk [tilespmem:v1+s22+$0x0], $0xffff  }
0x27e: {  	v11 =	vld.idx.msk [tilespmem:v6+s23+$0x0], $0xffff;
	[tilespmem:s0+$0x420] =	vst v12  }
0x27f: {  	v12 =	vld.idx.msk [tilespmem:v0+s23+$0x0], $0xffff;
	[tilespmem:s0+$0x430] =	vst v13  }
0x280: {  	v13 =	vld.idx.msk [tilespmem:v2+s23+$0x0], $0xffff;
	[tilespmem:s0+$0x440] =	vst v14  }
0x281: {  	v14 =	vld.idx.msk [tilespmem:v3+s23+$0x0], $0xffff;
	[tilespmem:s0+$0xC70] =	vst v8  }
0x282: {  	[tilespmem:s0+$0x450] =	vst v9;
	v8 =	vld.idx.msk [tilespmem:v7+s25+$0x0], $0xffff  }
0x283: {  	v9 =	vld.idx.msk [tilespmem:v4+s23+$0x0], $0xffff;
	[tilespmem:s0+$0x460] =	vst v10  }
0x284: {  	[tilespmem:s0+$0x800] =	vst v11;
	v10 =	vld.idx.msk [tilespmem:v5+s23+$0x0], $0xffff  }
0x285: {  	[tilespmem:s0+$0x810] =	vst v12;
	v11 =	vld.idx.msk [tilespmem:v1+s23+$0x0], $0xffff  }
0x286: {  	v12 =	vld.idx.msk [tilespmem:v6+s24+$0x0], $0xffff;
	[tilespmem:s0+$0x820] =	vst v13  }
0x287: {  	v13 =	vld.idx.msk [tilespmem:v0+s24+$0x0], $0xffff;
	[tilespmem:s0+$0x830] =	vst v14  }
0x288: {  	v14 =	vld.idx.msk [tilespmem:v2+s24+$0x0], $0xffff;
	[tilespmem:s0+$0x1070] =	vst v8  }
0x289: {  	[tilespmem:s0+$0x840] =	vst v9;
	v7 =	vld.idx.msk [tilespmem:v7+s26+$0x0], $0xffff  }
0x28a: {  	v8 =	vld.idx.msk [tilespmem:v3+s24+$0x0], $0xffff;
	[tilespmem:s0+$0x850] =	vst v10  }
0x28b: {  	v9 =	vld.idx.msk [tilespmem:v4+s24+$0x0], $0xffff;
	[tilespmem:s0+$0x860] =	vst v11  }
0x28c: {  	[tilespmem:s0+$0xC00] =	vst v12;
	v10 =	vld.idx.msk [tilespmem:v5+s24+$0x0], $0xffff  }
0x28d: {  	[tilespmem:s0+$0xC10] =	vst v13;
	v11 =	vld.idx.msk [tilespmem:v1+s24+$0x0], $0xffff  }
0x28e: {  	v12 =	vld.idx.msk [tilespmem:v6+s25+$0x0], $0xffff;
	[tilespmem:s0+$0xC20] =	vst v14  }
0x28f: {  	v13 =	vld.idx.msk [tilespmem:v0+s25+$0x0], $0xffff;
	[tilespmem:s0+$0x1470] =	vst v7  }
0x290: {  	v7 =	vld.idx.msk [tilespmem:v2+s25+$0x0], $0xffff;
	[tilespmem:s0+$0xC30] =	vst v8  }
0x291: {  	v14 =	vld.idx.msk [tilespmem:v3+s25+$0x0], $0xffff;
	[tilespmem:s0+$0xC40] =	vst v9  }
0x292: {  	v9 =	vld.idx.msk [tilespmem:v4+s25+$0x0], $0xffff;
	[tilespmem:s0+$0xC50] =	vst v10  }
0x293: {  	v10 =	vld.idx.msk [tilespmem:v5+s25+$0x0], $0xffff;
	[tilespmem:s0+$0xC60] =	vst v11  }
0x294: {  	[tilespmem:s0+$0x1000] =	vst v12;
	v11 =	vld.idx.msk [tilespmem:v1+s25+$0x0], $0xffff  }
0x295: {  	v12 =	vld.idx.msk [tilespmem:v6+s26+$0x0], $0xffff;
	[tilespmem:s0+$0x1010] =	vst v13  }
0x296: {  	v6 =	vld.idx.msk [tilespmem:v0+s26+$0x0], $0xffff;
	[tilespmem:s0+$0x1020] =	vst v7  }
.Ltmp2:
0x297: {  	v8 =	vld.idx.msk [tilespmem:v2+s26+$0x0], $0xffff;
	[tilespmem:s0+$0x1030] =	vst v14;
	(pc) =	sbr.rel @p0 .LBB2_6-.Ltmp2, $4  }
0x298: {  	v3 =	vld.idx.msk [tilespmem:v3+s26+$0x0], $0xffff;
	[tilespmem:s0+$0x1040] =	vst v9  }
0x299: {  	v4 =	vld.idx.msk [tilespmem:v4+s26+$0x0], $0xffff;
	[tilespmem:s0+$0x1050] =	vst v10  }
0x29a: {  	v5 =	vld.idx.msk [tilespmem:v5+s26+$0x0], $0xffff;
	[tilespmem:s0+$0x1060] =	vst v11  }
0x29b: {  	s3 =	sadd.s32 $0x80, s3;
	[tilespmem:s0+$0x1400] =	vst v12;
	v1 =	vld.idx.msk [tilespmem:v1+s26+$0x0], $0xffff  }
0x29c: {  	[tilespmem:s0+$0x1410] =	vst v6  }
0x29d: {  	[tilespmem:s0+$0x1420] =	vst v8  }
0x29e: {  	[tilespmem:s0+$0x1430] =	vst v3  }
0x29f: {  	[tilespmem:s0+$0x1440] =	vst v4  }
0x2a0: {  	[tilespmem:s0+$0x1450] =	vst v5  }
0x2a1: {  	s15 =	simm.s32 $0x0;
	[tilespmem:s0+$0x1460] =	vst v1  }
0x2a2: {  	[hbm4b:s7+s15] =	stream.linear.scatter [tilespmem:s28], [sflag:$0x1], $0x3000, $0x38;
	[tilespmem:$0xB000] =	vst v63  }
0x2a3: {  	_ =	swait.ge [sflag:s31], $0x3000  }
0x2a4: {  	[sflag:s31] =	ssyncset.done $0x0  }
0x2a5: {  	s0 =	simm.s32 $0x0;
	[sflag:s31] =	ssyncadd.s32 $0xFFFFD000  }
0x2a6: {  	v7 =	vld [tilespmem:s0+$0x3C70]  }
0x2a7: {  	v6 =	vld [tilespmem:s0+$0x3C00]  }
0x2a8: {  	v5 =	vld [tilespmem:s0+$0x3C10]  }
0x2a9: {  	v4 =	vld [tilespmem:s0+$0x3C20]  }
0x2aa: {  	v3 =	vld [tilespmem:s0+$0x3C30]  }
0x2ab: {  	v2 =	vld [tilespmem:s0+$0x3C40]  }
0x2ac: {  	v1 =	vld [tilespmem:s0+$0x3C50]  }
0x2ad: {  	v0 =	vld [tilespmem:s0+$0x3C60]  }
0x2ae: {  	v8 =	vld.idx.msk [tilespmem:v7+s2+$0x0], $0xffff  }
0x2af: {  	v9 =	vld.idx.msk [tilespmem:v6+s2+$0x0], $0xffff  }
0x2b0: {  	v10 =	vld.idx.msk [tilespmem:v5+s2+$0x0], $0xffff  }
0x2b1: {  	v11 =	vld.idx.msk [tilespmem:v4+s2+$0x0], $0xffff  }
0x2b2: {  	v12 =	vld.idx.msk [tilespmem:v3+s2+$0x0], $0xffff  }
0x2b3: {  	v13 =	vld.idx.msk [tilespmem:v2+s2+$0x0], $0xffff  }
0x2b4: {  	v14 =	vld.idx.msk [tilespmem:v1+s2+$0x0], $0xffff;
	[tilespmem:s0+$0x8070] =	vst v8  }
0x2b5: {  	[tilespmem:s0+$0x8000] =	vst v9;
	v9 =	vld.idx.msk [tilespmem:v0+s2+$0x0], $0xffff  }
0x2b6: {  	[tilespmem:s0+$0x8010] =	vst v10;
	v8 =	vld.idx.msk [tilespmem:v7+s16+$0x0], $0xffff  }
0x2b7: {  	[tilespmem:s0+$0x8020] =	vst v11;
	v10 =	vld.idx.msk [tilespmem:v6+s16+$0x0], $0xffff  }
0x2b8: {  	[tilespmem:s0+$0x8030] =	vst v12;
	v11 =	vld.idx.msk [tilespmem:v5+s16+$0x0], $0xffff  }
0x2b9: {  	[tilespmem:s0+$0x8040] =	vst v13;
	v34 =	vld.idx.msk [tilespmem:v4+s16+$0x0], $0xffff  }
0x2ba: {  	[tilespmem:s0+$0x8050] =	vst v14;
	v35 =	vld.idx.msk [tilespmem:v3+s16+$0x0], $0xffff  }
0x2bb: {  	v36 =	vld.idx.msk [tilespmem:v2+s16+$0x0], $0xffff;
	[tilespmem:s0+$0x8060] =	vst v9  }
0x2bc: {  	v9 =	vld.idx.msk [tilespmem:v1+s16+$0x0], $0xffff;
	[tilespmem:s0+$0x8470] =	vst v8  }
0x2bd: {  	[tilespmem:s0+$0x8400] =	vst v10;
	v10 =	vld.idx.msk [tilespmem:v0+s16+$0x0], $0xffff  }
0x2be: {  	[tilespmem:s0+$0x8410] =	vst v11;
	v8 =	vld.idx.msk [tilespmem:v7+s17+$0x0], $0xffff  }
0x2bf: {  	[tilespmem:s0+$0x8420] =	vst v34;
	v11 =	vld.idx.msk [tilespmem:v6+s17+$0x0], $0xffff  }
0x2c0: {  	[tilespmem:s0+$0x8430] =	vst v35;
	v37 =	vld.idx.msk [tilespmem:v5+s17+$0x0], $0xffff  }
0x2c1: {  	[tilespmem:s0+$0x8440] =	vst v36;
	v38 =	vld.idx.msk [tilespmem:v4+s17+$0x0], $0xffff  }
0x2c2: {  	v39 =	vld.idx.msk [tilespmem:v3+s17+$0x0], $0xffff;
	[tilespmem:s0+$0x8450] =	vst v9  }
0x2c3: {  	v9 =	vld.idx.msk [tilespmem:v2+s17+$0x0], $0xffff;
	[tilespmem:s0+$0x8460] =	vst v10  }
0x2c4: {  	v10 =	vld.idx.msk [tilespmem:v1+s17+$0x0], $0xffff;
	[tilespmem:s0+$0x8870] =	vst v8  }
0x2c5: {  	[tilespmem:s0+$0x8800] =	vst v11;
	v11 =	vld.idx.msk [tilespmem:v0+s17+$0x0], $0xffff  }
0x2c6: {  	[tilespmem:s0+$0x8810] =	vst v37;
	v8 =	vld.idx.msk [tilespmem:v7+s18+$0x0], $0xffff  }
0x2c7: {  	[tilespmem:s0+$0x8820] =	vst v38;
	v40 =	vld.idx.msk [tilespmem:v6+s18+$0x0], $0xffff  }
0x2c8: {  	[tilespmem:s0+$0x8830] =	vst v39;
	v41 =	vld.idx.msk [tilespmem:v5+s18+$0x0], $0xffff  }
0x2c9: {  	v42 =	vld.idx.msk [tilespmem:v4+s18+$0x0], $0xffff;
	[tilespmem:s0+$0x8840] =	vst v9  }
0x2ca: {  	v9 =	vld.idx.msk [tilespmem:v3+s18+$0x0], $0xffff;
	[tilespmem:s0+$0x8850] =	vst v10  }
0x2cb: {  	v10 =	vld.idx.msk [tilespmem:v2+s18+$0x0], $0xffff;
	[tilespmem:s0+$0x8860] =	vst v11  }
0x2cc: {  	v11 =	vld.idx.msk [tilespmem:v1+s18+$0x0], $0xffff;
	[tilespmem:s0+$0x8C70] =	vst v8  }
0x2cd: {  	[tilespmem:s0+$0x8C00] =	vst v40;
	v43 =	vld.idx.msk [tilespmem:v0+s18+$0x0], $0xffff  }
0x2ce: {  	[tilespmem:s0+$0x8C10] =	vst v41;
	v8 =	vld.idx.msk [tilespmem:v7+s19+$0x0], $0xffff  }
0x2cf: {  	[tilespmem:s0+$0x8C20] =	vst v42;
	v44 =	vld.idx.msk [tilespmem:v6+s19+$0x0], $0xffff  }
0x2d0: {  	v45 =	vld.idx.msk [tilespmem:v5+s19+$0x0], $0xffff;
	[tilespmem:s0+$0x8C30] =	vst v9  }
0x2d1: {  	v9 =	vld.idx.msk [tilespmem:v4+s19+$0x0], $0xffff;
	[tilespmem:s0+$0x8C40] =	vst v10  }
0x2d2: {  	v10 =	vld.idx.msk [tilespmem:v3+s19+$0x0], $0xffff;
	[tilespmem:s0+$0x8C50] =	vst v11  }
0x2d3: {  	v11 =	vld.idx.msk [tilespmem:v2+s19+$0x0], $0xffff;
	[tilespmem:s0+$0x8C60] =	vst v43  }
0x2d4: {  	v46 =	vld.idx.msk [tilespmem:v1+s19+$0x0], $0xffff;
	[tilespmem:s0+$0x9070] =	vst v8  }
0x2d5: {  	[tilespmem:s0+$0x9000] =	vst v44;
	v47 =	vld.idx.msk [tilespmem:v0+s19+$0x0], $0xffff  }
0x2d6: {  	[tilespmem:s0+$0x9010] =	vst v45;
	v8 =	vld.idx.msk [tilespmem:v7+s20+$0x0], $0xffff  }
0x2d7: {  	v48 =	vld.idx.msk [tilespmem:v6+s20+$0x0], $0xffff;
	[tilespmem:s0+$0x9020] =	vst v9  }
0x2d8: {  	v9 =	vld.idx.msk [tilespmem:v5+s20+$0x0], $0xffff;
	[tilespmem:s0+$0x9030] =	vst v10  }
0x2d9: {  	v10 =	vld.idx.msk [tilespmem:v4+s20+$0x0], $0xffff;
	[tilespmem:s0+$0x9040] =	vst v11  }
0x2da: {  	v11 =	vld.idx.msk [tilespmem:v3+s20+$0x0], $0xffff;
	[tilespmem:s0+$0x9050] =	vst v46  }
0x2db: {  	v49 =	vld.idx.msk [tilespmem:v2+s20+$0x0], $0xffff;
	[tilespmem:s0+$0x9060] =	vst v47  }
0x2dc: {  	v50 =	vld.idx.msk [tilespmem:v1+s20+$0x0], $0xffff;
	[tilespmem:s0+$0x9470] =	vst v8  }
0x2dd: {  	[tilespmem:s0+$0x9400] =	vst v48;
	v51 =	vld.idx.msk [tilespmem:v0+s20+$0x0], $0xffff  }
0x2de: {  	[tilespmem:s0+$0x9410] =	vst v9;
	v8 =	vld.idx.msk [tilespmem:v7+s21+$0x0], $0xffff  }
0x2df: {  	v9 =	vld.idx.msk [tilespmem:v6+s21+$0x0], $0xffff;
	[tilespmem:s0+$0x9420] =	vst v10  }
0x2e0: {  	v10 =	vld.idx.msk [tilespmem:v5+s21+$0x0], $0xffff;
	[tilespmem:s0+$0x9430] =	vst v11  }
0x2e1: {  	v11 =	vld.idx.msk [tilespmem:v4+s21+$0x0], $0xffff;
	[tilespmem:s0+$0x9440] =	vst v49  }
0x2e2: {  	v52 =	vld.idx.msk [tilespmem:v3+s21+$0x0], $0xffff;
	[tilespmem:s0+$0x9450] =	vst v50  }
0x2e3: {  	v53 =	vld.idx.msk [tilespmem:v2+s21+$0x0], $0xffff;
	[tilespmem:s0+$0x9460] =	vst v51  }
0x2e4: {  	v54 =	vld.idx.msk [tilespmem:v1+s21+$0x0], $0xffff;
	[tilespmem:s0+$0x9870] =	vst v8  }
0x2e5: {  	[tilespmem:s0+$0x9800] =	vst v9;
	v9 =	vld.idx.msk [tilespmem:v0+s21+$0x0], $0xffff  }
0x2e6: {  	[tilespmem:s0+$0x9810] =	vst v10;
	v8 =	vld.idx.msk [tilespmem:v7+s22+$0x0], $0xffff  }
0x2e7: {  	v10 =	vld.idx.msk [tilespmem:v6+s22+$0x0], $0xffff;
	[tilespmem:s0+$0x9820] =	vst v11  }
0x2e8: {  	v11 =	vld.idx.msk [tilespmem:v5+s22+$0x0], $0xffff;
	[tilespmem:s0+$0x9830] =	vst v52  }
0x2e9: {  	v55 =	vld.idx.msk [tilespmem:v4+s22+$0x0], $0xffff;
	[tilespmem:s0+$0x9840] =	vst v53  }
0x2ea: {  	v56 =	vld.idx.msk [tilespmem:v3+s22+$0x0], $0xffff;
	[tilespmem:s0+$0x9850] =	vst v54  }
0x2eb: {  	v57 =	vld.idx.msk [tilespmem:v2+s22+$0x0], $0xffff;
	[tilespmem:s0+$0x9860] =	vst v9  }
0x2ec: {  	v9 =	vld.idx.msk [tilespmem:v1+s22+$0x0], $0xffff;
	[tilespmem:s0+$0x9C70] =	vst v8  }
0x2ed: {  	[tilespmem:s0+$0x9C00] =	vst v10;
	v10 =	vld.idx.msk [tilespmem:v0+s22+$0x0], $0xffff  }
0x2ee: {  	[tilespmem:s0+$0x9C10] =	vst v11;
	v8 =	vld.idx.msk [tilespmem:v7+s23+$0x0], $0xffff  }
0x2ef: {  	v11 =	vld.idx.msk [tilespmem:v6+s23+$0x0], $0xffff;
	[tilespmem:s0+$0x9C20] =	vst v55  }
0x2f0: {  	v58 =	vld.idx.msk [tilespmem:v5+s23+$0x0], $0xffff;
	[tilespmem:s0+$0x9C30] =	vst v56  }
0x2f1: {  	v59 =	vld.idx.msk [tilespmem:v4+s23+$0x0], $0xffff;
	[tilespmem:s0+$0x9C40] =	vst v57  }
0x2f2: {  	v60 =	vld.idx.msk [tilespmem:v3+s23+$0x0], $0xffff;
	[tilespmem:s0+$0x9C50] =	vst v9  }
0x2f3: {  	v9 =	vld.idx.msk [tilespmem:v2+s23+$0x0], $0xffff;
	[tilespmem:s0+$0xA070] =	vst v8  }
0x2f4: {  	[tilespmem:s0+$0x9C60] =	vst v10;
	v8 =	vld.idx.msk [tilespmem:v7+s24+$0x0], $0xffff  }
0x2f5: {  	v10 =	vld.idx.msk [tilespmem:v1+s23+$0x0], $0xffff;
	[tilespmem:s0+$0xA000] =	vst v11  }
0x2f6: {  	[tilespmem:s0+$0xA010] =	vst v58;
	v11 =	vld.idx.msk [tilespmem:v0+s23+$0x0], $0xffff  }
0x2f7: {  	v61 =	vld.idx.msk [tilespmem:v6+s24+$0x0], $0xffff;
	[tilespmem:s0+$0xA020] =	vst v59  }
0x2f8: {  	v62 =	vld.idx.msk [tilespmem:v5+s24+$0x0], $0xffff;
	[tilespmem:s0+$0xA030] =	vst v60  }
0x2f9: {  	v63 =	vld.idx.msk [tilespmem:v4+s24+$0x0], $0xffff;
	[tilespmem:s0+$0xA470] =	vst v8  }
0x2fa: {  	[tilespmem:s0+$0xA040] =	vst v9;
	v8 =	vld.idx.msk [tilespmem:v7+s25+$0x0], $0xffff  }
0x2fb: {  	[tilespmem:s0+$0xA050] =	vst v10;
	v9 =	vld.idx.msk [tilespmem:v2+s24+$0x0], $0xffff  }
0x2fc: {  	[tilespmem:s0+$0xA060] =	vst v11;
	v10 =	vld.idx.msk [tilespmem:v1+s24+$0x0], $0xffff  }
0x2fd: {  	[tilespmem:s0+$0xA400] =	vst v61;
	v11 =	vld.idx.msk [tilespmem:v0+s24+$0x0], $0xffff  }
0x2fe: {  	[tilespmem:s0+$0xA410] =	vst v62;
	v12 =	vld.idx.msk [tilespmem:v6+s25+$0x0], $0xffff  }
0x2ff: {  	[tilespmem:s0+$0xA870] =	vst v8;
	v8 =	vld.idx.msk [tilespmem:v3+s24+$0x0], $0xffff  }
0x300: {  	[tilespmem:s0+$0xA420] =	vst v63;
	v13 =	vld.idx.msk [tilespmem:v5+s25+$0x0], $0xffff  }
0x301: {  	v14 =	vld.idx.msk [tilespmem:v4+s25+$0x0], $0xffff;
	[tilespmem:s0+$0xA440] =	vst v9  }
0x302: {  	v16 =	vld.idx.msk [tilespmem:v2+s25+$0x0], $0xffff;
	[tilespmem:s0+$0xA450] =	vst v10  }
0x303: {  	[tilespmem:s0+$0xA460] =	vst v11;
	v7 =	vld.idx.msk [tilespmem:v7+s26+$0x0], $0xffff  }
0x304: {  	v10 =	vld.idx.msk [tilespmem:v1+s25+$0x0], $0xffff;
	[tilespmem:s0+$0xA430] =	vst v8  }
0x305: {  	[tilespmem:s0+$0xA800] =	vst v12;
	v15 =	vld.idx.msk [tilespmem:v3+s25+$0x0], $0xffff  }
0x306: {  	v11 =	vld.idx.msk [tilespmem:v0+s25+$0x0], $0xffff;
	[tilespmem:s0+$0xA820] =	vst v14  }
0x307: {  	[tilespmem:s0+$0xA810] =	vst v13;
	v9 =	vld.idx.msk [tilespmem:v4+s26+$0x0], $0xffff  }
0x308: {  	[tilespmem:s0+$0xAC70] =	vst v7;
	v7 =	vld.idx.msk [tilespmem:v6+s26+$0x0], $0xffff  }
0x309: {  	[tilespmem:s0+$0xA840] =	vst v16;
	v8 =	vld.idx.msk [tilespmem:v5+s26+$0x0], $0xffff  }
0x30a: {  	v4 =	vld.idx.msk [tilespmem:v2+s26+$0x0], $0xffff;
	[tilespmem:s0+$0xA830] =	vst v15  }
0x30b: {  	[tilespmem:s0+$0xA850] =	vst v10;
	v3 =	vld.idx.msk [tilespmem:v3+s26+$0x0], $0xffff  }
0x30c: {  	s3 =	simm.s32 $0x200;
	s15 =	simm.s32 $0x0;
	v5 =	vld.idx.msk [tilespmem:v1+s26+$0x0], $0xffff;
	[tilespmem:s0+$0xA860] =	vst v11  }
.LBB2_8:
0x30d: {  	s5 =	sshra.s32 s3, $0x2;
	s15 =	sadd.s32 $0x8, s15;
	[tilespmem:s0+$0xAC00] =	vst v7;
	v0 =	vld.idx.msk [tilespmem:v0+s26+$0x0], $0xffff  }
0x30e: {  	v7 =	vld [tilespmem:s5+$0x3C70];
	p0 =	slt.u32 s15, $0x38;
	[tilespmem:s0+$0xAC10] =	vst v8  }
0x30f: {  	v1 =	vld [tilespmem:s5+$0x3C00];
	[tilespmem:s0+$0xAC20] =	vst v9  }
0x310: {  	v2 =	vld [tilespmem:s5+$0x3C10];
	[tilespmem:s0+$0xAC30] =	vst v3  }
0x311: {  	v3 =	vld [tilespmem:s5+$0x3C20];
	[tilespmem:s0+$0xAC40] =	vst v4  }
0x312: {  	v4 =	vld [tilespmem:s5+$0x3C30];
	[tilespmem:s0+$0xAC50] =	vst v5  }
0x313: {  	v5 =	vld [tilespmem:s5+$0x3C40];
	[tilespmem:s0+$0xAC60] =	vst v0;
	s0 =	smov.u32 s5  }
0x314: {  	v6 =	vld [tilespmem:s0+$0x3C50]  }
0x315: {  	v0 =	vld [tilespmem:s0+$0x3C60]  }
0x316: {  	v8 =	vld.idx.msk [tilespmem:v7+s2+$0x0], $0xffff  }
0x317: {  	v9 =	vld.idx.msk [tilespmem:v1+s2+$0x0], $0xffff  }
0x318: {  	v10 =	vld.idx.msk [tilespmem:v2+s2+$0x0], $0xffff  }
0x319: {  	v11 =	vld.idx.msk [tilespmem:v3+s2+$0x0], $0xffff  }
0x31a: {  	v12 =	vld.idx.msk [tilespmem:v4+s2+$0x0], $0xffff  }
0x31b: {  	v13 =	vld.idx.msk [tilespmem:v5+s2+$0x0], $0xffff  }
0x31c: {  	v14 =	vld.idx.msk [tilespmem:v6+s2+$0x0], $0xffff;
	[tilespmem:s0+$0x8070] =	vst v8  }
0x31d: {  	[tilespmem:s0+$0x8000] =	vst v9;
	v8 =	vld.idx.msk [tilespmem:v7+s16+$0x0], $0xffff  }
0x31e: {  	[tilespmem:s0+$0x8010] =	vst v10;
	v9 =	vld.idx.msk [tilespmem:v0+s2+$0x0], $0xffff  }
0x31f: {  	v10 =	vld.idx.msk [tilespmem:v1+s16+$0x0], $0xffff;
	[tilespmem:s0+$0x8020] =	vst v11  }
0x320: {  	v11 =	vld.idx.msk [tilespmem:v2+s16+$0x0], $0xffff;
	[tilespmem:s0+$0x8030] =	vst v12  }
0x321: {  	v12 =	vld.idx.msk [tilespmem:v3+s16+$0x0], $0xffff;
	[tilespmem:s0+$0x8040] =	vst v13  }
0x322: {  	v13 =	vld.idx.msk [tilespmem:v4+s16+$0x0], $0xffff;
	[tilespmem:s0+$0x8050] =	vst v14  }
0x323: {  	v14 =	vld.idx.msk [tilespmem:v5+s16+$0x0], $0xffff;
	[tilespmem:s0+$0x8470] =	vst v8  }
0x324: {  	[tilespmem:s0+$0x8060] =	vst v9;
	v8 =	vld.idx.msk [tilespmem:v7+s17+$0x0], $0xffff  }
0x325: {  	[tilespmem:s0+$0x8400] =	vst v10;
	v9 =	vld.idx.msk [tilespmem:v6+s16+$0x0], $0xffff  }
0x326: {  	[tilespmem:s0+$0x8410] =	vst v11;
	v10 =	vld.idx.msk [tilespmem:v0+s16+$0x0], $0xffff  }
0x327: {  	v11 =	vld.idx.msk [tilespmem:v1+s17+$0x0], $0xffff;
	[tilespmem:s0+$0x8420] =	vst v12  }
0x328: {  	v12 =	vld.idx.msk [tilespmem:v2+s17+$0x0], $0xffff;
	[tilespmem:s0+$0x8430] =	vst v13  }
0x329: {  	v13 =	vld.idx.msk [tilespmem:v3+s17+$0x0], $0xffff;
	[tilespmem:s0+$0x8440] =	vst v14  }
0x32a: {  	v14 =	vld.idx.msk [tilespmem:v4+s17+$0x0], $0xffff;
	[tilespmem:s0+$0x8870] =	vst v8  }
0x32b: {  	[tilespmem:s0+$0x8450] =	vst v9;
	v8 =	vld.idx.msk [tilespmem:v7+s18+$0x0], $0xffff  }
0x32c: {  	v9 =	vld.idx.msk [tilespmem:v5+s17+$0x0], $0xffff;
	[tilespmem:s0+$0x8460] =	vst v10  }
0x32d: {  	[tilespmem:s0+$0x8800] =	vst v11;
	v10 =	vld.idx.msk [tilespmem:v6+s17+$0x0], $0xffff  }
0x32e: {  	[tilespmem:s0+$0x8810] =	vst v12;
	v11 =	vld.idx.msk [tilespmem:v0+s17+$0x0], $0xffff  }
0x32f: {  	v12 =	vld.idx.msk [tilespmem:v1+s18+$0x0], $0xffff;
	[tilespmem:s0+$0x8820] =	vst v13  }
0x330: {  	v13 =	vld.idx.msk [tilespmem:v2+s18+$0x0], $0xffff;
	[tilespmem:s0+$0x8830] =	vst v14  }
0x331: {  	v14 =	vld.idx.msk [tilespmem:v3+s18+$0x0], $0xffff;
	[tilespmem:s0+$0x8C70] =	vst v8  }
0x332: {  	[tilespmem:s0+$0x8840] =	vst v9;
	v8 =	vld.idx.msk [tilespmem:v7+s19+$0x0], $0xffff  }
0x333: {  	v9 =	vld.idx.msk [tilespmem:v4+s18+$0x0], $0xffff;
	[tilespmem:s0+$0x8850] =	vst v10  }
0x334: {  	v10 =	vld.idx.msk [tilespmem:v5+s18+$0x0], $0xffff;
	[tilespmem:s0+$0x8860] =	vst v11  }
0x335: {  	[tilespmem:s0+$0x8C00] =	vst v12;
	v11 =	vld.idx.msk [tilespmem:v6+s18+$0x0], $0xffff  }
0x336: {  	[tilespmem:s0+$0x8C10] =	vst v13;
	v12 =	vld.idx.msk [tilespmem:v0+s18+$0x0], $0xffff  }
0x337: {  	v13 =	vld.idx.msk [tilespmem:v1+s19+$0x0], $0xffff;
	[tilespmem:s0+$0x8C20] =	vst v14  }
0x338: {  	v14 =	vld.idx.msk [tilespmem:v2+s19+$0x0], $0xffff;
	[tilespmem:s0+$0x9070] =	vst v8  }
0x339: {  	[tilespmem:s0+$0x8C30] =	vst v9;
	v8 =	vld.idx.msk [tilespmem:v7+s20+$0x0], $0xffff  }
0x33a: {  	v9 =	vld.idx.msk [tilespmem:v3+s19+$0x0], $0xffff;
	[tilespmem:s0+$0x8C40] =	vst v10  }
0x33b: {  	v10 =	vld.idx.msk [tilespmem:v4+s19+$0x0], $0xffff;
	[tilespmem:s0+$0x8C50] =	vst v11  }
0x33c: {  	v11 =	vld.idx.msk [tilespmem:v5+s19+$0x0], $0xffff;
	[tilespmem:s0+$0x8C60] =	vst v12  }
0x33d: {  	[tilespmem:s0+$0x9000] =	vst v13;
	v12 =	vld.idx.msk [tilespmem:v6+s19+$0x0], $0xffff  }
0x33e: {  	[tilespmem:s0+$0x9010] =	vst v14;
	v13 =	vld.idx.msk [tilespmem:v0+s19+$0x0], $0xffff  }
0x33f: {  	v14 =	vld.idx.msk [tilespmem:v1+s20+$0x0], $0xffff;
	[tilespmem:s0+$0x9470] =	vst v8  }
0x340: {  	[tilespmem:s0+$0x9020] =	vst v9;
	v8 =	vld.idx.msk [tilespmem:v7+s21+$0x0], $0xffff  }
0x341: {  	v9 =	vld.idx.msk [tilespmem:v2+s20+$0x0], $0xffff;
	[tilespmem:s0+$0x9030] =	vst v10  }
0x342: {  	v10 =	vld.idx.msk [tilespmem:v3+s20+$0x0], $0xffff;
	[tilespmem:s0+$0x9040] =	vst v11  }
0x343: {  	v11 =	vld.idx.msk [tilespmem:v4+s20+$0x0], $0xffff;
	[tilespmem:s0+$0x9050] =	vst v12  }
0x344: {  	v12 =	vld.idx.msk [tilespmem:v5+s20+$0x0], $0xffff;
	[tilespmem:s0+$0x9060] =	vst v13  }
0x345: {  	[tilespmem:s0+$0x9400] =	vst v14;
	v13 =	vld.idx.msk [tilespmem:v6+s20+$0x0], $0xffff  }
0x346: {  	v14 =	vld.idx.msk [tilespmem:v0+s20+$0x0], $0xffff;
	[tilespmem:s0+$0x9870] =	vst v8  }
0x347: {  	[tilespmem:s0+$0x9410] =	vst v9;
	v8 =	vld.idx.msk [tilespmem:v7+s22+$0x0], $0xffff  }
0x348: {  	v9 =	vld.idx.msk [tilespmem:v1+s21+$0x0], $0xffff;
	[tilespmem:s0+$0x9420] =	vst v10  }
0x349: {  	v10 =	vld.idx.msk [tilespmem:v2+s21+$0x0], $0xffff;
	[tilespmem:s0+$0x9430] =	vst v11  }
0x34a: {  	v11 =	vld.idx.msk [tilespmem:v3+s21+$0x0], $0xffff;
	[tilespmem:s0+$0x9440] =	vst v12  }
0x34b: {  	v12 =	vld.idx.msk [tilespmem:v4+s21+$0x0], $0xffff;
	[tilespmem:s0+$0x9450] =	vst v13  }
0x34c: {  	v13 =	vld.idx.msk [tilespmem:v5+s21+$0x0], $0xffff;
	[tilespmem:s0+$0x9460] =	vst v14  }
0x34d: {  	v14 =	vld.idx.msk [tilespmem:v6+s21+$0x0], $0xffff;
	[tilespmem:s0+$0x9C70] =	vst v8  }
0x34e: {  	[tilespmem:s0+$0x9800] =	vst v9;
	v8 =	vld.idx.msk [tilespmem:v7+s23+$0x0], $0xffff  }
0x34f: {  	[tilespmem:s0+$0x9810] =	vst v10;
	v9 =	vld.idx.msk [tilespmem:v0+s21+$0x0], $0xffff  }
0x350: {  	v10 =	vld.idx.msk [tilespmem:v1+s22+$0x0], $0xffff;
	[tilespmem:s0+$0x9820] =	vst v11  }
0x351: {  	v11 =	vld.idx.msk [tilespmem:v2+s22+$0x0], $0xffff;
	[tilespmem:s0+$0x9830] =	vst v12  }
0x352: {  	v12 =	vld.idx.msk [tilespmem:v3+s22+$0x0], $0xffff;
	[tilespmem:s0+$0x9840] =	vst v13  }
0x353: {  	v13 =	vld.idx.msk [tilespmem:v4+s22+$0x0], $0xffff;
	[tilespmem:s0+$0x9850] =	vst v14  }
0x354: {  	v14 =	vld.idx.msk [tilespmem:v5+s22+$0x0], $0xffff;
	[tilespmem:s0+$0xA070] =	vst v8  }
0x355: {  	[tilespmem:s0+$0x9860] =	vst v9;
	v8 =	vld.idx.msk [tilespmem:v7+s24+$0x0], $0xffff  }
0x356: {  	[tilespmem:s0+$0x9C00] =	vst v10;
	v9 =	vld.idx.msk [tilespmem:v6+s22+$0x0], $0xffff  }
0x357: {  	[tilespmem:s0+$0x9C10] =	vst v11;
	v10 =	vld.idx.msk [tilespmem:v0+s22+$0x0], $0xffff  }
0x358: {  	v11 =	vld.idx.msk [tilespmem:v1+s23+$0x0], $0xffff;
	[tilespmem:s0+$0x9C20] =	vst v12  }
0x359: {  	v12 =	vld.idx.msk [tilespmem:v2+s23+$0x0], $0xffff;
	[tilespmem:s0+$0x9C30] =	vst v13  }
0x35a: {  	v13 =	vld.idx.msk [tilespmem:v3+s23+$0x0], $0xffff;
	[tilespmem:s0+$0x9C40] =	vst v14  }
0x35b: {  	v14 =	vld.idx.msk [tilespmem:v4+s23+$0x0], $0xffff;
	[tilespmem:s0+$0xA470] =	vst v8  }
0x35c: {  	[tilespmem:s0+$0x9C50] =	vst v9;
	v8 =	vld.idx.msk [tilespmem:v7+s25+$0x0], $0xffff  }
0x35d: {  	v9 =	vld.idx.msk [tilespmem:v5+s23+$0x0], $0xffff;
	[tilespmem:s0+$0x9C60] =	vst v10  }
0x35e: {  	[tilespmem:s0+$0xA000] =	vst v11;
	v10 =	vld.idx.msk [tilespmem:v6+s23+$0x0], $0xffff  }
0x35f: {  	[tilespmem:s0+$0xA010] =	vst v12;
	v11 =	vld.idx.msk [tilespmem:v0+s23+$0x0], $0xffff  }
0x360: {  	v12 =	vld.idx.msk [tilespmem:v1+s24+$0x0], $0xffff;
	[tilespmem:s0+$0xA020] =	vst v13  }
0x361: {  	v13 =	vld.idx.msk [tilespmem:v2+s24+$0x0], $0xffff;
	[tilespmem:s0+$0xA030] =	vst v14  }
0x362: {  	v14 =	vld.idx.msk [tilespmem:v3+s24+$0x0], $0xffff;
	[tilespmem:s0+$0xA870] =	vst v8  }
0x363: {  	[tilespmem:s0+$0xA040] =	vst v9;
	v7 =	vld.idx.msk [tilespmem:v7+s26+$0x0], $0xffff  }
0x364: {  	v8 =	vld.idx.msk [tilespmem:v4+s24+$0x0], $0xffff;
	[tilespmem:s0+$0xA050] =	vst v10  }
0x365: {  	v9 =	vld.idx.msk [tilespmem:v5+s24+$0x0], $0xffff;
	[tilespmem:s0+$0xA060] =	vst v11  }
0x366: {  	[tilespmem:s0+$0xA400] =	vst v12;
	v10 =	vld.idx.msk [tilespmem:v6+s24+$0x0], $0xffff  }
0x367: {  	[tilespmem:s0+$0xA410] =	vst v13;
	v11 =	vld.idx.msk [tilespmem:v0+s24+$0x0], $0xffff  }
0x368: {  	v12 =	vld.idx.msk [tilespmem:v1+s25+$0x0], $0xffff;
	[tilespmem:s0+$0xA420] =	vst v14  }
0x369: {  	v13 =	vld.idx.msk [tilespmem:v2+s25+$0x0], $0xffff;
	[tilespmem:s0+$0xAC70] =	vst v7  }
0x36a: {  	v14 =	vld.idx.msk [tilespmem:v3+s25+$0x0], $0xffff;
	[tilespmem:s0+$0xA430] =	vst v8  }
0x36b: {  	v15 =	vld.idx.msk [tilespmem:v4+s25+$0x0], $0xffff;
	[tilespmem:s0+$0xA440] =	vst v9  }
0x36c: {  	v16 =	vld.idx.msk [tilespmem:v5+s25+$0x0], $0xffff;
	[tilespmem:s0+$0xA450] =	vst v10  }
0x36d: {  	v10 =	vld.idx.msk [tilespmem:v6+s25+$0x0], $0xffff;
	[tilespmem:s0+$0xA460] =	vst v11  }
0x36e: {  	[tilespmem:s0+$0xA800] =	vst v12;
	v11 =	vld.idx.msk [tilespmem:v0+s25+$0x0], $0xffff  }
0x36f: {  	v7 =	vld.idx.msk [tilespmem:v1+s26+$0x0], $0xffff;
	[tilespmem:s0+$0xA810] =	vst v13  }
.Ltmp3:
0x370: {  	v8 =	vld.idx.msk [tilespmem:v2+s26+$0x0], $0xffff;
	[tilespmem:s0+$0xA820] =	vst v14;
	(pc) =	sbr.rel @p0 .LBB2_8-.Ltmp3, $4  }
0x371: {  	v9 =	vld.idx.msk [tilespmem:v3+s26+$0x0], $0xffff;
	[tilespmem:s0+$0xA830] =	vst v15  }
0x372: {  	v3 =	vld.idx.msk [tilespmem:v4+s26+$0x0], $0xffff;
	[tilespmem:s0+$0xA840] =	vst v16  }
0x373: {  	v4 =	vld.idx.msk [tilespmem:v5+s26+$0x0], $0xffff;
	[tilespmem:s0+$0xA850] =	vst v10  }
0x374: {  	s3 =	sadd.s32 $0x200, s3;
	v5 =	vld.idx.msk [tilespmem:v6+s26+$0x0], $0xffff;
	[tilespmem:s0+$0xA860] =	vst v11  }
0x375: {  	_ =	sdelay $0x2  }
0x376: {  	[tilespmem:s0+$0xAC00] =	vst v7  }
0x377: {  	v0 =	vld.idx.msk [tilespmem:v0+s26+$0x0], $0xffff;
	[tilespmem:s0+$0xAC10] =	vst v8  }
0x378: {  	[tilespmem:s0+$0xAC20] =	vst v9  }
0x379: {  	[tilespmem:s0+$0xAC30] =	vst v3  }
0x37a: {  	[tilespmem:s0+$0xAC40] =	vst v4  }
0x37b: {  	[tilespmem:s0+$0xAC50] =	vst v5  }
0x37c: {  	[tilespmem:s0+$0xAC60] =	vst v0  }
0x37d: {  	[hbm4b:s8+s2] =	stream.linear.scatter [tilespmem:s29], [sflag:$0x2], $0x3000, $0x38;
	[tilespmem:$0xB000] =	vst v63  }
0x37e: {  	_ =	swait.ge [sflag:s30], $0x3000  }
0x37f: {  	[sflag:s30] =	ssyncset.done $0x0  }
0x380: {  	s15 =	simm.s32 $0x4070;
	[sflag:s30] =	ssyncadd.s32 $0xFFFFD000  }
0x381: {  	v7 =	vld [tilespmem:s15+$0x0]  }
0x382: {  	v5 =	vld [tilespmem:s15+$0xFFFFFFA0]  }
0x383: {  	v4 =	vld [tilespmem:s15+$0xFFFFFFB0]  }
0x384: {  	v3 =	vld [tilespmem:s15+$0xFFFFFFC0]  }
0x385: {  	v2 =	vld [tilespmem:s15+$0xFFFFFFD0]  }
0x386: {  	v1 =	vld [tilespmem:s15+$0xFFFFFFE0]  }
0x387: {  	v0 =	vld [tilespmem:s15+$0xFFFFFFF0]  }
0x388: {  	v6 =	vld [tilespmem:s15+$0xFFFFFF90]  }
0x389: {  	v8 =	vld.idx.msk [tilespmem:v7+s2+$0x0], $0xffff  }
0x38a: {  	v9 =	vld.idx.msk [tilespmem:v5+s2+$0x0], $0xffff  }
0x38b: {  	v10 =	vld.idx.msk [tilespmem:v4+s2+$0x0], $0xffff  }
0x38c: {  	v11 =	vld.idx.msk [tilespmem:v3+s2+$0x0], $0xffff  }
0x38d: {  	v12 =	vld.idx.msk [tilespmem:v2+s2+$0x0], $0xffff  }
0x38e: {  	s0 =	simm.s32 $0x6800;
	v13 =	vld.idx.msk [tilespmem:v1+s2+$0x0], $0xffff  }
0x38f: {  	v14 =	vld.idx.msk [tilespmem:v0+s2+$0x0], $0xffff;
	[tilespmem:s0+$0xFFFFE870] =	vst v8  }
0x390: {  	[tilespmem:s0+$0xFFFFE810] =	vst v9;
	v9 =	vld.idx.msk [tilespmem:v6+s2+$0x0], $0xffff  }
0x391: {  	[tilespmem:s0+$0xFFFFE820] =	vst v10;
	v8 =	vld.idx.msk [tilespmem:v7+s16+$0x0], $0xffff  }
0x392: {  	[tilespmem:s0+$0xFFFFE830] =	vst v11;
	v10 =	vld.idx.msk [tilespmem:v5+s16+$0x0], $0xffff  }
0x393: {  	[tilespmem:s0+$0xFFFFE840] =	vst v12;
	v11 =	vld.idx.msk [tilespmem:v4+s16+$0x0], $0xffff  }
0x394: {  	[tilespmem:s0+$0xFFFFE850] =	vst v13;
	v33 =	vld.idx.msk [tilespmem:v3+s16+$0x0], $0xffff  }
0x395: {  	[tilespmem:s0+$0xFFFFE860] =	vst v14;
	v34 =	vld.idx.msk [tilespmem:v2+s16+$0x0], $0xffff  }
0x396: {  	v35 =	vld.idx.msk [tilespmem:v1+s16+$0x0], $0xffff;
	[tilespmem:s0+$0xFFFFE800] =	vst v9  }
0x397: {  	[tilespmem:s0+$0xFFFFEC70] =	vst v8;
	v9 =	vld.idx.msk [tilespmem:v6+s16+$0x0], $0xffff  }
0x398: {  	[tilespmem:s0+$0xFFFFEC10] =	vst v10;
	v10 =	vld.idx.msk [tilespmem:v0+s16+$0x0], $0xffff  }
0x399: {  	[tilespmem:s0+$0xFFFFEC20] =	vst v11;
	v8 =	vld.idx.msk [tilespmem:v7+s17+$0x0], $0xffff  }
0x39a: {  	[tilespmem:s0+$0xFFFFEC30] =	vst v33;
	v11 =	vld.idx.msk [tilespmem:v5+s17+$0x0], $0xffff  }
0x39b: {  	[tilespmem:s0+$0xFFFFEC40] =	vst v34;
	v36 =	vld.idx.msk [tilespmem:v4+s17+$0x0], $0xffff  }
0x39c: {  	[tilespmem:s0+$0xFFFFEC50] =	vst v35;
	v37 =	vld.idx.msk [tilespmem:v3+s17+$0x0], $0xffff  }
0x39d: {  	v38 =	vld.idx.msk [tilespmem:v2+s17+$0x0], $0xffff;
	[tilespmem:s0+$0xFFFFEC00] =	vst v9  }
0x39e: {  	[tilespmem:s0+$0xFFFFEC60] =	vst v10;
	v10 =	vld.idx.msk [tilespmem:v1+s17+$0x0], $0xffff  }
0x39f: {  	[tilespmem:s0+$0xFFFFF070] =	vst v8;
	v9 =	vld.idx.msk [tilespmem:v6+s17+$0x0], $0xffff  }
0x3a0: {  	[tilespmem:s0+$0xFFFFF010] =	vst v11;
	v11 =	vld.idx.msk [tilespmem:v0+s17+$0x0], $0xffff  }
0x3a1: {  	[tilespmem:s0+$0xFFFFF020] =	vst v36;
	v8 =	vld.idx.msk [tilespmem:v7+s18+$0x0], $0xffff  }
0x3a2: {  	[tilespmem:s0+$0xFFFFF030] =	vst v37;
	v39 =	vld.idx.msk [tilespmem:v5+s18+$0x0], $0xffff  }
0x3a3: {  	[tilespmem:s0+$0xFFFFF040] =	vst v38;
	v40 =	vld.idx.msk [tilespmem:v4+s18+$0x0], $0xffff  }
0x3a4: {  	v41 =	vld.idx.msk [tilespmem:v3+s18+$0x0], $0xffff;
	[tilespmem:s0+$0xFFFFF050] =	vst v10  }
0x3a5: {  	v10 =	vld.idx.msk [tilespmem:v2+s18+$0x0], $0xffff;
	[tilespmem:s0+$0xFFFFF000] =	vst v9  }
0x3a6: {  	[tilespmem:s0+$0xFFFFF060] =	vst v11;
	v11 =	vld.idx.msk [tilespmem:v1+s18+$0x0], $0xffff  }
0x3a7: {  	[tilespmem:s0+$0xFFFFF470] =	vst v8;
	v9 =	vld.idx.msk [tilespmem:v6+s18+$0x0], $0xffff  }
0x3a8: {  	[tilespmem:s0+$0xFFFFF410] =	vst v39;
	v42 =	vld.idx.msk [tilespmem:v0+s18+$0x0], $0xffff  }
0x3a9: {  	[tilespmem:s0+$0xFFFFF420] =	vst v40;
	v8 =	vld.idx.msk [tilespmem:v7+s19+$0x0], $0xffff  }
0x3aa: {  	[tilespmem:s0+$0xFFFFF430] =	vst v41;
	v43 =	vld.idx.msk [tilespmem:v5+s19+$0x0], $0xffff  }
0x3ab: {  	v44 =	vld.idx.msk [tilespmem:v4+s19+$0x0], $0xffff;
	[tilespmem:s0+$0xFFFFF440] =	vst v10  }
0x3ac: {  	v10 =	vld.idx.msk [tilespmem:v3+s19+$0x0], $0xffff;
	[tilespmem:s0+$0xFFFFF450] =	vst v11  }
0x3ad: {  	v11 =	vld.idx.msk [tilespmem:v2+s19+$0x0], $0xffff;
	[tilespmem:s0+$0xFFFFF400] =	vst v9  }
0x3ae: {  	[tilespmem:s0+$0xFFFFF460] =	vst v42;
	v45 =	vld.idx.msk [tilespmem:v1+s19+$0x0], $0xffff  }
0x3af: {  	[tilespmem:s0+$0xFFFFF870] =	vst v8;
	v9 =	vld.idx.msk [tilespmem:v6+s19+$0x0], $0xffff  }
0x3b0: {  	[tilespmem:s0+$0xFFFFF810] =	vst v43;
	v46 =	vld.idx.msk [tilespmem:v0+s19+$0x0], $0xffff  }
0x3b1: {  	[tilespmem:s0+$0xFFFFF820] =	vst v44;
	v8 =	vld.idx.msk [tilespmem:v7+s20+$0x0], $0xffff  }
0x3b2: {  	v47 =	vld.idx.msk [tilespmem:v5+s20+$0x0], $0xffff;
	[tilespmem:s0+$0xFFFFF830] =	vst v10  }
0x3b3: {  	v10 =	vld.idx.msk [tilespmem:v4+s20+$0x0], $0xffff;
	[tilespmem:s0+$0xFFFFF840] =	vst v11  }
0x3b4: {  	v11 =	vld.idx.msk [tilespmem:v3+s20+$0x0], $0xffff;
	[tilespmem:s0+$0xFFFFF850] =	vst v45  }
0x3b5: {  	v48 =	vld.idx.msk [tilespmem:v2+s20+$0x0], $0xffff;
	[tilespmem:s0+$0xFFFFF800] =	vst v9  }
0x3b6: {  	[tilespmem:s0+$0xFFFFF860] =	vst v46;
	v49 =	vld.idx.msk [tilespmem:v1+s20+$0x0], $0xffff  }
0x3b7: {  	[tilespmem:s0+$0xFFFFFC70] =	vst v8;
	v9 =	vld.idx.msk [tilespmem:v6+s20+$0x0], $0xffff  }
0x3b8: {  	[tilespmem:s0+$0xFFFFFC10] =	vst v47;
	v50 =	vld.idx.msk [tilespmem:v0+s20+$0x0], $0xffff  }
0x3b9: {  	v8 =	vld.idx.msk [tilespmem:v7+s21+$0x0], $0xffff;
	[tilespmem:s0+$0xFFFFFC20] =	vst v10  }
0x3ba: {  	v10 =	vld.idx.msk [tilespmem:v5+s21+$0x0], $0xffff;
	[tilespmem:s0+$0xFFFFFC30] =	vst v11  }
0x3bb: {  	v11 =	vld.idx.msk [tilespmem:v4+s21+$0x0], $0xffff;
	[tilespmem:s0+$0xFFFFFC40] =	vst v48  }
0x3bc: {  	v51 =	vld.idx.msk [tilespmem:v3+s21+$0x0], $0xffff;
	[tilespmem:s0+$0xFFFFFC50] =	vst v49  }
0x3bd: {  	v52 =	vld.idx.msk [tilespmem:v2+s21+$0x0], $0xffff;
	[tilespmem:s0+$0xFFFFFC00] =	vst v9  }
0x3be: {  	[tilespmem:s0+$0xFFFFFC60] =	vst v50;
	v53 =	vld.idx.msk [tilespmem:v1+s21+$0x0], $0xffff  }
0x3bf: {  	[tilespmem:s0+$0x70] =	vst v8;
	v9 =	vld.idx.msk [tilespmem:v6+s21+$0x0], $0xffff  }
0x3c0: {  	[tilespmem:s0+$0x10] =	vst v10;
	v8 =	vld.idx.msk [tilespmem:v7+s22+$0x0], $0xffff  }
0x3c1: {  	[tilespmem:s0+$0x20] =	vst v11;
	v11 =	vld.idx.msk [tilespmem:v5+s22+$0x0], $0xffff  }
0x3c2: {  	[tilespmem:s0+$0x30] =	vst v51;
	v54 =	vld.idx.msk [tilespmem:v4+s22+$0x0], $0xffff  }
0x3c3: {  	[tilespmem:s0+$0x40] =	vst v52;
	v55 =	vld.idx.msk [tilespmem:v3+s22+$0x0], $0xffff  }
0x3c4: {  	[tilespmem:s0+$0x50] =	vst v53;
	v56 =	vld.idx.msk [tilespmem:v2+s22+$0x0], $0xffff  }
0x3c5: {  	[tilespmem:s0+$0x0] =	vst v9;
	v9 =	vld.idx.msk [tilespmem:v0+s21+$0x0], $0xffff  }
0x3c6: {  	[tilespmem:s0+$0x470] =	vst v8;
	v10 =	vld.idx.msk [tilespmem:v6+s22+$0x0], $0xffff  }
0x3c7: {  	[tilespmem:s0+$0x410] =	vst v11;
	v8 =	vld.idx.msk [tilespmem:v7+s23+$0x0], $0xffff  }
0x3c8: {  	[tilespmem:s0+$0x420] =	vst v54;
	v57 =	vld.idx.msk [tilespmem:v5+s23+$0x0], $0xffff  }
0x3c9: {  	[tilespmem:s0+$0x430] =	vst v55;
	v58 =	vld.idx.msk [tilespmem:v4+s23+$0x0], $0xffff  }
0x3ca: {  	[tilespmem:s0+$0x440] =	vst v56;
	v59 =	vld.idx.msk [tilespmem:v3+s23+$0x0], $0xffff  }
0x3cb: {  	[tilespmem:s0+$0x60] =	vst v9;
	v9 =	vld.idx.msk [tilespmem:v1+s22+$0x0], $0xffff  }
0x3cc: {  	[tilespmem:s0+$0x400] =	vst v10;
	v10 =	vld.idx.msk [tilespmem:v0+s22+$0x0], $0xffff  }
0x3cd: {  	[tilespmem:s0+$0x870] =	vst v8;
	v11 =	vld.idx.msk [tilespmem:v6+s23+$0x0], $0xffff  }
0x3ce: {  	[tilespmem:s0+$0x810] =	vst v57;
	v8 =	vld.idx.msk [tilespmem:v7+s24+$0x0], $0xffff  }
0x3cf: {  	[tilespmem:s0+$0x820] =	vst v58;
	v61 =	vld.idx.msk [tilespmem:v5+s24+$0x0], $0xffff  }
0x3d0: {  	v62 =	vld.idx.msk [tilespmem:v4+s24+$0x0], $0xffff;
	[tilespmem:s0+$0x450] =	vst v9  }
0x3d1: {  	v9 =	vld.idx.msk [tilespmem:v2+s23+$0x0], $0xffff;
	[tilespmem:s0+$0x460] =	vst v10  }
0x3d2: {  	v10 =	vld.idx.msk [tilespmem:v1+s23+$0x0], $0xffff;
	[tilespmem:s0+$0x800] =	vst v11  }
0x3d3: {  	v11 =	vld.idx.msk [tilespmem:v0+s23+$0x0], $0xffff;
	[tilespmem:s0+$0xC70] =	vst v8  }
0x3d4: {  	[tilespmem:s0+$0x830] =	vst v59;
	v8 =	vld.idx.msk [tilespmem:v7+s25+$0x0], $0xffff  }
0x3d5: {  	v60 =	vld.idx.msk [tilespmem:v6+s24+$0x0], $0xffff;
	[tilespmem:s0+$0xC10] =	vst v61  }
0x3d6: {  	v13 =	vld.idx.msk [tilespmem:v5+s25+$0x0], $0xffff;
	[tilespmem:s0+$0x840] =	vst v9  }
0x3d7: {  	[tilespmem:s0+$0x850] =	vst v10;
	v9 =	vld.idx.msk [tilespmem:v2+s24+$0x0], $0xffff  }
0x3d8: {  	[tilespmem:s0+$0xC20] =	vst v62;
	v10 =	vld.idx.msk [tilespmem:v1+s24+$0x0], $0xffff  }
0x3d9: {  	[tilespmem:s0+$0x1070] =	vst v8;
	v8 =	vld.idx.msk [tilespmem:v3+s24+$0x0], $0xffff  }
0x3da: {  	[tilespmem:s0+$0x860] =	vst v11;
	v7 =	vld.idx.msk [tilespmem:v7+s26+$0x0], $0xffff  }
0x3db: {  	[tilespmem:s0+$0xC00] =	vst v60;
	v11 =	vld.idx.msk [tilespmem:v0+s24+$0x0], $0xffff  }
0x3dc: {  	v12 =	vld.idx.msk [tilespmem:v6+s25+$0x0], $0xffff;
	[tilespmem:s0+$0xC40] =	vst v9  }
0x3dd: {  	v9 =	vld.idx.msk [tilespmem:v2+s25+$0x0], $0xffff;
	[tilespmem:s0+$0xC50] =	vst v10  }
0x3de: {  	v10 =	vld.idx.msk [tilespmem:v1+s25+$0x0], $0xffff;
	[tilespmem:s0+$0xC30] =	vst v8  }
0x3df: {  	[tilespmem:s0+$0x1470] =	vst v7;
	v7 =	vld.idx.msk [tilespmem:v4+s25+$0x0], $0xffff  }
0x3e0: {  	[tilespmem:s0+$0xC60] =	vst v11;
	v63 =	vld.idx.msk [tilespmem:v3+s25+$0x0], $0xffff  }
0x3e1: {  	[tilespmem:s0+$0x1000] =	vst v12;
	v11 =	vld.idx.msk [tilespmem:v0+s25+$0x0], $0xffff  }
0x3e2: {  	[tilespmem:s0+$0x1010] =	vst v13;
	v12 =	vld.idx.msk [tilespmem:v6+s26+$0x0], $0xffff  }
0x3e3: {  	v6 =	vld.idx.msk [tilespmem:v5+s26+$0x0], $0xffff;
	[tilespmem:s0+$0x1050] =	vst v10  }
0x3e4: {  	v5 =	vld.idx.msk [tilespmem:v1+s26+$0x0], $0xffff;
	[tilespmem:s0+$0x1020] =	vst v7  }
0x3e5: {  	[tilespmem:s0+$0x1030] =	vst v63;
	v8 =	vld.idx.msk [tilespmem:v4+s26+$0x0], $0xffff  }
0x3e6: {  	[tilespmem:s0+$0x1040] =	vst v9;
	v3 =	vld.idx.msk [tilespmem:v3+s26+$0x0], $0xffff  }
0x3e7: {  	[tilespmem:s0+$0x1060] =	vst v11;
	v4 =	vld.idx.msk [tilespmem:v2+s26+$0x0], $0xffff  }
0x3e8: {  	s3 =	simm.s32 $0x40F0;
	s15 =	simm.s32 $0x0;
	[tilespmem:s0+$0x1400] =	vst v12;
	v1 =	vld.idx.msk [tilespmem:v0+s26+$0x0], $0xffff  }
.LBB2_10:
0x3e9: {  	v7 =	vld [tilespmem:s3+$0x0];
	s15 =	sadd.s32 $0x8, s15;
	[tilespmem:s0+$0x1410] =	vst v6  }
0x3ea: {  	v0 =	vld [tilespmem:s3+$0xFFFFFFA0];
	p0 =	slt.u32 s15, $0x38;
	[tilespmem:s0+$0x1420] =	vst v8  }
0x3eb: {  	v2 =	vld [tilespmem:s3+$0xFFFFFFB0];
	[tilespmem:s0+$0x1430] =	vst v3  }
0x3ec: {  	v3 =	vld [tilespmem:s3+$0xFFFFFFC0];
	[tilespmem:s0+$0x1440] =	vst v4  }
0x3ed: {  	v4 =	vld [tilespmem:s3+$0xFFFFFFD0];
	[tilespmem:s0+$0x1450] =	vst v5  }
0x3ee: {  	v5 =	vld [tilespmem:s3+$0xFFFFFFE0];
	[tilespmem:s0+$0x1460] =	vst v1  }
0x3ef: {  	v1 =	vld [tilespmem:s3+$0xFFFFFFF0]  }
0x3f0: {  	v6 =	vld [tilespmem:s3+$0xFFFFFF90]  }
0x3f1: {  	v8 =	vld.idx.msk [tilespmem:v7+s2+$0x0], $0xffff  }
0x3f2: {  	v9 =	vld.idx.msk [tilespmem:v0+s2+$0x0], $0xffff  }
0x3f3: {  	v10 =	vld.idx.msk [tilespmem:v2+s2+$0x0], $0xffff  }
0x3f4: {  	v11 =	vld.idx.msk [tilespmem:v3+s2+$0x0], $0xffff  }
0x3f5: {  	v12 =	vld.idx.msk [tilespmem:v4+s2+$0x0], $0xffff  }
0x3f6: {  	s0 =	sadd.s32 $0x80, s0;
	v13 =	vld.idx.msk [tilespmem:v5+s2+$0x0], $0xffff  }
0x3f7: {  	v14 =	vld.idx.msk [tilespmem:v1+s2+$0x0], $0xffff;
	[tilespmem:s0+$0xFFFFE870] =	vst v8  }
0x3f8: {  	[tilespmem:s0+$0xFFFFE810] =	vst v9;
	v8 =	vld.idx.msk [tilespmem:v7+s16+$0x0], $0xffff  }
0x3f9: {  	v9 =	vld.idx.msk [tilespmem:v6+s2+$0x0], $0xffff;
	[tilespmem:s0+$0xFFFFE820] =	vst v10  }
0x3fa: {  	v10 =	vld.idx.msk [tilespmem:v0+s16+$0x0], $0xffff;
	[tilespmem:s0+$0xFFFFE830] =	vst v11  }
0x3fb: {  	v11 =	vld.idx.msk [tilespmem:v2+s16+$0x0], $0xffff;
	[tilespmem:s0+$0xFFFFE840] =	vst v12  }
0x3fc: {  	v12 =	vld.idx.msk [tilespmem:v3+s16+$0x0], $0xffff;
	[tilespmem:s0+$0xFFFFE850] =	vst v13  }
0x3fd: {  	v13 =	vld.idx.msk [tilespmem:v4+s16+$0x0], $0xffff;
	[tilespmem:s0+$0xFFFFE860] =	vst v14  }
0x3fe: {  	v14 =	vld.idx.msk [tilespmem:v5+s16+$0x0], $0xffff;
	[tilespmem:s0+$0xFFFFEC70] =	vst v8  }
0x3ff: {  	[tilespmem:s0+$0xFFFFE800] =	vst v9;
	v8 =	vld.idx.msk [tilespmem:v7+s17+$0x0], $0xffff  }
0x400: {  	v9 =	vld.idx.msk [tilespmem:v6+s16+$0x0], $0xffff;
	[tilespmem:s0+$0xFFFFEC10] =	vst v10  }
0x401: {  	[tilespmem:s0+$0xFFFFEC20] =	vst v11;
	v10 =	vld.idx.msk [tilespmem:v1+s16+$0x0], $0xffff  }
0x402: {  	v11 =	vld.idx.msk [tilespmem:v0+s17+$0x0], $0xffff;
	[tilespmem:s0+$0xFFFFEC30] =	vst v12  }
0x403: {  	v12 =	vld.idx.msk [tilespmem:v2+s17+$0x0], $0xffff;
	[tilespmem:s0+$0xFFFFEC40] =	vst v13  }
0x404: {  	v13 =	vld.idx.msk [tilespmem:v3+s17+$0x0], $0xffff;
	[tilespmem:s0+$0xFFFFEC50] =	vst v14  }
0x405: {  	v14 =	vld.idx.msk [tilespmem:v4+s17+$0x0], $0xffff;
	[tilespmem:s0+$0xFFFFF070] =	vst v8  }
0x406: {  	[tilespmem:s0+$0xFFFFEC00] =	vst v9;
	v8 =	vld.idx.msk [tilespmem:v7+s18+$0x0], $0xffff  }
0x407: {  	v9 =	vld.idx.msk [tilespmem:v6+s17+$0x0], $0xffff;
	[tilespmem:s0+$0xFFFFEC60] =	vst v10  }
0x408: {  	[tilespmem:s0+$0xFFFFF010] =	vst v11;
	v10 =	vld.idx.msk [tilespmem:v5+s17+$0x0], $0xffff  }
0x409: {  	[tilespmem:s0+$0xFFFFF020] =	vst v12;
	v11 =	vld.idx.msk [tilespmem:v1+s17+$0x0], $0xffff  }
0x40a: {  	v12 =	vld.idx.msk [tilespmem:v0+s18+$0x0], $0xffff;
	[tilespmem:s0+$0xFFFFF030] =	vst v13  }
0x40b: {  	v13 =	vld.idx.msk [tilespmem:v2+s18+$0x0], $0xffff;
	[tilespmem:s0+$0xFFFFF040] =	vst v14  }
0x40c: {  	v14 =	vld.idx.msk [tilespmem:v3+s18+$0x0], $0xffff;
	[tilespmem:s0+$0xFFFFF470] =	vst v8  }
0x40d: {  	[tilespmem:s0+$0xFFFFF000] =	vst v9;
	v8 =	vld.idx.msk [tilespmem:v7+s19+$0x0], $0xffff  }
0x40e: {  	v9 =	vld.idx.msk [tilespmem:v6+s18+$0x0], $0xffff;
	[tilespmem:s0+$0xFFFFF050] =	vst v10  }
0x40f: {  	v10 =	vld.idx.msk [tilespmem:v4+s18+$0x0], $0xffff;
	[tilespmem:s0+$0xFFFFF060] =	vst v11  }
0x410: {  	[tilespmem:s0+$0xFFFFF410] =	vst v12;
	v11 =	vld.idx.msk [tilespmem:v5+s18+$0x0], $0xffff  }
0x411: {  	[tilespmem:s0+$0xFFFFF420] =	vst v13;
	v12 =	vld.idx.msk [tilespmem:v1+s18+$0x0], $0xffff  }
0x412: {  	v13 =	vld.idx.msk [tilespmem:v0+s19+$0x0], $0xffff;
	[tilespmem:s0+$0xFFFFF430] =	vst v14  }
0x413: {  	v14 =	vld.idx.msk [tilespmem:v2+s19+$0x0], $0xffff;
	[tilespmem:s0+$0xFFFFF870] =	vst v8  }
0x414: {  	[tilespmem:s0+$0xFFFFF400] =	vst v9;
	v8 =	vld.idx.msk [tilespmem:v7+s20+$0x0], $0xffff  }
0x415: {  	v9 =	vld.idx.msk [tilespmem:v6+s19+$0x0], $0xffff;
	[tilespmem:s0+$0xFFFFF440] =	vst v10  }
0x416: {  	v10 =	vld.idx.msk [tilespmem:v3+s19+$0x0], $0xffff;
	[tilespmem:s0+$0xFFFFF450] =	vst v11  }
0x417: {  	v11 =	vld.idx.msk [tilespmem:v4+s19+$0x0], $0xffff;
	[tilespmem:s0+$0xFFFFF460] =	vst v12  }
0x418: {  	[tilespmem:s0+$0xFFFFF810] =	vst v13;
	v12 =	vld.idx.msk [tilespmem:v5+s19+$0x0], $0xffff  }
0x419: {  	[tilespmem:s0+$0xFFFFF820] =	vst v14;
	v13 =	vld.idx.msk [tilespmem:v1+s19+$0x0], $0xffff  }
0x41a: {  	v14 =	vld.idx.msk [tilespmem:v0+s20+$0x0], $0xffff;
	[tilespmem:s0+$0xFFFFFC70] =	vst v8  }
0x41b: {  	[tilespmem:s0+$0xFFFFF800] =	vst v9;
	v8 =	vld.idx.msk [tilespmem:v7+s21+$0x0], $0xffff  }
0x41c: {  	v9 =	vld.idx.msk [tilespmem:v6+s20+$0x0], $0xffff;
	[tilespmem:s0+$0xFFFFF830] =	vst v10  }
0x41d: {  	v10 =	vld.idx.msk [tilespmem:v2+s20+$0x0], $0xffff;
	[tilespmem:s0+$0xFFFFF840] =	vst v11  }
0x41e: {  	v11 =	vld.idx.msk [tilespmem:v3+s20+$0x0], $0xffff;
	[tilespmem:s0+$0xFFFFF850] =	vst v12  }
0x41f: {  	v12 =	vld.idx.msk [tilespmem:v4+s20+$0x0], $0xffff;
	[tilespmem:s0+$0xFFFFF860] =	vst v13  }
0x420: {  	[tilespmem:s0+$0xFFFFFC10] =	vst v14;
	v13 =	vld.idx.msk [tilespmem:v5+s20+$0x0], $0xffff  }
0x421: {  	v14 =	vld.idx.msk [tilespmem:v1+s20+$0x0], $0xffff;
	[tilespmem:s0+$0x70] =	vst v8  }
0x422: {  	[tilespmem:s0+$0xFFFFFC00] =	vst v9;
	v8 =	vld.idx.msk [tilespmem:v7+s22+$0x0], $0xffff  }
0x423: {  	v9 =	vld.idx.msk [tilespmem:v6+s21+$0x0], $0xffff;
	[tilespmem:s0+$0xFFFFFC20] =	vst v10  }
0x424: {  	v10 =	vld.idx.msk [tilespmem:v0+s21+$0x0], $0xffff;
	[tilespmem:s0+$0xFFFFFC30] =	vst v11  }
0x425: {  	v11 =	vld.idx.msk [tilespmem:v2+s21+$0x0], $0xffff;
	[tilespmem:s0+$0xFFFFFC40] =	vst v12  }
0x426: {  	v12 =	vld.idx.msk [tilespmem:v3+s21+$0x0], $0xffff;
	[tilespmem:s0+$0xFFFFFC50] =	vst v13  }
0x427: {  	v13 =	vld.idx.msk [tilespmem:v4+s21+$0x0], $0xffff;
	[tilespmem:s0+$0xFFFFFC60] =	vst v14  }
0x428: {  	v14 =	vld.idx.msk [tilespmem:v5+s21+$0x0], $0xffff;
	[tilespmem:s0+$0x470] =	vst v8  }
0x429: {  	[tilespmem:s0+$0x0] =	vst v9;
	v8 =	vld.idx.msk [tilespmem:v7+s23+$0x0], $0xffff  }
0x42a: {  	[tilespmem:s0+$0x10] =	vst v10;
	v9 =	vld.idx.msk [tilespmem:v1+s21+$0x0], $0xffff  }
0x42b: {  	v10 =	vld.idx.msk [tilespmem:v6+s22+$0x0], $0xffff;
	[tilespmem:s0+$0x20] =	vst v11  }
0x42c: {  	v11 =	vld.idx.msk [tilespmem:v0+s22+$0x0], $0xffff;
	[tilespmem:s0+$0x30] =	vst v12  }
0x42d: {  	v12 =	vld.idx.msk [tilespmem:v2+s22+$0x0], $0xffff;
	[tilespmem:s0+$0x40] =	vst v13  }
0x42e: {  	v13 =	vld.idx.msk [tilespmem:v3+s22+$0x0], $0xffff;
	[tilespmem:s0+$0x50] =	vst v14  }
0x42f: {  	v14 =	vld.idx.msk [tilespmem:v4+s22+$0x0], $0xffff;
	[tilespmem:s0+$0x870] =	vst v8  }
0x430: {  	[tilespmem:s0+$0x60] =	vst v9;
	v8 =	vld.idx.msk [tilespmem:v7+s24+$0x0], $0xffff  }
0x431: {  	[tilespmem:s0+$0x400] =	vst v10;
	v9 =	vld.idx.msk [tilespmem:v5+s22+$0x0], $0xffff  }
0x432: {  	[tilespmem:s0+$0x410] =	vst v11;
	v10 =	vld.idx.msk [tilespmem:v1+s22+$0x0], $0xffff  }
0x433: {  	v11 =	vld.idx.msk [tilespmem:v6+s23+$0x0], $0xffff;
	[tilespmem:s0+$0x420] =	vst v12  }
0x434: {  	v12 =	vld.idx.msk [tilespmem:v0+s23+$0x0], $0xffff;
	[tilespmem:s0+$0x430] =	vst v13  }
0x435: {  	v13 =	vld.idx.msk [tilespmem:v2+s23+$0x0], $0xffff;
	[tilespmem:s0+$0x440] =	vst v14  }
0x436: {  	v14 =	vld.idx.msk [tilespmem:v3+s23+$0x0], $0xffff;
	[tilespmem:s0+$0xC70] =	vst v8  }
0x437: {  	[tilespmem:s0+$0x450] =	vst v9;
	v8 =	vld.idx.msk [tilespmem:v7+s25+$0x0], $0xffff  }
0x438: {  	v9 =	vld.idx.msk [tilespmem:v4+s23+$0x0], $0xffff;
	[tilespmem:s0+$0x460] =	vst v10  }
0x439: {  	[tilespmem:s0+$0x800] =	vst v11;
	v10 =	vld.idx.msk [tilespmem:v5+s23+$0x0], $0xffff  }
0x43a: {  	[tilespmem:s0+$0x810] =	vst v12;
	v11 =	vld.idx.msk [tilespmem:v1+s23+$0x0], $0xffff  }
0x43b: {  	v12 =	vld.idx.msk [tilespmem:v6+s24+$0x0], $0xffff;
	[tilespmem:s0+$0x820] =	vst v13  }
0x43c: {  	v13 =	vld.idx.msk [tilespmem:v0+s24+$0x0], $0xffff;
	[tilespmem:s0+$0x830] =	vst v14  }
0x43d: {  	v14 =	vld.idx.msk [tilespmem:v2+s24+$0x0], $0xffff;
	[tilespmem:s0+$0x1070] =	vst v8  }
0x43e: {  	[tilespmem:s0+$0x840] =	vst v9;
	v7 =	vld.idx.msk [tilespmem:v7+s26+$0x0], $0xffff  }
0x43f: {  	v8 =	vld.idx.msk [tilespmem:v3+s24+$0x0], $0xffff;
	[tilespmem:s0+$0x850] =	vst v10  }
0x440: {  	v9 =	vld.idx.msk [tilespmem:v4+s24+$0x0], $0xffff;
	[tilespmem:s0+$0x860] =	vst v11  }
0x441: {  	[tilespmem:s0+$0xC00] =	vst v12;
	v10 =	vld.idx.msk [tilespmem:v5+s24+$0x0], $0xffff  }
0x442: {  	[tilespmem:s0+$0xC10] =	vst v13;
	v11 =	vld.idx.msk [tilespmem:v1+s24+$0x0], $0xffff  }
0x443: {  	v12 =	vld.idx.msk [tilespmem:v6+s25+$0x0], $0xffff;
	[tilespmem:s0+$0xC20] =	vst v14  }
0x444: {  	v13 =	vld.idx.msk [tilespmem:v0+s25+$0x0], $0xffff;
	[tilespmem:s0+$0x1470] =	vst v7  }
0x445: {  	v7 =	vld.idx.msk [tilespmem:v2+s25+$0x0], $0xffff;
	[tilespmem:s0+$0xC30] =	vst v8  }
0x446: {  	v14 =	vld.idx.msk [tilespmem:v3+s25+$0x0], $0xffff;
	[tilespmem:s0+$0xC40] =	vst v9  }
0x447: {  	v9 =	vld.idx.msk [tilespmem:v4+s25+$0x0], $0xffff;
	[tilespmem:s0+$0xC50] =	vst v10  }
0x448: {  	v10 =	vld.idx.msk [tilespmem:v5+s25+$0x0], $0xffff;
	[tilespmem:s0+$0xC60] =	vst v11  }
0x449: {  	[tilespmem:s0+$0x1000] =	vst v12;
	v11 =	vld.idx.msk [tilespmem:v1+s25+$0x0], $0xffff  }
0x44a: {  	v12 =	vld.idx.msk [tilespmem:v6+s26+$0x0], $0xffff;
	[tilespmem:s0+$0x1010] =	vst v13  }
0x44b: {  	v6 =	vld.idx.msk [tilespmem:v0+s26+$0x0], $0xffff;
	[tilespmem:s0+$0x1020] =	vst v7  }
.Ltmp4:
0x44c: {  	v8 =	vld.idx.msk [tilespmem:v2+s26+$0x0], $0xffff;
	[tilespmem:s0+$0x1030] =	vst v14;
	(pc) =	sbr.rel @p0 .LBB2_10-.Ltmp4, $4  }
0x44d: {  	v3 =	vld.idx.msk [tilespmem:v3+s26+$0x0], $0xffff;
	[tilespmem:s0+$0x1040] =	vst v9  }
0x44e: {  	v4 =	vld.idx.msk [tilespmem:v4+s26+$0x0], $0xffff;
	[tilespmem:s0+$0x1050] =	vst v10  }
0x44f: {  	v5 =	vld.idx.msk [tilespmem:v5+s26+$0x0], $0xffff;
	[tilespmem:s0+$0x1060] =	vst v11  }
0x450: {  	s3 =	sadd.s32 $0x80, s3;
	[tilespmem:s0+$0x1400] =	vst v12;
	v1 =	vld.idx.msk [tilespmem:v1+s26+$0x0], $0xffff  }
0x451: {  	[tilespmem:s0+$0x1410] =	vst v6  }
0x452: {  	[tilespmem:s0+$0x1420] =	vst v8  }
0x453: {  	[tilespmem:s0+$0x1430] =	vst v3  }
0x454: {  	[tilespmem:s0+$0x1440] =	vst v4  }
0x455: {  	[tilespmem:s0+$0x1450] =	vst v5  }
0x456: {  	s15 =	simm.s32 $0x0;
	[tilespmem:s0+$0x1460] =	vst v1  }
0x457: {  	[hbm4b:s9+s15] =	stream.linear.scatter [tilespmem:s28], [sflag:$0x1], $0x3000, $0x38;
	[tilespmem:$0xB000] =	vst v63  }
0x458: {  	_ =	swait.ge [sflag:s31], $0x3000  }
0x459: {  	[sflag:s31] =	ssyncset.done $0x0  }
0x45a: {  	s0 =	simm.s32 $0x0;
	[sflag:s31] =	ssyncadd.s32 $0xFFFFD000  }
0x45b: {  	v7 =	vld [tilespmem:s0+$0x4470]  }
0x45c: {  	v6 =	vld [tilespmem:s0+$0x4400]  }
0x45d: {  	v5 =	vld [tilespmem:s0+$0x4410]  }
0x45e: {  	v4 =	vld [tilespmem:s0+$0x4420]  }
0x45f: {  	v3 =	vld [tilespmem:s0+$0x4430]  }
0x460: {  	v2 =	vld [tilespmem:s0+$0x4440]  }
0x461: {  	v1 =	vld [tilespmem:s0+$0x4450]  }
0x462: {  	v0 =	vld [tilespmem:s0+$0x4460]  }
0x463: {  	v8 =	vld.idx.msk [tilespmem:v7+s2+$0x0], $0xffff  }
0x464: {  	v9 =	vld.idx.msk [tilespmem:v6+s2+$0x0], $0xffff  }
0x465: {  	v10 =	vld.idx.msk [tilespmem:v5+s2+$0x0], $0xffff  }
0x466: {  	v11 =	vld.idx.msk [tilespmem:v4+s2+$0x0], $0xffff  }
0x467: {  	v12 =	vld.idx.msk [tilespmem:v3+s2+$0x0], $0xffff  }
0x468: {  	v13 =	vld.idx.msk [tilespmem:v2+s2+$0x0], $0xffff  }
0x469: {  	v14 =	vld.idx.msk [tilespmem:v1+s2+$0x0], $0xffff;
	[tilespmem:s0+$0x8070] =	vst v8  }
0x46a: {  	[tilespmem:s0+$0x8000] =	vst v9;
	v9 =	vld.idx.msk [tilespmem:v0+s2+$0x0], $0xffff  }
0x46b: {  	[tilespmem:s0+$0x8010] =	vst v10;
	v8 =	vld.idx.msk [tilespmem:v7+s16+$0x0], $0xffff  }
0x46c: {  	[tilespmem:s0+$0x8020] =	vst v11;
	v10 =	vld.idx.msk [tilespmem:v6+s16+$0x0], $0xffff  }
0x46d: {  	[tilespmem:s0+$0x8030] =	vst v12;
	v11 =	vld.idx.msk [tilespmem:v5+s16+$0x0], $0xffff  }
0x46e: {  	[tilespmem:s0+$0x8040] =	vst v13;
	v34 =	vld.idx.msk [tilespmem:v4+s16+$0x0], $0xffff  }
0x46f: {  	[tilespmem:s0+$0x8050] =	vst v14;
	v35 =	vld.idx.msk [tilespmem:v3+s16+$0x0], $0xffff  }
0x470: {  	v36 =	vld.idx.msk [tilespmem:v2+s16+$0x0], $0xffff;
	[tilespmem:s0+$0x8060] =	vst v9  }
0x471: {  	v9 =	vld.idx.msk [tilespmem:v1+s16+$0x0], $0xffff;
	[tilespmem:s0+$0x8470] =	vst v8  }
0x472: {  	[tilespmem:s0+$0x8400] =	vst v10;
	v10 =	vld.idx.msk [tilespmem:v0+s16+$0x0], $0xffff  }
0x473: {  	[tilespmem:s0+$0x8410] =	vst v11;
	v8 =	vld.idx.msk [tilespmem:v7+s17+$0x0], $0xffff  }
0x474: {  	[tilespmem:s0+$0x8420] =	vst v34;
	v11 =	vld.idx.msk [tilespmem:v6+s17+$0x0], $0xffff  }
0x475: {  	[tilespmem:s0+$0x8430] =	vst v35;
	v37 =	vld.idx.msk [tilespmem:v5+s17+$0x0], $0xffff  }
0x476: {  	[tilespmem:s0+$0x8440] =	vst v36;
	v38 =	vld.idx.msk [tilespmem:v4+s17+$0x0], $0xffff  }
0x477: {  	v39 =	vld.idx.msk [tilespmem:v3+s17+$0x0], $0xffff;
	[tilespmem:s0+$0x8450] =	vst v9  }
0x478: {  	v9 =	vld.idx.msk [tilespmem:v2+s17+$0x0], $0xffff;
	[tilespmem:s0+$0x8460] =	vst v10  }
0x479: {  	v10 =	vld.idx.msk [tilespmem:v1+s17+$0x0], $0xffff;
	[tilespmem:s0+$0x8870] =	vst v8  }
0x47a: {  	[tilespmem:s0+$0x8800] =	vst v11;
	v11 =	vld.idx.msk [tilespmem:v0+s17+$0x0], $0xffff  }
0x47b: {  	[tilespmem:s0+$0x8810] =	vst v37;
	v8 =	vld.idx.msk [tilespmem:v7+s18+$0x0], $0xffff  }
0x47c: {  	[tilespmem:s0+$0x8820] =	vst v38;
	v40 =	vld.idx.msk [tilespmem:v6+s18+$0x0], $0xffff  }
0x47d: {  	[tilespmem:s0+$0x8830] =	vst v39;
	v41 =	vld.idx.msk [tilespmem:v5+s18+$0x0], $0xffff  }
0x47e: {  	v42 =	vld.idx.msk [tilespmem:v4+s18+$0x0], $0xffff;
	[tilespmem:s0+$0x8840] =	vst v9  }
0x47f: {  	v9 =	vld.idx.msk [tilespmem:v3+s18+$0x0], $0xffff;
	[tilespmem:s0+$0x8850] =	vst v10  }
0x480: {  	v10 =	vld.idx.msk [tilespmem:v2+s18+$0x0], $0xffff;
	[tilespmem:s0+$0x8860] =	vst v11  }
0x481: {  	v11 =	vld.idx.msk [tilespmem:v1+s18+$0x0], $0xffff;
	[tilespmem:s0+$0x8C70] =	vst v8  }
0x482: {  	[tilespmem:s0+$0x8C00] =	vst v40;
	v43 =	vld.idx.msk [tilespmem:v0+s18+$0x0], $0xffff  }
0x483: {  	[tilespmem:s0+$0x8C10] =	vst v41;
	v8 =	vld.idx.msk [tilespmem:v7+s19+$0x0], $0xffff  }
0x484: {  	[tilespmem:s0+$0x8C20] =	vst v42;
	v44 =	vld.idx.msk [tilespmem:v6+s19+$0x0], $0xffff  }
0x485: {  	v45 =	vld.idx.msk [tilespmem:v5+s19+$0x0], $0xffff;
	[tilespmem:s0+$0x8C30] =	vst v9  }
0x486: {  	v9 =	vld.idx.msk [tilespmem:v4+s19+$0x0], $0xffff;
	[tilespmem:s0+$0x8C40] =	vst v10  }
0x487: {  	v10 =	vld.idx.msk [tilespmem:v3+s19+$0x0], $0xffff;
	[tilespmem:s0+$0x8C50] =	vst v11  }
0x488: {  	v11 =	vld.idx.msk [tilespmem:v2+s19+$0x0], $0xffff;
	[tilespmem:s0+$0x8C60] =	vst v43  }
0x489: {  	v46 =	vld.idx.msk [tilespmem:v1+s19+$0x0], $0xffff;
	[tilespmem:s0+$0x9070] =	vst v8  }
0x48a: {  	[tilespmem:s0+$0x9000] =	vst v44;
	v47 =	vld.idx.msk [tilespmem:v0+s19+$0x0], $0xffff  }
0x48b: {  	[tilespmem:s0+$0x9010] =	vst v45;
	v8 =	vld.idx.msk [tilespmem:v7+s20+$0x0], $0xffff  }
0x48c: {  	v48 =	vld.idx.msk [tilespmem:v6+s20+$0x0], $0xffff;
	[tilespmem:s0+$0x9020] =	vst v9  }
0x48d: {  	v9 =	vld.idx.msk [tilespmem:v5+s20+$0x0], $0xffff;
	[tilespmem:s0+$0x9030] =	vst v10  }
0x48e: {  	v10 =	vld.idx.msk [tilespmem:v4+s20+$0x0], $0xffff;
	[tilespmem:s0+$0x9040] =	vst v11  }
0x48f: {  	v11 =	vld.idx.msk [tilespmem:v3+s20+$0x0], $0xffff;
	[tilespmem:s0+$0x9050] =	vst v46  }
0x490: {  	v49 =	vld.idx.msk [tilespmem:v2+s20+$0x0], $0xffff;
	[tilespmem:s0+$0x9060] =	vst v47  }
0x491: {  	v50 =	vld.idx.msk [tilespmem:v1+s20+$0x0], $0xffff;
	[tilespmem:s0+$0x9470] =	vst v8  }
0x492: {  	[tilespmem:s0+$0x9400] =	vst v48;
	v51 =	vld.idx.msk [tilespmem:v0+s20+$0x0], $0xffff  }
0x493: {  	[tilespmem:s0+$0x9410] =	vst v9;
	v8 =	vld.idx.msk [tilespmem:v7+s21+$0x0], $0xffff  }
0x494: {  	v9 =	vld.idx.msk [tilespmem:v6+s21+$0x0], $0xffff;
	[tilespmem:s0+$0x9420] =	vst v10  }
0x495: {  	v10 =	vld.idx.msk [tilespmem:v5+s21+$0x0], $0xffff;
	[tilespmem:s0+$0x9430] =	vst v11  }
0x496: {  	v11 =	vld.idx.msk [tilespmem:v4+s21+$0x0], $0xffff;
	[tilespmem:s0+$0x9440] =	vst v49  }
0x497: {  	v52 =	vld.idx.msk [tilespmem:v3+s21+$0x0], $0xffff;
	[tilespmem:s0+$0x9450] =	vst v50  }
0x498: {  	v53 =	vld.idx.msk [tilespmem:v2+s21+$0x0], $0xffff;
	[tilespmem:s0+$0x9460] =	vst v51  }
0x499: {  	v54 =	vld.idx.msk [tilespmem:v1+s21+$0x0], $0xffff;
	[tilespmem:s0+$0x9870] =	vst v8  }
0x49a: {  	[tilespmem:s0+$0x9800] =	vst v9;
	v9 =	vld.idx.msk [tilespmem:v0+s21+$0x0], $0xffff  }
0x49b: {  	[tilespmem:s0+$0x9810] =	vst v10;
	v8 =	vld.idx.msk [tilespmem:v7+s22+$0x0], $0xffff  }
0x49c: {  	v10 =	vld.idx.msk [tilespmem:v6+s22+$0x0], $0xffff;
	[tilespmem:s0+$0x9820] =	vst v11  }
0x49d: {  	v11 =	vld.idx.msk [tilespmem:v5+s22+$0x0], $0xffff;
	[tilespmem:s0+$0x9830] =	vst v52  }
0x49e: {  	v55 =	vld.idx.msk [tilespmem:v4+s22+$0x0], $0xffff;
	[tilespmem:s0+$0x9840] =	vst v53  }
0x49f: {  	v56 =	vld.idx.msk [tilespmem:v3+s22+$0x0], $0xffff;
	[tilespmem:s0+$0x9850] =	vst v54  }
0x4a0: {  	v57 =	vld.idx.msk [tilespmem:v2+s22+$0x0], $0xffff;
	[tilespmem:s0+$0x9860] =	vst v9  }
0x4a1: {  	v9 =	vld.idx.msk [tilespmem:v1+s22+$0x0], $0xffff;
	[tilespmem:s0+$0x9C70] =	vst v8  }
0x4a2: {  	[tilespmem:s0+$0x9C00] =	vst v10;
	v10 =	vld.idx.msk [tilespmem:v0+s22+$0x0], $0xffff  }
0x4a3: {  	[tilespmem:s0+$0x9C10] =	vst v11;
	v8 =	vld.idx.msk [tilespmem:v7+s23+$0x0], $0xffff  }
0x4a4: {  	v11 =	vld.idx.msk [tilespmem:v6+s23+$0x0], $0xffff;
	[tilespmem:s0+$0x9C20] =	vst v55  }
0x4a5: {  	v58 =	vld.idx.msk [tilespmem:v5+s23+$0x0], $0xffff;
	[tilespmem:s0+$0x9C30] =	vst v56  }
0x4a6: {  	v59 =	vld.idx.msk [tilespmem:v4+s23+$0x0], $0xffff;
	[tilespmem:s0+$0x9C40] =	vst v57  }
0x4a7: {  	v60 =	vld.idx.msk [tilespmem:v3+s23+$0x0], $0xffff;
	[tilespmem:s0+$0x9C50] =	vst v9  }
0x4a8: {  	v9 =	vld.idx.msk [tilespmem:v2+s23+$0x0], $0xffff;
	[tilespmem:s0+$0xA070] =	vst v8  }
0x4a9: {  	[tilespmem:s0+$0x9C60] =	vst v10;
	v8 =	vld.idx.msk [tilespmem:v7+s24+$0x0], $0xffff  }
0x4aa: {  	v10 =	vld.idx.msk [tilespmem:v1+s23+$0x0], $0xffff;
	[tilespmem:s0+$0xA000] =	vst v11  }
0x4ab: {  	[tilespmem:s0+$0xA010] =	vst v58;
	v11 =	vld.idx.msk [tilespmem:v0+s23+$0x0], $0xffff  }
0x4ac: {  	v61 =	vld.idx.msk [tilespmem:v6+s24+$0x0], $0xffff;
	[tilespmem:s0+$0xA020] =	vst v59  }
0x4ad: {  	v62 =	vld.idx.msk [tilespmem:v5+s24+$0x0], $0xffff;
	[tilespmem:s0+$0xA030] =	vst v60  }
0x4ae: {  	v63 =	vld.idx.msk [tilespmem:v4+s24+$0x0], $0xffff;
	[tilespmem:s0+$0xA470] =	vst v8  }
0x4af: {  	[tilespmem:s0+$0xA040] =	vst v9;
	v8 =	vld.idx.msk [tilespmem:v7+s25+$0x0], $0xffff  }
0x4b0: {  	[tilespmem:s0+$0xA050] =	vst v10;
	v9 =	vld.idx.msk [tilespmem:v2+s24+$0x0], $0xffff  }
0x4b1: {  	[tilespmem:s0+$0xA060] =	vst v11;
	v10 =	vld.idx.msk [tilespmem:v1+s24+$0x0], $0xffff  }
0x4b2: {  	[tilespmem:s0+$0xA400] =	vst v61;
	v11 =	vld.idx.msk [tilespmem:v0+s24+$0x0], $0xffff  }
0x4b3: {  	[tilespmem:s0+$0xA410] =	vst v62;
	v12 =	vld.idx.msk [tilespmem:v6+s25+$0x0], $0xffff  }
0x4b4: {  	[tilespmem:s0+$0xA870] =	vst v8;
	v8 =	vld.idx.msk [tilespmem:v3+s24+$0x0], $0xffff  }
0x4b5: {  	[tilespmem:s0+$0xA420] =	vst v63;
	v13 =	vld.idx.msk [tilespmem:v5+s25+$0x0], $0xffff  }
0x4b6: {  	v14 =	vld.idx.msk [tilespmem:v4+s25+$0x0], $0xffff;
	[tilespmem:s0+$0xA440] =	vst v9  }
0x4b7: {  	v16 =	vld.idx.msk [tilespmem:v2+s25+$0x0], $0xffff;
	[tilespmem:s0+$0xA450] =	vst v10  }
0x4b8: {  	[tilespmem:s0+$0xA460] =	vst v11;
	v7 =	vld.idx.msk [tilespmem:v7+s26+$0x0], $0xffff  }
0x4b9: {  	v10 =	vld.idx.msk [tilespmem:v1+s25+$0x0], $0xffff;
	[tilespmem:s0+$0xA430] =	vst v8  }
0x4ba: {  	[tilespmem:s0+$0xA800] =	vst v12;
	v15 =	vld.idx.msk [tilespmem:v3+s25+$0x0], $0xffff  }
0x4bb: {  	v11 =	vld.idx.msk [tilespmem:v0+s25+$0x0], $0xffff;
	[tilespmem:s0+$0xA820] =	vst v14  }
0x4bc: {  	[tilespmem:s0+$0xA810] =	vst v13;
	v9 =	vld.idx.msk [tilespmem:v4+s26+$0x0], $0xffff  }
0x4bd: {  	[tilespmem:s0+$0xAC70] =	vst v7;
	v7 =	vld.idx.msk [tilespmem:v6+s26+$0x0], $0xffff  }
0x4be: {  	[tilespmem:s0+$0xA840] =	vst v16;
	v8 =	vld.idx.msk [tilespmem:v5+s26+$0x0], $0xffff  }
0x4bf: {  	v4 =	vld.idx.msk [tilespmem:v2+s26+$0x0], $0xffff;
	[tilespmem:s0+$0xA830] =	vst v15  }
0x4c0: {  	[tilespmem:s0+$0xA850] =	vst v10;
	v3 =	vld.idx.msk [tilespmem:v3+s26+$0x0], $0xffff  }
0x4c1: {  	s3 =	simm.s32 $0x200;
	s15 =	simm.s32 $0x0;
	v5 =	vld.idx.msk [tilespmem:v1+s26+$0x0], $0xffff;
	[tilespmem:s0+$0xA860] =	vst v11  }
.LBB2_12:
0x4c2: {  	s5 =	sshra.s32 s3, $0x2;
	s15 =	sadd.s32 $0x8, s15;
	[tilespmem:s0+$0xAC00] =	vst v7;
	v0 =	vld.idx.msk [tilespmem:v0+s26+$0x0], $0xffff  }
0x4c3: {  	v7 =	vld [tilespmem:s5+$0x4470];
	p0 =	slt.u32 s15, $0x38;
	[tilespmem:s0+$0xAC10] =	vst v8  }
0x4c4: {  	v1 =	vld [tilespmem:s5+$0x4400];
	[tilespmem:s0+$0xAC20] =	vst v9  }
0x4c5: {  	v2 =	vld [tilespmem:s5+$0x4410];
	[tilespmem:s0+$0xAC30] =	vst v3  }
0x4c6: {  	v3 =	vld [tilespmem:s5+$0x4420];
	[tilespmem:s0+$0xAC40] =	vst v4  }
0x4c7: {  	v4 =	vld [tilespmem:s5+$0x4430];
	[tilespmem:s0+$0xAC50] =	vst v5  }
0x4c8: {  	v5 =	vld [tilespmem:s5+$0x4440];
	[tilespmem:s0+$0xAC60] =	vst v0;
	s0 =	smov.u32 s5  }
0x4c9: {  	v6 =	vld [tilespmem:s0+$0x4450]  }
0x4ca: {  	v0 =	vld [tilespmem:s0+$0x4460]  }
0x4cb: {  	v8 =	vld.idx.msk [tilespmem:v7+s2+$0x0], $0xffff  }
0x4cc: {  	v9 =	vld.idx.msk [tilespmem:v1+s2+$0x0], $0xffff  }
0x4cd: {  	v10 =	vld.idx.msk [tilespmem:v2+s2+$0x0], $0xffff  }
0x4ce: {  	v11 =	vld.idx.msk [tilespmem:v3+s2+$0x0], $0xffff  }
0x4cf: {  	v12 =	vld.idx.msk [tilespmem:v4+s2+$0x0], $0xffff  }
0x4d0: {  	v13 =	vld.idx.msk [tilespmem:v5+s2+$0x0], $0xffff  }
0x4d1: {  	v14 =	vld.idx.msk [tilespmem:v6+s2+$0x0], $0xffff;
	[tilespmem:s0+$0x8070] =	vst v8  }
0x4d2: {  	[tilespmem:s0+$0x8000] =	vst v9;
	v8 =	vld.idx.msk [tilespmem:v7+s16+$0x0], $0xffff  }
0x4d3: {  	[tilespmem:s0+$0x8010] =	vst v10;
	v9 =	vld.idx.msk [tilespmem:v0+s2+$0x0], $0xffff  }
0x4d4: {  	v10 =	vld.idx.msk [tilespmem:v1+s16+$0x0], $0xffff;
	[tilespmem:s0+$0x8020] =	vst v11  }
0x4d5: {  	v11 =	vld.idx.msk [tilespmem:v2+s16+$0x0], $0xffff;
	[tilespmem:s0+$0x8030] =	vst v12  }
0x4d6: {  	v12 =	vld.idx.msk [tilespmem:v3+s16+$0x0], $0xffff;
	[tilespmem:s0+$0x8040] =	vst v13  }
0x4d7: {  	v13 =	vld.idx.msk [tilespmem:v4+s16+$0x0], $0xffff;
	[tilespmem:s0+$0x8050] =	vst v14  }
0x4d8: {  	v14 =	vld.idx.msk [tilespmem:v5+s16+$0x0], $0xffff;
	[tilespmem:s0+$0x8470] =	vst v8  }
0x4d9: {  	[tilespmem:s0+$0x8060] =	vst v9;
	v8 =	vld.idx.msk [tilespmem:v7+s17+$0x0], $0xffff  }
0x4da: {  	[tilespmem:s0+$0x8400] =	vst v10;
	v9 =	vld.idx.msk [tilespmem:v6+s16+$0x0], $0xffff  }
0x4db: {  	[tilespmem:s0+$0x8410] =	vst v11;
	v10 =	vld.idx.msk [tilespmem:v0+s16+$0x0], $0xffff  }
0x4dc: {  	v11 =	vld.idx.msk [tilespmem:v1+s17+$0x0], $0xffff;
	[tilespmem:s0+$0x8420] =	vst v12  }
0x4dd: {  	v12 =	vld.idx.msk [tilespmem:v2+s17+$0x0], $0xffff;
	[tilespmem:s0+$0x8430] =	vst v13  }
0x4de: {  	v13 =	vld.idx.msk [tilespmem:v3+s17+$0x0], $0xffff;
	[tilespmem:s0+$0x8440] =	vst v14  }
0x4df: {  	v14 =	vld.idx.msk [tilespmem:v4+s17+$0x0], $0xffff;
	[tilespmem:s0+$0x8870] =	vst v8  }
0x4e0: {  	[tilespmem:s0+$0x8450] =	vst v9;
	v8 =	vld.idx.msk [tilespmem:v7+s18+$0x0], $0xffff  }
0x4e1: {  	v9 =	vld.idx.msk [tilespmem:v5+s17+$0x0], $0xffff;
	[tilespmem:s0+$0x8460] =	vst v10  }
0x4e2: {  	[tilespmem:s0+$0x8800] =	vst v11;
	v10 =	vld.idx.msk [tilespmem:v6+s17+$0x0], $0xffff  }
0x4e3: {  	[tilespmem:s0+$0x8810] =	vst v12;
	v11 =	vld.idx.msk [tilespmem:v0+s17+$0x0], $0xffff  }
0x4e4: {  	v12 =	vld.idx.msk [tilespmem:v1+s18+$0x0], $0xffff;
	[tilespmem:s0+$0x8820] =	vst v13  }
0x4e5: {  	v13 =	vld.idx.msk [tilespmem:v2+s18+$0x0], $0xffff;
	[tilespmem:s0+$0x8830] =	vst v14  }
0x4e6: {  	v14 =	vld.idx.msk [tilespmem:v3+s18+$0x0], $0xffff;
	[tilespmem:s0+$0x8C70] =	vst v8  }
0x4e7: {  	[tilespmem:s0+$0x8840] =	vst v9;
	v8 =	vld.idx.msk [tilespmem:v7+s19+$0x0], $0xffff  }
0x4e8: {  	v9 =	vld.idx.msk [tilespmem:v4+s18+$0x0], $0xffff;
	[tilespmem:s0+$0x8850] =	vst v10  }
0x4e9: {  	v10 =	vld.idx.msk [tilespmem:v5+s18+$0x0], $0xffff;
	[tilespmem:s0+$0x8860] =	vst v11  }
0x4ea: {  	[tilespmem:s0+$0x8C00] =	vst v12;
	v11 =	vld.idx.msk [tilespmem:v6+s18+$0x0], $0xffff  }
0x4eb: {  	[tilespmem:s0+$0x8C10] =	vst v13;
	v12 =	vld.idx.msk [tilespmem:v0+s18+$0x0], $0xffff  }
0x4ec: {  	v13 =	vld.idx.msk [tilespmem:v1+s19+$0x0], $0xffff;
	[tilespmem:s0+$0x8C20] =	vst v14  }
0x4ed: {  	v14 =	vld.idx.msk [tilespmem:v2+s19+$0x0], $0xffff;
	[tilespmem:s0+$0x9070] =	vst v8  }
0x4ee: {  	[tilespmem:s0+$0x8C30] =	vst v9;
	v8 =	vld.idx.msk [tilespmem:v7+s20+$0x0], $0xffff  }
0x4ef: {  	v9 =	vld.idx.msk [tilespmem:v3+s19+$0x0], $0xffff;
	[tilespmem:s0+$0x8C40] =	vst v10  }
0x4f0: {  	v10 =	vld.idx.msk [tilespmem:v4+s19+$0x0], $0xffff;
	[tilespmem:s0+$0x8C50] =	vst v11  }
0x4f1: {  	v11 =	vld.idx.msk [tilespmem:v5+s19+$0x0], $0xffff;
	[tilespmem:s0+$0x8C60] =	vst v12  }
0x4f2: {  	[tilespmem:s0+$0x9000] =	vst v13;
	v12 =	vld.idx.msk [tilespmem:v6+s19+$0x0], $0xffff  }
0x4f3: {  	[tilespmem:s0+$0x9010] =	vst v14;
	v13 =	vld.idx.msk [tilespmem:v0+s19+$0x0], $0xffff  }
0x4f4: {  	v14 =	vld.idx.msk [tilespmem:v1+s20+$0x0], $0xffff;
	[tilespmem:s0+$0x9470] =	vst v8  }
0x4f5: {  	[tilespmem:s0+$0x9020] =	vst v9;
	v8 =	vld.idx.msk [tilespmem:v7+s21+$0x0], $0xffff  }
0x4f6: {  	v9 =	vld.idx.msk [tilespmem:v2+s20+$0x0], $0xffff;
	[tilespmem:s0+$0x9030] =	vst v10  }
0x4f7: {  	v10 =	vld.idx.msk [tilespmem:v3+s20+$0x0], $0xffff;
	[tilespmem:s0+$0x9040] =	vst v11  }
0x4f8: {  	v11 =	vld.idx.msk [tilespmem:v4+s20+$0x0], $0xffff;
	[tilespmem:s0+$0x9050] =	vst v12  }
0x4f9: {  	v12 =	vld.idx.msk [tilespmem:v5+s20+$0x0], $0xffff;
	[tilespmem:s0+$0x9060] =	vst v13  }
0x4fa: {  	[tilespmem:s0+$0x9400] =	vst v14;
	v13 =	vld.idx.msk [tilespmem:v6+s20+$0x0], $0xffff  }
0x4fb: {  	v14 =	vld.idx.msk [tilespmem:v0+s20+$0x0], $0xffff;
	[tilespmem:s0+$0x9870] =	vst v8  }
0x4fc: {  	[tilespmem:s0+$0x9410] =	vst v9;
	v8 =	vld.idx.msk [tilespmem:v7+s22+$0x0], $0xffff  }
0x4fd: {  	v9 =	vld.idx.msk [tilespmem:v1+s21+$0x0], $0xffff;
	[tilespmem:s0+$0x9420] =	vst v10  }
0x4fe: {  	v10 =	vld.idx.msk [tilespmem:v2+s21+$0x0], $0xffff;
	[tilespmem:s0+$0x9430] =	vst v11  }
0x4ff: {  	v11 =	vld.idx.msk [tilespmem:v3+s21+$0x0], $0xffff;
	[tilespmem:s0+$0x9440] =	vst v12  }
0x500: {  	v12 =	vld.idx.msk [tilespmem:v4+s21+$0x0], $0xffff;
	[tilespmem:s0+$0x9450] =	vst v13  }
0x501: {  	v13 =	vld.idx.msk [tilespmem:v5+s21+$0x0], $0xffff;
	[tilespmem:s0+$0x9460] =	vst v14  }
0x502: {  	v14 =	vld.idx.msk [tilespmem:v6+s21+$0x0], $0xffff;
	[tilespmem:s0+$0x9C70] =	vst v8  }
0x503: {  	[tilespmem:s0+$0x9800] =	vst v9;
	v8 =	vld.idx.msk [tilespmem:v7+s23+$0x0], $0xffff  }
0x504: {  	[tilespmem:s0+$0x9810] =	vst v10;
	v9 =	vld.idx.msk [tilespmem:v0+s21+$0x0], $0xffff  }
0x505: {  	v10 =	vld.idx.msk [tilespmem:v1+s22+$0x0], $0xffff;
	[tilespmem:s0+$0x9820] =	vst v11  }
0x506: {  	v11 =	vld.idx.msk [tilespmem:v2+s22+$0x0], $0xffff;
	[tilespmem:s0+$0x9830] =	vst v12  }
0x507: {  	v12 =	vld.idx.msk [tilespmem:v3+s22+$0x0], $0xffff;
	[tilespmem:s0+$0x9840] =	vst v13  }
0x508: {  	v13 =	vld.idx.msk [tilespmem:v4+s22+$0x0], $0xffff;
	[tilespmem:s0+$0x9850] =	vst v14  }
0x509: {  	v14 =	vld.idx.msk [tilespmem:v5+s22+$0x0], $0xffff;
	[tilespmem:s0+$0xA070] =	vst v8  }
0x50a: {  	[tilespmem:s0+$0x9860] =	vst v9;
	v8 =	vld.idx.msk [tilespmem:v7+s24+$0x0], $0xffff  }
0x50b: {  	[tilespmem:s0+$0x9C00] =	vst v10;
	v9 =	vld.idx.msk [tilespmem:v6+s22+$0x0], $0xffff  }
0x50c: {  	[tilespmem:s0+$0x9C10] =	vst v11;
	v10 =	vld.idx.msk [tilespmem:v0+s22+$0x0], $0xffff  }
0x50d: {  	v11 =	vld.idx.msk [tilespmem:v1+s23+$0x0], $0xffff;
	[tilespmem:s0+$0x9C20] =	vst v12  }
0x50e: {  	v12 =	vld.idx.msk [tilespmem:v2+s23+$0x0], $0xffff;
	[tilespmem:s0+$0x9C30] =	vst v13  }
0x50f: {  	v13 =	vld.idx.msk [tilespmem:v3+s23+$0x0], $0xffff;
	[tilespmem:s0+$0x9C40] =	vst v14  }
0x510: {  	v14 =	vld.idx.msk [tilespmem:v4+s23+$0x0], $0xffff;
	[tilespmem:s0+$0xA470] =	vst v8  }
0x511: {  	[tilespmem:s0+$0x9C50] =	vst v9;
	v8 =	vld.idx.msk [tilespmem:v7+s25+$0x0], $0xffff  }
0x512: {  	v9 =	vld.idx.msk [tilespmem:v5+s23+$0x0], $0xffff;
	[tilespmem:s0+$0x9C60] =	vst v10  }
0x513: {  	[tilespmem:s0+$0xA000] =	vst v11;
	v10 =	vld.idx.msk [tilespmem:v6+s23+$0x0], $0xffff  }
0x514: {  	[tilespmem:s0+$0xA010] =	vst v12;
	v11 =	vld.idx.msk [tilespmem:v0+s23+$0x0], $0xffff  }
0x515: {  	v12 =	vld.idx.msk [tilespmem:v1+s24+$0x0], $0xffff;
	[tilespmem:s0+$0xA020] =	vst v13  }
0x516: {  	v13 =	vld.idx.msk [tilespmem:v2+s24+$0x0], $0xffff;
	[tilespmem:s0+$0xA030] =	vst v14  }
0x517: {  	v14 =	vld.idx.msk [tilespmem:v3+s24+$0x0], $0xffff;
	[tilespmem:s0+$0xA870] =	vst v8  }
0x518: {  	[tilespmem:s0+$0xA040] =	vst v9;
	v7 =	vld.idx.msk [tilespmem:v7+s26+$0x0], $0xffff  }
0x519: {  	v8 =	vld.idx.msk [tilespmem:v4+s24+$0x0], $0xffff;
	[tilespmem:s0+$0xA050] =	vst v10  }
0x51a: {  	v9 =	vld.idx.msk [tilespmem:v5+s24+$0x0], $0xffff;
	[tilespmem:s0+$0xA060] =	vst v11  }
0x51b: {  	[tilespmem:s0+$0xA400] =	vst v12;
	v10 =	vld.idx.msk [tilespmem:v6+s24+$0x0], $0xffff  }
0x51c: {  	[tilespmem:s0+$0xA410] =	vst v13;
	v11 =	vld.idx.msk [tilespmem:v0+s24+$0x0], $0xffff  }
0x51d: {  	v12 =	vld.idx.msk [tilespmem:v1+s25+$0x0], $0xffff;
	[tilespmem:s0+$0xA420] =	vst v14  }
0x51e: {  	v13 =	vld.idx.msk [tilespmem:v2+s25+$0x0], $0xffff;
	[tilespmem:s0+$0xAC70] =	vst v7  }
0x51f: {  	v14 =	vld.idx.msk [tilespmem:v3+s25+$0x0], $0xffff;
	[tilespmem:s0+$0xA430] =	vst v8  }
0x520: {  	v15 =	vld.idx.msk [tilespmem:v4+s25+$0x0], $0xffff;
	[tilespmem:s0+$0xA440] =	vst v9  }
0x521: {  	v16 =	vld.idx.msk [tilespmem:v5+s25+$0x0], $0xffff;
	[tilespmem:s0+$0xA450] =	vst v10  }
0x522: {  	v10 =	vld.idx.msk [tilespmem:v6+s25+$0x0], $0xffff;
	[tilespmem:s0+$0xA460] =	vst v11  }
0x523: {  	[tilespmem:s0+$0xA800] =	vst v12;
	v11 =	vld.idx.msk [tilespmem:v0+s25+$0x0], $0xffff  }
0x524: {  	v7 =	vld.idx.msk [tilespmem:v1+s26+$0x0], $0xffff;
	[tilespmem:s0+$0xA810] =	vst v13  }
.Ltmp5:
0x525: {  	v8 =	vld.idx.msk [tilespmem:v2+s26+$0x0], $0xffff;
	[tilespmem:s0+$0xA820] =	vst v14;
	(pc) =	sbr.rel @p0 .LBB2_12-.Ltmp5, $4  }
0x526: {  	v9 =	vld.idx.msk [tilespmem:v3+s26+$0x0], $0xffff;
	[tilespmem:s0+$0xA830] =	vst v15  }
0x527: {  	v3 =	vld.idx.msk [tilespmem:v4+s26+$0x0], $0xffff;
	[tilespmem:s0+$0xA840] =	vst v16  }
0x528: {  	v4 =	vld.idx.msk [tilespmem:v5+s26+$0x0], $0xffff;
	[tilespmem:s0+$0xA850] =	vst v10  }
0x529: {  	s3 =	sadd.s32 $0x200, s3;
	v5 =	vld.idx.msk [tilespmem:v6+s26+$0x0], $0xffff;
	[tilespmem:s0+$0xA860] =	vst v11  }
0x52a: {  	_ =	sdelay $0x2  }
0x52b: {  	[tilespmem:s0+$0xAC00] =	vst v7  }
0x52c: {  	v0 =	vld.idx.msk [tilespmem:v0+s26+$0x0], $0xffff;
	[tilespmem:s0+$0xAC10] =	vst v8  }
0x52d: {  	[tilespmem:s0+$0xAC20] =	vst v9  }
0x52e: {  	[tilespmem:s0+$0xAC30] =	vst v3  }
0x52f: {  	[tilespmem:s0+$0xAC40] =	vst v4  }
0x530: {  	[tilespmem:s0+$0xAC50] =	vst v5  }
0x531: {  	[tilespmem:s0+$0xAC60] =	vst v0  }
0x532: {  	[hbm4b:s10+s2] =	stream.linear.scatter [tilespmem:s29], [sflag:$0x2], $0x3000, $0x38;
	[tilespmem:$0xB000] =	vst v63  }
0x533: {  	_ =	swait.ge [sflag:s30], $0x3000  }
0x534: {  	[sflag:s30] =	ssyncset.done $0x0  }
0x535: {  	s15 =	simm.s32 $0x4870;
	[sflag:s30] =	ssyncadd.s32 $0xFFFFD000  }
0x536: {  	v7 =	vld [tilespmem:s15+$0x0]  }
0x537: {  	v5 =	vld [tilespmem:s15+$0xFFFFFFA0]  }
0x538: {  	v4 =	vld [tilespmem:s15+$0xFFFFFFB0]  }
0x539: {  	v3 =	vld [tilespmem:s15+$0xFFFFFFC0]  }
0x53a: {  	v2 =	vld [tilespmem:s15+$0xFFFFFFD0]  }
0x53b: {  	v1 =	vld [tilespmem:s15+$0xFFFFFFE0]  }
0x53c: {  	v0 =	vld [tilespmem:s15+$0xFFFFFFF0]  }
0x53d: {  	v6 =	vld [tilespmem:s15+$0xFFFFFF90]  }
0x53e: {  	v8 =	vld.idx.msk [tilespmem:v7+s2+$0x0], $0xffff  }
0x53f: {  	v9 =	vld.idx.msk [tilespmem:v5+s2+$0x0], $0xffff  }
0x540: {  	v10 =	vld.idx.msk [tilespmem:v4+s2+$0x0], $0xffff  }
0x541: {  	v11 =	vld.idx.msk [tilespmem:v3+s2+$0x0], $0xffff  }
0x542: {  	v12 =	vld.idx.msk [tilespmem:v2+s2+$0x0], $0xffff  }
0x543: {  	s0 =	simm.s32 $0x6800;
	v13 =	vld.idx.msk [tilespmem:v1+s2+$0x0], $0xffff  }
0x544: {  	v14 =	vld.idx.msk [tilespmem:v0+s2+$0x0], $0xffff;
	[tilespmem:s0+$0xFFFFE870] =	vst v8  }
0x545: {  	[tilespmem:s0+$0xFFFFE810] =	vst v9;
	v9 =	vld.idx.msk [tilespmem:v6+s2+$0x0], $0xffff  }
0x546: {  	[tilespmem:s0+$0xFFFFE820] =	vst v10;
	v8 =	vld.idx.msk [tilespmem:v7+s16+$0x0], $0xffff  }
0x547: {  	[tilespmem:s0+$0xFFFFE830] =	vst v11;
	v10 =	vld.idx.msk [tilespmem:v5+s16+$0x0], $0xffff  }
0x548: {  	[tilespmem:s0+$0xFFFFE840] =	vst v12;
	v11 =	vld.idx.msk [tilespmem:v4+s16+$0x0], $0xffff  }
0x549: {  	[tilespmem:s0+$0xFFFFE850] =	vst v13;
	v33 =	vld.idx.msk [tilespmem:v3+s16+$0x0], $0xffff  }
0x54a: {  	[tilespmem:s0+$0xFFFFE860] =	vst v14;
	v34 =	vld.idx.msk [tilespmem:v2+s16+$0x0], $0xffff  }
0x54b: {  	v35 =	vld.idx.msk [tilespmem:v1+s16+$0x0], $0xffff;
	[tilespmem:s0+$0xFFFFE800] =	vst v9  }
0x54c: {  	[tilespmem:s0+$0xFFFFEC70] =	vst v8;
	v9 =	vld.idx.msk [tilespmem:v6+s16+$0x0], $0xffff  }
0x54d: {  	[tilespmem:s0+$0xFFFFEC10] =	vst v10;
	v10 =	vld.idx.msk [tilespmem:v0+s16+$0x0], $0xffff  }
0x54e: {  	[tilespmem:s0+$0xFFFFEC20] =	vst v11;
	v8 =	vld.idx.msk [tilespmem:v7+s17+$0x0], $0xffff  }
0x54f: {  	[tilespmem:s0+$0xFFFFEC30] =	vst v33;
	v11 =	vld.idx.msk [tilespmem:v5+s17+$0x0], $0xffff  }
0x550: {  	[tilespmem:s0+$0xFFFFEC40] =	vst v34;
	v36 =	vld.idx.msk [tilespmem:v4+s17+$0x0], $0xffff  }
0x551: {  	[tilespmem:s0+$0xFFFFEC50] =	vst v35;
	v37 =	vld.idx.msk [tilespmem:v3+s17+$0x0], $0xffff  }
0x552: {  	v38 =	vld.idx.msk [tilespmem:v2+s17+$0x0], $0xffff;
	[tilespmem:s0+$0xFFFFEC00] =	vst v9  }
0x553: {  	[tilespmem:s0+$0xFFFFEC60] =	vst v10;
	v10 =	vld.idx.msk [tilespmem:v1+s17+$0x0], $0xffff  }
0x554: {  	[tilespmem:s0+$0xFFFFF070] =	vst v8;
	v9 =	vld.idx.msk [tilespmem:v6+s17+$0x0], $0xffff  }
0x555: {  	[tilespmem:s0+$0xFFFFF010] =	vst v11;
	v11 =	vld.idx.msk [tilespmem:v0+s17+$0x0], $0xffff  }
0x556: {  	[tilespmem:s0+$0xFFFFF020] =	vst v36;
	v8 =	vld.idx.msk [tilespmem:v7+s18+$0x0], $0xffff  }
0x557: {  	[tilespmem:s0+$0xFFFFF030] =	vst v37;
	v39 =	vld.idx.msk [tilespmem:v5+s18+$0x0], $0xffff  }
0x558: {  	[tilespmem:s0+$0xFFFFF040] =	vst v38;
	v40 =	vld.idx.msk [tilespmem:v4+s18+$0x0], $0xffff  }
0x559: {  	v41 =	vld.idx.msk [tilespmem:v3+s18+$0x0], $0xffff;
	[tilespmem:s0+$0xFFFFF050] =	vst v10  }
0x55a: {  	v10 =	vld.idx.msk [tilespmem:v2+s18+$0x0], $0xffff;
	[tilespmem:s0+$0xFFFFF000] =	vst v9  }
0x55b: {  	[tilespmem:s0+$0xFFFFF060] =	vst v11;
	v11 =	vld.idx.msk [tilespmem:v1+s18+$0x0], $0xffff  }
0x55c: {  	[tilespmem:s0+$0xFFFFF470] =	vst v8;
	v9 =	vld.idx.msk [tilespmem:v6+s18+$0x0], $0xffff  }
0x55d: {  	[tilespmem:s0+$0xFFFFF410] =	vst v39;
	v42 =	vld.idx.msk [tilespmem:v0+s18+$0x0], $0xffff  }
0x55e: {  	[tilespmem:s0+$0xFFFFF420] =	vst v40;
	v8 =	vld.idx.msk [tilespmem:v7+s19+$0x0], $0xffff  }
0x55f: {  	[tilespmem:s0+$0xFFFFF430] =	vst v41;
	v43 =	vld.idx.msk [tilespmem:v5+s19+$0x0], $0xffff  }
0x560: {  	v44 =	vld.idx.msk [tilespmem:v4+s19+$0x0], $0xffff;
	[tilespmem:s0+$0xFFFFF440] =	vst v10  }
0x561: {  	v10 =	vld.idx.msk [tilespmem:v3+s19+$0x0], $0xffff;
	[tilespmem:s0+$0xFFFFF450] =	vst v11  }
0x562: {  	v11 =	vld.idx.msk [tilespmem:v2+s19+$0x0], $0xffff;
	[tilespmem:s0+$0xFFFFF400] =	vst v9  }
0x563: {  	[tilespmem:s0+$0xFFFFF460] =	vst v42;
	v45 =	vld.idx.msk [tilespmem:v1+s19+$0x0], $0xffff  }
0x564: {  	[tilespmem:s0+$0xFFFFF870] =	vst v8;
	v9 =	vld.idx.msk [tilespmem:v6+s19+$0x0], $0xffff  }
0x565: {  	[tilespmem:s0+$0xFFFFF810] =	vst v43;
	v46 =	vld.idx.msk [tilespmem:v0+s19+$0x0], $0xffff  }
0x566: {  	[tilespmem:s0+$0xFFFFF820] =	vst v44;
	v8 =	vld.idx.msk [tilespmem:v7+s20+$0x0], $0xffff  }
0x567: {  	v47 =	vld.idx.msk [tilespmem:v5+s20+$0x0], $0xffff;
	[tilespmem:s0+$0xFFFFF830] =	vst v10  }
0x568: {  	v10 =	vld.idx.msk [tilespmem:v4+s20+$0x0], $0xffff;
	[tilespmem:s0+$0xFFFFF840] =	vst v11  }
0x569: {  	v11 =	vld.idx.msk [tilespmem:v3+s20+$0x0], $0xffff;
	[tilespmem:s0+$0xFFFFF850] =	vst v45  }
0x56a: {  	v48 =	vld.idx.msk [tilespmem:v2+s20+$0x0], $0xffff;
	[tilespmem:s0+$0xFFFFF800] =	vst v9  }
0x56b: {  	[tilespmem:s0+$0xFFFFF860] =	vst v46;
	v49 =	vld.idx.msk [tilespmem:v1+s20+$0x0], $0xffff  }
0x56c: {  	[tilespmem:s0+$0xFFFFFC70] =	vst v8;
	v9 =	vld.idx.msk [tilespmem:v6+s20+$0x0], $0xffff  }
0x56d: {  	[tilespmem:s0+$0xFFFFFC10] =	vst v47;
	v50 =	vld.idx.msk [tilespmem:v0+s20+$0x0], $0xffff  }
0x56e: {  	v8 =	vld.idx.msk [tilespmem:v7+s21+$0x0], $0xffff;
	[tilespmem:s0+$0xFFFFFC20] =	vst v10  }
0x56f: {  	v10 =	vld.idx.msk [tilespmem:v5+s21+$0x0], $0xffff;
	[tilespmem:s0+$0xFFFFFC30] =	vst v11  }
0x570: {  	v11 =	vld.idx.msk [tilespmem:v4+s21+$0x0], $0xffff;
	[tilespmem:s0+$0xFFFFFC40] =	vst v48  }
0x571: {  	v51 =	vld.idx.msk [tilespmem:v3+s21+$0x0], $0xffff;
	[tilespmem:s0+$0xFFFFFC50] =	vst v49  }
0x572: {  	v52 =	vld.idx.msk [tilespmem:v2+s21+$0x0], $0xffff;
	[tilespmem:s0+$0xFFFFFC00] =	vst v9  }
0x573: {  	[tilespmem:s0+$0xFFFFFC60] =	vst v50;
	v53 =	vld.idx.msk [tilespmem:v1+s21+$0x0], $0xffff  }
0x574: {  	[tilespmem:s0+$0x70] =	vst v8;
	v9 =	vld.idx.msk [tilespmem:v6+s21+$0x0], $0xffff  }
0x575: {  	[tilespmem:s0+$0x10] =	vst v10;
	v8 =	vld.idx.msk [tilespmem:v7+s22+$0x0], $0xffff  }
0x576: {  	[tilespmem:s0+$0x20] =	vst v11;
	v11 =	vld.idx.msk [tilespmem:v5+s22+$0x0], $0xffff  }
0x577: {  	[tilespmem:s0+$0x30] =	vst v51;
	v54 =	vld.idx.msk [tilespmem:v4+s22+$0x0], $0xffff  }
0x578: {  	[tilespmem:s0+$0x40] =	vst v52;
	v55 =	vld.idx.msk [tilespmem:v3+s22+$0x0], $0xffff  }
0x579: {  	[tilespmem:s0+$0x50] =	vst v53;
	v56 =	vld.idx.msk [tilespmem:v2+s22+$0x0], $0xffff  }
0x57a: {  	[tilespmem:s0+$0x0] =	vst v9;
	v9 =	vld.idx.msk [tilespmem:v0+s21+$0x0], $0xffff  }
0x57b: {  	[tilespmem:s0+$0x470] =	vst v8;
	v10 =	vld.idx.msk [tilespmem:v6+s22+$0x0], $0xffff  }
0x57c: {  	[tilespmem:s0+$0x410] =	vst v11;
	v8 =	vld.idx.msk [tilespmem:v7+s23+$0x0], $0xffff  }
0x57d: {  	[tilespmem:s0+$0x420] =	vst v54;
	v57 =	vld.idx.msk [tilespmem:v5+s23+$0x0], $0xffff  }
0x57e: {  	[tilespmem:s0+$0x430] =	vst v55;
	v58 =	vld.idx.msk [tilespmem:v4+s23+$0x0], $0xffff  }
0x57f: {  	[tilespmem:s0+$0x440] =	vst v56;
	v59 =	vld.idx.msk [tilespmem:v3+s23+$0x0], $0xffff  }
0x580: {  	[tilespmem:s0+$0x60] =	vst v9;
	v9 =	vld.idx.msk [tilespmem:v1+s22+$0x0], $0xffff  }
0x581: {  	[tilespmem:s0+$0x400] =	vst v10;
	v10 =	vld.idx.msk [tilespmem:v0+s22+$0x0], $0xffff  }
0x582: {  	[tilespmem:s0+$0x870] =	vst v8;
	v11 =	vld.idx.msk [tilespmem:v6+s23+$0x0], $0xffff  }
0x583: {  	[tilespmem:s0+$0x810] =	vst v57;
	v8 =	vld.idx.msk [tilespmem:v7+s24+$0x0], $0xffff  }
0x584: {  	[tilespmem:s0+$0x820] =	vst v58;
	v61 =	vld.idx.msk [tilespmem:v5+s24+$0x0], $0xffff  }
0x585: {  	v62 =	vld.idx.msk [tilespmem:v4+s24+$0x0], $0xffff;
	[tilespmem:s0+$0x450] =	vst v9  }
0x586: {  	v9 =	vld.idx.msk [tilespmem:v2+s23+$0x0], $0xffff;
	[tilespmem:s0+$0x460] =	vst v10  }
0x587: {  	v10 =	vld.idx.msk [tilespmem:v1+s23+$0x0], $0xffff;
	[tilespmem:s0+$0x800] =	vst v11  }
0x588: {  	v11 =	vld.idx.msk [tilespmem:v0+s23+$0x0], $0xffff;
	[tilespmem:s0+$0xC70] =	vst v8  }
0x589: {  	[tilespmem:s0+$0x830] =	vst v59;
	v8 =	vld.idx.msk [tilespmem:v7+s25+$0x0], $0xffff  }
0x58a: {  	v60 =	vld.idx.msk [tilespmem:v6+s24+$0x0], $0xffff;
	[tilespmem:s0+$0xC10] =	vst v61  }
0x58b: {  	v13 =	vld.idx.msk [tilespmem:v5+s25+$0x0], $0xffff;
	[tilespmem:s0+$0x840] =	vst v9  }
0x58c: {  	[tilespmem:s0+$0x850] =	vst v10;
	v9 =	vld.idx.msk [tilespmem:v2+s24+$0x0], $0xffff  }
0x58d: {  	[tilespmem:s0+$0xC20] =	vst v62;
	v10 =	vld.idx.msk [tilespmem:v1+s24+$0x0], $0xffff  }
0x58e: {  	[tilespmem:s0+$0x1070] =	vst v8;
	v8 =	vld.idx.msk [tilespmem:v3+s24+$0x0], $0xffff  }
0x58f: {  	[tilespmem:s0+$0x860] =	vst v11;
	v7 =	vld.idx.msk [tilespmem:v7+s26+$0x0], $0xffff  }
0x590: {  	[tilespmem:s0+$0xC00] =	vst v60;
	v11 =	vld.idx.msk [tilespmem:v0+s24+$0x0], $0xffff  }
0x591: {  	v12 =	vld.idx.msk [tilespmem:v6+s25+$0x0], $0xffff;
	[tilespmem:s0+$0xC40] =	vst v9  }
0x592: {  	v9 =	vld.idx.msk [tilespmem:v2+s25+$0x0], $0xffff;
	[tilespmem:s0+$0xC50] =	vst v10  }
0x593: {  	v10 =	vld.idx.msk [tilespmem:v1+s25+$0x0], $0xffff;
	[tilespmem:s0+$0xC30] =	vst v8  }
0x594: {  	[tilespmem:s0+$0x1470] =	vst v7;
	v7 =	vld.idx.msk [tilespmem:v4+s25+$0x0], $0xffff  }
0x595: {  	[tilespmem:s0+$0xC60] =	vst v11;
	v63 =	vld.idx.msk [tilespmem:v3+s25+$0x0], $0xffff  }
0x596: {  	[tilespmem:s0+$0x1000] =	vst v12;
	v11 =	vld.idx.msk [tilespmem:v0+s25+$0x0], $0xffff  }
0x597: {  	[tilespmem:s0+$0x1010] =	vst v13;
	v12 =	vld.idx.msk [tilespmem:v6+s26+$0x0], $0xffff  }
0x598: {  	v6 =	vld.idx.msk [tilespmem:v5+s26+$0x0], $0xffff;
	[tilespmem:s0+$0x1050] =	vst v10  }
0x599: {  	v5 =	vld.idx.msk [tilespmem:v1+s26+$0x0], $0xffff;
	[tilespmem:s0+$0x1020] =	vst v7  }
0x59a: {  	[tilespmem:s0+$0x1030] =	vst v63;
	v8 =	vld.idx.msk [tilespmem:v4+s26+$0x0], $0xffff  }
0x59b: {  	[tilespmem:s0+$0x1040] =	vst v9;
	v3 =	vld.idx.msk [tilespmem:v3+s26+$0x0], $0xffff  }
0x59c: {  	[tilespmem:s0+$0x1060] =	vst v11;
	v4 =	vld.idx.msk [tilespmem:v2+s26+$0x0], $0xffff  }
0x59d: {  	s3 =	simm.s32 $0x48F0;
	s15 =	simm.s32 $0x0;
	[tilespmem:s0+$0x1400] =	vst v12;
	v1 =	vld.idx.msk [tilespmem:v0+s26+$0x0], $0xffff  }
.LBB2_14:
0x59e: {  	v7 =	vld [tilespmem:s3+$0x0];
	s15 =	sadd.s32 $0x8, s15;
	[tilespmem:s0+$0x1410] =	vst v6  }
0x59f: {  	v0 =	vld [tilespmem:s3+$0xFFFFFFA0];
	p0 =	slt.u32 s15, $0x38;
	[tilespmem:s0+$0x1420] =	vst v8  }
0x5a0: {  	v2 =	vld [tilespmem:s3+$0xFFFFFFB0];
	[tilespmem:s0+$0x1430] =	vst v3  }
0x5a1: {  	v3 =	vld [tilespmem:s3+$0xFFFFFFC0];
	[tilespmem:s0+$0x1440] =	vst v4  }
0x5a2: {  	v4 =	vld [tilespmem:s3+$0xFFFFFFD0];
	[tilespmem:s0+$0x1450] =	vst v5  }
0x5a3: {  	v5 =	vld [tilespmem:s3+$0xFFFFFFE0];
	[tilespmem:s0+$0x1460] =	vst v1  }
0x5a4: {  	v1 =	vld [tilespmem:s3+$0xFFFFFFF0]  }
0x5a5: {  	v6 =	vld [tilespmem:s3+$0xFFFFFF90]  }
0x5a6: {  	v8 =	vld.idx.msk [tilespmem:v7+s2+$0x0], $0xffff  }
0x5a7: {  	v9 =	vld.idx.msk [tilespmem:v0+s2+$0x0], $0xffff  }
0x5a8: {  	v10 =	vld.idx.msk [tilespmem:v2+s2+$0x0], $0xffff  }
0x5a9: {  	v11 =	vld.idx.msk [tilespmem:v3+s2+$0x0], $0xffff  }
0x5aa: {  	v12 =	vld.idx.msk [tilespmem:v4+s2+$0x0], $0xffff  }
0x5ab: {  	s0 =	sadd.s32 $0x80, s0;
	v13 =	vld.idx.msk [tilespmem:v5+s2+$0x0], $0xffff  }
0x5ac: {  	v14 =	vld.idx.msk [tilespmem:v1+s2+$0x0], $0xffff;
	[tilespmem:s0+$0xFFFFE870] =	vst v8  }
0x5ad: {  	[tilespmem:s0+$0xFFFFE810] =	vst v9;
	v8 =	vld.idx.msk [tilespmem:v7+s16+$0x0], $0xffff  }
0x5ae: {  	v9 =	vld.idx.msk [tilespmem:v6+s2+$0x0], $0xffff;
	[tilespmem:s0+$0xFFFFE820] =	vst v10  }
0x5af: {  	v10 =	vld.idx.msk [tilespmem:v0+s16+$0x0], $0xffff;
	[tilespmem:s0+$0xFFFFE830] =	vst v11  }
0x5b0: {  	v11 =	vld.idx.msk [tilespmem:v2+s16+$0x0], $0xffff;
	[tilespmem:s0+$0xFFFFE840] =	vst v12  }
0x5b1: {  	v12 =	vld.idx.msk [tilespmem:v3+s16+$0x0], $0xffff;
	[tilespmem:s0+$0xFFFFE850] =	vst v13  }
0x5b2: {  	v13 =	vld.idx.msk [tilespmem:v4+s16+$0x0], $0xffff;
	[tilespmem:s0+$0xFFFFE860] =	vst v14  }
0x5b3: {  	v14 =	vld.idx.msk [tilespmem:v5+s16+$0x0], $0xffff;
	[tilespmem:s0+$0xFFFFEC70] =	vst v8  }
0x5b4: {  	[tilespmem:s0+$0xFFFFE800] =	vst v9;
	v8 =	vld.idx.msk [tilespmem:v7+s17+$0x0], $0xffff  }
0x5b5: {  	v9 =	vld.idx.msk [tilespmem:v6+s16+$0x0], $0xffff;
	[tilespmem:s0+$0xFFFFEC10] =	vst v10  }
0x5b6: {  	[tilespmem:s0+$0xFFFFEC20] =	vst v11;
	v10 =	vld.idx.msk [tilespmem:v1+s16+$0x0], $0xffff  }
0x5b7: {  	v11 =	vld.idx.msk [tilespmem:v0+s17+$0x0], $0xffff;
	[tilespmem:s0+$0xFFFFEC30] =	vst v12  }
0x5b8: {  	v12 =	vld.idx.msk [tilespmem:v2+s17+$0x0], $0xffff;
	[tilespmem:s0+$0xFFFFEC40] =	vst v13  }
0x5b9: {  	v13 =	vld.idx.msk [tilespmem:v3+s17+$0x0], $0xffff;
	[tilespmem:s0+$0xFFFFEC50] =	vst v14  }
0x5ba: {  	v14 =	vld.idx.msk [tilespmem:v4+s17+$0x0], $0xffff;
	[tilespmem:s0+$0xFFFFF070] =	vst v8  }
0x5bb: {  	[tilespmem:s0+$0xFFFFEC00] =	vst v9;
	v8 =	vld.idx.msk [tilespmem:v7+s18+$0x0], $0xffff  }
0x5bc: {  	v9 =	vld.idx.msk [tilespmem:v6+s17+$0x0], $0xffff;
	[tilespmem:s0+$0xFFFFEC60] =	vst v10  }
0x5bd: {  	[tilespmem:s0+$0xFFFFF010] =	vst v11;
	v10 =	vld.idx.msk [tilespmem:v5+s17+$0x0], $0xffff  }
0x5be: {  	[tilespmem:s0+$0xFFFFF020] =	vst v12;
	v11 =	vld.idx.msk [tilespmem:v1+s17+$0x0], $0xffff  }
0x5bf: {  	v12 =	vld.idx.msk [tilespmem:v0+s18+$0x0], $0xffff;
	[tilespmem:s0+$0xFFFFF030] =	vst v13  }
0x5c0: {  	v13 =	vld.idx.msk [tilespmem:v2+s18+$0x0], $0xffff;
	[tilespmem:s0+$0xFFFFF040] =	vst v14  }
0x5c1: {  	v14 =	vld.idx.msk [tilespmem:v3+s18+$0x0], $0xffff;
	[tilespmem:s0+$0xFFFFF470] =	vst v8  }
0x5c2: {  	[tilespmem:s0+$0xFFFFF000] =	vst v9;
	v8 =	vld.idx.msk [tilespmem:v7+s19+$0x0], $0xffff  }
0x5c3: {  	v9 =	vld.idx.msk [tilespmem:v6+s18+$0x0], $0xffff;
	[tilespmem:s0+$0xFFFFF050] =	vst v10  }
0x5c4: {  	v10 =	vld.idx.msk [tilespmem:v4+s18+$0x0], $0xffff;
	[tilespmem:s0+$0xFFFFF060] =	vst v11  }
0x5c5: {  	[tilespmem:s0+$0xFFFFF410] =	vst v12;
	v11 =	vld.idx.msk [tilespmem:v5+s18+$0x0], $0xffff  }
0x5c6: {  	[tilespmem:s0+$0xFFFFF420] =	vst v13;
	v12 =	vld.idx.msk [tilespmem:v1+s18+$0x0], $0xffff  }
0x5c7: {  	v13 =	vld.idx.msk [tilespmem:v0+s19+$0x0], $0xffff;
	[tilespmem:s0+$0xFFFFF430] =	vst v14  }
0x5c8: {  	v14 =	vld.idx.msk [tilespmem:v2+s19+$0x0], $0xffff;
	[tilespmem:s0+$0xFFFFF870] =	vst v8  }
0x5c9: {  	[tilespmem:s0+$0xFFFFF400] =	vst v9;
	v8 =	vld.idx.msk [tilespmem:v7+s20+$0x0], $0xffff  }
0x5ca: {  	v9 =	vld.idx.msk [tilespmem:v6+s19+$0x0], $0xffff;
	[tilespmem:s0+$0xFFFFF440] =	vst v10  }
0x5cb: {  	v10 =	vld.idx.msk [tilespmem:v3+s19+$0x0], $0xffff;
	[tilespmem:s0+$0xFFFFF450] =	vst v11  }
0x5cc: {  	v11 =	vld.idx.msk [tilespmem:v4+s19+$0x0], $0xffff;
	[tilespmem:s0+$0xFFFFF460] =	vst v12  }
0x5cd: {  	[tilespmem:s0+$0xFFFFF810] =	vst v13;
	v12 =	vld.idx.msk [tilespmem:v5+s19+$0x0], $0xffff  }
0x5ce: {  	[tilespmem:s0+$0xFFFFF820] =	vst v14;
	v13 =	vld.idx.msk [tilespmem:v1+s19+$0x0], $0xffff  }
0x5cf: {  	v14 =	vld.idx.msk [tilespmem:v0+s20+$0x0], $0xffff;
	[tilespmem:s0+$0xFFFFFC70] =	vst v8  }
0x5d0: {  	[tilespmem:s0+$0xFFFFF800] =	vst v9;
	v8 =	vld.idx.msk [tilespmem:v7+s21+$0x0], $0xffff  }
0x5d1: {  	v9 =	vld.idx.msk [tilespmem:v6+s20+$0x0], $0xffff;
	[tilespmem:s0+$0xFFFFF830] =	vst v10  }
0x5d2: {  	v10 =	vld.idx.msk [tilespmem:v2+s20+$0x0], $0xffff;
	[tilespmem:s0+$0xFFFFF840] =	vst v11  }
0x5d3: {  	v11 =	vld.idx.msk [tilespmem:v3+s20+$0x0], $0xffff;
	[tilespmem:s0+$0xFFFFF850] =	vst v12  }
0x5d4: {  	v12 =	vld.idx.msk [tilespmem:v4+s20+$0x0], $0xffff;
	[tilespmem:s0+$0xFFFFF860] =	vst v13  }
0x5d5: {  	[tilespmem:s0+$0xFFFFFC10] =	vst v14;
	v13 =	vld.idx.msk [tilespmem:v5+s20+$0x0], $0xffff  }
0x5d6: {  	v14 =	vld.idx.msk [tilespmem:v1+s20+$0x0], $0xffff;
	[tilespmem:s0+$0x70] =	vst v8  }
0x5d7: {  	[tilespmem:s0+$0xFFFFFC00] =	vst v9;
	v8 =	vld.idx.msk [tilespmem:v7+s22+$0x0], $0xffff  }
0x5d8: {  	v9 =	vld.idx.msk [tilespmem:v6+s21+$0x0], $0xffff;
	[tilespmem:s0+$0xFFFFFC20] =	vst v10  }
0x5d9: {  	v10 =	vld.idx.msk [tilespmem:v0+s21+$0x0], $0xffff;
	[tilespmem:s0+$0xFFFFFC30] =	vst v11  }
0x5da: {  	v11 =	vld.idx.msk [tilespmem:v2+s21+$0x0], $0xffff;
	[tilespmem:s0+$0xFFFFFC40] =	vst v12  }
0x5db: {  	v12 =	vld.idx.msk [tilespmem:v3+s21+$0x0], $0xffff;
	[tilespmem:s0+$0xFFFFFC50] =	vst v13  }
0x5dc: {  	v13 =	vld.idx.msk [tilespmem:v4+s21+$0x0], $0xffff;
	[tilespmem:s0+$0xFFFFFC60] =	vst v14  }
0x5dd: {  	v14 =	vld.idx.msk [tilespmem:v5+s21+$0x0], $0xffff;
	[tilespmem:s0+$0x470] =	vst v8  }
0x5de: {  	[tilespmem:s0+$0x0] =	vst v9;
	v8 =	vld.idx.msk [tilespmem:v7+s23+$0x0], $0xffff  }
0x5df: {  	[tilespmem:s0+$0x10] =	vst v10;
	v9 =	vld.idx.msk [tilespmem:v1+s21+$0x0], $0xffff  }
0x5e0: {  	v10 =	vld.idx.msk [tilespmem:v6+s22+$0x0], $0xffff;
	[tilespmem:s0+$0x20] =	vst v11  }
0x5e1: {  	v11 =	vld.idx.msk [tilespmem:v0+s22+$0x0], $0xffff;
	[tilespmem:s0+$0x30] =	vst v12  }
0x5e2: {  	v12 =	vld.idx.msk [tilespmem:v2+s22+$0x0], $0xffff;
	[tilespmem:s0+$0x40] =	vst v13  }
0x5e3: {  	v13 =	vld.idx.msk [tilespmem:v3+s22+$0x0], $0xffff;
	[tilespmem:s0+$0x50] =	vst v14  }
0x5e4: {  	v14 =	vld.idx.msk [tilespmem:v4+s22+$0x0], $0xffff;
	[tilespmem:s0+$0x870] =	vst v8  }
0x5e5: {  	[tilespmem:s0+$0x60] =	vst v9;
	v8 =	vld.idx.msk [tilespmem:v7+s24+$0x0], $0xffff  }
0x5e6: {  	[tilespmem:s0+$0x400] =	vst v10;
	v9 =	vld.idx.msk [tilespmem:v5+s22+$0x0], $0xffff  }
0x5e7: {  	[tilespmem:s0+$0x410] =	vst v11;
	v10 =	vld.idx.msk [tilespmem:v1+s22+$0x0], $0xffff  }
0x5e8: {  	v11 =	vld.idx.msk [tilespmem:v6+s23+$0x0], $0xffff;
	[tilespmem:s0+$0x420] =	vst v12  }
0x5e9: {  	v12 =	vld.idx.msk [tilespmem:v0+s23+$0x0], $0xffff;
	[tilespmem:s0+$0x430] =	vst v13  }
0x5ea: {  	v13 =	vld.idx.msk [tilespmem:v2+s23+$0x0], $0xffff;
	[tilespmem:s0+$0x440] =	vst v14  }
0x5eb: {  	v14 =	vld.idx.msk [tilespmem:v3+s23+$0x0], $0xffff;
	[tilespmem:s0+$0xC70] =	vst v8  }
0x5ec: {  	[tilespmem:s0+$0x450] =	vst v9;
	v8 =	vld.idx.msk [tilespmem:v7+s25+$0x0], $0xffff  }
0x5ed: {  	v9 =	vld.idx.msk [tilespmem:v4+s23+$0x0], $0xffff;
	[tilespmem:s0+$0x460] =	vst v10  }
0x5ee: {  	[tilespmem:s0+$0x800] =	vst v11;
	v10 =	vld.idx.msk [tilespmem:v5+s23+$0x0], $0xffff  }
0x5ef: {  	[tilespmem:s0+$0x810] =	vst v12;
	v11 =	vld.idx.msk [tilespmem:v1+s23+$0x0], $0xffff  }
0x5f0: {  	v12 =	vld.idx.msk [tilespmem:v6+s24+$0x0], $0xffff;
	[tilespmem:s0+$0x820] =	vst v13  }
0x5f1: {  	v13 =	vld.idx.msk [tilespmem:v0+s24+$0x0], $0xffff;
	[tilespmem:s0+$0x830] =	vst v14  }
0x5f2: {  	v14 =	vld.idx.msk [tilespmem:v2+s24+$0x0], $0xffff;
	[tilespmem:s0+$0x1070] =	vst v8  }
0x5f3: {  	[tilespmem:s0+$0x840] =	vst v9;
	v7 =	vld.idx.msk [tilespmem:v7+s26+$0x0], $0xffff  }
0x5f4: {  	v8 =	vld.idx.msk [tilespmem:v3+s24+$0x0], $0xffff;
	[tilespmem:s0+$0x850] =	vst v10  }
0x5f5: {  	v9 =	vld.idx.msk [tilespmem:v4+s24+$0x0], $0xffff;
	[tilespmem:s0+$0x860] =	vst v11  }
0x5f6: {  	[tilespmem:s0+$0xC00] =	vst v12;
	v10 =	vld.idx.msk [tilespmem:v5+s24+$0x0], $0xffff  }
0x5f7: {  	[tilespmem:s0+$0xC10] =	vst v13;
	v11 =	vld.idx.msk [tilespmem:v1+s24+$0x0], $0xffff  }
0x5f8: {  	v12 =	vld.idx.msk [tilespmem:v6+s25+$0x0], $0xffff;
	[tilespmem:s0+$0xC20] =	vst v14  }
0x5f9: {  	v13 =	vld.idx.msk [tilespmem:v0+s25+$0x0], $0xffff;
	[tilespmem:s0+$0x1470] =	vst v7  }
0x5fa: {  	v7 =	vld.idx.msk [tilespmem:v2+s25+$0x0], $0xffff;
	[tilespmem:s0+$0xC30] =	vst v8  }
0x5fb: {  	v14 =	vld.idx.msk [tilespmem:v3+s25+$0x0], $0xffff;
	[tilespmem:s0+$0xC40] =	vst v9  }
0x5fc: {  	v9 =	vld.idx.msk [tilespmem:v4+s25+$0x0], $0xffff;
	[tilespmem:s0+$0xC50] =	vst v10  }
0x5fd: {  	v10 =	vld.idx.msk [tilespmem:v5+s25+$0x0], $0xffff;
	[tilespmem:s0+$0xC60] =	vst v11  }
0x5fe: {  	[tilespmem:s0+$0x1000] =	vst v12;
	v11 =	vld.idx.msk [tilespmem:v1+s25+$0x0], $0xffff  }
0x5ff: {  	v12 =	vld.idx.msk [tilespmem:v6+s26+$0x0], $0xffff;
	[tilespmem:s0+$0x1010] =	vst v13  }
0x600: {  	v6 =	vld.idx.msk [tilespmem:v0+s26+$0x0], $0xffff;
	[tilespmem:s0+$0x1020] =	vst v7  }
.Ltmp6:
0x601: {  	v8 =	vld.idx.msk [tilespmem:v2+s26+$0x0], $0xffff;
	[tilespmem:s0+$0x1030] =	vst v14;
	(pc) =	sbr.rel @p0 .LBB2_14-.Ltmp6, $4  }
0x602: {  	v3 =	vld.idx.msk [tilespmem:v3+s26+$0x0], $0xffff;
	[tilespmem:s0+$0x1040] =	vst v9  }
0x603: {  	v4 =	vld.idx.msk [tilespmem:v4+s26+$0x0], $0xffff;
	[tilespmem:s0+$0x1050] =	vst v10  }
0x604: {  	v5 =	vld.idx.msk [tilespmem:v5+s26+$0x0], $0xffff;
	[tilespmem:s0+$0x1060] =	vst v11  }
0x605: {  	s3 =	sadd.s32 $0x80, s3;
	[tilespmem:s0+$0x1400] =	vst v12;
	v1 =	vld.idx.msk [tilespmem:v1+s26+$0x0], $0xffff  }
0x606: {  	[tilespmem:s0+$0x1410] =	vst v6  }
0x607: {  	[tilespmem:s0+$0x1420] =	vst v8  }
0x608: {  	[tilespmem:s0+$0x1430] =	vst v3  }
0x609: {  	[tilespmem:s0+$0x1440] =	vst v4  }
0x60a: {  	[tilespmem:s0+$0x1450] =	vst v5  }
0x60b: {  	s15 =	simm.s32 $0x0;
	[tilespmem:s0+$0x1460] =	vst v1  }
0x60c: {  	[hbm4b:s11+s15] =	stream.linear.scatter [tilespmem:s28], [sflag:$0x1], $0x3000, $0x38;
	[tilespmem:$0xB000] =	vst v63  }
0x60d: {  	_ =	swait.ge [sflag:s31], $0x3000  }
0x60e: {  	[sflag:s31] =	ssyncset.done $0x0  }
0x60f: {  	s0 =	simm.s32 $0x0;
	[sflag:s31] =	ssyncadd.s32 $0xFFFFD000  }
0x610: {  	v7 =	vld [tilespmem:s0+$0x4C70]  }
0x611: {  	v6 =	vld [tilespmem:s0+$0x4C00]  }
0x612: {  	v5 =	vld [tilespmem:s0+$0x4C10]  }
0x613: {  	v4 =	vld [tilespmem:s0+$0x4C20]  }
0x614: {  	v3 =	vld [tilespmem:s0+$0x4C30]  }
0x615: {  	v2 =	vld [tilespmem:s0+$0x4C40]  }
0x616: {  	v1 =	vld [tilespmem:s0+$0x4C50]  }
0x617: {  	v0 =	vld [tilespmem:s0+$0x4C60]  }
0x618: {  	v8 =	vld.idx.msk [tilespmem:v7+s2+$0x0], $0xffff  }
0x619: {  	v9 =	vld.idx.msk [tilespmem:v6+s2+$0x0], $0xffff  }
0x61a: {  	v10 =	vld.idx.msk [tilespmem:v5+s2+$0x0], $0xffff  }
0x61b: {  	v11 =	vld.idx.msk [tilespmem:v4+s2+$0x0], $0xffff  }
0x61c: {  	v12 =	vld.idx.msk [tilespmem:v3+s2+$0x0], $0xffff  }
0x61d: {  	v13 =	vld.idx.msk [tilespmem:v2+s2+$0x0], $0xffff  }
0x61e: {  	v14 =	vld.idx.msk [tilespmem:v1+s2+$0x0], $0xffff;
	[tilespmem:s0+$0x8070] =	vst v8  }
0x61f: {  	[tilespmem:s0+$0x8000] =	vst v9;
	v9 =	vld.idx.msk [tilespmem:v0+s2+$0x0], $0xffff  }
0x620: {  	[tilespmem:s0+$0x8010] =	vst v10;
	v8 =	vld.idx.msk [tilespmem:v7+s16+$0x0], $0xffff  }
0x621: {  	[tilespmem:s0+$0x8020] =	vst v11;
	v10 =	vld.idx.msk [tilespmem:v6+s16+$0x0], $0xffff  }
0x622: {  	[tilespmem:s0+$0x8030] =	vst v12;
	v11 =	vld.idx.msk [tilespmem:v5+s16+$0x0], $0xffff  }
0x623: {  	[tilespmem:s0+$0x8040] =	vst v13;
	v34 =	vld.idx.msk [tilespmem:v4+s16+$0x0], $0xffff  }
0x624: {  	[tilespmem:s0+$0x8050] =	vst v14;
	v35 =	vld.idx.msk [tilespmem:v3+s16+$0x0], $0xffff  }
0x625: {  	v36 =	vld.idx.msk [tilespmem:v2+s16+$0x0], $0xffff;
	[tilespmem:s0+$0x8060] =	vst v9  }
0x626: {  	v9 =	vld.idx.msk [tilespmem:v1+s16+$0x0], $0xffff;
	[tilespmem:s0+$0x8470] =	vst v8  }
0x627: {  	[tilespmem:s0+$0x8400] =	vst v10;
	v10 =	vld.idx.msk [tilespmem:v0+s16+$0x0], $0xffff  }
0x628: {  	[tilespmem:s0+$0x8410] =	vst v11;
	v8 =	vld.idx.msk [tilespmem:v7+s17+$0x0], $0xffff  }
0x629: {  	[tilespmem:s0+$0x8420] =	vst v34;
	v11 =	vld.idx.msk [tilespmem:v6+s17+$0x0], $0xffff  }
0x62a: {  	[tilespmem:s0+$0x8430] =	vst v35;
	v37 =	vld.idx.msk [tilespmem:v5+s17+$0x0], $0xffff  }
0x62b: {  	[tilespmem:s0+$0x8440] =	vst v36;
	v38 =	vld.idx.msk [tilespmem:v4+s17+$0x0], $0xffff  }
0x62c: {  	v39 =	vld.idx.msk [tilespmem:v3+s17+$0x0], $0xffff;
	[tilespmem:s0+$0x8450] =	vst v9  }
0x62d: {  	v9 =	vld.idx.msk [tilespmem:v2+s17+$0x0], $0xffff;
	[tilespmem:s0+$0x8460] =	vst v10  }
0x62e: {  	v10 =	vld.idx.msk [tilespmem:v1+s17+$0x0], $0xffff;
	[tilespmem:s0+$0x8870] =	vst v8  }
0x62f: {  	[tilespmem:s0+$0x8800] =	vst v11;
	v11 =	vld.idx.msk [tilespmem:v0+s17+$0x0], $0xffff  }
0x630: {  	[tilespmem:s0+$0x8810] =	vst v37;
	v8 =	vld.idx.msk [tilespmem:v7+s18+$0x0], $0xffff  }
0x631: {  	[tilespmem:s0+$0x8820] =	vst v38;
	v40 =	vld.idx.msk [tilespmem:v6+s18+$0x0], $0xffff  }
0x632: {  	[tilespmem:s0+$0x8830] =	vst v39;
	v41 =	vld.idx.msk [tilespmem:v5+s18+$0x0], $0xffff  }
0x633: {  	v42 =	vld.idx.msk [tilespmem:v4+s18+$0x0], $0xffff;
	[tilespmem:s0+$0x8840] =	vst v9  }
0x634: {  	v9 =	vld.idx.msk [tilespmem:v3+s18+$0x0], $0xffff;
	[tilespmem:s0+$0x8850] =	vst v10  }
0x635: {  	v10 =	vld.idx.msk [tilespmem:v2+s18+$0x0], $0xffff;
	[tilespmem:s0+$0x8860] =	vst v11  }
0x636: {  	v11 =	vld.idx.msk [tilespmem:v1+s18+$0x0], $0xffff;
	[tilespmem:s0+$0x8C70] =	vst v8  }
0x637: {  	[tilespmem:s0+$0x8C00] =	vst v40;
	v43 =	vld.idx.msk [tilespmem:v0+s18+$0x0], $0xffff  }
0x638: {  	[tilespmem:s0+$0x8C10] =	vst v41;
	v8 =	vld.idx.msk [tilespmem:v7+s19+$0x0], $0xffff  }
0x639: {  	[tilespmem:s0+$0x8C20] =	vst v42;
	v44 =	vld.idx.msk [tilespmem:v6+s19+$0x0], $0xffff  }
0x63a: {  	v45 =	vld.idx.msk [tilespmem:v5+s19+$0x0], $0xffff;
	[tilespmem:s0+$0x8C30] =	vst v9  }
0x63b: {  	v9 =	vld.idx.msk [tilespmem:v4+s19+$0x0], $0xffff;
	[tilespmem:s0+$0x8C40] =	vst v10  }
0x63c: {  	v10 =	vld.idx.msk [tilespmem:v3+s19+$0x0], $0xffff;
	[tilespmem:s0+$0x8C50] =	vst v11  }
0x63d: {  	v11 =	vld.idx.msk [tilespmem:v2+s19+$0x0], $0xffff;
	[tilespmem:s0+$0x8C60] =	vst v43  }
0x63e: {  	v46 =	vld.idx.msk [tilespmem:v1+s19+$0x0], $0xffff;
	[tilespmem:s0+$0x9070] =	vst v8  }
0x63f: {  	[tilespmem:s0+$0x9000] =	vst v44;
	v47 =	vld.idx.msk [tilespmem:v0+s19+$0x0], $0xffff  }
0x640: {  	[tilespmem:s0+$0x9010] =	vst v45;
	v8 =	vld.idx.msk [tilespmem:v7+s20+$0x0], $0xffff  }
0x641: {  	v48 =	vld.idx.msk [tilespmem:v6+s20+$0x0], $0xffff;
	[tilespmem:s0+$0x9020] =	vst v9  }
0x642: {  	v9 =	vld.idx.msk [tilespmem:v5+s20+$0x0], $0xffff;
	[tilespmem:s0+$0x9030] =	vst v10  }
0x643: {  	v10 =	vld.idx.msk [tilespmem:v4+s20+$0x0], $0xffff;
	[tilespmem:s0+$0x9040] =	vst v11  }
0x644: {  	v11 =	vld.idx.msk [tilespmem:v3+s20+$0x0], $0xffff;
	[tilespmem:s0+$0x9050] =	vst v46  }
0x645: {  	v49 =	vld.idx.msk [tilespmem:v2+s20+$0x0], $0xffff;
	[tilespmem:s0+$0x9060] =	vst v47  }
0x646: {  	v50 =	vld.idx.msk [tilespmem:v1+s20+$0x0], $0xffff;
	[tilespmem:s0+$0x9470] =	vst v8  }
0x647: {  	[tilespmem:s0+$0x9400] =	vst v48;
	v51 =	vld.idx.msk [tilespmem:v0+s20+$0x0], $0xffff  }
0x648: {  	[tilespmem:s0+$0x9410] =	vst v9;
	v8 =	vld.idx.msk [tilespmem:v7+s21+$0x0], $0xffff  }
0x649: {  	v9 =	vld.idx.msk [tilespmem:v6+s21+$0x0], $0xffff;
	[tilespmem:s0+$0x9420] =	vst v10  }
0x64a: {  	v10 =	vld.idx.msk [tilespmem:v5+s21+$0x0], $0xffff;
	[tilespmem:s0+$0x9430] =	vst v11  }
0x64b: {  	v11 =	vld.idx.msk [tilespmem:v4+s21+$0x0], $0xffff;
	[tilespmem:s0+$0x9440] =	vst v49  }
0x64c: {  	v52 =	vld.idx.msk [tilespmem:v3+s21+$0x0], $0xffff;
	[tilespmem:s0+$0x9450] =	vst v50  }
0x64d: {  	v53 =	vld.idx.msk [tilespmem:v2+s21+$0x0], $0xffff;
	[tilespmem:s0+$0x9460] =	vst v51  }
0x64e: {  	v54 =	vld.idx.msk [tilespmem:v1+s21+$0x0], $0xffff;
	[tilespmem:s0+$0x9870] =	vst v8  }
0x64f: {  	[tilespmem:s0+$0x9800] =	vst v9;
	v9 =	vld.idx.msk [tilespmem:v0+s21+$0x0], $0xffff  }
0x650: {  	[tilespmem:s0+$0x9810] =	vst v10;
	v8 =	vld.idx.msk [tilespmem:v7+s22+$0x0], $0xffff  }
0x651: {  	v10 =	vld.idx.msk [tilespmem:v6+s22+$0x0], $0xffff;
	[tilespmem:s0+$0x9820] =	vst v11  }
0x652: {  	v11 =	vld.idx.msk [tilespmem:v5+s22+$0x0], $0xffff;
	[tilespmem:s0+$0x9830] =	vst v52  }
0x653: {  	v55 =	vld.idx.msk [tilespmem:v4+s22+$0x0], $0xffff;
	[tilespmem:s0+$0x9840] =	vst v53  }
0x654: {  	v56 =	vld.idx.msk [tilespmem:v3+s22+$0x0], $0xffff;
	[tilespmem:s0+$0x9850] =	vst v54  }
0x655: {  	v57 =	vld.idx.msk [tilespmem:v2+s22+$0x0], $0xffff;
	[tilespmem:s0+$0x9860] =	vst v9  }
0x656: {  	v9 =	vld.idx.msk [tilespmem:v1+s22+$0x0], $0xffff;
	[tilespmem:s0+$0x9C70] =	vst v8  }
0x657: {  	[tilespmem:s0+$0x9C00] =	vst v10;
	v10 =	vld.idx.msk [tilespmem:v0+s22+$0x0], $0xffff  }
0x658: {  	[tilespmem:s0+$0x9C10] =	vst v11;
	v8 =	vld.idx.msk [tilespmem:v7+s23+$0x0], $0xffff  }
0x659: {  	v11 =	vld.idx.msk [tilespmem:v6+s23+$0x0], $0xffff;
	[tilespmem:s0+$0x9C20] =	vst v55  }
0x65a: {  	v58 =	vld.idx.msk [tilespmem:v5+s23+$0x0], $0xffff;
	[tilespmem:s0+$0x9C30] =	vst v56  }
0x65b: {  	v59 =	vld.idx.msk [tilespmem:v4+s23+$0x0], $0xffff;
	[tilespmem:s0+$0x9C40] =	vst v57  }
0x65c: {  	v60 =	vld.idx.msk [tilespmem:v3+s23+$0x0], $0xffff;
	[tilespmem:s0+$0x9C50] =	vst v9  }
0x65d: {  	v9 =	vld.idx.msk [tilespmem:v2+s23+$0x0], $0xffff;
	[tilespmem:s0+$0xA070] =	vst v8  }
0x65e: {  	[tilespmem:s0+$0x9C60] =	vst v10;
	v8 =	vld.idx.msk [tilespmem:v7+s24+$0x0], $0xffff  }
0x65f: {  	v10 =	vld.idx.msk [tilespmem:v1+s23+$0x0], $0xffff;
	[tilespmem:s0+$0xA000] =	vst v11  }
0x660: {  	[tilespmem:s0+$0xA010] =	vst v58;
	v11 =	vld.idx.msk [tilespmem:v0+s23+$0x0], $0xffff  }
0x661: {  	v61 =	vld.idx.msk [tilespmem:v6+s24+$0x0], $0xffff;
	[tilespmem:s0+$0xA020] =	vst v59  }
0x662: {  	v62 =	vld.idx.msk [tilespmem:v5+s24+$0x0], $0xffff;
	[tilespmem:s0+$0xA030] =	vst v60  }
0x663: {  	v63 =	vld.idx.msk [tilespmem:v4+s24+$0x0], $0xffff;
	[tilespmem:s0+$0xA470] =	vst v8  }
0x664: {  	[tilespmem:s0+$0xA040] =	vst v9;
	v8 =	vld.idx.msk [tilespmem:v7+s25+$0x0], $0xffff  }
0x665: {  	[tilespmem:s0+$0xA050] =	vst v10;
	v9 =	vld.idx.msk [tilespmem:v2+s24+$0x0], $0xffff  }
0x666: {  	[tilespmem:s0+$0xA060] =	vst v11;
	v10 =	vld.idx.msk [tilespmem:v1+s24+$0x0], $0xffff  }
0x667: {  	[tilespmem:s0+$0xA400] =	vst v61;
	v11 =	vld.idx.msk [tilespmem:v0+s24+$0x0], $0xffff  }
0x668: {  	[tilespmem:s0+$0xA410] =	vst v62;
	v12 =	vld.idx.msk [tilespmem:v6+s25+$0x0], $0xffff  }
0x669: {  	[tilespmem:s0+$0xA870] =	vst v8;
	v8 =	vld.idx.msk [tilespmem:v3+s24+$0x0], $0xffff  }
0x66a: {  	[tilespmem:s0+$0xA420] =	vst v63;
	v13 =	vld.idx.msk [tilespmem:v5+s25+$0x0], $0xffff  }
0x66b: {  	v14 =	vld.idx.msk [tilespmem:v4+s25+$0x0], $0xffff;
	[tilespmem:s0+$0xA440] =	vst v9  }
0x66c: {  	v16 =	vld.idx.msk [tilespmem:v2+s25+$0x0], $0xffff;
	[tilespmem:s0+$0xA450] =	vst v10  }
0x66d: {  	[tilespmem:s0+$0xA460] =	vst v11;
	v7 =	vld.idx.msk [tilespmem:v7+s26+$0x0], $0xffff  }
0x66e: {  	v10 =	vld.idx.msk [tilespmem:v1+s25+$0x0], $0xffff;
	[tilespmem:s0+$0xA430] =	vst v8  }
0x66f: {  	[tilespmem:s0+$0xA800] =	vst v12;
	v15 =	vld.idx.msk [tilespmem:v3+s25+$0x0], $0xffff  }
0x670: {  	v11 =	vld.idx.msk [tilespmem:v0+s25+$0x0], $0xffff;
	[tilespmem:s0+$0xA820] =	vst v14  }
0x671: {  	[tilespmem:s0+$0xA810] =	vst v13;
	v9 =	vld.idx.msk [tilespmem:v4+s26+$0x0], $0xffff  }
0x672: {  	[tilespmem:s0+$0xAC70] =	vst v7;
	v7 =	vld.idx.msk [tilespmem:v6+s26+$0x0], $0xffff  }
0x673: {  	[tilespmem:s0+$0xA840] =	vst v16;
	v8 =	vld.idx.msk [tilespmem:v5+s26+$0x0], $0xffff  }
0x674: {  	v4 =	vld.idx.msk [tilespmem:v2+s26+$0x0], $0xffff;
	[tilespmem:s0+$0xA830] =	vst v15  }
0x675: {  	[tilespmem:s0+$0xA850] =	vst v10;
	v3 =	vld.idx.msk [tilespmem:v3+s26+$0x0], $0xffff  }
0x676: {  	s3 =	simm.s32 $0x200;
	s15 =	simm.s32 $0x0;
	v5 =	vld.idx.msk [tilespmem:v1+s26+$0x0], $0xffff;
	[tilespmem:s0+$0xA860] =	vst v11  }
.LBB2_16:
0x677: {  	s5 =	sshra.s32 s3, $0x2;
	s15 =	sadd.s32 $0x8, s15;
	[tilespmem:s0+$0xAC00] =	vst v7;
	v0 =	vld.idx.msk [tilespmem:v0+s26+$0x0], $0xffff  }
0x678: {  	v7 =	vld [tilespmem:s5+$0x4C70];
	p0 =	slt.u32 s15, $0x38;
	[tilespmem:s0+$0xAC10] =	vst v8  }
0x679: {  	v1 =	vld [tilespmem:s5+$0x4C00];
	[tilespmem:s0+$0xAC20] =	vst v9  }
0x67a: {  	v2 =	vld [tilespmem:s5+$0x4C10];
	[tilespmem:s0+$0xAC30] =	vst v3  }
0x67b: {  	v3 =	vld [tilespmem:s5+$0x4C20];
	[tilespmem:s0+$0xAC40] =	vst v4  }
0x67c: {  	v4 =	vld [tilespmem:s5+$0x4C30];
	[tilespmem:s0+$0xAC50] =	vst v5  }
0x67d: {  	v5 =	vld [tilespmem:s5+$0x4C40];
	[tilespmem:s0+$0xAC60] =	vst v0;
	s0 =	smov.u32 s5  }
0x67e: {  	v6 =	vld [tilespmem:s0+$0x4C50]  }
0x67f: {  	v0 =	vld [tilespmem:s0+$0x4C60]  }
0x680: {  	v8 =	vld.idx.msk [tilespmem:v7+s2+$0x0], $0xffff  }
0x681: {  	v9 =	vld.idx.msk [tilespmem:v1+s2+$0x0], $0xffff  }
0x682: {  	v10 =	vld.idx.msk [tilespmem:v2+s2+$0x0], $0xffff  }
0x683: {  	v11 =	vld.idx.msk [tilespmem:v3+s2+$0x0], $0xffff  }
0x684: {  	v12 =	vld.idx.msk [tilespmem:v4+s2+$0x0], $0xffff  }
0x685: {  	v13 =	vld.idx.msk [tilespmem:v5+s2+$0x0], $0xffff  }
0x686: {  	v14 =	vld.idx.msk [tilespmem:v6+s2+$0x0], $0xffff;
	[tilespmem:s0+$0x8070] =	vst v8  }
0x687: {  	[tilespmem:s0+$0x8000] =	vst v9;
	v8 =	vld.idx.msk [tilespmem:v7+s16+$0x0], $0xffff  }
0x688: {  	[tilespmem:s0+$0x8010] =	vst v10;
	v9 =	vld.idx.msk [tilespmem:v0+s2+$0x0], $0xffff  }
0x689: {  	v10 =	vld.idx.msk [tilespmem:v1+s16+$0x0], $0xffff;
	[tilespmem:s0+$0x8020] =	vst v11  }
0x68a: {  	v11 =	vld.idx.msk [tilespmem:v2+s16+$0x0], $0xffff;
	[tilespmem:s0+$0x8030] =	vst v12  }
0x68b: {  	v12 =	vld.idx.msk [tilespmem:v3+s16+$0x0], $0xffff;
	[tilespmem:s0+$0x8040] =	vst v13  }
0x68c: {  	v13 =	vld.idx.msk [tilespmem:v4+s16+$0x0], $0xffff;
	[tilespmem:s0+$0x8050] =	vst v14  }
0x68d: {  	v14 =	vld.idx.msk [tilespmem:v5+s16+$0x0], $0xffff;
	[tilespmem:s0+$0x8470] =	vst v8  }
0x68e: {  	[tilespmem:s0+$0x8060] =	vst v9;
	v8 =	vld.idx.msk [tilespmem:v7+s17+$0x0], $0xffff  }
0x68f: {  	[tilespmem:s0+$0x8400] =	vst v10;
	v9 =	vld.idx.msk [tilespmem:v6+s16+$0x0], $0xffff  }
0x690: {  	[tilespmem:s0+$0x8410] =	vst v11;
	v10 =	vld.idx.msk [tilespmem:v0+s16+$0x0], $0xffff  }
0x691: {  	v11 =	vld.idx.msk [tilespmem:v1+s17+$0x0], $0xffff;
	[tilespmem:s0+$0x8420] =	vst v12  }
0x692: {  	v12 =	vld.idx.msk [tilespmem:v2+s17+$0x0], $0xffff;
	[tilespmem:s0+$0x8430] =	vst v13  }
0x693: {  	v13 =	vld.idx.msk [tilespmem:v3+s17+$0x0], $0xffff;
	[tilespmem:s0+$0x8440] =	vst v14  }
0x694: {  	v14 =	vld.idx.msk [tilespmem:v4+s17+$0x0], $0xffff;
	[tilespmem:s0+$0x8870] =	vst v8  }
0x695: {  	[tilespmem:s0+$0x8450] =	vst v9;
	v8 =	vld.idx.msk [tilespmem:v7+s18+$0x0], $0xffff  }
0x696: {  	v9 =	vld.idx.msk [tilespmem:v5+s17+$0x0], $0xffff;
	[tilespmem:s0+$0x8460] =	vst v10  }
0x697: {  	[tilespmem:s0+$0x8800] =	vst v11;
	v10 =	vld.idx.msk [tilespmem:v6+s17+$0x0], $0xffff  }
0x698: {  	[tilespmem:s0+$0x8810] =	vst v12;
	v11 =	vld.idx.msk [tilespmem:v0+s17+$0x0], $0xffff  }
0x699: {  	v12 =	vld.idx.msk [tilespmem:v1+s18+$0x0], $0xffff;
	[tilespmem:s0+$0x8820] =	vst v13  }
0x69a: {  	v13 =	vld.idx.msk [tilespmem:v2+s18+$0x0], $0xffff;
	[tilespmem:s0+$0x8830] =	vst v14  }
0x69b: {  	v14 =	vld.idx.msk [tilespmem:v3+s18+$0x0], $0xffff;
	[tilespmem:s0+$0x8C70] =	vst v8  }
0x69c: {  	[tilespmem:s0+$0x8840] =	vst v9;
	v8 =	vld.idx.msk [tilespmem:v7+s19+$0x0], $0xffff  }
0x69d: {  	v9 =	vld.idx.msk [tilespmem:v4+s18+$0x0], $0xffff;
	[tilespmem:s0+$0x8850] =	vst v10  }
0x69e: {  	v10 =	vld.idx.msk [tilespmem:v5+s18+$0x0], $0xffff;
	[tilespmem:s0+$0x8860] =	vst v11  }
0x69f: {  	[tilespmem:s0+$0x8C00] =	vst v12;
	v11 =	vld.idx.msk [tilespmem:v6+s18+$0x0], $0xffff  }
0x6a0: {  	[tilespmem:s0+$0x8C10] =	vst v13;
	v12 =	vld.idx.msk [tilespmem:v0+s18+$0x0], $0xffff  }
0x6a1: {  	v13 =	vld.idx.msk [tilespmem:v1+s19+$0x0], $0xffff;
	[tilespmem:s0+$0x8C20] =	vst v14  }
0x6a2: {  	v14 =	vld.idx.msk [tilespmem:v2+s19+$0x0], $0xffff;
	[tilespmem:s0+$0x9070] =	vst v8  }
0x6a3: {  	[tilespmem:s0+$0x8C30] =	vst v9;
	v8 =	vld.idx.msk [tilespmem:v7+s20+$0x0], $0xffff  }
0x6a4: {  	v9 =	vld.idx.msk [tilespmem:v3+s19+$0x0], $0xffff;
	[tilespmem:s0+$0x8C40] =	vst v10  }
0x6a5: {  	v10 =	vld.idx.msk [tilespmem:v4+s19+$0x0], $0xffff;
	[tilespmem:s0+$0x8C50] =	vst v11  }
0x6a6: {  	v11 =	vld.idx.msk [tilespmem:v5+s19+$0x0], $0xffff;
	[tilespmem:s0+$0x8C60] =	vst v12  }
0x6a7: {  	[tilespmem:s0+$0x9000] =	vst v13;
	v12 =	vld.idx.msk [tilespmem:v6+s19+$0x0], $0xffff  }
0x6a8: {  	[tilespmem:s0+$0x9010] =	vst v14;
	v13 =	vld.idx.msk [tilespmem:v0+s19+$0x0], $0xffff  }
0x6a9: {  	v14 =	vld.idx.msk [tilespmem:v1+s20+$0x0], $0xffff;
	[tilespmem:s0+$0x9470] =	vst v8  }
0x6aa: {  	[tilespmem:s0+$0x9020] =	vst v9;
	v8 =	vld.idx.msk [tilespmem:v7+s21+$0x0], $0xffff  }
0x6ab: {  	v9 =	vld.idx.msk [tilespmem:v2+s20+$0x0], $0xffff;
	[tilespmem:s0+$0x9030] =	vst v10  }
0x6ac: {  	v10 =	vld.idx.msk [tilespmem:v3+s20+$0x0], $0xffff;
	[tilespmem:s0+$0x9040] =	vst v11  }
0x6ad: {  	v11 =	vld.idx.msk [tilespmem:v4+s20+$0x0], $0xffff;
	[tilespmem:s0+$0x9050] =	vst v12  }
0x6ae: {  	v12 =	vld.idx.msk [tilespmem:v5+s20+$0x0], $0xffff;
	[tilespmem:s0+$0x9060] =	vst v13  }
0x6af: {  	[tilespmem:s0+$0x9400] =	vst v14;
	v13 =	vld.idx.msk [tilespmem:v6+s20+$0x0], $0xffff  }
0x6b0: {  	v14 =	vld.idx.msk [tilespmem:v0+s20+$0x0], $0xffff;
	[tilespmem:s0+$0x9870] =	vst v8  }
0x6b1: {  	[tilespmem:s0+$0x9410] =	vst v9;
	v8 =	vld.idx.msk [tilespmem:v7+s22+$0x0], $0xffff  }
0x6b2: {  	v9 =	vld.idx.msk [tilespmem:v1+s21+$0x0], $0xffff;
	[tilespmem:s0+$0x9420] =	vst v10  }
0x6b3: {  	v10 =	vld.idx.msk [tilespmem:v2+s21+$0x0], $0xffff;
	[tilespmem:s0+$0x9430] =	vst v11  }
0x6b4: {  	v11 =	vld.idx.msk [tilespmem:v3+s21+$0x0], $0xffff;
	[tilespmem:s0+$0x9440] =	vst v12  }
0x6b5: {  	v12 =	vld.idx.msk [tilespmem:v4+s21+$0x0], $0xffff;
	[tilespmem:s0+$0x9450] =	vst v13  }
0x6b6: {  	v13 =	vld.idx.msk [tilespmem:v5+s21+$0x0], $0xffff;
	[tilespmem:s0+$0x9460] =	vst v14  }
0x6b7: {  	v14 =	vld.idx.msk [tilespmem:v6+s21+$0x0], $0xffff;
	[tilespmem:s0+$0x9C70] =	vst v8  }
0x6b8: {  	[tilespmem:s0+$0x9800] =	vst v9;
	v8 =	vld.idx.msk [tilespmem:v7+s23+$0x0], $0xffff  }
0x6b9: {  	[tilespmem:s0+$0x9810] =	vst v10;
	v9 =	vld.idx.msk [tilespmem:v0+s21+$0x0], $0xffff  }
0x6ba: {  	v10 =	vld.idx.msk [tilespmem:v1+s22+$0x0], $0xffff;
	[tilespmem:s0+$0x9820] =	vst v11  }
0x6bb: {  	v11 =	vld.idx.msk [tilespmem:v2+s22+$0x0], $0xffff;
	[tilespmem:s0+$0x9830] =	vst v12  }
0x6bc: {  	v12 =	vld.idx.msk [tilespmem:v3+s22+$0x0], $0xffff;
	[tilespmem:s0+$0x9840] =	vst v13  }
0x6bd: {  	v13 =	vld.idx.msk [tilespmem:v4+s22+$0x0], $0xffff;
	[tilespmem:s0+$0x9850] =	vst v14  }
0x6be: {  	v14 =	vld.idx.msk [tilespmem:v5+s22+$0x0], $0xffff;
	[tilespmem:s0+$0xA070] =	vst v8  }
0x6bf: {  	[tilespmem:s0+$0x9860] =	vst v9;
	v8 =	vld.idx.msk [tilespmem:v7+s24+$0x0], $0xffff  }
0x6c0: {  	[tilespmem:s0+$0x9C00] =	vst v10;
	v9 =	vld.idx.msk [tilespmem:v6+s22+$0x0], $0xffff  }
0x6c1: {  	[tilespmem:s0+$0x9C10] =	vst v11;
	v10 =	vld.idx.msk [tilespmem:v0+s22+$0x0], $0xffff  }
0x6c2: {  	v11 =	vld.idx.msk [tilespmem:v1+s23+$0x0], $0xffff;
	[tilespmem:s0+$0x9C20] =	vst v12  }
0x6c3: {  	v12 =	vld.idx.msk [tilespmem:v2+s23+$0x0], $0xffff;
	[tilespmem:s0+$0x9C30] =	vst v13  }
0x6c4: {  	v13 =	vld.idx.msk [tilespmem:v3+s23+$0x0], $0xffff;
	[tilespmem:s0+$0x9C40] =	vst v14  }
0x6c5: {  	v14 =	vld.idx.msk [tilespmem:v4+s23+$0x0], $0xffff;
	[tilespmem:s0+$0xA470] =	vst v8  }
0x6c6: {  	[tilespmem:s0+$0x9C50] =	vst v9;
	v8 =	vld.idx.msk [tilespmem:v7+s25+$0x0], $0xffff  }
0x6c7: {  	v9 =	vld.idx.msk [tilespmem:v5+s23+$0x0], $0xffff;
	[tilespmem:s0+$0x9C60] =	vst v10  }
0x6c8: {  	[tilespmem:s0+$0xA000] =	vst v11;
	v10 =	vld.idx.msk [tilespmem:v6+s23+$0x0], $0xffff  }
0x6c9: {  	[tilespmem:s0+$0xA010] =	vst v12;
	v11 =	vld.idx.msk [tilespmem:v0+s23+$0x0], $0xffff  }
0x6ca: {  	v12 =	vld.idx.msk [tilespmem:v1+s24+$0x0], $0xffff;
	[tilespmem:s0+$0xA020] =	vst v13  }
0x6cb: {  	v13 =	vld.idx.msk [tilespmem:v2+s24+$0x0], $0xffff;
	[tilespmem:s0+$0xA030] =	vst v14  }
0x6cc: {  	v14 =	vld.idx.msk [tilespmem:v3+s24+$0x0], $0xffff;
	[tilespmem:s0+$0xA870] =	vst v8  }
0x6cd: {  	[tilespmem:s0+$0xA040] =	vst v9;
	v7 =	vld.idx.msk [tilespmem:v7+s26+$0x0], $0xffff  }
0x6ce: {  	v8 =	vld.idx.msk [tilespmem:v4+s24+$0x0], $0xffff;
	[tilespmem:s0+$0xA050] =	vst v10  }
0x6cf: {  	v9 =	vld.idx.msk [tilespmem:v5+s24+$0x0], $0xffff;
	[tilespmem:s0+$0xA060] =	vst v11  }
0x6d0: {  	[tilespmem:s0+$0xA400] =	vst v12;
	v10 =	vld.idx.msk [tilespmem:v6+s24+$0x0], $0xffff  }
0x6d1: {  	[tilespmem:s0+$0xA410] =	vst v13;
	v11 =	vld.idx.msk [tilespmem:v0+s24+$0x0], $0xffff  }
0x6d2: {  	v12 =	vld.idx.msk [tilespmem:v1+s25+$0x0], $0xffff;
	[tilespmem:s0+$0xA420] =	vst v14  }
0x6d3: {  	v13 =	vld.idx.msk [tilespmem:v2+s25+$0x0], $0xffff;
	[tilespmem:s0+$0xAC70] =	vst v7  }
0x6d4: {  	v14 =	vld.idx.msk [tilespmem:v3+s25+$0x0], $0xffff;
	[tilespmem:s0+$0xA430] =	vst v8  }
0x6d5: {  	v15 =	vld.idx.msk [tilespmem:v4+s25+$0x0], $0xffff;
	[tilespmem:s0+$0xA440] =	vst v9  }
0x6d6: {  	v16 =	vld.idx.msk [tilespmem:v5+s25+$0x0], $0xffff;
	[tilespmem:s0+$0xA450] =	vst v10  }
0x6d7: {  	v10 =	vld.idx.msk [tilespmem:v6+s25+$0x0], $0xffff;
	[tilespmem:s0+$0xA460] =	vst v11  }
0x6d8: {  	[tilespmem:s0+$0xA800] =	vst v12;
	v11 =	vld.idx.msk [tilespmem:v0+s25+$0x0], $0xffff  }
0x6d9: {  	v7 =	vld.idx.msk [tilespmem:v1+s26+$0x0], $0xffff;
	[tilespmem:s0+$0xA810] =	vst v13  }
.Ltmp7:
0x6da: {  	v8 =	vld.idx.msk [tilespmem:v2+s26+$0x0], $0xffff;
	[tilespmem:s0+$0xA820] =	vst v14;
	(pc) =	sbr.rel @p0 .LBB2_16-.Ltmp7, $4  }
0x6db: {  	v9 =	vld.idx.msk [tilespmem:v3+s26+$0x0], $0xffff;
	[tilespmem:s0+$0xA830] =	vst v15  }
0x6dc: {  	v3 =	vld.idx.msk [tilespmem:v4+s26+$0x0], $0xffff;
	[tilespmem:s0+$0xA840] =	vst v16  }
0x6dd: {  	v4 =	vld.idx.msk [tilespmem:v5+s26+$0x0], $0xffff;
	[tilespmem:s0+$0xA850] =	vst v10  }
0x6de: {  	s3 =	sadd.s32 $0x200, s3;
	v5 =	vld.idx.msk [tilespmem:v6+s26+$0x0], $0xffff;
	[tilespmem:s0+$0xA860] =	vst v11  }
0x6df: {  	_ =	sdelay $0x2  }
0x6e0: {  	[tilespmem:s0+$0xAC00] =	vst v7  }
0x6e1: {  	v0 =	vld.idx.msk [tilespmem:v0+s26+$0x0], $0xffff;
	[tilespmem:s0+$0xAC10] =	vst v8  }
0x6e2: {  	[tilespmem:s0+$0xAC20] =	vst v9  }
0x6e3: {  	[tilespmem:s0+$0xAC30] =	vst v3  }
0x6e4: {  	[tilespmem:s0+$0xAC40] =	vst v4  }
0x6e5: {  	[tilespmem:s0+$0xAC50] =	vst v5  }
0x6e6: {  	s1 =	sadd.s32 $0x1, s1;
	[tilespmem:s0+$0xAC60] =	vst v0  }
0x6e7: {  	[hbm4b:s12+s2] =	stream.linear.scatter [tilespmem:s29], [sflag:$0x2], $0x3000, $0x38;
	[tilespmem:$0xB000] =	vst v63  }
0x6e8: {  	p0 =	sne.s32 s1, s13;
	_ =	swait.ge [sflag:s30], $0x3000  }
.Ltmp8:
0x6e9: {  	[sflag:s30] =	ssyncset.done $0x0;
	(pc) =	sbr.rel @p0 .LBB2_1-.Ltmp8, $4  }
0x6ea: {  	[sflag:s30] =	ssyncadd.s32 $0xFFFFD000  }
0x6eb: {  	_ =	swait.ge [sflag:s31], $0x3000  }
0x6ec: {  	[sflag:s31] =	ssyncset.done $0x0  }
0x6ed: {  	[sflag:s31] =	ssyncadd.s32 $0xFFFFD000  }
0x6ee: {  	_ =	sfence.sel $0x180000  }
0x6ef: {  	[bflag:$0x0] =	sbarrier.arrive $0xFFFF  }
0x6f0: {  	_ =	strace $0x90000047  }
0x6f1: {  	s0 =	stileid.u32;
	[bflag:$0x2] =	sbarrier.arrive $0xFFFF  }
0x6f2: {  	p0 =	sne.s32 s0, $0x0;
	s0 =	rddreg [dreg:$0x2]  }
0x6f3: {  	s0 =	sadd.s32 @!p0 $0x100000, s0  }
0x6f4: {  	[sflag:s0] =	ssyncadd.tile.s32 @!p0 $0x1;
	_ =	shalt  }
.Lfunc_end2:
_tile_overlayer_lowered:
.L_overlay_start_2:
0x6f5: {  	(tag) =	ssettag $0x2  }
0x6f6: {  	s0 =	rddreg [dreg:$0x0];
	s2 =	stileid.u32  }
0x6f7: {  	s1 =	rddreg [dreg:$0x1];
	p0 =	sne.s32 s2, $0x0  }
0x6f8: {  	s3 =	rddreg [dreg:$0x2];
	[bflag:$0x3] =	sbarrier.arrive $0xFFFF;
	s2 =	simm.s32 @!p0 $0x1C03  }
0x6f9: {  	[timem:s3], [sflag:s2] =	dma.local @!p0 [hbm:s0], s1  }
0x6fa: {  	s0 =	simm.s32 @!p0 $0x3  }
0x6fb: {  	_ =	swait.ge @!p0 [sflag:s0], s1  }
0x6fc: {  	s1 =	ssub.s32 @!p0 $0x0, s1;
	[sflag:s0] =	ssyncset.done @!p0 $0x0  }
0x6fd: {  	[sflag:s0] =	ssyncadd.s32 @!p0 s1  }
0x6fe: {  	[bflag:$0x3] =	sbarrier.arrive $0xFFFF  }
0x6ff: {  	_ =	shalt  }

</sc_bundles>
